<compile_context>
chip_gen: v7x
topology: tpu7x:2x2x1
jax: 0.10.2.dev20260603
libtpu: 0.0.44.dev20260713+nightly
codegen_flags: <defaults>
</compile_context>

<pallas_src>
import functools

import jax
import jax.numpy as jnp
from jax import lax
from jax.experimental import pallas as pl
from jax.experimental.pallas import tpu as pltpu
from jax.experimental.pallas import tpu_sc as plsc

L = 16
NC = 2
NS = 16
NW = NC * NS

E_TOTAL = 320000
E_PER_W = E_TOTAL // NW
CH = 80
N_CH = E_PER_W // CH
DEPTH = 5
G_PER_CH = CH // L
W32 = 128 // 2

_SHUFFLE_DNUMS = lax.GatherDimensionNumbers(
    offset_dims=(), collapsed_slice_dims=(0,), start_index_map=(0,))


def _lane_shuffle(v, perm):
    return lax.gather(v, perm[:, None], _SHUFFLE_DNUMS, slice_sizes=(1,),
                      mode=lax.GatherScatterMode.PROMISE_IN_BOUNDS)


def _unpack2(u):
    lo = lax.bitcast_convert_type(u << 16, jnp.float32)
    hi = lax.bitcast_convert_type(u & jnp.uint32(0xFFFF0000), jnp.float32)
    return lo, hi


def _sc_kernel(z_hbm, src_hbm, dst_hbm, out_hbm, sidx, didx, srows, drows,
               obuf, pbuf, *sems):
    wid = lax.axis_index("s") * NC + lax.axis_index("c")
    w_base = wid * E_PER_W
    lane = lax.iota(jnp.int32, L)

    pltpu.sync_copy(src_hbm.at[pl.ds(w_base, E_PER_W)], sidx)
    pltpu.sync_copy(dst_hbm.at[pl.ds(w_base, E_PER_W)], didx)
    def issue(c, slot):
        pltpu.async_copy(z_hbm.at[sidx.at[pl.ds(c * CH, CH)]],
                         srows.at[pl.ds(slot * CH, CH)], sems[2 * slot])
        pltpu.async_copy(z_hbm.at[didx.at[pl.ds(c * CH, CH)]],
                         drows.at[pl.ds(slot * CH, CH)], sems[2 * slot + 1])

    def drain(slot):
        pltpu.make_async_copy(z_hbm.at[sidx.at[pl.ds(0, CH)]],
                              srows.at[pl.ds(slot * CH, CH)],
                              sems[2 * slot]).wait()
        pltpu.make_async_copy(z_hbm.at[didx.at[pl.ds(0, CH)]],
                              drows.at[pl.ds(slot * CH, CH)],
                              sems[2 * slot + 1]).wait()

    def combine(a, b, k):
        m = (lane & k) == 0
        t1 = jnp.where(m, a, b)
        t2 = _lane_shuffle(jnp.where(m, b, a), lane ^ k)
        return t1 + t2

    def compute(c, slot):
        sbase = slot * CH

        def edge_acc(e):
            p = []
            for j in range(W32 // L):
                slo, shi = _unpack2(srows[e, pl.ds(j * L, L)])
                dlo, dhi = _unpack2(drows[e, pl.ds(j * L, L)])
                p.append(slo * dlo)
                p.append(shi * dhi)
            while len(p) > 1:
                p = [p[i] + p[i + 1] for i in range(0, len(p), 2)]
            return p[0]

        @plsc.parallel_loop(0, CH // 2, 1, unroll=2)
        def pair_body(p):
            g = p // (L // 2)
            i = p % (L // 2)
            r = ((i & 1) << 2) | (i & 2) | ((i & 4) >> 2)
            ea = sbase + g * L + r
            pbuf[pl.ds(p * L, L)] = combine(edge_acc(ea), edge_acc(ea + 8), 8)

        @plsc.parallel_loop(0, G_PER_CH, 1)
        def group_body(g):
            accs = [pbuf[pl.ds((g * 8 + i) * L, L)] for i in range(8)]
            for k in (4, 2, 1):
                accs = [combine(accs[i], accs[i + 1], k)
                        for i in range(0, len(accs), 2)]
            res = accs[0]
            obuf[pl.ds(c * CH + g * L, L)] = 1.0 / (1.0 + jnp.exp(-res))

    for r in range(DEPTH):
        issue(r, r)

    def ring_body(q, _):
        for r in range(DEPTH):
            c = q * DEPTH + r
            drain(r)
            compute(c, r)

            @pl.when(c + DEPTH < N_CH)
            def _():
                issue(c + DEPTH, r)
        return 0

    n_main = (N_CH // DEPTH) * DEPTH
    lax.fori_loop(0, n_main // DEPTH, ring_body, 0)
    for t in range(n_main, N_CH):
        drain(t - n_main)
        compute(t, t - n_main)

    pltpu.sync_copy(obuf, out_hbm.at[pl.ds(w_base, E_PER_W)])


@jax.jit
def _decode(z, src, dst):
    zp = z.reshape(-1, 4, 2, L).swapaxes(2, 3).reshape(-1, 128)
    zb = lax.bitcast_convert_type(
        zp.astype(jnp.bfloat16).reshape(-1, W32, 2), jnp.uint32)

    mesh = plsc.VectorSubcoreMesh(core_axis_name="c", subcore_axis_name="s")
    run = functools.partial(
        pl.kernel,
        mesh=mesh,
        out_type=jax.ShapeDtypeStruct((E_TOTAL,), jnp.float32),
        scratch_types=[
            pltpu.VMEM((E_PER_W,), jnp.int32),
            pltpu.VMEM((E_PER_W,), jnp.int32),
            pltpu.VMEM((DEPTH * CH, W32), jnp.uint32),
            pltpu.VMEM((DEPTH * CH, W32), jnp.uint32),
            pltpu.VMEM((E_PER_W,), jnp.float32),
            pltpu.VMEM((CH // 2 * L,), jnp.float32),
        ] + [pltpu.SemaphoreType.DMA] * (2 * DEPTH),
        compiler_params=pltpu.CompilerParams(use_tc_tiling_on_sc=False),
    )(_sc_kernel)
    return run(zb, src, dst)


def kernel(z, edge_index):
    ei = edge_index.astype(jnp.int32)
    return _decode(z, ei[0], ei[1])

# --- scband reference (transcript-rebuilt; emitter-appended) ---
"""Pipeline reference for scband-inner-product-decoder-81003083203041 (READ-ONLY COPY).

The authoritative reference and input builder live on the scoring server;
editing this copy changes nothing except your own understanding.
"""

import jax, jax.numpy as jnp
import numpy as np


def setup_inputs(seed: int = 0) -> dict:
    key = jax.random.key(seed)
    k1, k2 = jax.random.split(key)
    z = jax.random.normal(k1, (10000, 128), dtype=jnp.float32)
    edge_index = jax.random.randint(k2, (2, 320000), 0, 10000, dtype=jnp.int64 if jax.config.jax_enable_x64 else jnp.int32)
    return {"z": z, "edge_index": edge_index}


def reference(z, edge_index):
    src = edge_index[0]
    dst = edge_index[1]
    z_src = jnp.take(z, src, axis=0)
    z_dst = jnp.take(z, dst, axis=0)
    logits = jnp.sum(z_src * z_dst, axis=-1)
    return jax.nn.sigmoid(logits)

if __name__ == "__main__":
    import jax
    _d = setup_inputs()
    print(jax.jit(kernel)(*tuple(_d.values())))

</pallas_src>

<mosaic_0001>
#map = affine_map<(d0, d1) -> (0, 0)>
#map1 = affine_map<(d0, d1) -> (0)>
module attributes {stable_mosaic.version = 14 : i64} {
  func.func @_sc_kernel(%arg0: i32, %arg1: i32, %arg2: memref<10000x64xi32, #tpu.memory_space<hbm>>, %arg3: memref<320000xi32, #tpu.memory_space<hbm>>, %arg4: memref<320000xi32, #tpu.memory_space<hbm>>, %arg5: memref<320000xf32, #tpu.memory_space<hbm>>, %arg6: memref<10000xi32, #tpu.memory_space<vmem>>, %arg7: memref<10000xi32, #tpu.memory_space<vmem>>, %arg8: memref<400x64xi32, #tpu.memory_space<vmem>>, %arg9: memref<400x64xi32, #tpu.memory_space<vmem>>, %arg10: memref<10000xf32, #tpu.memory_space<vmem>>, %arg11: memref<640xf32, #tpu.memory_space<vmem>>, %arg12: memref<!tpu.dma_semaphore, #tpu.memory_space<semaphore_mem>>, %arg13: memref<!tpu.dma_semaphore, #tpu.memory_space<semaphore_mem>>, %arg14: memref<!tpu.dma_semaphore, #tpu.memory_space<semaphore_mem>>, %arg15: memref<!tpu.dma_semaphore, #tpu.memory_space<semaphore_mem>>, %arg16: memref<!tpu.dma_semaphore, #tpu.memory_space<semaphore_mem>>, %arg17: memref<!tpu.dma_semaphore, #tpu.memory_space<semaphore_mem>>, %arg18: memref<!tpu.dma_semaphore, #tpu.memory_space<semaphore_mem>>, %arg19: memref<!tpu.dma_semaphore, #tpu.memory_space<semaphore_mem>>, %arg20: memref<!tpu.dma_semaphore, #tpu.memory_space<semaphore_mem>>, %arg21: memref<!tpu.dma_semaphore, #tpu.memory_space<semaphore_mem>>) attributes {dimension_semantics = [#tpu.dimension_semantics<core_parallel>, #tpu.dimension_semantics<subcore_parallel>], iteration_bounds = array<i64: 2, 16>, scalar_prefetch = 0 : i64, scratch_operands = 16 : i64, tpu.core_type = #tpu.core_type<sc_vector_subcore>, window_params = [{transform_indices = #map}, {transform_indices = #map1}, {transform_indices = #map1}, {transform_indices = #map1}]} {
    %mul3A = arith.constant 2 : i32
    %mul3A_0 = arith.muli %arg1, %mul3A : i32
    %add3A = arith.addi %mul3A_0, %arg0 : i32
    %mul3A_1 = arith.constant 10000 : i32
    %mul3A_2 = arith.muli %add3A, %mul3A_1 : i32
    %iota3A = tpu.iota {dimensions = array<i32: 0>} : vector<16xi32>
    "tpu.region"() ({
      %run_scoped3A = tpu.sem_alloc : memref<!tpu.dma_semaphore, #tpu.memory_space<semaphore_mem>>
      %dma_start3A_88 = tpu.memref_slice %arg3[%mul3A_2] : memref<320000xi32, #tpu.memory_space<hbm>> -> memref<10000xi32, #tpu.memory_space<hbm>>
      %dma_start3A_89 = tpu.memref_slice %arg3[%mul3A_2] : memref<320000xi32, #tpu.memory_space<hbm>> -> memref<10000xi32, #tpu.memory_space<hbm>>
      tpu.enqueue_dma source(%dma_start3A_89 : memref<10000xi32, #tpu.memory_space<hbm>>) target(%arg6 : memref<10000xi32, #tpu.memory_space<vmem>>) target_semaphore(%run_scoped3A : memref<!tpu.dma_semaphore, #tpu.memory_space<semaphore_mem>>)
      %dma_wait3A = tpu.memref_slice %arg3[%mul3A_2] : memref<320000xi32, #tpu.memory_space<hbm>> -> memref<10000xi32, #tpu.memory_space<hbm>>
      %dma_wait3A_90 = tpu.memref_slice %arg3[%mul3A_2] : memref<320000xi32, #tpu.memory_space<hbm>> -> memref<10000xi32, #tpu.memory_space<hbm>>
      tpu.wait_dma2 semaphore(%run_scoped3A : memref<!tpu.dma_semaphore, #tpu.memory_space<semaphore_mem>>) src(%dma_wait3A_90 : memref<10000xi32, #tpu.memory_space<hbm>>) dst(%arg6 : memref<10000xi32, #tpu.memory_space<vmem>>)
      tpu.yield
    }) : () -> ()
    "tpu.region"() ({
      %run_scoped3A = tpu.sem_alloc : memref<!tpu.dma_semaphore, #tpu.memory_space<semaphore_mem>>
      %dma_start3A_88 = tpu.memref_slice %arg4[%mul3A_2] : memref<320000xi32, #tpu.memory_space<hbm>> -> memref<10000xi32, #tpu.memory_space<hbm>>
      %dma_start3A_89 = tpu.memref_slice %arg4[%mul3A_2] : memref<320000xi32, #tpu.memory_space<hbm>> -> memref<10000xi32, #tpu.memory_space<hbm>>
      tpu.enqueue_dma source(%dma_start3A_89 : memref<10000xi32, #tpu.memory_space<hbm>>) target(%arg7 : memref<10000xi32, #tpu.memory_space<vmem>>) target_semaphore(%run_scoped3A : memref<!tpu.dma_semaphore, #tpu.memory_space<semaphore_mem>>)
      %dma_wait3A = tpu.memref_slice %arg4[%mul3A_2] : memref<320000xi32, #tpu.memory_space<hbm>> -> memref<10000xi32, #tpu.memory_space<hbm>>
      %dma_wait3A_90 = tpu.memref_slice %arg4[%mul3A_2] : memref<320000xi32, #tpu.memory_space<hbm>> -> memref<10000xi32, #tpu.memory_space<hbm>>
      tpu.wait_dma2 semaphore(%run_scoped3A : memref<!tpu.dma_semaphore, #tpu.memory_space<semaphore_mem>>) src(%dma_wait3A_90 : memref<10000xi32, #tpu.memory_space<hbm>>) dst(%arg7 : memref<10000xi32, #tpu.memory_space<vmem>>)
      tpu.yield
    }) : () -> ()
    %dma_start3A = arith.constant 0 : i32
    %dma_start3A_3 = arith.constant 0 : i32
    %dma_start3A_4 = tpu.memref_slice %arg8[%dma_start3A, %dma_start3A_3] : memref<400x64xi32, #tpu.memory_space<vmem>> -> memref<80x64xi32, #tpu.memory_space<vmem>>
    %dma_start3A_5 = arith.constant 0 : i32
    %dma_start3A_6 = tpu.memref_slice %arg6[%dma_start3A_5] : memref<10000xi32, #tpu.memory_space<vmem>> -> memref<80xi32, #tpu.memory_space<vmem>>
    %dma_start3A_7 = arith.constant 0 : i32
    %dma_start3A_8 = arith.constant 0 : i32
    %dma_start3A_9 = tpu.memref_slice %arg2[%dma_start3A_7, %dma_start3A_8] : memref<10000x64xi32, #tpu.memory_space<hbm>> -> memref<10000x64xi32, #tpu.memory_space<hbm>>
    tpu.enqueue_indirect_dma source(%dma_start3A_9 : memref<10000x64xi32, #tpu.memory_space<hbm>>) target(%dma_start3A_4 : memref<80x64xi32, #tpu.memory_space<vmem>>) offsets(%dma_start3A_6 : memref<80xi32, #tpu.memory_space<vmem>>) semaphore(%arg12 : memref<!tpu.dma_semaphore, #tpu.memory_space<semaphore_mem>>)
    %dma_start3A_10 = arith.constant 0 : i32
    %dma_start3A_11 = arith.constant 0 : i32
    %dma_start3A_12 = tpu.memref_slice %arg9[%dma_start3A_10, %dma_start3A_11] : memref<400x64xi32, #tpu.memory_space<vmem>> -> memref<80x64xi32, #tpu.memory_space<vmem>>
    %dma_start3A_13 = arith.constant 0 : i32
    %dma_start3A_14 = tpu.memref_slice %arg7[%dma_start3A_13] : memref<10000xi32, #tpu.memory_space<vmem>> -> memref<80xi32, #tpu.memory_space<vmem>>
    %dma_start3A_15 = arith.constant 0 : i32
    %dma_start3A_16 = arith.constant 0 : i32
    %dma_start3A_17 = tpu.memref_slice %arg2[%dma_start3A_15, %dma_start3A_16] : memref<10000x64xi32, #tpu.memory_space<hbm>> -> memref<10000x64xi32, #tpu.memory_space<hbm>>
    tpu.enqueue_indirect_dma source(%dma_start3A_17 : memref<10000x64xi32, #tpu.memory_space<hbm>>) target(%dma_start3A_12 : memref<80x64xi32, #tpu.memory_space<vmem>>) offsets(%dma_start3A_14 : memref<80xi32, #tpu.memory_space<vmem>>) semaphore(%arg13 : memref<!tpu.dma_semaphore, #tpu.memory_space<semaphore_mem>>)
    %dma_start3A_18 = arith.constant 80 : i32
    %dma_start3A_19 = arith.constant 0 : i32
    %dma_start3A_20 = tpu.memref_slice %arg8[%dma_start3A_18, %dma_start3A_19] : memref<400x64xi32, #tpu.memory_space<vmem>> -> memref<80x64xi32, #tpu.memory_space<vmem>>
    %dma_start3A_21 = arith.constant 80 : i32
    %dma_start3A_22 = tpu.memref_slice %arg6[%dma_start3A_21] : memref<10000xi32, #tpu.memory_space<vmem>> -> memref<80xi32, #tpu.memory_space<vmem>>
    %dma_start3A_23 = arith.constant 0 : i32
    %dma_start3A_24 = arith.constant 0 : i32
    %dma_start3A_25 = tpu.memref_slice %arg2[%dma_start3A_23, %dma_start3A_24] : memref<10000x64xi32, #tpu.memory_space<hbm>> -> memref<10000x64xi32, #tpu.memory_space<hbm>>
    tpu.enqueue_indirect_dma source(%dma_start3A_25 : memref<10000x64xi32, #tpu.memory_space<hbm>>) target(%dma_start3A_20 : memref<80x64xi32, #tpu.memory_space<vmem>>) offsets(%dma_start3A_22 : memref<80xi32, #tpu.memory_space<vmem>>) semaphore(%arg14 : memref<!tpu.dma_semaphore, #tpu.memory_space<semaphore_mem>>)
    %dma_start3A_26 = arith.constant 80 : i32
    %dma_start3A_27 = arith.constant 0 : i32
    %dma_start3A_28 = tpu.memref_slice %arg9[%dma_start3A_26, %dma_start3A_27] : memref<400x64xi32, #tpu.memory_space<vmem>> -> memref<80x64xi32, #tpu.memory_space<vmem>>
    %dma_start3A_29 = arith.constant 80 : i32
    %dma_start3A_30 = tpu.memref_slice %arg7[%dma_start3A_29] : memref<10000xi32, #tpu.memory_space<vmem>> -> memref<80xi32, #tpu.memory_space<vmem>>
    %dma_start3A_31 = arith.constant 0 : i32
    %dma_start3A_32 = arith.constant 0 : i32
    %dma_start3A_33 = tpu.memref_slice %arg2[%dma_start3A_31, %dma_start3A_32] : memref<10000x64xi32, #tpu.memory_space<hbm>> -> memref<10000x64xi32, #tpu.memory_space<hbm>>
    tpu.enqueue_indirect_dma source(%dma_start3A_33 : memref<10000x64xi32, #tpu.memory_space<hbm>>) target(%dma_start3A_28 : memref<80x64xi32, #tpu.memory_space<vmem>>) offsets(%dma_start3A_30 : memref<80xi32, #tpu.memory_space<vmem>>) semaphore(%arg15 : memref<!tpu.dma_semaphore, #tpu.memory_space<semaphore_mem>>)
    %dma_start3A_34 = arith.constant 160 : i32
    %dma_start3A_35 = arith.constant 0 : i32
    %dma_start3A_36 = tpu.memref_slice %arg8[%dma_start3A_34, %dma_start3A_35] : memref<400x64xi32, #tpu.memory_space<vmem>> -> memref<80x64xi32, #tpu.memory_space<vmem>>
    %dma_start3A_37 = arith.constant 160 : i32
    %dma_start3A_38 = tpu.memref_slice %arg6[%dma_start3A_37] : memref<10000xi32, #tpu.memory_space<vmem>> -> memref<80xi32, #tpu.memory_space<vmem>>
    %dma_start3A_39 = arith.constant 0 : i32
    %dma_start3A_40 = arith.constant 0 : i32
    %dma_start3A_41 = tpu.memref_slice %arg2[%dma_start3A_39, %dma_start3A_40] : memref<10000x64xi32, #tpu.memory_space<hbm>> -> memref<10000x64xi32, #tpu.memory_space<hbm>>
    tpu.enqueue_indirect_dma source(%dma_start3A_41 : memref<10000x64xi32, #tpu.memory_space<hbm>>) target(%dma_start3A_36 : memref<80x64xi32, #tpu.memory_space<vmem>>) offsets(%dma_start3A_38 : memref<80xi32, #tpu.memory_space<vmem>>) semaphore(%arg16 : memref<!tpu.dma_semaphore, #tpu.memory_space<semaphore_mem>>)
    %dma_start3A_42 = arith.constant 160 : i32
    %dma_start3A_43 = arith.constant 0 : i32
    %dma_start3A_44 = tpu.memref_slice %arg9[%dma_start3A_42, %dma_start3A_43] : memref<400x64xi32, #tpu.memory_space<vmem>> -> memref<80x64xi32, #tpu.memory_space<vmem>>
    %dma_start3A_45 = arith.constant 160 : i32
    %dma_start3A_46 = tpu.memref_slice %arg7[%dma_start3A_45] : memref<10000xi32, #tpu.memory_space<vmem>> -> memref<80xi32, #tpu.memory_space<vmem>>
    %dma_start3A_47 = arith.constant 0 : i32
    %dma_start3A_48 = arith.constant 0 : i32
    %dma_start3A_49 = tpu.memref_slice %arg2[%dma_start3A_47, %dma_start3A_48] : memref<10000x64xi32, #tpu.memory_space<hbm>> -> memref<10000x64xi32, #tpu.memory_space<hbm>>
    tpu.enqueue_indirect_dma source(%dma_start3A_49 : memref<10000x64xi32, #tpu.memory_space<hbm>>) target(%dma_start3A_44 : memref<80x64xi32, #tpu.memory_space<vmem>>) offsets(%dma_start3A_46 : memref<80xi32, #tpu.memory_space<vmem>>) semaphore(%arg17 : memref<!tpu.dma_semaphore, #tpu.memory_space<semaphore_mem>>)
    %dma_start3A_50 = arith.constant 240 : i32
    %dma_start3A_51 = arith.constant 0 : i32
    %dma_start3A_52 = tpu.memref_slice %arg8[%dma_start3A_50, %dma_start3A_51] : memref<400x64xi32, #tpu.memory_space<vmem>> -> memref<80x64xi32, #tpu.memory_space<vmem>>
    %dma_start3A_53 = arith.constant 240 : i32
    %dma_start3A_54 = tpu.memref_slice %arg6[%dma_start3A_53] : memref<10000xi32, #tpu.memory_space<vmem>> -> memref<80xi32, #tpu.memory_space<vmem>>
    %dma_start3A_55 = arith.constant 0 : i32
    %dma_start3A_56 = arith.constant 0 : i32
    %dma_start3A_57 = tpu.memref_slice %arg2[%dma_start3A_55, %dma_start3A_56] : memref<10000x64xi32, #tpu.memory_space<hbm>> -> memref<10000x64xi32, #tpu.memory_space<hbm>>
    tpu.enqueue_indirect_dma source(%dma_start3A_57 : memref<10000x64xi32, #tpu.memory_space<hbm>>) target(%dma_start3A_52 : memref<80x64xi32, #tpu.memory_space<vmem>>) offsets(%dma_start3A_54 : memref<80xi32, #tpu.memory_space<vmem>>) semaphore(%arg18 : memref<!tpu.dma_semaphore, #tpu.memory_space<semaphore_mem>>)
    %dma_start3A_58 = arith.constant 240 : i32
    %dma_start3A_59 = arith.constant 0 : i32
    %dma_start3A_60 = tpu.memref_slice %arg9[%dma_start3A_58, %dma_start3A_59] : memref<400x64xi32, #tpu.memory_space<vmem>> -> memref<80x64xi32, #tpu.memory_space<vmem>>
    %dma_start3A_61 = arith.constant 240 : i32
    %dma_start3A_62 = tpu.memref_slice %arg7[%dma_start3A_61] : memref<10000xi32, #tpu.memory_space<vmem>> -> memref<80xi32, #tpu.memory_space<vmem>>
    %dma_start3A_63 = arith.constant 0 : i32
    %dma_start3A_64 = arith.constant 0 : i32
    %dma_start3A_65 = tpu.memref_slice %arg2[%dma_start3A_63, %dma_start3A_64] : memref<10000x64xi32, #tpu.memory_space<hbm>> -> memref<10000x64xi32, #tpu.memory_space<hbm>>
    tpu.enqueue_indirect_dma source(%dma_start3A_65 : memref<10000x64xi32, #tpu.memory_space<hbm>>) target(%dma_start3A_60 : memref<80x64xi32, #tpu.memory_space<vmem>>) offsets(%dma_start3A_62 : memref<80xi32, #tpu.memory_space<vmem>>) semaphore(%arg19 : memref<!tpu.dma_semaphore, #tpu.memory_space<semaphore_mem>>)
    %dma_start3A_66 = arith.constant 320 : i32
    %dma_start3A_67 = arith.constant 0 : i32
    %dma_start3A_68 = tpu.memref_slice %arg8[%dma_start3A_66, %dma_start3A_67] : memref<400x64xi32, #tpu.memory_space<vmem>> -> memref<80x64xi32, #tpu.memory_space<vmem>>
    %dma_start3A_69 = arith.constant 320 : i32
    %dma_start3A_70 = tpu.memref_slice %arg6[%dma_start3A_69] : memref<10000xi32, #tpu.memory_space<vmem>> -> memref<80xi32, #tpu.memory_space<vmem>>
    %dma_start3A_71 = arith.constant 0 : i32
    %dma_start3A_72 = arith.constant 0 : i32
    %dma_start3A_73 = tpu.memref_slice %arg2[%dma_start3A_71, %dma_start3A_72] : memref<10000x64xi32, #tpu.memory_space<hbm>> -> memref<10000x64xi32, #tpu.memory_space<hbm>>
    tpu.enqueue_indirect_dma source(%dma_start3A_73 : memref<10000x64xi32, #tpu.memory_space<hbm>>) target(%dma_start3A_68 : memref<80x64xi32, #tpu.memory_space<vmem>>) offsets(%dma_start3A_70 : memref<80xi32, #tpu.memory_space<vmem>>) semaphore(%arg20 : memref<!tpu.dma_semaphore, #tpu.memory_space<semaphore_mem>>)
    %dma_start3A_74 = arith.constant 320 : i32
    %dma_start3A_75 = arith.constant 0 : i32
    %dma_start3A_76 = tpu.memref_slice %arg9[%dma_start3A_74, %dma_start3A_75] : memref<400x64xi32, #tpu.memory_space<vmem>> -> memref<80x64xi32, #tpu.memory_space<vmem>>
    %dma_start3A_77 = arith.constant 320 : i32
    %dma_start3A_78 = tpu.memref_slice %arg7[%dma_start3A_77] : memref<10000xi32, #tpu.memory_space<vmem>> -> memref<80xi32, #tpu.memory_space<vmem>>
    %dma_start3A_79 = arith.constant 0 : i32
    %dma_start3A_80 = arith.constant 0 : i32
    %dma_start3A_81 = tpu.memref_slice %arg2[%dma_start3A_79, %dma_start3A_80] : memref<10000x64xi32, #tpu.memory_space<hbm>> -> memref<10000x64xi32, #tpu.memory_space<hbm>>
    tpu.enqueue_indirect_dma source(%dma_start3A_81 : memref<10000x64xi32, #tpu.memory_space<hbm>>) target(%dma_start3A_76 : memref<80x64xi32, #tpu.memory_space<vmem>>) offsets(%dma_start3A_78 : memref<80xi32, #tpu.memory_space<vmem>>) semaphore(%arg21 : memref<!tpu.dma_semaphore, #tpu.memory_space<semaphore_mem>>)
    %scan3A = arith.constant 0 : i32
    %scan3A_82 = arith.constant 0 : i32
    %scan3A_83 = arith.constant 25 : i32
    %scan3A_84 = arith.addi %scan3A_82, %scan3A_83 : i32
    %scan3A_85 = arith.constant 1 : i32
    %scan3A_86 = scf.for %scan3A_88 = %scan3A_82 to %scan3A_84 step %scan3A_85 iter_args(%scan3A_89 = %scan3A) -> (i32)  : i32 {
      %mul3A_90 = arith.constant 5 : i32
      %mul3A_91 = arith.muli %scan3A_88, %mul3A_90 : i32
      %add3A_92 = arith.constant 0 : i32
      %add3A_93 = arith.addi %mul3A_91, %add3A_92 : i32
      %dma_wait3A = arith.constant 0 : i32
      %dma_wait3A_94 = arith.constant 0 : i32
      %dma_wait3A_95 = tpu.memref_slice %arg8[%dma_wait3A, %dma_wait3A_94] : memref<400x64xi32, #tpu.memory_space<vmem>> -> memref<80x64xi32, #tpu.memory_space<vmem>>
      %dma_wait3A_96 = arith.constant 0 : i32
      %dma_wait3A_97 = tpu.memref_slice %arg6[%dma_wait3A_96] : memref<10000xi32, #tpu.memory_space<vmem>> -> memref<80xi32, #tpu.memory_space<vmem>>
      %dma_wait3A_98 = arith.constant 0 : i32
      %dma_wait3A_99 = arith.constant 0 : i32
      %dma_wait3A_100 = tpu.memref_slice %arg2[%dma_wait3A_98, %dma_wait3A_99] : memref<10000x64xi32, #tpu.memory_space<hbm>> -> memref<10000x64xi32, #tpu.memory_space<hbm>>
      tpu.wait_indirect_dma semaphore(%arg12 : memref<!tpu.dma_semaphore, #tpu.memory_space<semaphore_mem>>) src(%dma_wait3A_100 : memref<10000x64xi32, #tpu.memory_space<hbm>>) dst(%dma_wait3A_95 : memref<80x64xi32, #tpu.memory_space<vmem>>)
      %dma_wait3A_101 = arith.constant 0 : i32
      %dma_wait3A_102 = arith.constant 0 : i32
      %dma_wait3A_103 = tpu.memref_slice %arg9[%dma_wait3A_101, %dma_wait3A_102] : memref<400x64xi32, #tpu.memory_space<vmem>> -> memref<80x64xi32, #tpu.memory_space<vmem>>
      %dma_wait3A_104 = arith.constant 0 : i32
      %dma_wait3A_105 = tpu.memref_slice %arg7[%dma_wait3A_104] : memref<10000xi32, #tpu.memory_space<vmem>> -> memref<80xi32, #tpu.memory_space<vmem>>
      %dma_wait3A_106 = arith.constant 0 : i32
      %dma_wait3A_107 = arith.constant 0 : i32
      %dma_wait3A_108 = tpu.memref_slice %arg2[%dma_wait3A_106, %dma_wait3A_107] : memref<10000x64xi32, #tpu.memory_space<hbm>> -> memref<10000x64xi32, #tpu.memory_space<hbm>>
      tpu.wait_indirect_dma semaphore(%arg13 : memref<!tpu.dma_semaphore, #tpu.memory_space<semaphore_mem>>) src(%dma_wait3A_108 : memref<10000x64xi32, #tpu.memory_space<hbm>>) dst(%dma_wait3A_103 : memref<80x64xi32, #tpu.memory_space<vmem>>)
      %parallel_loop3A = arith.constant 0 : i32
      %parallel_loop3A_109 = arith.constant 40 : i32
      %parallel_loop3A_110 = arith.constant 1 : i32
      scf.for %parallel_loop3A_251 = %parallel_loop3A to %parallel_loop3A_109 step %parallel_loop3A_110  : i32 {
        %parallel_loop3A_252 = arith.constant 8 : i32
        %parallel_loop3A_253 = arith.divsi %parallel_loop3A_251, %parallel_loop3A_252 : i32
        %parallel_loop3A_254 = arith.constant 0 : i32
        %parallel_loop3A_255 = arith.cmpi sgt, %parallel_loop3A_251, %parallel_loop3A_254 : i32
        %parallel_loop3A_256 = arith.extui %parallel_loop3A_255 : i1 to i32
        %parallel_loop3A_257 = arith.constant 0 : i32
        %parallel_loop3A_258 = arith.cmpi slt, %parallel_loop3A_251, %parallel_loop3A_257 : i32
        %parallel_loop3A_259 = arith.extui %parallel_loop3A_258 : i1 to i32
        %parallel_loop3A_260 = arith.subi %parallel_loop3A_256, %parallel_loop3A_259 : i32
        %parallel_loop3A_261 = arith.constant 0 : i32
        %parallel_loop3A_262 = arith.cmpi sgt, %parallel_loop3A_252, %parallel_loop3A_261 : i32
        %parallel_loop3A_263 = arith.extui %parallel_loop3A_262 : i1 to i32
        %parallel_loop3A_264 = arith.constant 0 : i32
        %parallel_loop3A_265 = arith.cmpi slt, %parallel_loop3A_252, %parallel_loop3A_264 : i32
        %parallel_loop3A_266 = arith.extui %parallel_loop3A_265 : i1 to i32
        %parallel_loop3A_267 = arith.subi %parallel_loop3A_263, %parallel_loop3A_266 : i32
        %parallel_loop3A_268 = arith.cmpi ne, %parallel_loop3A_260, %parallel_loop3A_267 : i32
        %parallel_loop3A_269 = arith.remsi %parallel_loop3A_251, %parallel_loop3A_252 : i32
        %parallel_loop3A_270 = arith.constant 0 : i32
        %parallel_loop3A_271 = arith.cmpi ne, %parallel_loop3A_269, %parallel_loop3A_270 : i32
        %parallel_loop3A_272 = arith.andi %parallel_loop3A_268, %parallel_loop3A_271 : i1
        %parallel_loop3A_273 = arith.constant 1 : i32
        %parallel_loop3A_274 = arith.subi %parallel_loop3A_253, %parallel_loop3A_273 : i32
        %parallel_loop3A_275 = arith.select %parallel_loop3A_272, %parallel_loop3A_274, %parallel_loop3A_253 : i32
        %parallel_loop3A_276 = arith.constant 8 : i32
        %parallel_loop3A_277 = arith.constant 0 : i32
        %parallel_loop3A_278 = arith.cmpi eq, %parallel_loop3A_276, %parallel_loop3A_277 : i32
        %parallel_loop3A_279 = arith.constant 1 : i32
        %parallel_loop3A_280 = arith.select %parallel_loop3A_278, %parallel_loop3A_279, %parallel_loop3A_276 : i32
        %parallel_loop3A_281 = arith.remsi %parallel_loop3A_251, %parallel_loop3A_280 : i32
        %parallel_loop3A_282 = arith.constant 0 : i32
        %parallel_loop3A_283 = arith.cmpi ne, %parallel_loop3A_281, %parallel_loop3A_282 : i32
        %parallel_loop3A_284 = arith.constant 0 : i32
        %parallel_loop3A_285 = arith.cmpi slt, %parallel_loop3A_281, %parallel_loop3A_284 : i32
        %parallel_loop3A_286 = arith.constant 0 : i32
        %parallel_loop3A_287 = arith.cmpi slt, %parallel_loop3A_280, %parallel_loop3A_286 : i32
        %parallel_loop3A_288 = arith.xori %parallel_loop3A_285, %parallel_loop3A_287 : i1
        %parallel_loop3A_289 = arith.andi %parallel_loop3A_288, %parallel_loop3A_283 : i1
        %parallel_loop3A_290 = arith.addi %parallel_loop3A_281, %parallel_loop3A_280 : i32
        %parallel_loop3A_291 = arith.select %parallel_loop3A_289, %parallel_loop3A_290, %parallel_loop3A_281 : i32
        %parallel_loop3A_292 = arith.constant 1 : i32
        %parallel_loop3A_293 = arith.andi %parallel_loop3A_291, %parallel_loop3A_292 : i32
        %parallel_loop3A_294 = arith.constant 2 : i32
        %parallel_loop3A_295 = arith.shli %parallel_loop3A_293, %parallel_loop3A_294 : i32
        %parallel_loop3A_296 = arith.constant 2 : i32
        %parallel_loop3A_297 = arith.andi %parallel_loop3A_291, %parallel_loop3A_296 : i32
        %parallel_loop3A_298 = arith.ori %parallel_loop3A_295, %parallel_loop3A_297 : i32
        %parallel_loop3A_299 = arith.constant 4 : i32
        %parallel_loop3A_300 = arith.andi %parallel_loop3A_291, %parallel_loop3A_299 : i32
        %parallel_loop3A_301 = arith.constant 2 : i32
        %parallel_loop3A_302 = arith.shrsi %parallel_loop3A_300, %parallel_loop3A_301 : i32
        %parallel_loop3A_303 = arith.ori %parallel_loop3A_298, %parallel_loop3A_302 : i32
        %parallel_loop3A_304 = arith.constant 16 : i32
        %parallel_loop3A_305 = arith.muli %parallel_loop3A_275, %parallel_loop3A_304 : i32
        %parallel_loop3A_306 = arith.constant 0 : i32
        %parallel_loop3A_307 = arith.addi %parallel_loop3A_306, %parallel_loop3A_305 : i32
        %parallel_loop3A_308 = arith.addi %parallel_loop3A_307, %parallel_loop3A_303 : i32
        %parallel_loop3A_309 = arith.index_cast %parallel_loop3A_308 : i32 to index
        %parallel_loop3A_310 = arith.constant 0 : index
        %parallel_loop3A_311 = tpu.vector_load %arg8[%parallel_loop3A_309, %parallel_loop3A_310] {strides = array<i32>} : memref<400x64xi32, #tpu.memory_space<vmem>>, vector<1x16xi32>,
        %parallel_loop3A_312 = vector.shape_cast %parallel_loop3A_311 : vector<1x16xi32> to vector<16xi32>
        %parallel_loop3A_313 = arith.constant 16 : i32
        %parallel_loop3A_314 = vector.broadcast %parallel_loop3A_313 : i32 to vector<16xi32>
        %parallel_loop3A_315 = arith.shli %parallel_loop3A_312, %parallel_loop3A_314 : vector<16xi32>
        %parallel_loop3A_316 = tpu.bitcast %parallel_loop3A_315 : vector<16xi32> -> vector<16xf32>
        %parallel_loop3A_317 = arith.constant -65536 : i32
        %parallel_loop3A_318 = vector.broadcast %parallel_loop3A_317 : i32 to vector<16xi32>
        %parallel_loop3A_319 = arith.andi %parallel_loop3A_312, %parallel_loop3A_318 : vector<16xi32>
        %parallel_loop3A_320 = tpu.bitcast %parallel_loop3A_319 : vector<16xi32> -> vector<16xf32>
        %parallel_loop3A_321 = arith.index_cast %parallel_loop3A_308 : i32 to index
        %parallel_loop3A_322 = arith.constant 0 : index
        %parallel_loop3A_323 = tpu.vector_load %arg9[%parallel_loop3A_321, %parallel_loop3A_322] {strides = array<i32>} : memref<400x64xi32, #tpu.memory_space<vmem>>, vector<1x16xi32>,
        %parallel_loop3A_324 = vector.shape_cast %parallel_loop3A_323 : vector<1x16xi32> to vector<16xi32>
        %parallel_loop3A_325 = arith.constant 16 : i32
        %parallel_loop3A_326 = vector.broadcast %parallel_loop3A_325 : i32 to vector<16xi32>
        %parallel_loop3A_327 = arith.shli %parallel_loop3A_324, %parallel_loop3A_326 : vector<16xi32>
        %parallel_loop3A_328 = tpu.bitcast %parallel_loop3A_327 : vector<16xi32> -> vector<16xf32>
        %parallel_loop3A_329 = arith.constant -65536 : i32
        %parallel_loop3A_330 = vector.broadcast %parallel_loop3A_329 : i32 to vector<16xi32>
        %parallel_loop3A_331 = arith.andi %parallel_loop3A_324, %parallel_loop3A_330 : vector<16xi32>
        %parallel_loop3A_332 = tpu.bitcast %parallel_loop3A_331 : vector<16xi32> -> vector<16xf32>
        %parallel_loop3A_333 = arith.mulf %parallel_loop3A_316, %parallel_loop3A_328 : vector<16xf32>
        %parallel_loop3A_334 = arith.mulf %parallel_loop3A_320, %parallel_loop3A_332 : vector<16xf32>
        %parallel_loop3A_335 = arith.index_cast %parallel_loop3A_308 : i32 to index
        %parallel_loop3A_336 = arith.constant 16 : index
        %parallel_loop3A_337 = tpu.vector_load %arg8[%parallel_loop3A_335, %parallel_loop3A_336] {strides = array<i32>} : memref<400x64xi32, #tpu.memory_space<vmem>>, vector<1x16xi32>,
        %parallel_loop3A_338 = vector.shape_cast %parallel_loop3A_337 : vector<1x16xi32> to vector<16xi32>
        %parallel_loop3A_339 = arith.constant 16 : i32
        %parallel_loop3A_340 = vector.broadcast %parallel_loop3A_339 : i32 to vector<16xi32>
        %parallel_loop3A_341 = arith.shli %parallel_loop3A_338, %parallel_loop3A_340 : vector<16xi32>
        %parallel_loop3A_342 = tpu.bitcast %parallel_loop3A_341 : vector<16xi32> -> vector<16xf32>
        %parallel_loop3A_343 = arith.constant -65536 : i32
        %parallel_loop3A_344 = vector.broadcast %parallel_loop3A_343 : i32 to vector<16xi32>
        %parallel_loop3A_345 = arith.andi %parallel_loop3A_338, %parallel_loop3A_344 : vector<16xi32>
        %parallel_loop3A_346 = tpu.bitcast %parallel_loop3A_345 : vector<16xi32> -> vector<16xf32>
        %parallel_loop3A_347 = arith.index_cast %parallel_loop3A_308 : i32 to index
        %parallel_loop3A_348 = arith.constant 16 : index
        %parallel_loop3A_349 = tpu.vector_load %arg9[%parallel_loop3A_347, %parallel_loop3A_348] {strides = array<i32>} : memref<400x64xi32, #tpu.memory_space<vmem>>, vector<1x16xi32>,
        %parallel_loop3A_350 = vector.shape_cast %parallel_loop3A_349 : vector<1x16xi32> to vector<16xi32>
        %parallel_loop3A_351 = arith.constant 16 : i32
        %parallel_loop3A_352 = vector.broadcast %parallel_loop3A_351 : i32 to vector<16xi32>
        %parallel_loop3A_353 = arith.shli %parallel_loop3A_350, %parallel_loop3A_352 : vector<16xi32>
        %parallel_loop3A_354 = tpu.bitcast %parallel_loop3A_353 : vector<16xi32> -> vector<16xf32>
        %parallel_loop3A_355 = arith.constant -65536 : i32
        %parallel_loop3A_356 = vector.broadcast %parallel_loop3A_355 : i32 to vector<16xi32>
        %parallel_loop3A_357 = arith.andi %parallel_loop3A_350, %parallel_loop3A_356 : vector<16xi32>
        %parallel_loop3A_358 = tpu.bitcast %parallel_loop3A_357 : vector<16xi32> -> vector<16xf32>
        %parallel_loop3A_359 = arith.mulf %parallel_loop3A_342, %parallel_loop3A_354 : vector<16xf32>
        %parallel_loop3A_360 = arith.mulf %parallel_loop3A_346, %parallel_loop3A_358 : vector<16xf32>
        %parallel_loop3A_361 = arith.index_cast %parallel_loop3A_308 : i32 to index
        %parallel_loop3A_362 = arith.constant 32 : index
        %parallel_loop3A_363 = tpu.vector_load %arg8[%parallel_loop3A_361, %parallel_loop3A_362] {strides = array<i32>} : memref<400x64xi32, #tpu.memory_space<vmem>>, vector<1x16xi32>,
        %parallel_loop3A_364 = vector.shape_cast %parallel_loop3A_363 : vector<1x16xi32> to vector<16xi32>
        %parallel_loop3A_365 = arith.constant 16 : i32
        %parallel_loop3A_366 = vector.broadcast %parallel_loop3A_365 : i32 to vector<16xi32>
        %parallel_loop3A_367 = arith.shli %parallel_loop3A_364, %parallel_loop3A_366 : vector<16xi32>
        %parallel_loop3A_368 = tpu.bitcast %parallel_loop3A_367 : vector<16xi32> -> vector<16xf32>
        %parallel_loop3A_369 = arith.constant -65536 : i32
        %parallel_loop3A_370 = vector.broadcast %parallel_loop3A_369 : i32 to vector<16xi32>
        %parallel_loop3A_371 = arith.andi %parallel_loop3A_364, %parallel_loop3A_370 : vector<16xi32>
        %parallel_loop3A_372 = tpu.bitcast %parallel_loop3A_371 : vector<16xi32> -> vector<16xf32>
        %parallel_loop3A_373 = arith.index_cast %parallel_loop3A_308 : i32 to index
        %parallel_loop3A_374 = arith.constant 32 : index
        %parallel_loop3A_375 = tpu.vector_load %arg9[%parallel_loop3A_373, %parallel_loop3A_374] {strides = array<i32>} : memref<400x64xi32, #tpu.memory_space<vmem>>, vector<1x16xi32>,
        %parallel_loop3A_376 = vector.shape_cast %parallel_loop3A_375 : vector<1x16xi32> to vector<16xi32>
        %parallel_loop3A_377 = arith.constant 16 : i32
        %parallel_loop3A_378 = vector.broadcast %parallel_loop3A_377 : i32 to vector<16xi32>
        %parallel_loop3A_379 = arith.shli %parallel_loop3A_376, %parallel_loop3A_378 : vector<16xi32>
        %parallel_loop3A_380 = tpu.bitcast %parallel_loop3A_379 : vector<16xi32> -> vector<16xf32>
        %parallel_loop3A_381 = arith.constant -65536 : i32
        %parallel_loop3A_382 = vector.broadcast %parallel_loop3A_381 : i32 to vector<16xi32>
        %parallel_loop3A_383 = arith.andi %parallel_loop3A_376, %parallel_loop3A_382 : vector<16xi32>
        %parallel_loop3A_384 = tpu.bitcast %parallel_loop3A_383 : vector<16xi32> -> vector<16xf32>
        %parallel_loop3A_385 = arith.mulf %parallel_loop3A_368, %parallel_loop3A_380 : vector<16xf32>
        %parallel_loop3A_386 = arith.mulf %parallel_loop3A_372, %parallel_loop3A_384 : vector<16xf32>
        %parallel_loop3A_387 = arith.index_cast %parallel_loop3A_308 : i32 to index
        %parallel_loop3A_388 = arith.constant 48 : index
        %parallel_loop3A_389 = tpu.vector_load %arg8[%parallel_loop3A_387, %parallel_loop3A_388] {strides = array<i32>} : memref<400x64xi32, #tpu.memory_space<vmem>>, vector<1x16xi32>,
        %parallel_loop3A_390 = vector.shape_cast %parallel_loop3A_389 : vector<1x16xi32> to vector<16xi32>
        %parallel_loop3A_391 = arith.constant 16 : i32
        %parallel_loop3A_392 = vector.broadcast %parallel_loop3A_391 : i32 to vector<16xi32>
        %parallel_loop3A_393 = arith.shli %parallel_loop3A_390, %parallel_loop3A_392 : vector<16xi32>
        %parallel_loop3A_394 = tpu.bitcast %parallel_loop3A_393 : vector<16xi32> -> vector<16xf32>
        %parallel_loop3A_395 = arith.constant -65536 : i32
        %parallel_loop3A_396 = vector.broadcast %parallel_loop3A_395 : i32 to vector<16xi32>
        %parallel_loop3A_397 = arith.andi %parallel_loop3A_390, %parallel_loop3A_396 : vector<16xi32>
        %parallel_loop3A_398 = tpu.bitcast %parallel_loop3A_397 : vector<16xi32> -> vector<16xf32>
        %parallel_loop3A_399 = arith.index_cast %parallel_loop3A_308 : i32 to index
        %parallel_loop3A_400 = arith.constant 48 : index
        %parallel_loop3A_401 = tpu.vector_load %arg9[%parallel_loop3A_399, %parallel_loop3A_400] {strides = array<i32>} : memref<400x64xi32, #tpu.memory_space<vmem>>, vector<1x16xi32>,
        %parallel_loop3A_402 = vector.shape_cast %parallel_loop3A_401 : vector<1x16xi32> to vector<16xi32>
        %parallel_loop3A_403 = arith.constant 16 : i32
        %parallel_loop3A_404 = vector.broadcast %parallel_loop3A_403 : i32 to vector<16xi32>
        %parallel_loop3A_405 = arith.shli %parallel_loop3A_402, %parallel_loop3A_404 : vector<16xi32>
        %parallel_loop3A_406 = tpu.bitcast %parallel_loop3A_405 : vector<16xi32> -> vector<16xf32>
        %parallel_loop3A_407 = arith.constant -65536 : i32
        %parallel_loop3A_408 = vector.broadcast %parallel_loop3A_407 : i32 to vector<16xi32>
        %parallel_loop3A_409 = arith.andi %parallel_loop3A_402, %parallel_loop3A_408 : vector<16xi32>
        %parallel_loop3A_410 = tpu.bitcast %parallel_loop3A_409 : vector<16xi32> -> vector<16xf32>
        %parallel_loop3A_411 = arith.mulf %parallel_loop3A_394, %parallel_loop3A_406 : vector<16xf32>
        %parallel_loop3A_412 = arith.mulf %parallel_loop3A_398, %parallel_loop3A_410 : vector<16xf32>
        %parallel_loop3A_413 = arith.addf %parallel_loop3A_333, %parallel_loop3A_334 : vector<16xf32>
        %parallel_loop3A_414 = arith.addf %parallel_loop3A_359, %parallel_loop3A_360 : vector<16xf32>
        %parallel_loop3A_415 = arith.addf %parallel_loop3A_385, %parallel_loop3A_386 : vector<16xf32>
        %parallel_loop3A_416 = arith.addf %parallel_loop3A_411, %parallel_loop3A_412 : vector<16xf32>
        %parallel_loop3A_417 = arith.addf %parallel_loop3A_413, %parallel_loop3A_414 : vector<16xf32>
        %parallel_loop3A_418 = arith.addf %parallel_loop3A_415, %parallel_loop3A_416 : vector<16xf32>
        %parallel_loop3A_419 = arith.addf %parallel_loop3A_417, %parallel_loop3A_418 : vector<16xf32>
        %parallel_loop3A_420 = arith.constant 8 : i32
        %parallel_loop3A_421 = arith.addi %parallel_loop3A_308, %parallel_loop3A_420 : i32
        %parallel_loop3A_422 = arith.index_cast %parallel_loop3A_421 : i32 to index
        %parallel_loop3A_423 = arith.constant 0 : index
        %parallel_loop3A_424 = tpu.vector_load %arg8[%parallel_loop3A_422, %parallel_loop3A_423] {strides = array<i32>} : memref<400x64xi32, #tpu.memory_space<vmem>>, vector<1x16xi32>,
        %parallel_loop3A_425 = vector.shape_cast %parallel_loop3A_424 : vector<1x16xi32> to vector<16xi32>
        %parallel_loop3A_426 = arith.constant 16 : i32
        %parallel_loop3A_427 = vector.broadcast %parallel_loop3A_426 : i32 to vector<16xi32>
        %parallel_loop3A_428 = arith.shli %parallel_loop3A_425, %parallel_loop3A_427 : vector<16xi32>
        %parallel_loop3A_429 = tpu.bitcast %parallel_loop3A_428 : vector<16xi32> -> vector<16xf32>
        %parallel_loop3A_430 = arith.constant -65536 : i32
        %parallel_loop3A_431 = vector.broadcast %parallel_loop3A_430 : i32 to vector<16xi32>
        %parallel_loop3A_432 = arith.andi %parallel_loop3A_425, %parallel_loop3A_431 : vector<16xi32>
        %parallel_loop3A_433 = tpu.bitcast %parallel_loop3A_432 : vector<16xi32> -> vector<16xf32>
        %parallel_loop3A_434 = arith.index_cast %parallel_loop3A_421 : i32 to index
        %parallel_loop3A_435 = arith.constant 0 : index
        %parallel_loop3A_436 = tpu.vector_load %arg9[%parallel_loop3A_434, %parallel_loop3A_435] {strides = array<i32>} : memref<400x64xi32, #tpu.memory_space<vmem>>, vector<1x16xi32>,
        %parallel_loop3A_437 = vector.shape_cast %parallel_loop3A_436 : vector<1x16xi32> to vector<16xi32>
        %parallel_loop3A_438 = arith.constant 16 : i32
        %parallel_loop3A_439 = vector.broadcast %parallel_loop3A_438 : i32 to vector<16xi32>
        %parallel_loop3A_440 = arith.shli %parallel_loop3A_437, %parallel_loop3A_439 : vector<16xi32>
        %parallel_loop3A_441 = tpu.bitcast %parallel_loop3A_440 : vector<16xi32> -> vector<16xf32>
        %parallel_loop3A_442 = arith.constant -65536 : i32
        %parallel_loop3A_443 = vector.broadcast %parallel_loop3A_442 : i32 to vector<16xi32>
        %parallel_loop3A_444 = arith.andi %parallel_loop3A_437, %parallel_loop3A_443 : vector<16xi32>
        %parallel_loop3A_445 = tpu.bitcast %parallel_loop3A_444 : vector<16xi32> -> vector<16xf32>
        %parallel_loop3A_446 = arith.mulf %parallel_loop3A_429, %parallel_loop3A_441 : vector<16xf32>
        %parallel_loop3A_447 = arith.mulf %parallel_loop3A_433, %parallel_loop3A_445 : vector<16xf32>
        %parallel_loop3A_448 = arith.index_cast %parallel_loop3A_421 : i32 to index
        %parallel_loop3A_449 = arith.constant 16 : index
        %parallel_loop3A_450 = tpu.vector_load %arg8[%parallel_loop3A_448, %parallel_loop3A_449] {strides = array<i32>} : memref<400x64xi32, #tpu.memory_space<vmem>>, vector<1x16xi32>,
        %parallel_loop3A_451 = vector.shape_cast %parallel_loop3A_450 : vector<1x16xi32> to vector<16xi32>
        %parallel_loop3A_452 = arith.constant 16 : i32
        %parallel_loop3A_453 = vector.broadcast %parallel_loop3A_452 : i32 to vector<16xi32>
        %parallel_loop3A_454 = arith.shli %parallel_loop3A_451, %parallel_loop3A_453 : vector<16xi32>
        %parallel_loop3A_455 = tpu.bitcast %parallel_loop3A_454 : vector<16xi32> -> vector<16xf32>
        %parallel_loop3A_456 = arith.constant -65536 : i32
        %parallel_loop3A_457 = vector.broadcast %parallel_loop3A_456 : i32 to vector<16xi32>
        %parallel_loop3A_458 = arith.andi %parallel_loop3A_451, %parallel_loop3A_457 : vector<16xi32>
        %parallel_loop3A_459 = tpu.bitcast %parallel_loop3A_458 : vector<16xi32> -> vector<16xf32>
        %parallel_loop3A_460 = arith.index_cast %parallel_loop3A_421 : i32 to index
        %parallel_loop3A_461 = arith.constant 16 : index
        %parallel_loop3A_462 = tpu.vector_load %arg9[%parallel_loop3A_460, %parallel_loop3A_461] {strides = array<i32>} : memref<400x64xi32, #tpu.memory_space<vmem>>, vector<1x16xi32>,
        %parallel_loop3A_463 = vector.shape_cast %parallel_loop3A_462 : vector<1x16xi32> to vector<16xi32>
        %parallel_loop3A_464 = arith.constant 16 : i32
        %parallel_loop3A_465 = vector.broadcast %parallel_loop3A_464 : i32 to vector<16xi32>
        %parallel_loop3A_466 = arith.shli %parallel_loop3A_463, %parallel_loop3A_465 : vector<16xi32>
        %parallel_loop3A_467 = tpu.bitcast %parallel_loop3A_466 : vector<16xi32> -> vector<16xf32>
        %parallel_loop3A_468 = arith.constant -65536 : i32
        %parallel_loop3A_469 = vector.broadcast %parallel_loop3A_468 : i32 to vector<16xi32>
        %parallel_loop3A_470 = arith.andi %parallel_loop3A_463, %parallel_loop3A_469 : vector<16xi32>
        %parallel_loop3A_471 = tpu.bitcast %parallel_loop3A_470 : vector<16xi32> -> vector<16xf32>
        %parallel_loop3A_472 = arith.mulf %parallel_loop3A_455, %parallel_loop3A_467 : vector<16xf32>
        %parallel_loop3A_473 = arith.mulf %parallel_loop3A_459, %parallel_loop3A_471 : vector<16xf32>
        %parallel_loop3A_474 = arith.index_cast %parallel_loop3A_421 : i32 to index
        %parallel_loop3A_475 = arith.constant 32 : index
        %parallel_loop3A_476 = tpu.vector_load %arg8[%parallel_loop3A_474, %parallel_loop3A_475] {strides = array<i32>} : memref<400x64xi32, #tpu.memory_space<vmem>>, vector<1x16xi32>,
        %parallel_loop3A_477 = vector.shape_cast %parallel_loop3A_476 : vector<1x16xi32> to vector<16xi32>
        %parallel_loop3A_478 = arith.constant 16 : i32
        %parallel_loop3A_479 = vector.broadcast %parallel_loop3A_478 : i32 to vector<16xi32>
        %parallel_loop3A_480 = arith.shli %parallel_loop3A_477, %parallel_loop3A_479 : vector<16xi32>
        %parallel_loop3A_481 = tpu.bitcast %parallel_loop3A_480 : vector<16xi32> -> vector<16xf32>
        %parallel_loop3A_482 = arith.constant -65536 : i32
        %parallel_loop3A_483 = vector.broadcast %parallel_loop3A_482 : i32 to vector<16xi32>
        %parallel_loop3A_484 = arith.andi %parallel_loop3A_477, %parallel_loop3A_483 : vector<16xi32>
        %parallel_loop3A_485 = tpu.bitcast %parallel_loop3A_484 : vector<16xi32> -> vector<16xf32>
        %parallel_loop3A_486 = arith.index_cast %parallel_loop3A_421 : i32 to index
        %parallel_loop3A_487 = arith.constant 32 : index
        %parallel_loop3A_488 = tpu.vector_load %arg9[%parallel_loop3A_486, %parallel_loop3A_487] {strides = array<i32>} : memref<400x64xi32, #tpu.memory_space<vmem>>, vector<1x16xi32>,
        %parallel_loop3A_489 = vector.shape_cast %parallel_loop3A_488 : vector<1x16xi32> to vector<16xi32>
        %parallel_loop3A_490 = arith.constant 16 : i32
        %parallel_loop3A_491 = vector.broadcast %parallel_loop3A_490 : i32 to vector<16xi32>
        %parallel_loop3A_492 = arith.shli %parallel_loop3A_489, %parallel_loop3A_491 : vector<16xi32>
        %parallel_loop3A_493 = tpu.bitcast %parallel_loop3A_492 : vector<16xi32> -> vector<16xf32>
        %parallel_loop3A_494 = arith.constant -65536 : i32
        %parallel_loop3A_495 = vector.broadcast %parallel_loop3A_494 : i32 to vector<16xi32>
        %parallel_loop3A_496 = arith.andi %parallel_loop3A_489, %parallel_loop3A_495 : vector<16xi32>
        %parallel_loop3A_497 = tpu.bitcast %parallel_loop3A_496 : vector<16xi32> -> vector<16xf32>
        %parallel_loop3A_498 = arith.mulf %parallel_loop3A_481, %parallel_loop3A_493 : vector<16xf32>
        %parallel_loop3A_499 = arith.mulf %parallel_loop3A_485, %parallel_loop3A_497 : vector<16xf32>
        %parallel_loop3A_500 = arith.index_cast %parallel_loop3A_421 : i32 to index
        %parallel_loop3A_501 = arith.constant 48 : index
        %parallel_loop3A_502 = tpu.vector_load %arg8[%parallel_loop3A_500, %parallel_loop3A_501] {strides = array<i32>} : memref<400x64xi32, #tpu.memory_space<vmem>>, vector<1x16xi32>,
        %parallel_loop3A_503 = vector.shape_cast %parallel_loop3A_502 : vector<1x16xi32> to vector<16xi32>
        %parallel_loop3A_504 = arith.constant 16 : i32
        %parallel_loop3A_505 = vector.broadcast %parallel_loop3A_504 : i32 to vector<16xi32>
        %parallel_loop3A_506 = arith.shli %parallel_loop3A_503, %parallel_loop3A_505 : vector<16xi32>
        %parallel_loop3A_507 = tpu.bitcast %parallel_loop3A_506 : vector<16xi32> -> vector<16xf32>
        %parallel_loop3A_508 = arith.constant -65536 : i32
        %parallel_loop3A_509 = vector.broadcast %parallel_loop3A_508 : i32 to vector<16xi32>
        %parallel_loop3A_510 = arith.andi %parallel_loop3A_503, %parallel_loop3A_509 : vector<16xi32>
        %parallel_loop3A_511 = tpu.bitcast %parallel_loop3A_510 : vector<16xi32> -> vector<16xf32>
        %parallel_loop3A_512 = arith.index_cast %parallel_loop3A_421 : i32 to index
        %parallel_loop3A_513 = arith.constant 48 : index
        %parallel_loop3A_514 = tpu.vector_load %arg9[%parallel_loop3A_512, %parallel_loop3A_513] {strides = array<i32>} : memref<400x64xi32, #tpu.memory_space<vmem>>, vector<1x16xi32>,
        %parallel_loop3A_515 = vector.shape_cast %parallel_loop3A_514 : vector<1x16xi32> to vector<16xi32>
        %parallel_loop3A_516 = arith.constant 16 : i32
        %parallel_loop3A_517 = vector.broadcast %parallel_loop3A_516 : i32 to vector<16xi32>
        %parallel_loop3A_518 = arith.shli %parallel_loop3A_515, %parallel_loop3A_517 : vector<16xi32>
        %parallel_loop3A_519 = tpu.bitcast %parallel_loop3A_518 : vector<16xi32> -> vector<16xf32>
        %parallel_loop3A_520 = arith.constant -65536 : i32
        %parallel_loop3A_521 = vector.broadcast %parallel_loop3A_520 : i32 to vector<16xi32>
        %parallel_loop3A_522 = arith.andi %parallel_loop3A_515, %parallel_loop3A_521 : vector<16xi32>
        %parallel_loop3A_523 = tpu.bitcast %parallel_loop3A_522 : vector<16xi32> -> vector<16xf32>
        %parallel_loop3A_524 = arith.mulf %parallel_loop3A_507, %parallel_loop3A_519 : vector<16xf32>
        %parallel_loop3A_525 = arith.mulf %parallel_loop3A_511, %parallel_loop3A_523 : vector<16xf32>
        %parallel_loop3A_526 = arith.addf %parallel_loop3A_446, %parallel_loop3A_447 : vector<16xf32>
        %parallel_loop3A_527 = arith.addf %parallel_loop3A_472, %parallel_loop3A_473 : vector<16xf32>
        %parallel_loop3A_528 = arith.addf %parallel_loop3A_498, %parallel_loop3A_499 : vector<16xf32>
        %parallel_loop3A_529 = arith.addf %parallel_loop3A_524, %parallel_loop3A_525 : vector<16xf32>
        %parallel_loop3A_530 = arith.addf %parallel_loop3A_526, %parallel_loop3A_527 : vector<16xf32>
        %parallel_loop3A_531 = arith.addf %parallel_loop3A_528, %parallel_loop3A_529 : vector<16xf32>
        %parallel_loop3A_532 = arith.addf %parallel_loop3A_530, %parallel_loop3A_531 : vector<16xf32>
        %parallel_loop3A_533 = arith.constant 8 : i32
        %parallel_loop3A_534 = vector.broadcast %parallel_loop3A_533 : i32 to vector<16xi32>
        %parallel_loop3A_535 = arith.andi %iota3A, %parallel_loop3A_534 : vector<16xi32>
        %parallel_loop3A_536 = arith.constant 0 : i32
        %parallel_loop3A_537 = vector.broadcast %parallel_loop3A_536 : i32 to vector<16xi32>
        %parallel_loop3A_538 = arith.cmpi eq, %parallel_loop3A_535, %parallel_loop3A_537 : vector<16xi32>
        %parallel_loop3A_539 = arith.select %parallel_loop3A_538, %parallel_loop3A_419, %parallel_loop3A_532 : vector<16xi1>, vector<16xf32>
        %parallel_loop3A_540 = arith.select %parallel_loop3A_538, %parallel_loop3A_532, %parallel_loop3A_419 : vector<16xi1>, vector<16xf32>
        %parallel_loop3A_541 = arith.constant 8 : i32
        %parallel_loop3A_542 = vector.broadcast %parallel_loop3A_541 : i32 to vector<16xi32>
        %parallel_loop3A_543 = arith.xori %iota3A, %parallel_loop3A_542 : vector<16xi32>
        %parallel_loop3A_544 = vector.shape_cast %parallel_loop3A_543 : vector<16xi32> to vector<16x1xi32>
        %parallel_loop3A_545 = vector.shape_cast %parallel_loop3A_544 : vector<16x1xi32> to vector<16xi32>
        %parallel_loop3A_546 = tpu.dynamic_gather %parallel_loop3A_540[%parallel_loop3A_545] in [0] : vector<16xf32>, vector<16xi32> -> vector<16xf32>
        %parallel_loop3A_547 = arith.addf %parallel_loop3A_539, %parallel_loop3A_546 : vector<16xf32>
        %parallel_loop3A_548 = arith.constant 16 : i32
        %parallel_loop3A_549 = arith.muli %parallel_loop3A_251, %parallel_loop3A_548 : i32
        %parallel_loop3A_550 = arith.index_cast %parallel_loop3A_549 : i32 to index
        %parallel_loop3A_551 = tpu.vector_load %arg11[%parallel_loop3A_550] {strides = array<i32>} : memref<640xf32, #tpu.memory_space<vmem>>, vector<16xf32>,
        %parallel_loop3A_552 = vector.shape_cast %parallel_loop3A_551 : vector<16xf32> to vector<16xf32>
        %parallel_loop3A_553 = vector.shape_cast %parallel_loop3A_547 : vector<16xf32> to vector<16xf32>
        tpu.vector_store %arg11[%parallel_loop3A_550], %parallel_loop3A_553 {strides = array<i32>} : memref<640xf32, #tpu.memory_space<vmem>>, vector<16xf32>,
      } {sc.loop_unroll_factor = 2 : i64, sc.parallel_access}
      %parallel_loop3A_111 = arith.constant 0 : i32
      %parallel_loop3A_112 = arith.constant 5 : i32
      %parallel_loop3A_113 = arith.constant 1 : i32
      scf.for %parallel_loop3A_251 = %parallel_loop3A_111 to %parallel_loop3A_112 step %parallel_loop3A_113  : i32 {
        %parallel_loop3A_252 = arith.constant 8 : i32
        %parallel_loop3A_253 = arith.muli %parallel_loop3A_251, %parallel_loop3A_252 : i32
        %parallel_loop3A_254 = arith.constant 0 : i32
        %parallel_loop3A_255 = arith.addi %parallel_loop3A_253, %parallel_loop3A_254 : i32
        %parallel_loop3A_256 = arith.constant 16 : i32
        %parallel_loop3A_257 = arith.muli %parallel_loop3A_255, %parallel_loop3A_256 : i32
        %parallel_loop3A_258 = arith.index_cast %parallel_loop3A_257 : i32 to index
        %parallel_loop3A_259 = tpu.vector_load %arg11[%parallel_loop3A_258] {strides = array<i32>} : memref<640xf32, #tpu.memory_space<vmem>>, vector<16xf32>,
        %parallel_loop3A_260 = vector.shape_cast %parallel_loop3A_259 : vector<16xf32> to vector<16xf32>
        %parallel_loop3A_261 = arith.constant 8 : i32
        %parallel_loop3A_262 = arith.muli %parallel_loop3A_251, %parallel_loop3A_261 : i32
        %parallel_loop3A_263 = arith.constant 1 : i32
        %parallel_loop3A_264 = arith.addi %parallel_loop3A_262, %parallel_loop3A_263 : i32
        %parallel_loop3A_265 = arith.constant 16 : i32
        %parallel_loop3A_266 = arith.muli %parallel_loop3A_264, %parallel_loop3A_265 : i32
        %parallel_loop3A_267 = arith.index_cast %parallel_loop3A_266 : i32 to index
        %parallel_loop3A_268 = tpu.vector_load %arg11[%parallel_loop3A_267] {strides = array<i32>} : memref<640xf32, #tpu.memory_space<vmem>>, vector<16xf32>,
        %parallel_loop3A_269 = vector.shape_cast %parallel_loop3A_268 : vector<16xf32> to vector<16xf32>
        %parallel_loop3A_270 = arith.constant 8 : i32
        %parallel_loop3A_271 = arith.muli %parallel_loop3A_251, %parallel_loop3A_270 : i32
        %parallel_loop3A_272 = arith.constant 2 : i32
        %parallel_loop3A_273 = arith.addi %parallel_loop3A_271, %parallel_loop3A_272 : i32
        %parallel_loop3A_274 = arith.constant 16 : i32
        %parallel_loop3A_275 = arith.muli %parallel_loop3A_273, %parallel_loop3A_274 : i32
        %parallel_loop3A_276 = arith.index_cast %parallel_loop3A_275 : i32 to index
        %parallel_loop3A_277 = tpu.vector_load %arg11[%parallel_loop3A_276] {strides = array<i32>} : memref<640xf32, #tpu.memory_space<vmem>>, vector<16xf32>,
        %parallel_loop3A_278 = vector.shape_cast %parallel_loop3A_277 : vector<16xf32> to vector<16xf32>
        %parallel_loop3A_279 = arith.constant 8 : i32
        %parallel_loop3A_280 = arith.muli %parallel_loop3A_251, %parallel_loop3A_279 : i32
        %parallel_loop3A_281 = arith.constant 3 : i32
        %parallel_loop3A_282 = arith.addi %parallel_loop3A_280, %parallel_loop3A_281 : i32
        %parallel_loop3A_283 = arith.constant 16 : i32
        %parallel_loop3A_284 = arith.muli %parallel_loop3A_282, %parallel_loop3A_283 : i32
        %parallel_loop3A_285 = arith.index_cast %parallel_loop3A_284 : i32 to index
        %parallel_loop3A_286 = tpu.vector_load %arg11[%parallel_loop3A_285] {strides = array<i32>} : memref<640xf32, #tpu.memory_space<vmem>>, vector<16xf32>,
        %parallel_loop3A_287 = vector.shape_cast %parallel_loop3A_286 : vector<16xf32> to vector<16xf32>
        %parallel_loop3A_288 = arith.constant 8 : i32
        %parallel_loop3A_289 = arith.muli %parallel_loop3A_251, %parallel_loop3A_288 : i32
        %parallel_loop3A_290 = arith.constant 4 : i32
        %parallel_loop3A_291 = arith.addi %parallel_loop3A_289, %parallel_loop3A_290 : i32
        %parallel_loop3A_292 = arith.constant 16 : i32
        %parallel_loop3A_293 = arith.muli %parallel_loop3A_291, %parallel_loop3A_292 : i32
        %parallel_loop3A_294 = arith.index_cast %parallel_loop3A_293 : i32 to index
        %parallel_loop3A_295 = tpu.vector_load %arg11[%parallel_loop3A_294] {strides = array<i32>} : memref<640xf32, #tpu.memory_space<vmem>>, vector<16xf32>,
        %parallel_loop3A_296 = vector.shape_cast %parallel_loop3A_295 : vector<16xf32> to vector<16xf32>
        %parallel_loop3A_297 = arith.constant 8 : i32
        %parallel_loop3A_298 = arith.muli %parallel_loop3A_251, %parallel_loop3A_297 : i32
        %parallel_loop3A_299 = arith.constant 5 : i32
        %parallel_loop3A_300 = arith.addi %parallel_loop3A_298, %parallel_loop3A_299 : i32
        %parallel_loop3A_301 = arith.constant 16 : i32
        %parallel_loop3A_302 = arith.muli %parallel_loop3A_300, %parallel_loop3A_301 : i32
        %parallel_loop3A_303 = arith.index_cast %parallel_loop3A_302 : i32 to index
        %parallel_loop3A_304 = tpu.vector_load %arg11[%parallel_loop3A_303] {strides = array<i32>} : memref<640xf32, #tpu.memory_space<vmem>>, vector<16xf32>,
        %parallel_loop3A_305 = vector.shape_cast %parallel_loop3A_304 : vector<16xf32> to vector<16xf32>
        %parallel_loop3A_306 = arith.constant 8 : i32
        %parallel_loop3A_307 = arith.muli %parallel_loop3A_251, %parallel_loop3A_306 : i32
        %parallel_loop3A_308 = arith.constant 6 : i32
        %parallel_loop3A_309 = arith.addi %parallel_loop3A_307, %parallel_loop3A_308 : i32
        %parallel_loop3A_310 = arith.constant 16 : i32
        %parallel_loop3A_311 = arith.muli %parallel_loop3A_309, %parallel_loop3A_310 : i32
        %parallel_loop3A_312 = arith.index_cast %parallel_loop3A_311 : i32 to index
        %parallel_loop3A_313 = tpu.vector_load %arg11[%parallel_loop3A_312] {strides = array<i32>} : memref<640xf32, #tpu.memory_space<vmem>>, vector<16xf32>,
        %parallel_loop3A_314 = vector.shape_cast %parallel_loop3A_313 : vector<16xf32> to vector<16xf32>
        %parallel_loop3A_315 = arith.constant 8 : i32
        %parallel_loop3A_316 = arith.muli %parallel_loop3A_251, %parallel_loop3A_315 : i32
        %parallel_loop3A_317 = arith.constant 7 : i32
        %parallel_loop3A_318 = arith.addi %parallel_loop3A_316, %parallel_loop3A_317 : i32
        %parallel_loop3A_319 = arith.constant 16 : i32
        %parallel_loop3A_320 = arith.muli %parallel_loop3A_318, %parallel_loop3A_319 : i32
        %parallel_loop3A_321 = arith.index_cast %parallel_loop3A_320 : i32 to index
        %parallel_loop3A_322 = tpu.vector_load %arg11[%parallel_loop3A_321] {strides = array<i32>} : memref<640xf32, #tpu.memory_space<vmem>>, vector<16xf32>,
        %parallel_loop3A_323 = vector.shape_cast %parallel_loop3A_322 : vector<16xf32> to vector<16xf32>
        %parallel_loop3A_324 = arith.constant 4 : i32
        %parallel_loop3A_325 = vector.broadcast %parallel_loop3A_324 : i32 to vector<16xi32>
        %parallel_loop3A_326 = arith.andi %iota3A, %parallel_loop3A_325 : vector<16xi32>
        %parallel_loop3A_327 = arith.constant 0 : i32
        %parallel_loop3A_328 = vector.broadcast %parallel_loop3A_327 : i32 to vector<16xi32>
        %parallel_loop3A_329 = arith.cmpi eq, %parallel_loop3A_326, %parallel_loop3A_328 : vector<16xi32>
        %parallel_loop3A_330 = arith.select %parallel_loop3A_329, %parallel_loop3A_260, %parallel_loop3A_269 : vector<16xi1>, vector<16xf32>
        %parallel_loop3A_331 = arith.select %parallel_loop3A_329, %parallel_loop3A_269, %parallel_loop3A_260 : vector<16xi1>, vector<16xf32>
        %parallel_loop3A_332 = arith.constant 4 : i32
        %parallel_loop3A_333 = vector.broadcast %parallel_loop3A_332 : i32 to vector<16xi32>
        %parallel_loop3A_334 = arith.xori %iota3A, %parallel_loop3A_333 : vector<16xi32>
        %parallel_loop3A_335 = vector.shape_cast %parallel_loop3A_334 : vector<16xi32> to vector<16x1xi32>
        %parallel_loop3A_336 = vector.shape_cast %parallel_loop3A_335 : vector<16x1xi32> to vector<16xi32>
        %parallel_loop3A_337 = tpu.dynamic_gather %parallel_loop3A_331[%parallel_loop3A_336] in [0] : vector<16xf32>, vector<16xi32> -> vector<16xf32>
        %parallel_loop3A_338 = arith.addf %parallel_loop3A_330, %parallel_loop3A_337 : vector<16xf32>
        %parallel_loop3A_339 = arith.constant 4 : i32
        %parallel_loop3A_340 = vector.broadcast %parallel_loop3A_339 : i32 to vector<16xi32>
        %parallel_loop3A_341 = arith.andi %iota3A, %parallel_loop3A_340 : vector<16xi32>
        %parallel_loop3A_342 = arith.constant 0 : i32
        %parallel_loop3A_343 = vector.broadcast %parallel_loop3A_342 : i32 to vector<16xi32>
        %parallel_loop3A_344 = arith.cmpi eq, %parallel_loop3A_341, %parallel_loop3A_343 : vector<16xi32>
        %parallel_loop3A_345 = arith.select %parallel_loop3A_344, %parallel_loop3A_278, %parallel_loop3A_287 : vector<16xi1>, vector<16xf32>
        %parallel_loop3A_346 = arith.select %parallel_loop3A_344, %parallel_loop3A_287, %parallel_loop3A_278 : vector<16xi1>, vector<16xf32>
        %parallel_loop3A_347 = arith.constant 4 : i32
        %parallel_loop3A_348 = vector.broadcast %parallel_loop3A_347 : i32 to vector<16xi32>
        %parallel_loop3A_349 = arith.xori %iota3A, %parallel_loop3A_348 : vector<16xi32>
        %parallel_loop3A_350 = vector.shape_cast %parallel_loop3A_349 : vector<16xi32> to vector<16x1xi32>
        %parallel_loop3A_351 = vector.shape_cast %parallel_loop3A_350 : vector<16x1xi32> to vector<16xi32>
        %parallel_loop3A_352 = tpu.dynamic_gather %parallel_loop3A_346[%parallel_loop3A_351] in [0] : vector<16xf32>, vector<16xi32> -> vector<16xf32>
        %parallel_loop3A_353 = arith.addf %parallel_loop3A_345, %parallel_loop3A_352 : vector<16xf32>
        %parallel_loop3A_354 = arith.constant 4 : i32
        %parallel_loop3A_355 = vector.broadcast %parallel_loop3A_354 : i32 to vector<16xi32>
        %parallel_loop3A_356 = arith.andi %iota3A, %parallel_loop3A_355 : vector<16xi32>
        %parallel_loop3A_357 = arith.constant 0 : i32
        %parallel_loop3A_358 = vector.broadcast %parallel_loop3A_357 : i32 to vector<16xi32>
        %parallel_loop3A_359 = arith.cmpi eq, %parallel_loop3A_356, %parallel_loop3A_358 : vector<16xi32>
        %parallel_loop3A_360 = arith.select %parallel_loop3A_359, %parallel_loop3A_296, %parallel_loop3A_305 : vector<16xi1>, vector<16xf32>
        %parallel_loop3A_361 = arith.select %parallel_loop3A_359, %parallel_loop3A_305, %parallel_loop3A_296 : vector<16xi1>, vector<16xf32>
        %parallel_loop3A_362 = arith.constant 4 : i32
        %parallel_loop3A_363 = vector.broadcast %parallel_loop3A_362 : i32 to vector<16xi32>
        %parallel_loop3A_364 = arith.xori %iota3A, %parallel_loop3A_363 : vector<16xi32>
        %parallel_loop3A_365 = vector.shape_cast %parallel_loop3A_364 : vector<16xi32> to vector<16x1xi32>
        %parallel_loop3A_366 = vector.shape_cast %parallel_loop3A_365 : vector<16x1xi32> to vector<16xi32>
        %parallel_loop3A_367 = tpu.dynamic_gather %parallel_loop3A_361[%parallel_loop3A_366] in [0] : vector<16xf32>, vector<16xi32> -> vector<16xf32>
        %parallel_loop3A_368 = arith.addf %parallel_loop3A_360, %parallel_loop3A_367 : vector<16xf32>
        %parallel_loop3A_369 = arith.constant 4 : i32
        %parallel_loop3A_370 = vector.broadcast %parallel_loop3A_369 : i32 to vector<16xi32>
        %parallel_loop3A_371 = arith.andi %iota3A, %parallel_loop3A_370 : vector<16xi32>
        %parallel_loop3A_372 = arith.constant 0 : i32
        %parallel_loop3A_373 = vector.broadcast %parallel_loop3A_372 : i32 to vector<16xi32>
        %parallel_loop3A_374 = arith.cmpi eq, %parallel_loop3A_371, %parallel_loop3A_373 : vector<16xi32>
        %parallel_loop3A_375 = arith.select %parallel_loop3A_374, %parallel_loop3A_314, %parallel_loop3A_323 : vector<16xi1>, vector<16xf32>
        %parallel_loop3A_376 = arith.select %parallel_loop3A_374, %parallel_loop3A_323, %parallel_loop3A_314 : vector<16xi1>, vector<16xf32>
        %parallel_loop3A_377 = arith.constant 4 : i32
        %parallel_loop3A_378 = vector.broadcast %parallel_loop3A_377 : i32 to vector<16xi32>
        %parallel_loop3A_379 = arith.xori %iota3A, %parallel_loop3A_378 : vector<16xi32>
        %parallel_loop3A_380 = vector.shape_cast %parallel_loop3A_379 : vector<16xi32> to vector<16x1xi32>
        %parallel_loop3A_381 = vector.shape_cast %parallel_loop3A_380 : vector<16x1xi32> to vector<16xi32>
        %parallel_loop3A_382 = tpu.dynamic_gather %parallel_loop3A_376[%parallel_loop3A_381] in [0] : vector<16xf32>, vector<16xi32> -> vector<16xf32>
        %parallel_loop3A_383 = arith.addf %parallel_loop3A_375, %parallel_loop3A_382 : vector<16xf32>
        %parallel_loop3A_384 = arith.constant 2 : i32
        %parallel_loop3A_385 = vector.broadcast %parallel_loop3A_384 : i32 to vector<16xi32>
        %parallel_loop3A_386 = arith.andi %iota3A, %parallel_loop3A_385 : vector<16xi32>
        %parallel_loop3A_387 = arith.constant 0 : i32
        %parallel_loop3A_388 = vector.broadcast %parallel_loop3A_387 : i32 to vector<16xi32>
        %parallel_loop3A_389 = arith.cmpi eq, %parallel_loop3A_386, %parallel_loop3A_388 : vector<16xi32>
        %parallel_loop3A_390 = arith.select %parallel_loop3A_389, %parallel_loop3A_338, %parallel_loop3A_353 : vector<16xi1>, vector<16xf32>
        %parallel_loop3A_391 = arith.select %parallel_loop3A_389, %parallel_loop3A_353, %parallel_loop3A_338 : vector<16xi1>, vector<16xf32>
        %parallel_loop3A_392 = arith.constant 2 : i32
        %parallel_loop3A_393 = vector.broadcast %parallel_loop3A_392 : i32 to vector<16xi32>
        %parallel_loop3A_394 = arith.xori %iota3A, %parallel_loop3A_393 : vector<16xi32>
        %parallel_loop3A_395 = vector.shape_cast %parallel_loop3A_394 : vector<16xi32> to vector<16x1xi32>
        %parallel_loop3A_396 = vector.shape_cast %parallel_loop3A_395 : vector<16x1xi32> to vector<16xi32>
        %parallel_loop3A_397 = tpu.dynamic_gather %parallel_loop3A_391[%parallel_loop3A_396] in [0] : vector<16xf32>, vector<16xi32> -> vector<16xf32>
        %parallel_loop3A_398 = arith.addf %parallel_loop3A_390, %parallel_loop3A_397 : vector<16xf32>
        %parallel_loop3A_399 = arith.constant 2 : i32
        %parallel_loop3A_400 = vector.broadcast %parallel_loop3A_399 : i32 to vector<16xi32>
        %parallel_loop3A_401 = arith.andi %iota3A, %parallel_loop3A_400 : vector<16xi32>
        %parallel_loop3A_402 = arith.constant 0 : i32
        %parallel_loop3A_403 = vector.broadcast %parallel_loop3A_402 : i32 to vector<16xi32>
        %parallel_loop3A_404 = arith.cmpi eq, %parallel_loop3A_401, %parallel_loop3A_403 : vector<16xi32>
        %parallel_loop3A_405 = arith.select %parallel_loop3A_404, %parallel_loop3A_368, %parallel_loop3A_383 : vector<16xi1>, vector<16xf32>
        %parallel_loop3A_406 = arith.select %parallel_loop3A_404, %parallel_loop3A_383, %parallel_loop3A_368 : vector<16xi1>, vector<16xf32>
        %parallel_loop3A_407 = arith.constant 2 : i32
        %parallel_loop3A_408 = vector.broadcast %parallel_loop3A_407 : i32 to vector<16xi32>
        %parallel_loop3A_409 = arith.xori %iota3A, %parallel_loop3A_408 : vector<16xi32>
        %parallel_loop3A_410 = vector.shape_cast %parallel_loop3A_409 : vector<16xi32> to vector<16x1xi32>
        %parallel_loop3A_411 = vector.shape_cast %parallel_loop3A_410 : vector<16x1xi32> to vector<16xi32>
        %parallel_loop3A_412 = tpu.dynamic_gather %parallel_loop3A_406[%parallel_loop3A_411] in [0] : vector<16xf32>, vector<16xi32> -> vector<16xf32>
        %parallel_loop3A_413 = arith.addf %parallel_loop3A_405, %parallel_loop3A_412 : vector<16xf32>
        %parallel_loop3A_414 = arith.constant 1 : i32
        %parallel_loop3A_415 = vector.broadcast %parallel_loop3A_414 : i32 to vector<16xi32>
        %parallel_loop3A_416 = arith.andi %iota3A, %parallel_loop3A_415 : vector<16xi32>
        %parallel_loop3A_417 = arith.constant 0 : i32
        %parallel_loop3A_418 = vector.broadcast %parallel_loop3A_417 : i32 to vector<16xi32>
        %parallel_loop3A_419 = arith.cmpi eq, %parallel_loop3A_416, %parallel_loop3A_418 : vector<16xi32>
        %parallel_loop3A_420 = arith.select %parallel_loop3A_419, %parallel_loop3A_398, %parallel_loop3A_413 : vector<16xi1>, vector<16xf32>
        %parallel_loop3A_421 = arith.select %parallel_loop3A_419, %parallel_loop3A_413, %parallel_loop3A_398 : vector<16xi1>, vector<16xf32>
        %parallel_loop3A_422 = arith.constant 1 : i32
        %parallel_loop3A_423 = vector.broadcast %parallel_loop3A_422 : i32 to vector<16xi32>
        %parallel_loop3A_424 = arith.xori %iota3A, %parallel_loop3A_423 : vector<16xi32>
        %parallel_loop3A_425 = vector.shape_cast %parallel_loop3A_424 : vector<16xi32> to vector<16x1xi32>
        %parallel_loop3A_426 = vector.shape_cast %parallel_loop3A_425 : vector<16x1xi32> to vector<16xi32>
        %parallel_loop3A_427 = tpu.dynamic_gather %parallel_loop3A_421[%parallel_loop3A_426] in [0] : vector<16xf32>, vector<16xi32> -> vector<16xf32>
        %parallel_loop3A_428 = arith.addf %parallel_loop3A_420, %parallel_loop3A_427 : vector<16xf32>
        %parallel_loop3A_429 = arith.constant 0.000000e+00 : f32
        %parallel_loop3A_430 = vector.broadcast %parallel_loop3A_429 : f32 to vector<16xf32>
        %parallel_loop3A_431 = arith.subf %parallel_loop3A_430, %parallel_loop3A_428 : vector<16xf32>
        %parallel_loop3A_432 = math.exp %parallel_loop3A_431 : vector<16xf32>
        %parallel_loop3A_433 = arith.constant 1.000000e+00 : f32
        %parallel_loop3A_434 = vector.broadcast %parallel_loop3A_433 : f32 to vector<16xf32>
        %parallel_loop3A_435 = arith.addf %parallel_loop3A_434, %parallel_loop3A_432 : vector<16xf32>
        %parallel_loop3A_436 = arith.constant 1.000000e+00 : f32
        %parallel_loop3A_437 = vector.broadcast %parallel_loop3A_436 : f32 to vector<16xf32>
        %parallel_loop3A_438 = arith.divf %parallel_loop3A_437, %parallel_loop3A_435 : vector<16xf32>
        %parallel_loop3A_439 = arith.constant 80 : i32
        %parallel_loop3A_440 = arith.muli %add3A_93, %parallel_loop3A_439 : i32
        %parallel_loop3A_441 = arith.constant 16 : i32
        %parallel_loop3A_442 = arith.muli %parallel_loop3A_251, %parallel_loop3A_441 : i32
        %parallel_loop3A_443 = arith.addi %parallel_loop3A_440, %parallel_loop3A_442 : i32
        %parallel_loop3A_444 = arith.index_cast %parallel_loop3A_443 : i32 to index
        %parallel_loop3A_445 = tpu.vector_load %arg10[%parallel_loop3A_444] {strides = array<i32>} : memref<10000xf32, #tpu.memory_space<vmem>>, vector<16xf32>,
        %parallel_loop3A_446 = vector.shape_cast %parallel_loop3A_445 : vector<16xf32> to vector<16xf32>
        %parallel_loop3A_447 = vector.shape_cast %parallel_loop3A_438 : vector<16xf32> to vector<16xf32>
        tpu.vector_store %arg10[%parallel_loop3A_444], %parallel_loop3A_447 {strides = array<i32>} : memref<10000xf32, #tpu.memory_space<vmem>>, vector<16xf32>,
      } {sc.loop_unroll_factor = 1 : i64, sc.parallel_access}
      %add3A_114 = arith.constant 5 : i32
      %add3A_115 = arith.addi %add3A_93, %add3A_114 : i32
      %lt3A = arith.constant 125 : i32
      %lt3A_116 = arith.cmpi slt, %add3A_115, %lt3A : i32
      %convert_element_type3A = arith.extui %lt3A_116 : i1 to i32
      %cond3A = arith.constant 0 : i32
      %cond3A_117 = arith.cmpi ne, %convert_element_type3A, %cond3A : i32
      scf.if %cond3A_117 {
        %add3A_251 = arith.constant 5 : i32
        %add3A_252 = arith.addi %add3A_93, %add3A_251 : i32
        %mul3A_253 = arith.constant 80 : i32
        %mul3A_254 = arith.muli %add3A_252, %mul3A_253 : i32
        %dma_start3A_255 = arith.constant 0 : i32
        %dma_start3A_256 = arith.constant 0 : i32
        %dma_start3A_257 = tpu.memref_slice %arg8[%dma_start3A_255, %dma_start3A_256] : memref<400x64xi32, #tpu.memory_space<vmem>> -> memref<80x64xi32, #tpu.memory_space<vmem>>
        %dma_start3A_258 = tpu.memref_slice %arg6[%mul3A_254] : memref<10000xi32, #tpu.memory_space<vmem>> -> memref<80xi32, #tpu.memory_space<vmem>>
        %dma_start3A_259 = arith.constant 0 : i32
        %dma_start3A_260 = arith.constant 0 : i32
        %dma_start3A_261 = tpu.memref_slice %arg2[%dma_start3A_259, %dma_start3A_260] : memref<10000x64xi32, #tpu.memory_space<hbm>> -> memref<10000x64xi32, #tpu.memory_space<hbm>>
        tpu.enqueue_indirect_dma source(%dma_start3A_261 : memref<10000x64xi32, #tpu.memory_space<hbm>>) target(%dma_start3A_257 : memref<80x64xi32, #tpu.memory_space<vmem>>) offsets(%dma_start3A_258 : memref<80xi32, #tpu.memory_space<vmem>>) semaphore(%arg12 : memref<!tpu.dma_semaphore, #tpu.memory_space<semaphore_mem>>)
        %mul3A_262 = arith.constant 80 : i32
        %mul3A_263 = arith.muli %add3A_252, %mul3A_262 : i32
        %dma_start3A_264 = arith.constant 0 : i32
        %dma_start3A_265 = arith.constant 0 : i32
        %dma_start3A_266 = tpu.memref_slice %arg9[%dma_start3A_264, %dma_start3A_265] : memref<400x64xi32, #tpu.memory_space<vmem>> -> memref<80x64xi32, #tpu.memory_space<vmem>>
        %dma_start3A_267 = tpu.memref_slice %arg7[%mul3A_263] : memref<10000xi32, #tpu.memory_space<vmem>> -> memref<80xi32, #tpu.memory_space<vmem>>
        %dma_start3A_268 = arith.constant 0 : i32
        %dma_start3A_269 = arith.constant 0 : i32
        %dma_start3A_270 = tpu.memref_slice %arg2[%dma_start3A_268, %dma_start3A_269] : memref<10000x64xi32, #tpu.memory_space<hbm>> -> memref<10000x64xi32, #tpu.memory_space<hbm>>
        tpu.enqueue_indirect_dma source(%dma_start3A_270 : memref<10000x64xi32, #tpu.memory_space<hbm>>) target(%dma_start3A_266 : memref<80x64xi32, #tpu.memory_space<vmem>>) offsets(%dma_start3A_267 : memref<80xi32, #tpu.memory_space<vmem>>) semaphore(%arg13 : memref<!tpu.dma_semaphore, #tpu.memory_space<semaphore_mem>>)
      } else {
      }
      %mul3A_118 = arith.constant 5 : i32
      %mul3A_119 = arith.muli %scan3A_88, %mul3A_118 : i32
      %add3A_120 = arith.constant 1 : i32
      %add3A_121 = arith.addi %mul3A_119, %add3A_120 : i32
      %dma_wait3A_122 = arith.constant 80 : i32
      %dma_wait3A_123 = arith.constant 0 : i32
      %dma_wait3A_124 = tpu.memref_slice %arg8[%dma_wait3A_122, %dma_wait3A_123] : memref<400x64xi32, #tpu.memory_space<vmem>> -> memref<80x64xi32, #tpu.memory_space<vmem>>
      %dma_wait3A_125 = arith.constant 0 : i32
      %dma_wait3A_126 = tpu.memref_slice %arg6[%dma_wait3A_125] : memref<10000xi32, #tpu.memory_space<vmem>> -> memref<80xi32, #tpu.memory_space<vmem>>
      %dma_wait3A_127 = arith.constant 0 : i32
      %dma_wait3A_128 = arith.constant 0 : i32
      %dma_wait3A_129 = tpu.memref_slice %arg2[%dma_wait3A_127, %dma_wait3A_128] : memref<10000x64xi32, #tpu.memory_space<hbm>> -> memref<10000x64xi32, #tpu.memory_space<hbm>>
      tpu.wait_indirect_dma semaphore(%arg14 : memref<!tpu.dma_semaphore, #tpu.memory_space<semaphore_mem>>) src(%dma_wait3A_129 : memref<10000x64xi32, #tpu.memory_space<hbm>>) dst(%dma_wait3A_124 : memref<80x64xi32, #tpu.memory_space<vmem>>)
      %dma_wait3A_130 = arith.constant 80 : i32
      %dma_wait3A_131 = arith.constant 0 : i32
      %dma_wait3A_132 = tpu.memref_slice %arg9[%dma_wait3A_130, %dma_wait3A_131] : memref<400x64xi32, #tpu.memory_space<vmem>> -> memref<80x64xi32, #tpu.memory_space<vmem>>
      %dma_wait3A_133 = arith.constant 0 : i32
      %dma_wait3A_134 = tpu.memref_slice %arg7[%dma_wait3A_133] : memref<10000xi32, #tpu.memory_space<vmem>> -> memref<80xi32, #tpu.memory_space<vmem>>
      %dma_wait3A_135 = arith.constant 0 : i32
      %dma_wait3A_136 = arith.constant 0 : i32
      %dma_wait3A_137 = tpu.memref_slice %arg2[%dma_wait3A_135, %dma_wait3A_136] : memref<10000x64xi32, #tpu.memory_space<hbm>> -> memref<10000x64xi32, #tpu.memory_space<hbm>>
      tpu.wait_indirect_dma semaphore(%arg15 : memref<!tpu.dma_semaphore, #tpu.memory_space<semaphore_mem>>) src(%dma_wait3A_137 : memref<10000x64xi32, #tpu.memory_space<hbm>>) dst(%dma_wait3A_132 : memref<80x64xi32, #tpu.memory_space<vmem>>)
      %parallel_loop3A_138 = arith.constant 0 : i32
      %parallel_loop3A_139 = arith.constant 40 : i32
      %parallel_loop3A_140 = arith.constant 1 : i32
      scf.for %parallel_loop3A_251 = %parallel_loop3A_138 to %parallel_loop3A_139 step %parallel_loop3A_140  : i32 {
        %parallel_loop3A_252 = arith.constant 8 : i32
        %parallel_loop3A_253 = arith.divsi %parallel_loop3A_251, %parallel_loop3A_252 : i32
        %parallel_loop3A_254 = arith.constant 0 : i32
        %parallel_loop3A_255 = arith.cmpi sgt, %parallel_loop3A_251, %parallel_loop3A_254 : i32
        %parallel_loop3A_256 = arith.extui %parallel_loop3A_255 : i1 to i32
        %parallel_loop3A_257 = arith.constant 0 : i32
        %parallel_loop3A_258 = arith.cmpi slt, %parallel_loop3A_251, %parallel_loop3A_257 : i32
        %parallel_loop3A_259 = arith.extui %parallel_loop3A_258 : i1 to i32
        %parallel_loop3A_260 = arith.subi %parallel_loop3A_256, %parallel_loop3A_259 : i32
        %parallel_loop3A_261 = arith.constant 0 : i32
        %parallel_loop3A_262 = arith.cmpi sgt, %parallel_loop3A_252, %parallel_loop3A_261 : i32
        %parallel_loop3A_263 = arith.extui %parallel_loop3A_262 : i1 to i32
        %parallel_loop3A_264 = arith.constant 0 : i32
        %parallel_loop3A_265 = arith.cmpi slt, %parallel_loop3A_252, %parallel_loop3A_264 : i32
        %parallel_loop3A_266 = arith.extui %parallel_loop3A_265 : i1 to i32
        %parallel_loop3A_267 = arith.subi %parallel_loop3A_263, %parallel_loop3A_266 : i32
        %parallel_loop3A_268 = arith.cmpi ne, %parallel_loop3A_260, %parallel_loop3A_267 : i32
        %parallel_loop3A_269 = arith.remsi %parallel_loop3A_251, %parallel_loop3A_252 : i32
        %parallel_loop3A_270 = arith.constant 0 : i32
        %parallel_loop3A_271 = arith.cmpi ne, %parallel_loop3A_269, %parallel_loop3A_270 : i32
        %parallel_loop3A_272 = arith.andi %parallel_loop3A_268, %parallel_loop3A_271 : i1
        %parallel_loop3A_273 = arith.constant 1 : i32
        %parallel_loop3A_274 = arith.subi %parallel_loop3A_253, %parallel_loop3A_273 : i32
        %parallel_loop3A_275 = arith.select %parallel_loop3A_272, %parallel_loop3A_274, %parallel_loop3A_253 : i32
        %parallel_loop3A_276 = arith.constant 8 : i32
        %parallel_loop3A_277 = arith.constant 0 : i32
        %parallel_loop3A_278 = arith.cmpi eq, %parallel_loop3A_276, %parallel_loop3A_277 : i32
        %parallel_loop3A_279 = arith.constant 1 : i32
        %parallel_loop3A_280 = arith.select %parallel_loop3A_278, %parallel_loop3A_279, %parallel_loop3A_276 : i32
        %parallel_loop3A_281 = arith.remsi %parallel_loop3A_251, %parallel_loop3A_280 : i32
        %parallel_loop3A_282 = arith.constant 0 : i32
        %parallel_loop3A_283 = arith.cmpi ne, %parallel_loop3A_281, %parallel_loop3A_282 : i32
        %parallel_loop3A_284 = arith.constant 0 : i32
        %parallel_loop3A_285 = arith.cmpi slt, %parallel_loop3A_281, %parallel_loop3A_284 : i32
        %parallel_loop3A_286 = arith.constant 0 : i32
        %parallel_loop3A_287 = arith.cmpi slt, %parallel_loop3A_280, %parallel_loop3A_286 : i32
        %parallel_loop3A_288 = arith.xori %parallel_loop3A_285, %parallel_loop3A_287 : i1
        %parallel_loop3A_289 = arith.andi %parallel_loop3A_288, %parallel_loop3A_283 : i1
        %parallel_loop3A_290 = arith.addi %parallel_loop3A_281, %parallel_loop3A_280 : i32
        %parallel_loop3A_291 = arith.select %parallel_loop3A_289, %parallel_loop3A_290, %parallel_loop3A_281 : i32
        %parallel_loop3A_292 = arith.constant 1 : i32
        %parallel_loop3A_293 = arith.andi %parallel_loop3A_291, %parallel_loop3A_292 : i32
        %parallel_loop3A_294 = arith.constant 2 : i32
        %parallel_loop3A_295 = arith.shli %parallel_loop3A_293, %parallel_loop3A_294 : i32
        %parallel_loop3A_296 = arith.constant 2 : i32
        %parallel_loop3A_297 = arith.andi %parallel_loop3A_291, %parallel_loop3A_296 : i32
        %parallel_loop3A_298 = arith.ori %parallel_loop3A_295, %parallel_loop3A_297 : i32
        %parallel_loop3A_299 = arith.constant 4 : i32
        %parallel_loop3A_300 = arith.andi %parallel_loop3A_291, %parallel_loop3A_299 : i32
        %parallel_loop3A_301 = arith.constant 2 : i32
        %parallel_loop3A_302 = arith.shrsi %parallel_loop3A_300, %parallel_loop3A_301 : i32
        %parallel_loop3A_303 = arith.ori %parallel_loop3A_298, %parallel_loop3A_302 : i32
        %parallel_loop3A_304 = arith.constant 16 : i32
        %parallel_loop3A_305 = arith.muli %parallel_loop3A_275, %parallel_loop3A_304 : i32
        %parallel_loop3A_306 = arith.constant 80 : i32
        %parallel_loop3A_307 = arith.addi %parallel_loop3A_306, %parallel_loop3A_305 : i32
        %parallel_loop3A_308 = arith.addi %parallel_loop3A_307, %parallel_loop3A_303 : i32
        %parallel_loop3A_309 = arith.index_cast %parallel_loop3A_308 : i32 to index
        %parallel_loop3A_310 = arith.constant 0 : index
        %parallel_loop3A_311 = tpu.vector_load %arg8[%parallel_loop3A_309, %parallel_loop3A_310] {strides = array<i32>} : memref<400x64xi32, #tpu.memory_space<vmem>>, vector<1x16xi32>,
        %parallel_loop3A_312 = vector.shape_cast %parallel_loop3A_311 : vector<1x16xi32> to vector<16xi32>
        %parallel_loop3A_313 = arith.constant 16 : i32
        %parallel_loop3A_314 = vector.broadcast %parallel_loop3A_313 : i32 to vector<16xi32>
        %parallel_loop3A_315 = arith.shli %parallel_loop3A_312, %parallel_loop3A_314 : vector<16xi32>
        %parallel_loop3A_316 = tpu.bitcast %parallel_loop3A_315 : vector<16xi32> -> vector<16xf32>
        %parallel_loop3A_317 = arith.constant -65536 : i32
        %parallel_loop3A_318 = vector.broadcast %parallel_loop3A_317 : i32 to vector<16xi32>
        %parallel_loop3A_319 = arith.andi %parallel_loop3A_312, %parallel_loop3A_318 : vector<16xi32>
        %parallel_loop3A_320 = tpu.bitcast %parallel_loop3A_319 : vector<16xi32> -> vector<16xf32>
        %parallel_loop3A_321 = arith.index_cast %parallel_loop3A_308 : i32 to index
        %parallel_loop3A_322 = arith.constant 0 : index
        %parallel_loop3A_323 = tpu.vector_load %arg9[%parallel_loop3A_321, %parallel_loop3A_322] {strides = array<i32>} : memref<400x64xi32, #tpu.memory_space<vmem>>, vector<1x16xi32>,
        %parallel_loop3A_324 = vector.shape_cast %parallel_loop3A_323 : vector<1x16xi32> to vector<16xi32>
        %parallel_loop3A_325 = arith.constant 16 : i32
        %parallel_loop3A_326 = vector.broadcast %parallel_loop3A_325 : i32 to vector<16xi32>
        %parallel_loop3A_327 = arith.shli %parallel_loop3A_324, %parallel_loop3A_326 : vector<16xi32>
        %parallel_loop3A_328 = tpu.bitcast %parallel_loop3A_327 : vector<16xi32> -> vector<16xf32>
        %parallel_loop3A_329 = arith.constant -65536 : i32
        %parallel_loop3A_330 = vector.broadcast %parallel_loop3A_329 : i32 to vector<16xi32>
        %parallel_loop3A_331 = arith.andi %parallel_loop3A_324, %parallel_loop3A_330 : vector<16xi32>
        %parallel_loop3A_332 = tpu.bitcast %parallel_loop3A_331 : vector<16xi32> -> vector<16xf32>
        %parallel_loop3A_333 = arith.mulf %parallel_loop3A_316, %parallel_loop3A_328 : vector<16xf32>
        %parallel_loop3A_334 = arith.mulf %parallel_loop3A_320, %parallel_loop3A_332 : vector<16xf32>
        %parallel_loop3A_335 = arith.index_cast %parallel_loop3A_308 : i32 to index
        %parallel_loop3A_336 = arith.constant 16 : index
        %parallel_loop3A_337 = tpu.vector_load %arg8[%parallel_loop3A_335, %parallel_loop3A_336] {strides = array<i32>} : memref<400x64xi32, #tpu.memory_space<vmem>>, vector<1x16xi32>,
        %parallel_loop3A_338 = vector.shape_cast %parallel_loop3A_337 : vector<1x16xi32> to vector<16xi32>
        %parallel_loop3A_339 = arith.constant 16 : i32
        %parallel_loop3A_340 = vector.broadcast %parallel_loop3A_339 : i32 to vector<16xi32>
        %parallel_loop3A_341 = arith.shli %parallel_loop3A_338, %parallel_loop3A_340 : vector<16xi32>
        %parallel_loop3A_342 = tpu.bitcast %parallel_loop3A_341 : vector<16xi32> -> vector<16xf32>
        %parallel_loop3A_343 = arith.constant -65536 : i32
        %parallel_loop3A_344 = vector.broadcast %parallel_loop3A_343 : i32 to vector<16xi32>
        %parallel_loop3A_345 = arith.andi %parallel_loop3A_338, %parallel_loop3A_344 : vector<16xi32>
        %parallel_loop3A_346 = tpu.bitcast %parallel_loop3A_345 : vector<16xi32> -> vector<16xf32>
        %parallel_loop3A_347 = arith.index_cast %parallel_loop3A_308 : i32 to index
        %parallel_loop3A_348 = arith.constant 16 : index
        %parallel_loop3A_349 = tpu.vector_load %arg9[%parallel_loop3A_347, %parallel_loop3A_348] {strides = array<i32>} : memref<400x64xi32, #tpu.memory_space<vmem>>, vector<1x16xi32>,
        %parallel_loop3A_350 = vector.shape_cast %parallel_loop3A_349 : vector<1x16xi32> to vector<16xi32>
        %parallel_loop3A_351 = arith.constant 16 : i32
        %parallel_loop3A_352 = vector.broadcast %parallel_loop3A_351 : i32 to vector<16xi32>
        %parallel_loop3A_353 = arith.shli %parallel_loop3A_350, %parallel_loop3A_352 : vector<16xi32>
        %parallel_loop3A_354 = tpu.bitcast %parallel_loop3A_353 : vector<16xi32> -> vector<16xf32>
        %parallel_loop3A_355 = arith.constant -65536 : i32
        %parallel_loop3A_356 = vector.broadcast %parallel_loop3A_355 : i32 to vector<16xi32>
        %parallel_loop3A_357 = arith.andi %parallel_loop3A_350, %parallel_loop3A_356 : vector<16xi32>
        %parallel_loop3A_358 = tpu.bitcast %parallel_loop3A_357 : vector<16xi32> -> vector<16xf32>
        %parallel_loop3A_359 = arith.mulf %parallel_loop3A_342, %parallel_loop3A_354 : vector<16xf32>
        %parallel_loop3A_360 = arith.mulf %parallel_loop3A_346, %parallel_loop3A_358 : vector<16xf32>
        %parallel_loop3A_361 = arith.index_cast %parallel_loop3A_308 : i32 to index
        %parallel_loop3A_362 = arith.constant 32 : index
        %parallel_loop3A_363 = tpu.vector_load %arg8[%parallel_loop3A_361, %parallel_loop3A_362] {strides = array<i32>} : memref<400x64xi32, #tpu.memory_space<vmem>>, vector<1x16xi32>,
        %parallel_loop3A_364 = vector.shape_cast %parallel_loop3A_363 : vector<1x16xi32> to vector<16xi32>
        %parallel_loop3A_365 = arith.constant 16 : i32
        %parallel_loop3A_366 = vector.broadcast %parallel_loop3A_365 : i32 to vector<16xi32>
        %parallel_loop3A_367 = arith.shli %parallel_loop3A_364, %parallel_loop3A_366 : vector<16xi32>
        %parallel_loop3A_368 = tpu.bitcast %parallel_loop3A_367 : vector<16xi32> -> vector<16xf32>
        %parallel_loop3A_369 = arith.constant -65536 : i32
        %parallel_loop3A_370 = vector.broadcast %parallel_loop3A_369 : i32 to vector<16xi32>
        %parallel_loop3A_371 = arith.andi %parallel_loop3A_364, %parallel_loop3A_370 : vector<16xi32>
        %parallel_loop3A_372 = tpu.bitcast %parallel_loop3A_371 : vector<16xi32> -> vector<16xf32>
        %parallel_loop3A_373 = arith.index_cast %parallel_loop3A_308 : i32 to index
        %parallel_loop3A_374 = arith.constant 32 : index
        %parallel_loop3A_375 = tpu.vector_load %arg9[%parallel_loop3A_373, %parallel_loop3A_374] {strides = array<i32>} : memref<400x64xi32, #tpu.memory_space<vmem>>, vector<1x16xi32>,
        %parallel_loop3A_376 = vector.shape_cast %parallel_loop3A_375 : vector<1x16xi32> to vector<16xi32>
        %parallel_loop3A_377 = arith.constant 16 : i32
        %parallel_loop3A_378 = vector.broadcast %parallel_loop3A_377 : i32 to vector<16xi32>
        %parallel_loop3A_379 = arith.shli %parallel_loop3A_376, %parallel_loop3A_378 : vector<16xi32>
        %parallel_loop3A_380 = tpu.bitcast %parallel_loop3A_379 : vector<16xi32> -> vector<16xf32>
        %parallel_loop3A_381 = arith.constant -65536 : i32
        %parallel_loop3A_382 = vector.broadcast %parallel_loop3A_381 : i32 to vector<16xi32>
        %parallel_loop3A_383 = arith.andi %parallel_loop3A_376, %parallel_loop3A_382 : vector<16xi32>
        %parallel_loop3A_384 = tpu.bitcast %parallel_loop3A_383 : vector<16xi32> -> vector<16xf32>
        %parallel_loop3A_385 = arith.mulf %parallel_loop3A_368, %parallel_loop3A_380 : vector<16xf32>
        %parallel_loop3A_386 = arith.mulf %parallel_loop3A_372, %parallel_loop3A_384 : vector<16xf32>
        %parallel_loop3A_387 = arith.index_cast %parallel_loop3A_308 : i32 to index
        %parallel_loop3A_388 = arith.constant 48 : index
        %parallel_loop3A_389 = tpu.vector_load %arg8[%parallel_loop3A_387, %parallel_loop3A_388] {strides = array<i32>} : memref<400x64xi32, #tpu.memory_space<vmem>>, vector<1x16xi32>,
        %parallel_loop3A_390 = vector.shape_cast %parallel_loop3A_389 : vector<1x16xi32> to vector<16xi32>
        %parallel_loop3A_391 = arith.constant 16 : i32
        %parallel_loop3A_392 = vector.broadcast %parallel_loop3A_391 : i32 to vector<16xi32>
        %parallel_loop3A_393 = arith.shli %parallel_loop3A_390, %parallel_loop3A_392 : vector<16xi32>
        %parallel_loop3A_394 = tpu.bitcast %parallel_loop3A_393 : vector<16xi32> -> vector<16xf32>
        %parallel_loop3A_395 = arith.constant -65536 : i32
        %parallel_loop3A_396 = vector.broadcast %parallel_loop3A_395 : i32 to vector<16xi32>
        %parallel_loop3A_397 = arith.andi %parallel_loop3A_390, %parallel_loop3A_396 : vector<16xi32>
        %parallel_loop3A_398 = tpu.bitcast %parallel_loop3A_397 : vector<16xi32> -> vector<16xf32>
        %parallel_loop3A_399 = arith.index_cast %parallel_loop3A_308 : i32 to index
        %parallel_loop3A_400 = arith.constant 48 : index
        %parallel_loop3A_401 = tpu.vector_load %arg9[%parallel_loop3A_399, %parallel_loop3A_400] {strides = array<i32>} : memref<400x64xi32, #tpu.memory_space<vmem>>, vector<1x16xi32>,
        %parallel_loop3A_402 = vector.shape_cast %parallel_loop3A_401 : vector<1x16xi32> to vector<16xi32>
        %parallel_loop3A_403 = arith.constant 16 : i32
        %parallel_loop3A_404 = vector.broadcast %parallel_loop3A_403 : i32 to vector<16xi32>
        %parallel_loop3A_405 = arith.shli %parallel_loop3A_402, %parallel_loop3A_404 : vector<16xi32>
        %parallel_loop3A_406 = tpu.bitcast %parallel_loop3A_405 : vector<16xi32> -> vector<16xf32>
        %parallel_loop3A_407 = arith.constant -65536 : i32
        %parallel_loop3A_408 = vector.broadcast %parallel_loop3A_407 : i32 to vector<16xi32>
        %parallel_loop3A_409 = arith.andi %parallel_loop3A_402, %parallel_loop3A_408 : vector<16xi32>
        %parallel_loop3A_410 = tpu.bitcast %parallel_loop3A_409 : vector<16xi32> -> vector<16xf32>
        %parallel_loop3A_411 = arith.mulf %parallel_loop3A_394, %parallel_loop3A_406 : vector<16xf32>
        %parallel_loop3A_412 = arith.mulf %parallel_loop3A_398, %parallel_loop3A_410 : vector<16xf32>
        %parallel_loop3A_413 = arith.addf %parallel_loop3A_333, %parallel_loop3A_334 : vector<16xf32>
        %parallel_loop3A_414 = arith.addf %parallel_loop3A_359, %parallel_loop3A_360 : vector<16xf32>
        %parallel_loop3A_415 = arith.addf %parallel_loop3A_385, %parallel_loop3A_386 : vector<16xf32>
        %parallel_loop3A_416 = arith.addf %parallel_loop3A_411, %parallel_loop3A_412 : vector<16xf32>
        %parallel_loop3A_417 = arith.addf %parallel_loop3A_413, %parallel_loop3A_414 : vector<16xf32>
        %parallel_loop3A_418 = arith.addf %parallel_loop3A_415, %parallel_loop3A_416 : vector<16xf32>
        %parallel_loop3A_419 = arith.addf %parallel_loop3A_417, %parallel_loop3A_418 : vector<16xf32>
        %parallel_loop3A_420 = arith.constant 8 : i32
        %parallel_loop3A_421 = arith.addi %parallel_loop3A_308, %parallel_loop3A_420 : i32
        %parallel_loop3A_422 = arith.index_cast %parallel_loop3A_421 : i32 to index
        %parallel_loop3A_423 = arith.constant 0 : index
        %parallel_loop3A_424 = tpu.vector_load %arg8[%parallel_loop3A_422, %parallel_loop3A_423] {strides = array<i32>} : memref<400x64xi32, #tpu.memory_space<vmem>>, vector<1x16xi32>,
        %parallel_loop3A_425 = vector.shape_cast %parallel_loop3A_424 : vector<1x16xi32> to vector<16xi32>
        %parallel_loop3A_426 = arith.constant 16 : i32
        %parallel_loop3A_427 = vector.broadcast %parallel_loop3A_426 : i32 to vector<16xi32>
        %parallel_loop3A_428 = arith.shli %parallel_loop3A_425, %parallel_loop3A_427 : vector<16xi32>
        %parallel_loop3A_429 = tpu.bitcast %parallel_loop3A_428 : vector<16xi32> -> vector<16xf32>
        %parallel_loop3A_430 = arith.constant -65536 : i32
        %parallel_loop3A_431 = vector.broadcast %parallel_loop3A_430 : i32 to vector<16xi32>
        %parallel_loop3A_432 = arith.andi %parallel_loop3A_425, %parallel_loop3A_431 : vector<16xi32>
        %parallel_loop3A_433 = tpu.bitcast %parallel_loop3A_432 : vector<16xi32> -> vector<16xf32>
        %parallel_loop3A_434 = arith.index_cast %parallel_loop3A_421 : i32 to index
        %parallel_loop3A_435 = arith.constant 0 : index
        %parallel_loop3A_436 = tpu.vector_load %arg9[%parallel_loop3A_434, %parallel_loop3A_435] {strides = array<i32>} : memref<400x64xi32, #tpu.memory_space<vmem>>, vector<1x16xi32>,
        %parallel_loop3A_437 = vector.shape_cast %parallel_loop3A_436 : vector<1x16xi32> to vector<16xi32>
        %parallel_loop3A_438 = arith.constant 16 : i32
        %parallel_loop3A_439 = vector.broadcast %parallel_loop3A_438 : i32 to vector<16xi32>
        %parallel_loop3A_440 = arith.shli %parallel_loop3A_437, %parallel_loop3A_439 : vector<16xi32>
        %parallel_loop3A_441 = tpu.bitcast %parallel_loop3A_440 : vector<16xi32> -> vector<16xf32>
        %parallel_loop3A_442 = arith.constant -65536 : i32
        %parallel_loop3A_443 = vector.broadcast %parallel_loop3A_442 : i32 to vector<16xi32>
        %parallel_loop3A_444 = arith.andi %parallel_loop3A_437, %parallel_loop3A_443 : vector<16xi32>
        %parallel_loop3A_445 = tpu.bitcast %parallel_loop3A_444 : vector<16xi32> -> vector<16xf32>
        %parallel_loop3A_446 = arith.mulf %parallel_loop3A_429, %parallel_loop3A_441 : vector<16xf32>
        %parallel_loop3A_447 = arith.mulf %parallel_loop3A_433, %parallel_loop3A_445 : vector<16xf32>
        %parallel_loop3A_448 = arith.index_cast %parallel_loop3A_421 : i32 to index
        %parallel_loop3A_449 = arith.constant 16 : index
        %parallel_loop3A_450 = tpu.vector_load %arg8[%parallel_loop3A_448, %parallel_loop3A_449] {strides = array<i32>} : memref<400x64xi32, #tpu.memory_space<vmem>>, vector<1x16xi32>,
        %parallel_loop3A_451 = vector.shape_cast %parallel_loop3A_450 : vector<1x16xi32> to vector<16xi32>
        %parallel_loop3A_452 = arith.constant 16 : i32
        %parallel_loop3A_453 = vector.broadcast %parallel_loop3A_452 : i32 to vector<16xi32>
        %parallel_loop3A_454 = arith.shli %parallel_loop3A_451, %parallel_loop3A_453 : vector<16xi32>
        %parallel_loop3A_455 = tpu.bitcast %parallel_loop3A_454 : vector<16xi32> -> vector<16xf32>
        %parallel_loop3A_456 = arith.constant -65536 : i32
        %parallel_loop3A_457 = vector.broadcast %parallel_loop3A_456 : i32 to vector<16xi32>
        %parallel_loop3A_458 = arith.andi %parallel_loop3A_451, %parallel_loop3A_457 : vector<16xi32>
        %parallel_loop3A_459 = tpu.bitcast %parallel_loop3A_458 : vector<16xi32> -> vector<16xf32>
        %parallel_loop3A_460 = arith.index_cast %parallel_loop3A_421 : i32 to index
        %parallel_loop3A_461 = arith.constant 16 : index
        %parallel_loop3A_462 = tpu.vector_load %arg9[%parallel_loop3A_460, %parallel_loop3A_461] {strides = array<i32>} : memref<400x64xi32, #tpu.memory_space<vmem>>, vector<1x16xi32>,
        %parallel_loop3A_463 = vector.shape_cast %parallel_loop3A_462 : vector<1x16xi32> to vector<16xi32>
        %parallel_loop3A_464 = arith.constant 16 : i32
        %parallel_loop3A_465 = vector.broadcast %parallel_loop3A_464 : i32 to vector<16xi32>
        %parallel_loop3A_466 = arith.shli %parallel_loop3A_463, %parallel_loop3A_465 : vector<16xi32>
        %parallel_loop3A_467 = tpu.bitcast %parallel_loop3A_466 : vector<16xi32> -> vector<16xf32>
        %parallel_loop3A_468 = arith.constant -65536 : i32
        %parallel_loop3A_469 = vector.broadcast %parallel_loop3A_468 : i32 to vector<16xi32>
        %parallel_loop3A_470 = arith.andi %parallel_loop3A_463, %parallel_loop3A_469 : vector<16xi32>
        %parallel_loop3A_471 = tpu.bitcast %parallel_loop3A_470 : vector<16xi32> -> vector<16xf32>
        %parallel_loop3A_472 = arith.mulf %parallel_loop3A_455, %parallel_loop3A_467 : vector<16xf32>
        %parallel_loop3A_473 = arith.mulf %parallel_loop3A_459, %parallel_loop3A_471 : vector<16xf32>
        %parallel_loop3A_474 = arith.index_cast %parallel_loop3A_421 : i32 to index
        %parallel_loop3A_475 = arith.constant 32 : index
        %parallel_loop3A_476 = tpu.vector_load %arg8[%parallel_loop3A_474, %parallel_loop3A_475] {strides = array<i32>} : memref<400x64xi32, #tpu.memory_space<vmem>>, vector<1x16xi32>,
        %parallel_loop3A_477 = vector.shape_cast %parallel_loop3A_476 : vector<1x16xi32> to vector<16xi32>
        %parallel_loop3A_478 = arith.constant 16 : i32
        %parallel_loop3A_479 = vector.broadcast %parallel_loop3A_478 : i32 to vector<16xi32>
        %parallel_loop3A_480 = arith.shli %parallel_loop3A_477, %parallel_loop3A_479 : vector<16xi32>
        %parallel_loop3A_481 = tpu.bitcast %parallel_loop3A_480 : vector<16xi32> -> vector<16xf32>
        %parallel_loop3A_482 = arith.constant -65536 : i32
        %parallel_loop3A_483 = vector.broadcast %parallel_loop3A_482 : i32 to vector<16xi32>
        %parallel_loop3A_484 = arith.andi %parallel_loop3A_477, %parallel_loop3A_483 : vector<16xi32>
        %parallel_loop3A_485 = tpu.bitcast %parallel_loop3A_484 : vector<16xi32> -> vector<16xf32>
        %parallel_loop3A_486 = arith.index_cast %parallel_loop3A_421 : i32 to index
        %parallel_loop3A_487 = arith.constant 32 : index
        %parallel_loop3A_488 = tpu.vector_load %arg9[%parallel_loop3A_486, %parallel_loop3A_487] {strides = array<i32>} : memref<400x64xi32, #tpu.memory_space<vmem>>, vector<1x16xi32>,
        %parallel_loop3A_489 = vector.shape_cast %parallel_loop3A_488 : vector<1x16xi32> to vector<16xi32>
        %parallel_loop3A_490 = arith.constant 16 : i32
        %parallel_loop3A_491 = vector.broadcast %parallel_loop3A_490 : i32 to vector<16xi32>
        %parallel_loop3A_492 = arith.shli %parallel_loop3A_489, %parallel_loop3A_491 : vector<16xi32>
        %parallel_loop3A_493 = tpu.bitcast %parallel_loop3A_492 : vector<16xi32> -> vector<16xf32>
        %parallel_loop3A_494 = arith.constant -65536 : i32
        %parallel_loop3A_495 = vector.broadcast %parallel_loop3A_494 : i32 to vector<16xi32>
        %parallel_loop3A_496 = arith.andi %parallel_loop3A_489, %parallel_loop3A_495 : vector<16xi32>
        %parallel_loop3A_497 = tpu.bitcast %parallel_loop3A_496 : vector<16xi32> -> vector<16xf32>
        %parallel_loop3A_498 = arith.mulf %parallel_loop3A_481, %parallel_loop3A_493 : vector<16xf32>
        %parallel_loop3A_499 = arith.mulf %parallel_loop3A_485, %parallel_loop3A_497 : vector<16xf32>
        %parallel_loop3A_500 = arith.index_cast %parallel_loop3A_421 : i32 to index
        %parallel_loop3A_501 = arith.constant 48 : index
        %parallel_loop3A_502 = tpu.vector_load %arg8[%parallel_loop3A_500, %parallel_loop3A_501] {strides = array<i32>} : memref<400x64xi32, #tpu.memory_space<vmem>>, vector<1x16xi32>,
        %parallel_loop3A_503 = vector.shape_cast %parallel_loop3A_502 : vector<1x16xi32> to vector<16xi32>
        %parallel_loop3A_504 = arith.constant 16 : i32
        %parallel_loop3A_505 = vector.broadcast %parallel_loop3A_504 : i32 to vector<16xi32>
        %parallel_loop3A_506 = arith.shli %parallel_loop3A_503, %parallel_loop3A_505 : vector<16xi32>
        %parallel_loop3A_507 = tpu.bitcast %parallel_loop3A_506 : vector<16xi32> -> vector<16xf32>
        %parallel_loop3A_508 = arith.constant -65536 : i32
        %parallel_loop3A_509 = vector.broadcast %parallel_loop3A_508 : i32 to vector<16xi32>
        %parallel_loop3A_510 = arith.andi %parallel_loop3A_503, %parallel_loop3A_509 : vector<16xi32>
        %parallel_loop3A_511 = tpu.bitcast %parallel_loop3A_510 : vector<16xi32> -> vector<16xf32>
        %parallel_loop3A_512 = arith.index_cast %parallel_loop3A_421 : i32 to index
        %parallel_loop3A_513 = arith.constant 48 : index
        %parallel_loop3A_514 = tpu.vector_load %arg9[%parallel_loop3A_512, %parallel_loop3A_513] {strides = array<i32>} : memref<400x64xi32, #tpu.memory_space<vmem>>, vector<1x16xi32>,
        %parallel_loop3A_515 = vector.shape_cast %parallel_loop3A_514 : vector<1x16xi32> to vector<16xi32>
        %parallel_loop3A_516 = arith.constant 16 : i32
        %parallel_loop3A_517 = vector.broadcast %parallel_loop3A_516 : i32 to vector<16xi32>
        %parallel_loop3A_518 = arith.shli %parallel_loop3A_515, %parallel_loop3A_517 : vector<16xi32>
        %parallel_loop3A_519 = tpu.bitcast %parallel_loop3A_518 : vector<16xi32> -> vector<16xf32>
        %parallel_loop3A_520 = arith.constant -65536 : i32
        %parallel_loop3A_521 = vector.broadcast %parallel_loop3A_520 : i32 to vector<16xi32>
        %parallel_loop3A_522 = arith.andi %parallel_loop3A_515, %parallel_loop3A_521 : vector<16xi32>
        %parallel_loop3A_523 = tpu.bitcast %parallel_loop3A_522 : vector<16xi32> -> vector<16xf32>
        %parallel_loop3A_524 = arith.mulf %parallel_loop3A_507, %parallel_loop3A_519 : vector<16xf32>
        %parallel_loop3A_525 = arith.mulf %parallel_loop3A_511, %parallel_loop3A_523 : vector<16xf32>
        %parallel_loop3A_526 = arith.addf %parallel_loop3A_446, %parallel_loop3A_447 : vector<16xf32>
        %parallel_loop3A_527 = arith.addf %parallel_loop3A_472, %parallel_loop3A_473 : vector<16xf32>
        %parallel_loop3A_528 = arith.addf %parallel_loop3A_498, %parallel_loop3A_499 : vector<16xf32>
        %parallel_loop3A_529 = arith.addf %parallel_loop3A_524, %parallel_loop3A_525 : vector<16xf32>
        %parallel_loop3A_530 = arith.addf %parallel_loop3A_526, %parallel_loop3A_527 : vector<16xf32>
        %parallel_loop3A_531 = arith.addf %parallel_loop3A_528, %parallel_loop3A_529 : vector<16xf32>
        %parallel_loop3A_532 = arith.addf %parallel_loop3A_530, %parallel_loop3A_531 : vector<16xf32>
        %parallel_loop3A_533 = arith.constant 8 : i32
        %parallel_loop3A_534 = vector.broadcast %parallel_loop3A_533 : i32 to vector<16xi32>
        %parallel_loop3A_535 = arith.andi %iota3A, %parallel_loop3A_534 : vector<16xi32>
        %parallel_loop3A_536 = arith.constant 0 : i32
        %parallel_loop3A_537 = vector.broadcast %parallel_loop3A_536 : i32 to vector<16xi32>
        %parallel_loop3A_538 = arith.cmpi eq, %parallel_loop3A_535, %parallel_loop3A_537 : vector<16xi32>
        %parallel_loop3A_539 = arith.select %parallel_loop3A_538, %parallel_loop3A_419, %parallel_loop3A_532 : vector<16xi1>, vector<16xf32>
        %parallel_loop3A_540 = arith.select %parallel_loop3A_538, %parallel_loop3A_532, %parallel_loop3A_419 : vector<16xi1>, vector<16xf32>
        %parallel_loop3A_541 = arith.constant 8 : i32
        %parallel_loop3A_542 = vector.broadcast %parallel_loop3A_541 : i32 to vector<16xi32>
        %parallel_loop3A_543 = arith.xori %iota3A, %parallel_loop3A_542 : vector<16xi32>
        %parallel_loop3A_544 = vector.shape_cast %parallel_loop3A_543 : vector<16xi32> to vector<16x1xi32>
        %parallel_loop3A_545 = vector.shape_cast %parallel_loop3A_544 : vector<16x1xi32> to vector<16xi32>
        %parallel_loop3A_546 = tpu.dynamic_gather %parallel_loop3A_540[%parallel_loop3A_545] in [0] : vector<16xf32>, vector<16xi32> -> vector<16xf32>
        %parallel_loop3A_547 = arith.addf %parallel_loop3A_539, %parallel_loop3A_546 : vector<16xf32>
        %parallel_loop3A_548 = arith.constant 16 : i32
        %parallel_loop3A_549 = arith.muli %parallel_loop3A_251, %parallel_loop3A_548 : i32
        %parallel_loop3A_550 = arith.index_cast %parallel_loop3A_549 : i32 to index
        %parallel_loop3A_551 = tpu.vector_load %arg11[%parallel_loop3A_550] {strides = array<i32>} : memref<640xf32, #tpu.memory_space<vmem>>, vector<16xf32>,
        %parallel_loop3A_552 = vector.shape_cast %parallel_loop3A_551 : vector<16xf32> to vector<16xf32>
        %parallel_loop3A_553 = vector.shape_cast %parallel_loop3A_547 : vector<16xf32> to vector<16xf32>
        tpu.vector_store %arg11[%parallel_loop3A_550], %parallel_loop3A_553 {strides = array<i32>} : memref<640xf32, #tpu.memory_space<vmem>>, vector<16xf32>,
      } {sc.loop_unroll_factor = 2 : i64, sc.parallel_access}
      %parallel_loop3A_141 = arith.constant 0 : i32
      %parallel_loop3A_142 = arith.constant 5 : i32
      %parallel_loop3A_143 = arith.constant 1 : i32
      scf.for %parallel_loop3A_251 = %parallel_loop3A_141 to %parallel_loop3A_142 step %parallel_loop3A_143  : i32 {
        %parallel_loop3A_252 = arith.constant 8 : i32
        %parallel_loop3A_253 = arith.muli %parallel_loop3A_251, %parallel_loop3A_252 : i32
        %parallel_loop3A_254 = arith.constant 0 : i32
        %parallel_loop3A_255 = arith.addi %parallel_loop3A_253, %parallel_loop3A_254 : i32
        %parallel_loop3A_256 = arith.constant 16 : i32
        %parallel_loop3A_257 = arith.muli %parallel_loop3A_255, %parallel_loop3A_256 : i32
        %parallel_loop3A_258 = arith.index_cast %parallel_loop3A_257 : i32 to index
        %parallel_loop3A_259 = tpu.vector_load %arg11[%parallel_loop3A_258] {strides = array<i32>} : memref<640xf32, #tpu.memory_space<vmem>>, vector<16xf32>,
        %parallel_loop3A_260 = vector.shape_cast %parallel_loop3A_259 : vector<16xf32> to vector<16xf32>
        %parallel_loop3A_261 = arith.constant 8 : i32
        %parallel_loop3A_262 = arith.muli %parallel_loop3A_251, %parallel_loop3A_261 : i32
        %parallel_loop3A_263 = arith.constant 1 : i32
        %parallel_loop3A_264 = arith.addi %parallel_loop3A_262, %parallel_loop3A_263 : i32
        %parallel_loop3A_265 = arith.constant 16 : i32
        %parallel_loop3A_266 = arith.muli %parallel_loop3A_264, %parallel_loop3A_265 : i32
        %parallel_loop3A_267 = arith.index_cast %parallel_loop3A_266 : i32 to index
        %parallel_loop3A_268 = tpu.vector_load %arg11[%parallel_loop3A_267] {strides = array<i32>} : memref<640xf32, #tpu.memory_space<vmem>>, vector<16xf32>,
        %parallel_loop3A_269 = vector.shape_cast %parallel_loop3A_268 : vector<16xf32> to vector<16xf32>
        %parallel_loop3A_270 = arith.constant 8 : i32
        %parallel_loop3A_271 = arith.muli %parallel_loop3A_251, %parallel_loop3A_270 : i32
        %parallel_loop3A_272 = arith.constant 2 : i32
        %parallel_loop3A_273 = arith.addi %parallel_loop3A_271, %parallel_loop3A_272 : i32
        %parallel_loop3A_274 = arith.constant 16 : i32
        %parallel_loop3A_275 = arith.muli %parallel_loop3A_273, %parallel_loop3A_274 : i32
        %parallel_loop3A_276 = arith.index_cast %parallel_loop3A_275 : i32 to index
        %parallel_loop3A_277 = tpu.vector_load %arg11[%parallel_loop3A_276] {strides = array<i32>} : memref<640xf32, #tpu.memory_space<vmem>>, vector<16xf32>,
        %parallel_loop3A_278 = vector.shape_cast %parallel_loop3A_277 : vector<16xf32> to vector<16xf32>
        %parallel_loop3A_279 = arith.constant 8 : i32
        %parallel_loop3A_280 = arith.muli %parallel_loop3A_251, %parallel_loop3A_279 : i32
        %parallel_loop3A_281 = arith.constant 3 : i32
        %parallel_loop3A_282 = arith.addi %parallel_loop3A_280, %parallel_loop3A_281 : i32
        %parallel_loop3A_283 = arith.constant 16 : i32
        %parallel_loop3A_284 = arith.muli %parallel_loop3A_282, %parallel_loop3A_283 : i32
        %parallel_loop3A_285 = arith.index_cast %parallel_loop3A_284 : i32 to index
        %parallel_loop3A_286 = tpu.vector_load %arg11[%parallel_loop3A_285] {strides = array<i32>} : memref<640xf32, #tpu.memory_space<vmem>>, vector<16xf32>,
        %parallel_loop3A_287 = vector.shape_cast %parallel_loop3A_286 : vector<16xf32> to vector<16xf32>
        %parallel_loop3A_288 = arith.constant 8 : i32
        %parallel_loop3A_289 = arith.muli %parallel_loop3A_251, %parallel_loop3A_288 : i32
        %parallel_loop3A_290 = arith.constant 4 : i32
        %parallel_loop3A_291 = arith.addi %parallel_loop3A_289, %parallel_loop3A_290 : i32
        %parallel_loop3A_292 = arith.constant 16 : i32
        %parallel_loop3A_293 = arith.muli %parallel_loop3A_291, %parallel_loop3A_292 : i32
        %parallel_loop3A_294 = arith.index_cast %parallel_loop3A_293 : i32 to index
        %parallel_loop3A_295 = tpu.vector_load %arg11[%parallel_loop3A_294] {strides = array<i32>} : memref<640xf32, #tpu.memory_space<vmem>>, vector<16xf32>,
        %parallel_loop3A_296 = vector.shape_cast %parallel_loop3A_295 : vector<16xf32> to vector<16xf32>
        %parallel_loop3A_297 = arith.constant 8 : i32
        %parallel_loop3A_298 = arith.muli %parallel_loop3A_251, %parallel_loop3A_297 : i32
        %parallel_loop3A_299 = arith.constant 5 : i32
        %parallel_loop3A_300 = arith.addi %parallel_loop3A_298, %parallel_loop3A_299 : i32
        %parallel_loop3A_301 = arith.constant 16 : i32
        %parallel_loop3A_302 = arith.muli %parallel_loop3A_300, %parallel_loop3A_301 : i32
        %parallel_loop3A_303 = arith.index_cast %parallel_loop3A_302 : i32 to index
        %parallel_loop3A_304 = tpu.vector_load %arg11[%parallel_loop3A_303] {strides = array<i32>} : memref<640xf32, #tpu.memory_space<vmem>>, vector<16xf32>,
        %parallel_loop3A_305 = vector.shape_cast %parallel_loop3A_304 : vector<16xf32> to vector<16xf32>
        %parallel_loop3A_306 = arith.constant 8 : i32
        %parallel_loop3A_307 = arith.muli %parallel_loop3A_251, %parallel_loop3A_306 : i32
        %parallel_loop3A_308 = arith.constant 6 : i32
        %parallel_loop3A_309 = arith.addi %parallel_loop3A_307, %parallel_loop3A_308 : i32
        %parallel_loop3A_310 = arith.constant 16 : i32
        %parallel_loop3A_311 = arith.muli %parallel_loop3A_309, %parallel_loop3A_310 : i32
        %parallel_loop3A_312 = arith.index_cast %parallel_loop3A_311 : i32 to index
        %parallel_loop3A_313 = tpu.vector_load %arg11[%parallel_loop3A_312] {strides = array<i32>} : memref<640xf32, #tpu.memory_space<vmem>>, vector<16xf32>,
        %parallel_loop3A_314 = vector.shape_cast %parallel_loop3A_313 : vector<16xf32> to vector<16xf32>
        %parallel_loop3A_315 = arith.constant 8 : i32
        %parallel_loop3A_316 = arith.muli %parallel_loop3A_251, %parallel_loop3A_315 : i32
        %parallel_loop3A_317 = arith.constant 7 : i32
        %parallel_loop3A_318 = arith.addi %parallel_loop3A_316, %parallel_loop3A_317 : i32
        %parallel_loop3A_319 = arith.constant 16 : i32
        %parallel_loop3A_320 = arith.muli %parallel_loop3A_318, %parallel_loop3A_319 : i32
        %parallel_loop3A_321 = arith.index_cast %parallel_loop3A_320 : i32 to index
        %parallel_loop3A_322 = tpu.vector_load %arg11[%parallel_loop3A_321] {strides = array<i32>} : memref<640xf32, #tpu.memory_space<vmem>>, vector<16xf32>,
        %parallel_loop3A_323 = vector.shape_cast %parallel_loop3A_322 : vector<16xf32> to vector<16xf32>
        %parallel_loop3A_324 = arith.constant 4 : i32
        %parallel_loop3A_325 = vector.broadcast %parallel_loop3A_324 : i32 to vector<16xi32>
        %parallel_loop3A_326 = arith.andi %iota3A, %parallel_loop3A_325 : vector<16xi32>
        %parallel_loop3A_327 = arith.constant 0 : i32
        %parallel_loop3A_328 = vector.broadcast %parallel_loop3A_327 : i32 to vector<16xi32>
        %parallel_loop3A_329 = arith.cmpi eq, %parallel_loop3A_326, %parallel_loop3A_328 : vector<16xi32>
        %parallel_loop3A_330 = arith.select %parallel_loop3A_329, %parallel_loop3A_260, %parallel_loop3A_269 : vector<16xi1>, vector<16xf32>
        %parallel_loop3A_331 = arith.select %parallel_loop3A_329, %parallel_loop3A_269, %parallel_loop3A_260 : vector<16xi1>, vector<16xf32>
        %parallel_loop3A_332 = arith.constant 4 : i32
        %parallel_loop3A_333 = vector.broadcast %parallel_loop3A_332 : i32 to vector<16xi32>
        %parallel_loop3A_334 = arith.xori %iota3A, %parallel_loop3A_333 : vector<16xi32>
        %parallel_loop3A_335 = vector.shape_cast %parallel_loop3A_334 : vector<16xi32> to vector<16x1xi32>
        %parallel_loop3A_336 = vector.shape_cast %parallel_loop3A_335 : vector<16x1xi32> to vector<16xi32>
        %parallel_loop3A_337 = tpu.dynamic_gather %parallel_loop3A_331[%parallel_loop3A_336] in [0] : vector<16xf32>, vector<16xi32> -> vector<16xf32>
        %parallel_loop3A_338 = arith.addf %parallel_loop3A_330, %parallel_loop3A_337 : vector<16xf32>
        %parallel_loop3A_339 = arith.constant 4 : i32
        %parallel_loop3A_340 = vector.broadcast %parallel_loop3A_339 : i32 to vector<16xi32>
        %parallel_loop3A_341 = arith.andi %iota3A, %parallel_loop3A_340 : vector<16xi32>
        %parallel_loop3A_342 = arith.constant 0 : i32
        %parallel_loop3A_343 = vector.broadcast %parallel_loop3A_342 : i32 to vector<16xi32>
        %parallel_loop3A_344 = arith.cmpi eq, %parallel_loop3A_341, %parallel_loop3A_343 : vector<16xi32>
        %parallel_loop3A_345 = arith.select %parallel_loop3A_344, %parallel_loop3A_278, %parallel_loop3A_287 : vector<16xi1>, vector<16xf32>
        %parallel_loop3A_346 = arith.select %parallel_loop3A_344, %parallel_loop3A_287, %parallel_loop3A_278 : vector<16xi1>, vector<16xf32>
        %parallel_loop3A_347 = arith.constant 4 : i32
        %parallel_loop3A_348 = vector.broadcast %parallel_loop3A_347 : i32 to vector<16xi32>
        %parallel_loop3A_349 = arith.xori %iota3A, %parallel_loop3A_348 : vector<16xi32>
        %parallel_loop3A_350 = vector.shape_cast %parallel_loop3A_349 : vector<16xi32> to vector<16x1xi32>
        %parallel_loop3A_351 = vector.shape_cast %parallel_loop3A_350 : vector<16x1xi32> to vector<16xi32>
        %parallel_loop3A_352 = tpu.dynamic_gather %parallel_loop3A_346[%parallel_loop3A_351] in [0] : vector<16xf32>, vector<16xi32> -> vector<16xf32>
        %parallel_loop3A_353 = arith.addf %parallel_loop3A_345, %parallel_loop3A_352 : vector<16xf32>
        %parallel_loop3A_354 = arith.constant 4 : i32
        %parallel_loop3A_355 = vector.broadcast %parallel_loop3A_354 : i32 to vector<16xi32>
        %parallel_loop3A_356 = arith.andi %iota3A, %parallel_loop3A_355 : vector<16xi32>
        %parallel_loop3A_357 = arith.constant 0 : i32
        %parallel_loop3A_358 = vector.broadcast %parallel_loop3A_357 : i32 to vector<16xi32>
        %parallel_loop3A_359 = arith.cmpi eq, %parallel_loop3A_356, %parallel_loop3A_358 : vector<16xi32>
        %parallel_loop3A_360 = arith.select %parallel_loop3A_359, %parallel_loop3A_296, %parallel_loop3A_305 : vector<16xi1>, vector<16xf32>
        %parallel_loop3A_361 = arith.select %parallel_loop3A_359, %parallel_loop3A_305, %parallel_loop3A_296 : vector<16xi1>, vector<16xf32>
        %parallel_loop3A_362 = arith.constant 4 : i32
        %parallel_loop3A_363 = vector.broadcast %parallel_loop3A_362 : i32 to vector<16xi32>
        %parallel_loop3A_364 = arith.xori %iota3A, %parallel_loop3A_363 : vector<16xi32>
        %parallel_loop3A_365 = vector.shape_cast %parallel_loop3A_364 : vector<16xi32> to vector<16x1xi32>
        %parallel_loop3A_366 = vector.shape_cast %parallel_loop3A_365 : vector<16x1xi32> to vector<16xi32>
        %parallel_loop3A_367 = tpu.dynamic_gather %parallel_loop3A_361[%parallel_loop3A_366] in [0] : vector<16xf32>, vector<16xi32> -> vector<16xf32>
        %parallel_loop3A_368 = arith.addf %parallel_loop3A_360, %parallel_loop3A_367 : vector<16xf32>
        %parallel_loop3A_369 = arith.constant 4 : i32
        %parallel_loop3A_370 = vector.broadcast %parallel_loop3A_369 : i32 to vector<16xi32>
        %parallel_loop3A_371 = arith.andi %iota3A, %parallel_loop3A_370 : vector<16xi32>
        %parallel_loop3A_372 = arith.constant 0 : i32
        %parallel_loop3A_373 = vector.broadcast %parallel_loop3A_372 : i32 to vector<16xi32>
        %parallel_loop3A_374 = arith.cmpi eq, %parallel_loop3A_371, %parallel_loop3A_373 : vector<16xi32>
        %parallel_loop3A_375 = arith.select %parallel_loop3A_374, %parallel_loop3A_314, %parallel_loop3A_323 : vector<16xi1>, vector<16xf32>
        %parallel_loop3A_376 = arith.select %parallel_loop3A_374, %parallel_loop3A_323, %parallel_loop3A_314 : vector<16xi1>, vector<16xf32>
        %parallel_loop3A_377 = arith.constant 4 : i32
        %parallel_loop3A_378 = vector.broadcast %parallel_loop3A_377 : i32 to vector<16xi32>
        %parallel_loop3A_379 = arith.xori %iota3A, %parallel_loop3A_378 : vector<16xi32>
        %parallel_loop3A_380 = vector.shape_cast %parallel_loop3A_379 : vector<16xi32> to vector<16x1xi32>
        %parallel_loop3A_381 = vector.shape_cast %parallel_loop3A_380 : vector<16x1xi32> to vector<16xi32>
        %parallel_loop3A_382 = tpu.dynamic_gather %parallel_loop3A_376[%parallel_loop3A_381] in [0] : vector<16xf32>, vector<16xi32> -> vector<16xf32>
        %parallel_loop3A_383 = arith.addf %parallel_loop3A_375, %parallel_loop3A_382 : vector<16xf32>
        %parallel_loop3A_384 = arith.constant 2 : i32
        %parallel_loop3A_385 = vector.broadcast %parallel_loop3A_384 : i32 to vector<16xi32>
        %parallel_loop3A_386 = arith.andi %iota3A, %parallel_loop3A_385 : vector<16xi32>
        %parallel_loop3A_387 = arith.constant 0 : i32
        %parallel_loop3A_388 = vector.broadcast %parallel_loop3A_387 : i32 to vector<16xi32>
        %parallel_loop3A_389 = arith.cmpi eq, %parallel_loop3A_386, %parallel_loop3A_388 : vector<16xi32>
        %parallel_loop3A_390 = arith.select %parallel_loop3A_389, %parallel_loop3A_338, %parallel_loop3A_353 : vector<16xi1>, vector<16xf32>
        %parallel_loop3A_391 = arith.select %parallel_loop3A_389, %parallel_loop3A_353, %parallel_loop3A_338 : vector<16xi1>, vector<16xf32>
        %parallel_loop3A_392 = arith.constant 2 : i32
        %parallel_loop3A_393 = vector.broadcast %parallel_loop3A_392 : i32 to vector<16xi32>
        %parallel_loop3A_394 = arith.xori %iota3A, %parallel_loop3A_393 : vector<16xi32>
        %parallel_loop3A_395 = vector.shape_cast %parallel_loop3A_394 : vector<16xi32> to vector<16x1xi32>
        %parallel_loop3A_396 = vector.shape_cast %parallel_loop3A_395 : vector<16x1xi32> to vector<16xi32>
        %parallel_loop3A_397 = tpu.dynamic_gather %parallel_loop3A_391[%parallel_loop3A_396] in [0] : vector<16xf32>, vector<16xi32> -> vector<16xf32>
        %parallel_loop3A_398 = arith.addf %parallel_loop3A_390, %parallel_loop3A_397 : vector<16xf32>
        %parallel_loop3A_399 = arith.constant 2 : i32
        %parallel_loop3A_400 = vector.broadcast %parallel_loop3A_399 : i32 to vector<16xi32>
        %parallel_loop3A_401 = arith.andi %iota3A, %parallel_loop3A_400 : vector<16xi32>
        %parallel_loop3A_402 = arith.constant 0 : i32
        %parallel_loop3A_403 = vector.broadcast %parallel_loop3A_402 : i32 to vector<16xi32>
        %parallel_loop3A_404 = arith.cmpi eq, %parallel_loop3A_401, %parallel_loop3A_403 : vector<16xi32>
        %parallel_loop3A_405 = arith.select %parallel_loop3A_404, %parallel_loop3A_368, %parallel_loop3A_383 : vector<16xi1>, vector<16xf32>
        %parallel_loop3A_406 = arith.select %parallel_loop3A_404, %parallel_loop3A_383, %parallel_loop3A_368 : vector<16xi1>, vector<16xf32>
        %parallel_loop3A_407 = arith.constant 2 : i32
        %parallel_loop3A_408 = vector.broadcast %parallel_loop3A_407 : i32 to vector<16xi32>
        %parallel_loop3A_409 = arith.xori %iota3A, %parallel_loop3A_408 : vector<16xi32>
        %parallel_loop3A_410 = vector.shape_cast %parallel_loop3A_409 : vector<16xi32> to vector<16x1xi32>
        %parallel_loop3A_411 = vector.shape_cast %parallel_loop3A_410 : vector<16x1xi32> to vector<16xi32>
        %parallel_loop3A_412 = tpu.dynamic_gather %parallel_loop3A_406[%parallel_loop3A_411] in [0] : vector<16xf32>, vector<16xi32> -> vector<16xf32>
        %parallel_loop3A_413 = arith.addf %parallel_loop3A_405, %parallel_loop3A_412 : vector<16xf32>
        %parallel_loop3A_414 = arith.constant 1 : i32
        %parallel_loop3A_415 = vector.broadcast %parallel_loop3A_414 : i32 to vector<16xi32>
        %parallel_loop3A_416 = arith.andi %iota3A, %parallel_loop3A_415 : vector<16xi32>
        %parallel_loop3A_417 = arith.constant 0 : i32
        %parallel_loop3A_418 = vector.broadcast %parallel_loop3A_417 : i32 to vector<16xi32>
        %parallel_loop3A_419 = arith.cmpi eq, %parallel_loop3A_416, %parallel_loop3A_418 : vector<16xi32>
        %parallel_loop3A_420 = arith.select %parallel_loop3A_419, %parallel_loop3A_398, %parallel_loop3A_413 : vector<16xi1>, vector<16xf32>
        %parallel_loop3A_421 = arith.select %parallel_loop3A_419, %parallel_loop3A_413, %parallel_loop3A_398 : vector<16xi1>, vector<16xf32>
        %parallel_loop3A_422 = arith.constant 1 : i32
        %parallel_loop3A_423 = vector.broadcast %parallel_loop3A_422 : i32 to vector<16xi32>
        %parallel_loop3A_424 = arith.xori %iota3A, %parallel_loop3A_423 : vector<16xi32>
        %parallel_loop3A_425 = vector.shape_cast %parallel_loop3A_424 : vector<16xi32> to vector<16x1xi32>
        %parallel_loop3A_426 = vector.shape_cast %parallel_loop3A_425 : vector<16x1xi32> to vector<16xi32>
        %parallel_loop3A_427 = tpu.dynamic_gather %parallel_loop3A_421[%parallel_loop3A_426] in [0] : vector<16xf32>, vector<16xi32> -> vector<16xf32>
        %parallel_loop3A_428 = arith.addf %parallel_loop3A_420, %parallel_loop3A_427 : vector<16xf32>
        %parallel_loop3A_429 = arith.constant 0.000000e+00 : f32
        %parallel_loop3A_430 = vector.broadcast %parallel_loop3A_429 : f32 to vector<16xf32>
        %parallel_loop3A_431 = arith.subf %parallel_loop3A_430, %parallel_loop3A_428 : vector<16xf32>
        %parallel_loop3A_432 = math.exp %parallel_loop3A_431 : vector<16xf32>
        %parallel_loop3A_433 = arith.constant 1.000000e+00 : f32
        %parallel_loop3A_434 = vector.broadcast %parallel_loop3A_433 : f32 to vector<16xf32>
        %parallel_loop3A_435 = arith.addf %parallel_loop3A_434, %parallel_loop3A_432 : vector<16xf32>
        %parallel_loop3A_436 = arith.constant 1.000000e+00 : f32
        %parallel_loop3A_437 = vector.broadcast %parallel_loop3A_436 : f32 to vector<16xf32>
        %parallel_loop3A_438 = arith.divf %parallel_loop3A_437, %parallel_loop3A_435 : vector<16xf32>
        %parallel_loop3A_439 = arith.constant 80 : i32
        %parallel_loop3A_440 = arith.muli %add3A_121, %parallel_loop3A_439 : i32
        %parallel_loop3A_441 = arith.constant 16 : i32
        %parallel_loop3A_442 = arith.muli %parallel_loop3A_251, %parallel_loop3A_441 : i32
        %parallel_loop3A_443 = arith.addi %parallel_loop3A_440, %parallel_loop3A_442 : i32
        %parallel_loop3A_444 = arith.index_cast %parallel_loop3A_443 : i32 to index
        %parallel_loop3A_445 = tpu.vector_load %arg10[%parallel_loop3A_444] {strides = array<i32>} : memref<10000xf32, #tpu.memory_space<vmem>>, vector<16xf32>,
        %parallel_loop3A_446 = vector.shape_cast %parallel_loop3A_445 : vector<16xf32> to vector<16xf32>
        %parallel_loop3A_447 = vector.shape_cast %parallel_loop3A_438 : vector<16xf32> to vector<16xf32>
        tpu.vector_store %arg10[%parallel_loop3A_444], %parallel_loop3A_447 {strides = array<i32>} : memref<10000xf32, #tpu.memory_space<vmem>>, vector<16xf32>,
      } {sc.loop_unroll_factor = 1 : i64, sc.parallel_access}
      %add3A_144 = arith.constant 5 : i32
      %add3A_145 = arith.addi %add3A_121, %add3A_144 : i32
      %lt3A_146 = arith.constant 125 : i32
      %lt3A_147 = arith.cmpi slt, %add3A_145, %lt3A_146 : i32
      %convert_element_type3A_148 = arith.extui %lt3A_147 : i1 to i32
      %cond3A_149 = arith.constant 0 : i32
      %cond3A_150 = arith.cmpi ne, %convert_element_type3A_148, %cond3A_149 : i32
      scf.if %cond3A_150 {
        %add3A_251 = arith.constant 5 : i32
        %add3A_252 = arith.addi %add3A_121, %add3A_251 : i32
        %mul3A_253 = arith.constant 80 : i32
        %mul3A_254 = arith.muli %add3A_252, %mul3A_253 : i32
        %dma_start3A_255 = arith.constant 80 : i32
        %dma_start3A_256 = arith.constant 0 : i32
        %dma_start3A_257 = tpu.memref_slice %arg8[%dma_start3A_255, %dma_start3A_256] : memref<400x64xi32, #tpu.memory_space<vmem>> -> memref<80x64xi32, #tpu.memory_space<vmem>>
        %dma_start3A_258 = tpu.memref_slice %arg6[%mul3A_254] : memref<10000xi32, #tpu.memory_space<vmem>> -> memref<80xi32, #tpu.memory_space<vmem>>
        %dma_start3A_259 = arith.constant 0 : i32
        %dma_start3A_260 = arith.constant 0 : i32
        %dma_start3A_261 = tpu.memref_slice %arg2[%dma_start3A_259, %dma_start3A_260] : memref<10000x64xi32, #tpu.memory_space<hbm>> -> memref<10000x64xi32, #tpu.memory_space<hbm>>
        tpu.enqueue_indirect_dma source(%dma_start3A_261 : memref<10000x64xi32, #tpu.memory_space<hbm>>) target(%dma_start3A_257 : memref<80x64xi32, #tpu.memory_space<vmem>>) offsets(%dma_start3A_258 : memref<80xi32, #tpu.memory_space<vmem>>) semaphore(%arg14 : memref<!tpu.dma_semaphore, #tpu.memory_space<semaphore_mem>>)
        %mul3A_262 = arith.constant 80 : i32
        %mul3A_263 = arith.muli %add3A_252, %mul3A_262 : i32
        %dma_start3A_264 = arith.constant 80 : i32
        %dma_start3A_265 = arith.constant 0 : i32
        %dma_start3A_266 = tpu.memref_slice %arg9[%dma_start3A_264, %dma_start3A_265] : memref<400x64xi32, #tpu.memory_space<vmem>> -> memref<80x64xi32, #tpu.memory_space<vmem>>
        %dma_start3A_267 = tpu.memref_slice %arg7[%mul3A_263] : memref<10000xi32, #tpu.memory_space<vmem>> -> memref<80xi32, #tpu.memory_space<vmem>>
        %dma_start3A_268 = arith.constant 0 : i32
        %dma_start3A_269 = arith.constant 0 : i32
        %dma_start3A_270 = tpu.memref_slice %arg2[%dma_start3A_268, %dma_start3A_269] : memref<10000x64xi32, #tpu.memory_space<hbm>> -> memref<10000x64xi32, #tpu.memory_space<hbm>>
        tpu.enqueue_indirect_dma source(%dma_start3A_270 : memref<10000x64xi32, #tpu.memory_space<hbm>>) target(%dma_start3A_266 : memref<80x64xi32, #tpu.memory_space<vmem>>) offsets(%dma_start3A_267 : memref<80xi32, #tpu.memory_space<vmem>>) semaphore(%arg15 : memref<!tpu.dma_semaphore, #tpu.memory_space<semaphore_mem>>)
      } else {
      }
      %mul3A_151 = arith.constant 5 : i32
      %mul3A_152 = arith.muli %scan3A_88, %mul3A_151 : i32
      %add3A_153 = arith.constant 2 : i32
      %add3A_154 = arith.addi %mul3A_152, %add3A_153 : i32
      %dma_wait3A_155 = arith.constant 160 : i32
      %dma_wait3A_156 = arith.constant 0 : i32
      %dma_wait3A_157 = tpu.memref_slice %arg8[%dma_wait3A_155, %dma_wait3A_156] : memref<400x64xi32, #tpu.memory_space<vmem>> -> memref<80x64xi32, #tpu.memory_space<vmem>>
      %dma_wait3A_158 = arith.constant 0 : i32
      %dma_wait3A_159 = tpu.memref_slice %arg6[%dma_wait3A_158] : memref<10000xi32, #tpu.memory_space<vmem>> -> memref<80xi32, #tpu.memory_space<vmem>>
      %dma_wait3A_160 = arith.constant 0 : i32
      %dma_wait3A_161 = arith.constant 0 : i32
      %dma_wait3A_162 = tpu.memref_slice %arg2[%dma_wait3A_160, %dma_wait3A_161] : memref<10000x64xi32, #tpu.memory_space<hbm>> -> memref<10000x64xi32, #tpu.memory_space<hbm>>
      tpu.wait_indirect_dma semaphore(%arg16 : memref<!tpu.dma_semaphore, #tpu.memory_space<semaphore_mem>>) src(%dma_wait3A_162 : memref<10000x64xi32, #tpu.memory_space<hbm>>) dst(%dma_wait3A_157 : memref<80x64xi32, #tpu.memory_space<vmem>>)
      %dma_wait3A_163 = arith.constant 160 : i32
      %dma_wait3A_164 = arith.constant 0 : i32
      %dma_wait3A_165 = tpu.memref_slice %arg9[%dma_wait3A_163, %dma_wait3A_164] : memref<400x64xi32, #tpu.memory_space<vmem>> -> memref<80x64xi32, #tpu.memory_space<vmem>>
      %dma_wait3A_166 = arith.constant 0 : i32
      %dma_wait3A_167 = tpu.memref_slice %arg7[%dma_wait3A_166] : memref<10000xi32, #tpu.memory_space<vmem>> -> memref<80xi32, #tpu.memory_space<vmem>>
      %dma_wait3A_168 = arith.constant 0 : i32
      %dma_wait3A_169 = arith.constant 0 : i32
      %dma_wait3A_170 = tpu.memref_slice %arg2[%dma_wait3A_168, %dma_wait3A_169] : memref<10000x64xi32, #tpu.memory_space<hbm>> -> memref<10000x64xi32, #tpu.memory_space<hbm>>
      tpu.wait_indirect_dma semaphore(%arg17 : memref<!tpu.dma_semaphore, #tpu.memory_space<semaphore_mem>>) src(%dma_wait3A_170 : memref<10000x64xi32, #tpu.memory_space<hbm>>) dst(%dma_wait3A_165 : memref<80x64xi32, #tpu.memory_space<vmem>>)
      %parallel_loop3A_171 = arith.constant 0 : i32
      %parallel_loop3A_172 = arith.constant 40 : i32
      %parallel_loop3A_173 = arith.constant 1 : i32
      scf.for %parallel_loop3A_251 = %parallel_loop3A_171 to %parallel_loop3A_172 step %parallel_loop3A_173  : i32 {
        %parallel_loop3A_252 = arith.constant 8 : i32
        %parallel_loop3A_253 = arith.divsi %parallel_loop3A_251, %parallel_loop3A_252 : i32
        %parallel_loop3A_254 = arith.constant 0 : i32
        %parallel_loop3A_255 = arith.cmpi sgt, %parallel_loop3A_251, %parallel_loop3A_254 : i32
        %parallel_loop3A_256 = arith.extui %parallel_loop3A_255 : i1 to i32
        %parallel_loop3A_257 = arith.constant 0 : i32
        %parallel_loop3A_258 = arith.cmpi slt, %parallel_loop3A_251, %parallel_loop3A_257 : i32
        %parallel_loop3A_259 = arith.extui %parallel_loop3A_258 : i1 to i32
        %parallel_loop3A_260 = arith.subi %parallel_loop3A_256, %parallel_loop3A_259 : i32
        %parallel_loop3A_261 = arith.constant 0 : i32
        %parallel_loop3A_262 = arith.cmpi sgt, %parallel_loop3A_252, %parallel_loop3A_261 : i32
        %parallel_loop3A_263 = arith.extui %parallel_loop3A_262 : i1 to i32
        %parallel_loop3A_264 = arith.constant 0 : i32
        %parallel_loop3A_265 = arith.cmpi slt, %parallel_loop3A_252, %parallel_loop3A_264 : i32
        %parallel_loop3A_266 = arith.extui %parallel_loop3A_265 : i1 to i32
        %parallel_loop3A_267 = arith.subi %parallel_loop3A_263, %parallel_loop3A_266 : i32
        %parallel_loop3A_268 = arith.cmpi ne, %parallel_loop3A_260, %parallel_loop3A_267 : i32
        %parallel_loop3A_269 = arith.remsi %parallel_loop3A_251, %parallel_loop3A_252 : i32
        %parallel_loop3A_270 = arith.constant 0 : i32
        %parallel_loop3A_271 = arith.cmpi ne, %parallel_loop3A_269, %parallel_loop3A_270 : i32
        %parallel_loop3A_272 = arith.andi %parallel_loop3A_268, %parallel_loop3A_271 : i1
        %parallel_loop3A_273 = arith.constant 1 : i32
        %parallel_loop3A_274 = arith.subi %parallel_loop3A_253, %parallel_loop3A_273 : i32
        %parallel_loop3A_275 = arith.select %parallel_loop3A_272, %parallel_loop3A_274, %parallel_loop3A_253 : i32
        %parallel_loop3A_276 = arith.constant 8 : i32
        %parallel_loop3A_277 = arith.constant 0 : i32
        %parallel_loop3A_278 = arith.cmpi eq, %parallel_loop3A_276, %parallel_loop3A_277 : i32
        %parallel_loop3A_279 = arith.constant 1 : i32
        %parallel_loop3A_280 = arith.select %parallel_loop3A_278, %parallel_loop3A_279, %parallel_loop3A_276 : i32
        %parallel_loop3A_281 = arith.remsi %parallel_loop3A_251, %parallel_loop3A_280 : i32
        %parallel_loop3A_282 = arith.constant 0 : i32
        %parallel_loop3A_283 = arith.cmpi ne, %parallel_loop3A_281, %parallel_loop3A_282 : i32
        %parallel_loop3A_284 = arith.constant 0 : i32
        %parallel_loop3A_285 = arith.cmpi slt, %parallel_loop3A_281, %parallel_loop3A_284 : i32
        %parallel_loop3A_286 = arith.constant 0 : i32
        %parallel_loop3A_287 = arith.cmpi slt, %parallel_loop3A_280, %parallel_loop3A_286 : i32
        %parallel_loop3A_288 = arith.xori %parallel_loop3A_285, %parallel_loop3A_287 : i1
        %parallel_loop3A_289 = arith.andi %parallel_loop3A_288, %parallel_loop3A_283 : i1
        %parallel_loop3A_290 = arith.addi %parallel_loop3A_281, %parallel_loop3A_280 : i32
        %parallel_loop3A_291 = arith.select %parallel_loop3A_289, %parallel_loop3A_290, %parallel_loop3A_281 : i32
        %parallel_loop3A_292 = arith.constant 1 : i32
        %parallel_loop3A_293 = arith.andi %parallel_loop3A_291, %parallel_loop3A_292 : i32
        %parallel_loop3A_294 = arith.constant 2 : i32
        %parallel_loop3A_295 = arith.shli %parallel_loop3A_293, %parallel_loop3A_294 : i32
        %parallel_loop3A_296 = arith.constant 2 : i32
        %parallel_loop3A_297 = arith.andi %parallel_loop3A_291, %parallel_loop3A_296 : i32
        %parallel_loop3A_298 = arith.ori %parallel_loop3A_295, %parallel_loop3A_297 : i32
        %parallel_loop3A_299 = arith.constant 4 : i32
        %parallel_loop3A_300 = arith.andi %parallel_loop3A_291, %parallel_loop3A_299 : i32
        %parallel_loop3A_301 = arith.constant 2 : i32
        %parallel_loop3A_302 = arith.shrsi %parallel_loop3A_300, %parallel_loop3A_301 : i32
        %parallel_loop3A_303 = arith.ori %parallel_loop3A_298, %parallel_loop3A_302 : i32
        %parallel_loop3A_304 = arith.constant 16 : i32
        %parallel_loop3A_305 = arith.muli %parallel_loop3A_275, %parallel_loop3A_304 : i32
        %parallel_loop3A_306 = arith.constant 160 : i32
        %parallel_loop3A_307 = arith.addi %parallel_loop3A_306, %parallel_loop3A_305 : i32
        %parallel_loop3A_308 = arith.addi %parallel_loop3A_307, %parallel_loop3A_303 : i32
        %parallel_loop3A_309 = arith.index_cast %parallel_loop3A_308 : i32 to index
        %parallel_loop3A_310 = arith.constant 0 : index
        %parallel_loop3A_311 = tpu.vector_load %arg8[%parallel_loop3A_309, %parallel_loop3A_310] {strides = array<i32>} : memref<400x64xi32, #tpu.memory_space<vmem>>, vector<1x16xi32>,
        %parallel_loop3A_312 = vector.shape_cast %parallel_loop3A_311 : vector<1x16xi32> to vector<16xi32>
        %parallel_loop3A_313 = arith.constant 16 : i32
        %parallel_loop3A_314 = vector.broadcast %parallel_loop3A_313 : i32 to vector<16xi32>
        %parallel_loop3A_315 = arith.shli %parallel_loop3A_312, %parallel_loop3A_314 : vector<16xi32>
        %parallel_loop3A_316 = tpu.bitcast %parallel_loop3A_315 : vector<16xi32> -> vector<16xf32>
        %parallel_loop3A_317 = arith.constant -65536 : i32
        %parallel_loop3A_318 = vector.broadcast %parallel_loop3A_317 : i32 to vector<16xi32>
        %parallel_loop3A_319 = arith.andi %parallel_loop3A_312, %parallel_loop3A_318 : vector<16xi32>
        %parallel_loop3A_320 = tpu.bitcast %parallel_loop3A_319 : vector<16xi32> -> vector<16xf32>
        %parallel_loop3A_321 = arith.index_cast %parallel_loop3A_308 : i32 to index
        %parallel_loop3A_322 = arith.constant 0 : index
        %parallel_loop3A_323 = tpu.vector_load %arg9[%parallel_loop3A_321, %parallel_loop3A_322] {strides = array<i32>} : memref<400x64xi32, #tpu.memory_space<vmem>>, vector<1x16xi32>,
        %parallel_loop3A_324 = vector.shape_cast %parallel_loop3A_323 : vector<1x16xi32> to vector<16xi32>
        %parallel_loop3A_325 = arith.constant 16 : i32
        %parallel_loop3A_326 = vector.broadcast %parallel_loop3A_325 : i32 to vector<16xi32>
        %parallel_loop3A_327 = arith.shli %parallel_loop3A_324, %parallel_loop3A_326 : vector<16xi32>
        %parallel_loop3A_328 = tpu.bitcast %parallel_loop3A_327 : vector<16xi32> -> vector<16xf32>
        %parallel_loop3A_329 = arith.constant -65536 : i32
        %parallel_loop3A_330 = vector.broadcast %parallel_loop3A_329 : i32 to vector<16xi32>
        %parallel_loop3A_331 = arith.andi %parallel_loop3A_324, %parallel_loop3A_330 : vector<16xi32>
        %parallel_loop3A_332 = tpu.bitcast %parallel_loop3A_331 : vector<16xi32> -> vector<16xf32>
        %parallel_loop3A_333 = arith.mulf %parallel_loop3A_316, %parallel_loop3A_328 : vector<16xf32>
        %parallel_loop3A_334 = arith.mulf %parallel_loop3A_320, %parallel_loop3A_332 : vector<16xf32>
        %parallel_loop3A_335 = arith.index_cast %parallel_loop3A_308 : i32 to index
        %parallel_loop3A_336 = arith.constant 16 : index
        %parallel_loop3A_337 = tpu.vector_load %arg8[%parallel_loop3A_335, %parallel_loop3A_336] {strides = array<i32>} : memref<400x64xi32, #tpu.memory_space<vmem>>, vector<1x16xi32>,
        %parallel_loop3A_338 = vector.shape_cast %parallel_loop3A_337 : vector<1x16xi32> to vector<16xi32>
        %parallel_loop3A_339 = arith.constant 16 : i32
        %parallel_loop3A_340 = vector.broadcast %parallel_loop3A_339 : i32 to vector<16xi32>
        %parallel_loop3A_341 = arith.shli %parallel_loop3A_338, %parallel_loop3A_340 : vector<16xi32>
        %parallel_loop3A_342 = tpu.bitcast %parallel_loop3A_341 : vector<16xi32> -> vector<16xf32>
        %parallel_loop3A_343 = arith.constant -65536 : i32
        %parallel_loop3A_344 = vector.broadcast %parallel_loop3A_343 : i32 to vector<16xi32>
        %parallel_loop3A_345 = arith.andi %parallel_loop3A_338, %parallel_loop3A_344 : vector<16xi32>
        %parallel_loop3A_346 = tpu.bitcast %parallel_loop3A_345 : vector<16xi32> -> vector<16xf32>
        %parallel_loop3A_347 = arith.index_cast %parallel_loop3A_308 : i32 to index
        %parallel_loop3A_348 = arith.constant 16 : index
        %parallel_loop3A_349 = tpu.vector_load %arg9[%parallel_loop3A_347, %parallel_loop3A_348] {strides = array<i32>} : memref<400x64xi32, #tpu.memory_space<vmem>>, vector<1x16xi32>,
        %parallel_loop3A_350 = vector.shape_cast %parallel_loop3A_349 : vector<1x16xi32> to vector<16xi32>
        %parallel_loop3A_351 = arith.constant 16 : i32
        %parallel_loop3A_352 = vector.broadcast %parallel_loop3A_351 : i32 to vector<16xi32>
        %parallel_loop3A_353 = arith.shli %parallel_loop3A_350, %parallel_loop3A_352 : vector<16xi32>
        %parallel_loop3A_354 = tpu.bitcast %parallel_loop3A_353 : vector<16xi32> -> vector<16xf32>
        %parallel_loop3A_355 = arith.constant -65536 : i32
        %parallel_loop3A_356 = vector.broadcast %parallel_loop3A_355 : i32 to vector<16xi32>
        %parallel_loop3A_357 = arith.andi %parallel_loop3A_350, %parallel_loop3A_356 : vector<16xi32>
        %parallel_loop3A_358 = tpu.bitcast %parallel_loop3A_357 : vector<16xi32> -> vector<16xf32>
        %parallel_loop3A_359 = arith.mulf %parallel_loop3A_342, %parallel_loop3A_354 : vector<16xf32>
        %parallel_loop3A_360 = arith.mulf %parallel_loop3A_346, %parallel_loop3A_358 : vector<16xf32>
        %parallel_loop3A_361 = arith.index_cast %parallel_loop3A_308 : i32 to index
        %parallel_loop3A_362 = arith.constant 32 : index
        %parallel_loop3A_363 = tpu.vector_load %arg8[%parallel_loop3A_361, %parallel_loop3A_362] {strides = array<i32>} : memref<400x64xi32, #tpu.memory_space<vmem>>, vector<1x16xi32>,
        %parallel_loop3A_364 = vector.shape_cast %parallel_loop3A_363 : vector<1x16xi32> to vector<16xi32>
        %parallel_loop3A_365 = arith.constant 16 : i32
        %parallel_loop3A_366 = vector.broadcast %parallel_loop3A_365 : i32 to vector<16xi32>
        %parallel_loop3A_367 = arith.shli %parallel_loop3A_364, %parallel_loop3A_366 : vector<16xi32>
        %parallel_loop3A_368 = tpu.bitcast %parallel_loop3A_367 : vector<16xi32> -> vector<16xf32>
        %parallel_loop3A_369 = arith.constant -65536 : i32
        %parallel_loop3A_370 = vector.broadcast %parallel_loop3A_369 : i32 to vector<16xi32>
        %parallel_loop3A_371 = arith.andi %parallel_loop3A_364, %parallel_loop3A_370 : vector<16xi32>
        %parallel_loop3A_372 = tpu.bitcast %parallel_loop3A_371 : vector<16xi32> -> vector<16xf32>
        %parallel_loop3A_373 = arith.index_cast %parallel_loop3A_308 : i32 to index
        %parallel_loop3A_374 = arith.constant 32 : index
        %parallel_loop3A_375 = tpu.vector_load %arg9[%parallel_loop3A_373, %parallel_loop3A_374] {strides = array<i32>} : memref<400x64xi32, #tpu.memory_space<vmem>>, vector<1x16xi32>,
        %parallel_loop3A_376 = vector.shape_cast %parallel_loop3A_375 : vector<1x16xi32> to vector<16xi32>
        %parallel_loop3A_377 = arith.constant 16 : i32
        %parallel_loop3A_378 = vector.broadcast %parallel_loop3A_377 : i32 to vector<16xi32>
        %parallel_loop3A_379 = arith.shli %parallel_loop3A_376, %parallel_loop3A_378 : vector<16xi32>
        %parallel_loop3A_380 = tpu.bitcast %parallel_loop3A_379 : vector<16xi32> -> vector<16xf32>
        %parallel_loop3A_381 = arith.constant -65536 : i32
        %parallel_loop3A_382 = vector.broadcast %parallel_loop3A_381 : i32 to vector<16xi32>
        %parallel_loop3A_383 = arith.andi %parallel_loop3A_376, %parallel_loop3A_382 : vector<16xi32>
        %parallel_loop3A_384 = tpu.bitcast %parallel_loop3A_383 : vector<16xi32> -> vector<16xf32>
        %parallel_loop3A_385 = arith.mulf %parallel_loop3A_368, %parallel_loop3A_380 : vector<16xf32>
        %parallel_loop3A_386 = arith.mulf %parallel_loop3A_372, %parallel_loop3A_384 : vector<16xf32>
        %parallel_loop3A_387 = arith.index_cast %parallel_loop3A_308 : i32 to index
        %parallel_loop3A_388 = arith.constant 48 : index
        %parallel_loop3A_389 = tpu.vector_load %arg8[%parallel_loop3A_387, %parallel_loop3A_388] {strides = array<i32>} : memref<400x64xi32, #tpu.memory_space<vmem>>, vector<1x16xi32>,
        %parallel_loop3A_390 = vector.shape_cast %parallel_loop3A_389 : vector<1x16xi32> to vector<16xi32>
        %parallel_loop3A_391 = arith.constant 16 : i32
        %parallel_loop3A_392 = vector.broadcast %parallel_loop3A_391 : i32 to vector<16xi32>
        %parallel_loop3A_393 = arith.shli %parallel_loop3A_390, %parallel_loop3A_392 : vector<16xi32>
        %parallel_loop3A_394 = tpu.bitcast %parallel_loop3A_393 : vector<16xi32> -> vector<16xf32>
        %parallel_loop3A_395 = arith.constant -65536 : i32
        %parallel_loop3A_396 = vector.broadcast %parallel_loop3A_395 : i32 to vector<16xi32>
        %parallel_loop3A_397 = arith.andi %parallel_loop3A_390, %parallel_loop3A_396 : vector<16xi32>
        %parallel_loop3A_398 = tpu.bitcast %parallel_loop3A_397 : vector<16xi32> -> vector<16xf32>
        %parallel_loop3A_399 = arith.index_cast %parallel_loop3A_308 : i32 to index
        %parallel_loop3A_400 = arith.constant 48 : index
        %parallel_loop3A_401 = tpu.vector_load %arg9[%parallel_loop3A_399, %parallel_loop3A_400] {strides = array<i32>} : memref<400x64xi32, #tpu.memory_space<vmem>>, vector<1x16xi32>,
        %parallel_loop3A_402 = vector.shape_cast %parallel_loop3A_401 : vector<1x16xi32> to vector<16xi32>
        %parallel_loop3A_403 = arith.constant 16 : i32
        %parallel_loop3A_404 = vector.broadcast %parallel_loop3A_403 : i32 to vector<16xi32>
        %parallel_loop3A_405 = arith.shli %parallel_loop3A_402, %parallel_loop3A_404 : vector<16xi32>
        %parallel_loop3A_406 = tpu.bitcast %parallel_loop3A_405 : vector<16xi32> -> vector<16xf32>
        %parallel_loop3A_407 = arith.constant -65536 : i32
        %parallel_loop3A_408 = vector.broadcast %parallel_loop3A_407 : i32 to vector<16xi32>
        %parallel_loop3A_409 = arith.andi %parallel_loop3A_402, %parallel_loop3A_408 : vector<16xi32>
        %parallel_loop3A_410 = tpu.bitcast %parallel_loop3A_409 : vector<16xi32> -> vector<16xf32>
        %parallel_loop3A_411 = arith.mulf %parallel_loop3A_394, %parallel_loop3A_406 : vector<16xf32>
        %parallel_loop3A_412 = arith.mulf %parallel_loop3A_398, %parallel_loop3A_410 : vector<16xf32>
        %parallel_loop3A_413 = arith.addf %parallel_loop3A_333, %parallel_loop3A_334 : vector<16xf32>
        %parallel_loop3A_414 = arith.addf %parallel_loop3A_359, %parallel_loop3A_360 : vector<16xf32>
        %parallel_loop3A_415 = arith.addf %parallel_loop3A_385, %parallel_loop3A_386 : vector<16xf32>
        %parallel_loop3A_416 = arith.addf %parallel_loop3A_411, %parallel_loop3A_412 : vector<16xf32>
        %parallel_loop3A_417 = arith.addf %parallel_loop3A_413, %parallel_loop3A_414 : vector<16xf32>
        %parallel_loop3A_418 = arith.addf %parallel_loop3A_415, %parallel_loop3A_416 : vector<16xf32>
        %parallel_loop3A_419 = arith.addf %parallel_loop3A_417, %parallel_loop3A_418 : vector<16xf32>
        %parallel_loop3A_420 = arith.constant 8 : i32
        %parallel_loop3A_421 = arith.addi %parallel_loop3A_308, %parallel_loop3A_420 : i32
        %parallel_loop3A_422 = arith.index_cast %parallel_loop3A_421 : i32 to index
        %parallel_loop3A_423 = arith.constant 0 : index
        %parallel_loop3A_424 = tpu.vector_load %arg8[%parallel_loop3A_422, %parallel_loop3A_423] {strides = array<i32>} : memref<400x64xi32, #tpu.memory_space<vmem>>, vector<1x16xi32>,
        %parallel_loop3A_425 = vector.shape_cast %parallel_loop3A_424 : vector<1x16xi32> to vector<16xi32>
        %parallel_loop3A_426 = arith.constant 16 : i32
        %parallel_loop3A_427 = vector.broadcast %parallel_loop3A_426 : i32 to vector<16xi32>
        %parallel_loop3A_428 = arith.shli %parallel_loop3A_425, %parallel_loop3A_427 : vector<16xi32>
        %parallel_loop3A_429 = tpu.bitcast %parallel_loop3A_428 : vector<16xi32> -> vector<16xf32>
        %parallel_loop3A_430 = arith.constant -65536 : i32
        %parallel_loop3A_431 = vector.broadcast %parallel_loop3A_430 : i32 to vector<16xi32>
        %parallel_loop3A_432 = arith.andi %parallel_loop3A_425, %parallel_loop3A_431 : vector<16xi32>
        %parallel_loop3A_433 = tpu.bitcast %parallel_loop3A_432 : vector<16xi32> -> vector<16xf32>
        %parallel_loop3A_434 = arith.index_cast %parallel_loop3A_421 : i32 to index
        %parallel_loop3A_435 = arith.constant 0 : index
        %parallel_loop3A_436 = tpu.vector_load %arg9[%parallel_loop3A_434, %parallel_loop3A_435] {strides = array<i32>} : memref<400x64xi32, #tpu.memory_space<vmem>>, vector<1x16xi32>,
        %parallel_loop3A_437 = vector.shape_cast %parallel_loop3A_436 : vector<1x16xi32> to vector<16xi32>
        %parallel_loop3A_438 = arith.constant 16 : i32
        %parallel_loop3A_439 = vector.broadcast %parallel_loop3A_438 : i32 to vector<16xi32>
        %parallel_loop3A_440 = arith.shli %parallel_loop3A_437, %parallel_loop3A_439 : vector<16xi32>
        %parallel_loop3A_441 = tpu.bitcast %parallel_loop3A_440 : vector<16xi32> -> vector<16xf32>
        %parallel_loop3A_442 = arith.constant -65536 : i32
        %parallel_loop3A_443 = vector.broadcast %parallel_loop3A_442 : i32 to vector<16xi32>
        %parallel_loop3A_444 = arith.andi %parallel_loop3A_437, %parallel_loop3A_443 : vector<16xi32>
        %parallel_loop3A_445 = tpu.bitcast %parallel_loop3A_444 : vector<16xi32> -> vector<16xf32>
        %parallel_loop3A_446 = arith.mulf %parallel_loop3A_429, %parallel_loop3A_441 : vector<16xf32>
        %parallel_loop3A_447 = arith.mulf %parallel_loop3A_433, %parallel_loop3A_445 : vector<16xf32>
        %parallel_loop3A_448 = arith.index_cast %parallel_loop3A_421 : i32 to index
        %parallel_loop3A_449 = arith.constant 16 : index
        %parallel_loop3A_450 = tpu.vector_load %arg8[%parallel_loop3A_448, %parallel_loop3A_449] {strides = array<i32>} : memref<400x64xi32, #tpu.memory_space<vmem>>, vector<1x16xi32>,
        %parallel_loop3A_451 = vector.shape_cast %parallel_loop3A_450 : vector<1x16xi32> to vector<16xi32>
        %parallel_loop3A_452 = arith.constant 16 : i32
        %parallel_loop3A_453 = vector.broadcast %parallel_loop3A_452 : i32 to vector<16xi32>
        %parallel_loop3A_454 = arith.shli %parallel_loop3A_451, %parallel_loop3A_453 : vector<16xi32>
        %parallel_loop3A_455 = tpu.bitcast %parallel_loop3A_454 : vector<16xi32> -> vector<16xf32>
        %parallel_loop3A_456 = arith.constant -65536 : i32
        %parallel_loop3A_457 = vector.broadcast %parallel_loop3A_456 : i32 to vector<16xi32>
        %parallel_loop3A_458 = arith.andi %parallel_loop3A_451, %parallel_loop3A_457 : vector<16xi32>
        %parallel_loop3A_459 = tpu.bitcast %parallel_loop3A_458 : vector<16xi32> -> vector<16xf32>
        %parallel_loop3A_460 = arith.index_cast %parallel_loop3A_421 : i32 to index
        %parallel_loop3A_461 = arith.constant 16 : index
        %parallel_loop3A_462 = tpu.vector_load %arg9[%parallel_loop3A_460, %parallel_loop3A_461] {strides = array<i32>} : memref<400x64xi32, #tpu.memory_space<vmem>>, vector<1x16xi32>,
        %parallel_loop3A_463 = vector.shape_cast %parallel_loop3A_462 : vector<1x16xi32> to vector<16xi32>
        %parallel_loop3A_464 = arith.constant 16 : i32
        %parallel_loop3A_465 = vector.broadcast %parallel_loop3A_464 : i32 to vector<16xi32>
        %parallel_loop3A_466 = arith.shli %parallel_loop3A_463, %parallel_loop3A_465 : vector<16xi32>
        %parallel_loop3A_467 = tpu.bitcast %parallel_loop3A_466 : vector<16xi32> -> vector<16xf32>
        %parallel_loop3A_468 = arith.constant -65536 : i32
        %parallel_loop3A_469 = vector.broadcast %parallel_loop3A_468 : i32 to vector<16xi32>
        %parallel_loop3A_470 = arith.andi %parallel_loop3A_463, %parallel_loop3A_469 : vector<16xi32>
        %parallel_loop3A_471 = tpu.bitcast %parallel_loop3A_470 : vector<16xi32> -> vector<16xf32>
        %parallel_loop3A_472 = arith.mulf %parallel_loop3A_455, %parallel_loop3A_467 : vector<16xf32>
        %parallel_loop3A_473 = arith.mulf %parallel_loop3A_459, %parallel_loop3A_471 : vector<16xf32>
        %parallel_loop3A_474 = arith.index_cast %parallel_loop3A_421 : i32 to index
        %parallel_loop3A_475 = arith.constant 32 : index
        %parallel_loop3A_476 = tpu.vector_load %arg8[%parallel_loop3A_474, %parallel_loop3A_475] {strides = array<i32>} : memref<400x64xi32, #tpu.memory_space<vmem>>, vector<1x16xi32>,
        %parallel_loop3A_477 = vector.shape_cast %parallel_loop3A_476 : vector<1x16xi32> to vector<16xi32>
        %parallel_loop3A_478 = arith.constant 16 : i32
        %parallel_loop3A_479 = vector.broadcast %parallel_loop3A_478 : i32 to vector<16xi32>
        %parallel_loop3A_480 = arith.shli %parallel_loop3A_477, %parallel_loop3A_479 : vector<16xi32>
        %parallel_loop3A_481 = tpu.bitcast %parallel_loop3A_480 : vector<16xi32> -> vector<16xf32>
        %parallel_loop3A_482 = arith.constant -65536 : i32
        %parallel_loop3A_483 = vector.broadcast %parallel_loop3A_482 : i32 to vector<16xi32>
        %parallel_loop3A_484 = arith.andi %parallel_loop3A_477, %parallel_loop3A_483 : vector<16xi32>
        %parallel_loop3A_485 = tpu.bitcast %parallel_loop3A_484 : vector<16xi32> -> vector<16xf32>
        %parallel_loop3A_486 = arith.index_cast %parallel_loop3A_421 : i32 to index
        %parallel_loop3A_487 = arith.constant 32 : index
        %parallel_loop3A_488 = tpu.vector_load %arg9[%parallel_loop3A_486, %parallel_loop3A_487] {strides = array<i32>} : memref<400x64xi32, #tpu.memory_space<vmem>>, vector<1x16xi32>,
        %parallel_loop3A_489 = vector.shape_cast %parallel_loop3A_488 : vector<1x16xi32> to vector<16xi32>
        %parallel_loop3A_490 = arith.constant 16 : i32
        %parallel_loop3A_491 = vector.broadcast %parallel_loop3A_490 : i32 to vector<16xi32>
        %parallel_loop3A_492 = arith.shli %parallel_loop3A_489, %parallel_loop3A_491 : vector<16xi32>
        %parallel_loop3A_493 = tpu.bitcast %parallel_loop3A_492 : vector<16xi32> -> vector<16xf32>
        %parallel_loop3A_494 = arith.constant -65536 : i32
        %parallel_loop3A_495 = vector.broadcast %parallel_loop3A_494 : i32 to vector<16xi32>
        %parallel_loop3A_496 = arith.andi %parallel_loop3A_489, %parallel_loop3A_495 : vector<16xi32>
        %parallel_loop3A_497 = tpu.bitcast %parallel_loop3A_496 : vector<16xi32> -> vector<16xf32>
        %parallel_loop3A_498 = arith.mulf %parallel_loop3A_481, %parallel_loop3A_493 : vector<16xf32>
        %parallel_loop3A_499 = arith.mulf %parallel_loop3A_485, %parallel_loop3A_497 : vector<16xf32>
        %parallel_loop3A_500 = arith.index_cast %parallel_loop3A_421 : i32 to index
        %parallel_loop3A_501 = arith.constant 48 : index
        %parallel_loop3A_502 = tpu.vector_load %arg8[%parallel_loop3A_500, %parallel_loop3A_501] {strides = array<i32>} : memref<400x64xi32, #tpu.memory_space<vmem>>, vector<1x16xi32>,
        %parallel_loop3A_503 = vector.shape_cast %parallel_loop3A_502 : vector<1x16xi32> to vector<16xi32>
        %parallel_loop3A_504 = arith.constant 16 : i32
        %parallel_loop3A_505 = vector.broadcast %parallel_loop3A_504 : i32 to vector<16xi32>
        %parallel_loop3A_506 = arith.shli %parallel_loop3A_503, %parallel_loop3A_505 : vector<16xi32>
        %parallel_loop3A_507 = tpu.bitcast %parallel_loop3A_506 : vector<16xi32> -> vector<16xf32>
        %parallel_loop3A_508 = arith.constant -65536 : i32
        %parallel_loop3A_509 = vector.broadcast %parallel_loop3A_508 : i32 to vector<16xi32>
        %parallel_loop3A_510 = arith.andi %parallel_loop3A_503, %parallel_loop3A_509 : vector<16xi32>
        %parallel_loop3A_511 = tpu.bitcast %parallel_loop3A_510 : vector<16xi32> -> vector<16xf32>
        %parallel_loop3A_512 = arith.index_cast %parallel_loop3A_421 : i32 to index
        %parallel_loop3A_513 = arith.constant 48 : index
        %parallel_loop3A_514 = tpu.vector_load %arg9[%parallel_loop3A_512, %parallel_loop3A_513] {strides = array<i32>} : memref<400x64xi32, #tpu.memory_space<vmem>>, vector<1x16xi32>,
        %parallel_loop3A_515 = vector.shape_cast %parallel_loop3A_514 : vector<1x16xi32> to vector<16xi32>
        %parallel_loop3A_516 = arith.constant 16 : i32
        %parallel_loop3A_517 = vector.broadcast %parallel_loop3A_516 : i32 to vector<16xi32>
        %parallel_loop3A_518 = arith.shli %parallel_loop3A_515, %parallel_loop3A_517 : vector<16xi32>
        %parallel_loop3A_519 = tpu.bitcast %parallel_loop3A_518 : vector<16xi32> -> vector<16xf32>
        %parallel_loop3A_520 = arith.constant -65536 : i32
        %parallel_loop3A_521 = vector.broadcast %parallel_loop3A_520 : i32 to vector<16xi32>
        %parallel_loop3A_522 = arith.andi %parallel_loop3A_515, %parallel_loop3A_521 : vector<16xi32>
        %parallel_loop3A_523 = tpu.bitcast %parallel_loop3A_522 : vector<16xi32> -> vector<16xf32>
        %parallel_loop3A_524 = arith.mulf %parallel_loop3A_507, %parallel_loop3A_519 : vector<16xf32>
        %parallel_loop3A_525 = arith.mulf %parallel_loop3A_511, %parallel_loop3A_523 : vector<16xf32>
        %parallel_loop3A_526 = arith.addf %parallel_loop3A_446, %parallel_loop3A_447 : vector<16xf32>
        %parallel_loop3A_527 = arith.addf %parallel_loop3A_472, %parallel_loop3A_473 : vector<16xf32>
        %parallel_loop3A_528 = arith.addf %parallel_loop3A_498, %parallel_loop3A_499 : vector<16xf32>
        %parallel_loop3A_529 = arith.addf %parallel_loop3A_524, %parallel_loop3A_525 : vector<16xf32>
        %parallel_loop3A_530 = arith.addf %parallel_loop3A_526, %parallel_loop3A_527 : vector<16xf32>
        %parallel_loop3A_531 = arith.addf %parallel_loop3A_528, %parallel_loop3A_529 : vector<16xf32>
        %parallel_loop3A_532 = arith.addf %parallel_loop3A_530, %parallel_loop3A_531 : vector<16xf32>
        %parallel_loop3A_533 = arith.constant 8 : i32
        %parallel_loop3A_534 = vector.broadcast %parallel_loop3A_533 : i32 to vector<16xi32>
        %parallel_loop3A_535 = arith.andi %iota3A, %parallel_loop3A_534 : vector<16xi32>
        %parallel_loop3A_536 = arith.constant 0 : i32
        %parallel_loop3A_537 = vector.broadcast %parallel_loop3A_536 : i32 to vector<16xi32>
        %parallel_loop3A_538 = arith.cmpi eq, %parallel_loop3A_535, %parallel_loop3A_537 : vector<16xi32>
        %parallel_loop3A_539 = arith.select %parallel_loop3A_538, %parallel_loop3A_419, %parallel_loop3A_532 : vector<16xi1>, vector<16xf32>
        %parallel_loop3A_540 = arith.select %parallel_loop3A_538, %parallel_loop3A_532, %parallel_loop3A_419 : vector<16xi1>, vector<16xf32>
        %parallel_loop3A_541 = arith.constant 8 : i32
        %parallel_loop3A_542 = vector.broadcast %parallel_loop3A_541 : i32 to vector<16xi32>
        %parallel_loop3A_543 = arith.xori %iota3A, %parallel_loop3A_542 : vector<16xi32>
        %parallel_loop3A_544 = vector.shape_cast %parallel_loop3A_543 : vector<16xi32> to vector<16x1xi32>
        %parallel_loop3A_545 = vector.shape_cast %parallel_loop3A_544 : vector<16x1xi32> to vector<16xi32>
        %parallel_loop3A_546 = tpu.dynamic_gather %parallel_loop3A_540[%parallel_loop3A_545] in [0] : vector<16xf32>, vector<16xi32> -> vector<16xf32>
        %parallel_loop3A_547 = arith.addf %parallel_loop3A_539, %parallel_loop3A_546 : vector<16xf32>
        %parallel_loop3A_548 = arith.constant 16 : i32
        %parallel_loop3A_549 = arith.muli %parallel_loop3A_251, %parallel_loop3A_548 : i32
        %parallel_loop3A_550 = arith.index_cast %parallel_loop3A_549 : i32 to index
        %parallel_loop3A_551 = tpu.vector_load %arg11[%parallel_loop3A_550] {strides = array<i32>} : memref<640xf32, #tpu.memory_space<vmem>>, vector<16xf32>,
        %parallel_loop3A_552 = vector.shape_cast %parallel_loop3A_551 : vector<16xf32> to vector<16xf32>
        %parallel_loop3A_553 = vector.shape_cast %parallel_loop3A_547 : vector<16xf32> to vector<16xf32>
        tpu.vector_store %arg11[%parallel_loop3A_550], %parallel_loop3A_553 {strides = array<i32>} : memref<640xf32, #tpu.memory_space<vmem>>, vector<16xf32>,
      } {sc.loop_unroll_factor = 2 : i64, sc.parallel_access}
      %parallel_loop3A_174 = arith.constant 0 : i32
      %parallel_loop3A_175 = arith.constant 5 : i32
      %parallel_loop3A_176 = arith.constant 1 : i32
      scf.for %parallel_loop3A_251 = %parallel_loop3A_174 to %parallel_loop3A_175 step %parallel_loop3A_176  : i32 {
        %parallel_loop3A_252 = arith.constant 8 : i32
        %parallel_loop3A_253 = arith.muli %parallel_loop3A_251, %parallel_loop3A_252 : i32
        %parallel_loop3A_254 = arith.constant 0 : i32
        %parallel_loop3A_255 = arith.addi %parallel_loop3A_253, %parallel_loop3A_254 : i32
        %parallel_loop3A_256 = arith.constant 16 : i32
        %parallel_loop3A_257 = arith.muli %parallel_loop3A_255, %parallel_loop3A_256 : i32
        %parallel_loop3A_258 = arith.index_cast %parallel_loop3A_257 : i32 to index
        %parallel_loop3A_259 = tpu.vector_load %arg11[%parallel_loop3A_258] {strides = array<i32>} : memref<640xf32, #tpu.memory_space<vmem>>, vector<16xf32>,
        %parallel_loop3A_260 = vector.shape_cast %parallel_loop3A_259 : vector<16xf32> to vector<16xf32>
        %parallel_loop3A_261 = arith.constant 8 : i32
        %parallel_loop3A_262 = arith.muli %parallel_loop3A_251, %parallel_loop3A_261 : i32
        %parallel_loop3A_263 = arith.constant 1 : i32
        %parallel_loop3A_264 = arith.addi %parallel_loop3A_262, %parallel_loop3A_263 : i32
        %parallel_loop3A_265 = arith.constant 16 : i32
        %parallel_loop3A_266 = arith.muli %parallel_loop3A_264, %parallel_loop3A_265 : i32
        %parallel_loop3A_267 = arith.index_cast %parallel_loop3A_266 : i32 to index
        %parallel_loop3A_268 = tpu.vector_load %arg11[%parallel_loop3A_267] {strides = array<i32>} : memref<640xf32, #tpu.memory_space<vmem>>, vector<16xf32>,
        %parallel_loop3A_269 = vector.shape_cast %parallel_loop3A_268 : vector<16xf32> to vector<16xf32>
        %parallel_loop3A_270 = arith.constant 8 : i32
        %parallel_loop3A_271 = arith.muli %parallel_loop3A_251, %parallel_loop3A_270 : i32
        %parallel_loop3A_272 = arith.constant 2 : i32
        %parallel_loop3A_273 = arith.addi %parallel_loop3A_271, %parallel_loop3A_272 : i32
        %parallel_loop3A_274 = arith.constant 16 : i32
        %parallel_loop3A_275 = arith.muli %parallel_loop3A_273, %parallel_loop3A_274 : i32
        %parallel_loop3A_276 = arith.index_cast %parallel_loop3A_275 : i32 to index
        %parallel_loop3A_277 = tpu.vector_load %arg11[%parallel_loop3A_276] {strides = array<i32>} : memref<640xf32, #tpu.memory_space<vmem>>, vector<16xf32>,
        %parallel_loop3A_278 = vector.shape_cast %parallel_loop3A_277 : vector<16xf32> to vector<16xf32>
        %parallel_loop3A_279 = arith.constant 8 : i32
        %parallel_loop3A_280 = arith.muli %parallel_loop3A_251, %parallel_loop3A_279 : i32
        %parallel_loop3A_281 = arith.constant 3 : i32
        %parallel_loop3A_282 = arith.addi %parallel_loop3A_280, %parallel_loop3A_281 : i32
        %parallel_loop3A_283 = arith.constant 16 : i32
        %parallel_loop3A_284 = arith.muli %parallel_loop3A_282, %parallel_loop3A_283 : i32
        %parallel_loop3A_285 = arith.index_cast %parallel_loop3A_284 : i32 to index
        %parallel_loop3A_286 = tpu.vector_load %arg11[%parallel_loop3A_285] {strides = array<i32>} : memref<640xf32, #tpu.memory_space<vmem>>, vector<16xf32>,
        %parallel_loop3A_287 = vector.shape_cast %parallel_loop3A_286 : vector<16xf32> to vector<16xf32>
        %parallel_loop3A_288 = arith.constant 8 : i32
        %parallel_loop3A_289 = arith.muli %parallel_loop3A_251, %parallel_loop3A_288 : i32
        %parallel_loop3A_290 = arith.constant 4 : i32
        %parallel_loop3A_291 = arith.addi %parallel_loop3A_289, %parallel_loop3A_290 : i32
        %parallel_loop3A_292 = arith.constant 16 : i32
        %parallel_loop3A_293 = arith.muli %parallel_loop3A_291, %parallel_loop3A_292 : i32
        %parallel_loop3A_294 = arith.index_cast %parallel_loop3A_293 : i32 to index
        %parallel_loop3A_295 = tpu.vector_load %arg11[%parallel_loop3A_294] {strides = array<i32>} : memref<640xf32, #tpu.memory_space<vmem>>, vector<16xf32>,
        %parallel_loop3A_296 = vector.shape_cast %parallel_loop3A_295 : vector<16xf32> to vector<16xf32>
        %parallel_loop3A_297 = arith.constant 8 : i32
        %parallel_loop3A_298 = arith.muli %parallel_loop3A_251, %parallel_loop3A_297 : i32
        %parallel_loop3A_299 = arith.constant 5 : i32
        %parallel_loop3A_300 = arith.addi %parallel_loop3A_298, %parallel_loop3A_299 : i32
        %parallel_loop3A_301 = arith.constant 16 : i32
        %parallel_loop3A_302 = arith.muli %parallel_loop3A_300, %parallel_loop3A_301 : i32
        %parallel_loop3A_303 = arith.index_cast %parallel_loop3A_302 : i32 to index
        %parallel_loop3A_304 = tpu.vector_load %arg11[%parallel_loop3A_303] {strides = array<i32>} : memref<640xf32, #tpu.memory_space<vmem>>, vector<16xf32>,
        %parallel_loop3A_305 = vector.shape_cast %parallel_loop3A_304 : vector<16xf32> to vector<16xf32>
        %parallel_loop3A_306 = arith.constant 8 : i32
        %parallel_loop3A_307 = arith.muli %parallel_loop3A_251, %parallel_loop3A_306 : i32
        %parallel_loop3A_308 = arith.constant 6 : i32
        %parallel_loop3A_309 = arith.addi %parallel_loop3A_307, %parallel_loop3A_308 : i32
        %parallel_loop3A_310 = arith.constant 16 : i32
        %parallel_loop3A_311 = arith.muli %parallel_loop3A_309, %parallel_loop3A_310 : i32
        %parallel_loop3A_312 = arith.index_cast %parallel_loop3A_311 : i32 to index
        %parallel_loop3A_313 = tpu.vector_load %arg11[%parallel_loop3A_312] {strides = array<i32>} : memref<640xf32, #tpu.memory_space<vmem>>, vector<16xf32>,
        %parallel_loop3A_314 = vector.shape_cast %parallel_loop3A_313 : vector<16xf32> to vector<16xf32>
        %parallel_loop3A_315 = arith.constant 8 : i32
        %parallel_loop3A_316 = arith.muli %parallel_loop3A_251, %parallel_loop3A_315 : i32
        %parallel_loop3A_317 = arith.constant 7 : i32
        %parallel_loop3A_318 = arith.addi %parallel_loop3A_316, %parallel_loop3A_317 : i32
        %parallel_loop3A_319 = arith.constant 16 : i32
        %parallel_loop3A_320 = arith.muli %parallel_loop3A_318, %parallel_loop3A_319 : i32
        %parallel_loop3A_321 = arith.index_cast %parallel_loop3A_320 : i32 to index
        %parallel_loop3A_322 = tpu.vector_load %arg11[%parallel_loop3A_321] {strides = array<i32>} : memref<640xf32, #tpu.memory_space<vmem>>, vector<16xf32>,
        %parallel_loop3A_323 = vector.shape_cast %parallel_loop3A_322 : vector<16xf32> to vector<16xf32>
        %parallel_loop3A_324 = arith.constant 4 : i32
        %parallel_loop3A_325 = vector.broadcast %parallel_loop3A_324 : i32 to vector<16xi32>
        %parallel_loop3A_326 = arith.andi %iota3A, %parallel_loop3A_325 : vector<16xi32>
        %parallel_loop3A_327 = arith.constant 0 : i32
        %parallel_loop3A_328 = vector.broadcast %parallel_loop3A_327 : i32 to vector<16xi32>
        %parallel_loop3A_329 = arith.cmpi eq, %parallel_loop3A_326, %parallel_loop3A_328 : vector<16xi32>
        %parallel_loop3A_330 = arith.select %parallel_loop3A_329, %parallel_loop3A_260, %parallel_loop3A_269 : vector<16xi1>, vector<16xf32>
        %parallel_loop3A_331 = arith.select %parallel_loop3A_329, %parallel_loop3A_269, %parallel_loop3A_260 : vector<16xi1>, vector<16xf32>
        %parallel_loop3A_332 = arith.constant 4 : i32
        %parallel_loop3A_333 = vector.broadcast %parallel_loop3A_332 : i32 to vector<16xi32>
        %parallel_loop3A_334 = arith.xori %iota3A, %parallel_loop3A_333 : vector<16xi32>
        %parallel_loop3A_335 = vector.shape_cast %parallel_loop3A_334 : vector<16xi32> to vector<16x1xi32>
        %parallel_loop3A_336 = vector.shape_cast %parallel_loop3A_335 : vector<16x1xi32> to vector<16xi32>
        %parallel_loop3A_337 = tpu.dynamic_gather %parallel_loop3A_331[%parallel_loop3A_336] in [0] : vector<16xf32>, vector<16xi32> -> vector<16xf32>
        %parallel_loop3A_338 = arith.addf %parallel_loop3A_330, %parallel_loop3A_337 : vector<16xf32>
        %parallel_loop3A_339 = arith.constant 4 : i32
        %parallel_loop3A_340 = vector.broadcast %parallel_loop3A_339 : i32 to vector<16xi32>
        %parallel_loop3A_341 = arith.andi %iota3A, %parallel_loop3A_340 : vector<16xi32>
        %parallel_loop3A_342 = arith.constant 0 : i32
        %parallel_loop3A_343 = vector.broadcast %parallel_loop3A_342 : i32 to vector<16xi32>
        %parallel_loop3A_344 = arith.cmpi eq, %parallel_loop3A_341, %parallel_loop3A_343 : vector<16xi32>
        %parallel_loop3A_345 = arith.select %parallel_loop3A_344, %parallel_loop3A_278, %parallel_loop3A_287 : vector<16xi1>, vector<16xf32>
        %parallel_loop3A_346 = arith.select %parallel_loop3A_344, %parallel_loop3A_287, %parallel_loop3A_278 : vector<16xi1>, vector<16xf32>
        %parallel_loop3A_347 = arith.constant 4 : i32
        %parallel_loop3A_348 = vector.broadcast %parallel_loop3A_347 : i32 to vector<16xi32>
        %parallel_loop3A_349 = arith.xori %iota3A, %parallel_loop3A_348 : vector<16xi32>
        %parallel_loop3A_350 = vector.shape_cast %parallel_loop3A_349 : vector<16xi32> to vector<16x1xi32>
        %parallel_loop3A_351 = vector.shape_cast %parallel_loop3A_350 : vector<16x1xi32> to vector<16xi32>
        %parallel_loop3A_352 = tpu.dynamic_gather %parallel_loop3A_346[%parallel_loop3A_351] in [0] : vector<16xf32>, vector<16xi32> -> vector<16xf32>
        %parallel_loop3A_353 = arith.addf %parallel_loop3A_345, %parallel_loop3A_352 : vector<16xf32>
        %parallel_loop3A_354 = arith.constant 4 : i32
        %parallel_loop3A_355 = vector.broadcast %parallel_loop3A_354 : i32 to vector<16xi32>
        %parallel_loop3A_356 = arith.andi %iota3A, %parallel_loop3A_355 : vector<16xi32>
        %parallel_loop3A_357 = arith.constant 0 : i32
        %parallel_loop3A_358 = vector.broadcast %parallel_loop3A_357 : i32 to vector<16xi32>
        %parallel_loop3A_359 = arith.cmpi eq, %parallel_loop3A_356, %parallel_loop3A_358 : vector<16xi32>
        %parallel_loop3A_360 = arith.select %parallel_loop3A_359, %parallel_loop3A_296, %parallel_loop3A_305 : vector<16xi1>, vector<16xf32>
        %parallel_loop3A_361 = arith.select %parallel_loop3A_359, %parallel_loop3A_305, %parallel_loop3A_296 : vector<16xi1>, vector<16xf32>
        %parallel_loop3A_362 = arith.constant 4 : i32
        %parallel_loop3A_363 = vector.broadcast %parallel_loop3A_362 : i32 to vector<16xi32>
        %parallel_loop3A_364 = arith.xori %iota3A, %parallel_loop3A_363 : vector<16xi32>
        %parallel_loop3A_365 = vector.shape_cast %parallel_loop3A_364 : vector<16xi32> to vector<16x1xi32>
        %parallel_loop3A_366 = vector.shape_cast %parallel_loop3A_365 : vector<16x1xi32> to vector<16xi32>
        %parallel_loop3A_367 = tpu.dynamic_gather %parallel_loop3A_361[%parallel_loop3A_366] in [0] : vector<16xf32>, vector<16xi32> -> vector<16xf32>
        %parallel_loop3A_368 = arith.addf %parallel_loop3A_360, %parallel_loop3A_367 : vector<16xf32>
        %parallel_loop3A_369 = arith.constant 4 : i32
        %parallel_loop3A_370 = vector.broadcast %parallel_loop3A_369 : i32 to vector<16xi32>
        %parallel_loop3A_371 = arith.andi %iota3A, %parallel_loop3A_370 : vector<16xi32>
        %parallel_loop3A_372 = arith.constant 0 : i32
        %parallel_loop3A_373 = vector.broadcast %parallel_loop3A_372 : i32 to vector<16xi32>
        %parallel_loop3A_374 = arith.cmpi eq, %parallel_loop3A_371, %parallel_loop3A_373 : vector<16xi32>
        %parallel_loop3A_375 = arith.select %parallel_loop3A_374, %parallel_loop3A_314, %parallel_loop3A_323 : vector<16xi1>, vector<16xf32>
        %parallel_loop3A_376 = arith.select %parallel_loop3A_374, %parallel_loop3A_323, %parallel_loop3A_314 : vector<16xi1>, vector<16xf32>
        %parallel_loop3A_377 = arith.constant 4 : i32
        %parallel_loop3A_378 = vector.broadcast %parallel_loop3A_377 : i32 to vector<16xi32>
        %parallel_loop3A_379 = arith.xori %iota3A, %parallel_loop3A_378 : vector<16xi32>
        %parallel_loop3A_380 = vector.shape_cast %parallel_loop3A_379 : vector<16xi32> to vector<16x1xi32>
        %parallel_loop3A_381 = vector.shape_cast %parallel_loop3A_380 : vector<16x1xi32> to vector<16xi32>
        %parallel_loop3A_382 = tpu.dynamic_gather %parallel_loop3A_376[%parallel_loop3A_381] in [0] : vector<16xf32>, vector<16xi32> -> vector<16xf32>
        %parallel_loop3A_383 = arith.addf %parallel_loop3A_375, %parallel_loop3A_382 : vector<16xf32>
        %parallel_loop3A_384 = arith.constant 2 : i32
        %parallel_loop3A_385 = vector.broadcast %parallel_loop3A_384 : i32 to vector<16xi32>
        %parallel_loop3A_386 = arith.andi %iota3A, %parallel_loop3A_385 : vector<16xi32>
        %parallel_loop3A_387 = arith.constant 0 : i32
        %parallel_loop3A_388 = vector.broadcast %parallel_loop3A_387 : i32 to vector<16xi32>
        %parallel_loop3A_389 = arith.cmpi eq, %parallel_loop3A_386, %parallel_loop3A_388 : vector<16xi32>
        %parallel_loop3A_390 = arith.select %parallel_loop3A_389, %parallel_loop3A_338, %parallel_loop3A_353 : vector<16xi1>, vector<16xf32>
        %parallel_loop3A_391 = arith.select %parallel_loop3A_389, %parallel_loop3A_353, %parallel_loop3A_338 : vector<16xi1>, vector<16xf32>
        %parallel_loop3A_392 = arith.constant 2 : i32
        %parallel_loop3A_393 = vector.broadcast %parallel_loop3A_392 : i32 to vector<16xi32>
        %parallel_loop3A_394 = arith.xori %iota3A, %parallel_loop3A_393 : vector<16xi32>
        %parallel_loop3A_395 = vector.shape_cast %parallel_loop3A_394 : vector<16xi32> to vector<16x1xi32>
        %parallel_loop3A_396 = vector.shape_cast %parallel_loop3A_395 : vector<16x1xi32> to vector<16xi32>
        %parallel_loop3A_397 = tpu.dynamic_gather %parallel_loop3A_391[%parallel_loop3A_396] in [0] : vector<16xf32>, vector<16xi32> -> vector<16xf32>
        %parallel_loop3A_398 = arith.addf %parallel_loop3A_390, %parallel_loop3A_397 : vector<16xf32>
        %parallel_loop3A_399 = arith.constant 2 : i32
        %parallel_loop3A_400 = vector.broadcast %parallel_loop3A_399 : i32 to vector<16xi32>
        %parallel_loop3A_401 = arith.andi %iota3A, %parallel_loop3A_400 : vector<16xi32>
        %parallel_loop3A_402 = arith.constant 0 : i32
        %parallel_loop3A_403 = vector.broadcast %parallel_loop3A_402 : i32 to vector<16xi32>
        %parallel_loop3A_404 = arith.cmpi eq, %parallel_loop3A_401, %parallel_loop3A_403 : vector<16xi32>
        %parallel_loop3A_405 = arith.select %parallel_loop3A_404, %parallel_loop3A_368, %parallel_loop3A_383 : vector<16xi1>, vector<16xf32>
        %parallel_loop3A_406 = arith.select %parallel_loop3A_404, %parallel_loop3A_383, %parallel_loop3A_368 : vector<16xi1>, vector<16xf32>
        %parallel_loop3A_407 = arith.constant 2 : i32
        %parallel_loop3A_408 = vector.broadcast %parallel_loop3A_407 : i32 to vector<16xi32>
        %parallel_loop3A_409 = arith.xori %iota3A, %parallel_loop3A_408 : vector<16xi32>
        %parallel_loop3A_410 = vector.shape_cast %parallel_loop3A_409 : vector<16xi32> to vector<16x1xi32>
        %parallel_loop3A_411 = vector.shape_cast %parallel_loop3A_410 : vector<16x1xi32> to vector<16xi32>
        %parallel_loop3A_412 = tpu.dynamic_gather %parallel_loop3A_406[%parallel_loop3A_411] in [0] : vector<16xf32>, vector<16xi32> -> vector<16xf32>
        %parallel_loop3A_413 = arith.addf %parallel_loop3A_405, %parallel_loop3A_412 : vector<16xf32>
        %parallel_loop3A_414 = arith.constant 1 : i32
        %parallel_loop3A_415 = vector.broadcast %parallel_loop3A_414 : i32 to vector<16xi32>
        %parallel_loop3A_416 = arith.andi %iota3A, %parallel_loop3A_415 : vector<16xi32>
        %parallel_loop3A_417 = arith.constant 0 : i32
        %parallel_loop3A_418 = vector.broadcast %parallel_loop3A_417 : i32 to vector<16xi32>
        %parallel_loop3A_419 = arith.cmpi eq, %parallel_loop3A_416, %parallel_loop3A_418 : vector<16xi32>
        %parallel_loop3A_420 = arith.select %parallel_loop3A_419, %parallel_loop3A_398, %parallel_loop3A_413 : vector<16xi1>, vector<16xf32>
        %parallel_loop3A_421 = arith.select %parallel_loop3A_419, %parallel_loop3A_413, %parallel_loop3A_398 : vector<16xi1>, vector<16xf32>
        %parallel_loop3A_422 = arith.constant 1 : i32
        %parallel_loop3A_423 = vector.broadcast %parallel_loop3A_422 : i32 to vector<16xi32>
        %parallel_loop3A_424 = arith.xori %iota3A, %parallel_loop3A_423 : vector<16xi32>
        %parallel_loop3A_425 = vector.shape_cast %parallel_loop3A_424 : vector<16xi32> to vector<16x1xi32>
        %parallel_loop3A_426 = vector.shape_cast %parallel_loop3A_425 : vector<16x1xi32> to vector<16xi32>
        %parallel_loop3A_427 = tpu.dynamic_gather %parallel_loop3A_421[%parallel_loop3A_426] in [0] : vector<16xf32>, vector<16xi32> -> vector<16xf32>
        %parallel_loop3A_428 = arith.addf %parallel_loop3A_420, %parallel_loop3A_427 : vector<16xf32>
        %parallel_loop3A_429 = arith.constant 0.000000e+00 : f32
        %parallel_loop3A_430 = vector.broadcast %parallel_loop3A_429 : f32 to vector<16xf32>
        %parallel_loop3A_431 = arith.subf %parallel_loop3A_430, %parallel_loop3A_428 : vector<16xf32>
        %parallel_loop3A_432 = math.exp %parallel_loop3A_431 : vector<16xf32>
        %parallel_loop3A_433 = arith.constant 1.000000e+00 : f32
        %parallel_loop3A_434 = vector.broadcast %parallel_loop3A_433 : f32 to vector<16xf32>
        %parallel_loop3A_435 = arith.addf %parallel_loop3A_434, %parallel_loop3A_432 : vector<16xf32>
        %parallel_loop3A_436 = arith.constant 1.000000e+00 : f32
        %parallel_loop3A_437 = vector.broadcast %parallel_loop3A_436 : f32 to vector<16xf32>
        %parallel_loop3A_438 = arith.divf %parallel_loop3A_437, %parallel_loop3A_435 : vector<16xf32>
        %parallel_loop3A_439 = arith.constant 80 : i32
        %parallel_loop3A_440 = arith.muli %add3A_154, %parallel_loop3A_439 : i32
        %parallel_loop3A_441 = arith.constant 16 : i32
        %parallel_loop3A_442 = arith.muli %parallel_loop3A_251, %parallel_loop3A_441 : i32
        %parallel_loop3A_443 = arith.addi %parallel_loop3A_440, %parallel_loop3A_442 : i32
        %parallel_loop3A_444 = arith.index_cast %parallel_loop3A_443 : i32 to index
        %parallel_loop3A_445 = tpu.vector_load %arg10[%parallel_loop3A_444] {strides = array<i32>} : memref<10000xf32, #tpu.memory_space<vmem>>, vector<16xf32>,
        %parallel_loop3A_446 = vector.shape_cast %parallel_loop3A_445 : vector<16xf32> to vector<16xf32>
        %parallel_loop3A_447 = vector.shape_cast %parallel_loop3A_438 : vector<16xf32> to vector<16xf32>
        tpu.vector_store %arg10[%parallel_loop3A_444], %parallel_loop3A_447 {strides = array<i32>} : memref<10000xf32, #tpu.memory_space<vmem>>, vector<16xf32>,
      } {sc.loop_unroll_factor = 1 : i64, sc.parallel_access}
      %add3A_177 = arith.constant 5 : i32
      %add3A_178 = arith.addi %add3A_154, %add3A_177 : i32
      %lt3A_179 = arith.constant 125 : i32
      %lt3A_180 = arith.cmpi slt, %add3A_178, %lt3A_179 : i32
      %convert_element_type3A_181 = arith.extui %lt3A_180 : i1 to i32
      %cond3A_182 = arith.constant 0 : i32
      %cond3A_183 = arith.cmpi ne, %convert_element_type3A_181, %cond3A_182 : i32
      scf.if %cond3A_183 {
        %add3A_251 = arith.constant 5 : i32
        %add3A_252 = arith.addi %add3A_154, %add3A_251 : i32
        %mul3A_253 = arith.constant 80 : i32
        %mul3A_254 = arith.muli %add3A_252, %mul3A_253 : i32
        %dma_start3A_255 = arith.constant 160 : i32
        %dma_start3A_256 = arith.constant 0 : i32
        %dma_start3A_257 = tpu.memref_slice %arg8[%dma_start3A_255, %dma_start3A_256] : memref<400x64xi32, #tpu.memory_space<vmem>> -> memref<80x64xi32, #tpu.memory_space<vmem>>
        %dma_start3A_258 = tpu.memref_slice %arg6[%mul3A_254] : memref<10000xi32, #tpu.memory_space<vmem>> -> memref<80xi32, #tpu.memory_space<vmem>>
        %dma_start3A_259 = arith.constant 0 : i32
        %dma_start3A_260 = arith.constant 0 : i32
        %dma_start3A_261 = tpu.memref_slice %arg2[%dma_start3A_259, %dma_start3A_260] : memref<10000x64xi32, #tpu.memory_space<hbm>> -> memref<10000x64xi32, #tpu.memory_space<hbm>>
        tpu.enqueue_indirect_dma source(%dma_start3A_261 : memref<10000x64xi32, #tpu.memory_space<hbm>>) target(%dma_start3A_257 : memref<80x64xi32, #tpu.memory_space<vmem>>) offsets(%dma_start3A_258 : memref<80xi32, #tpu.memory_space<vmem>>) semaphore(%arg16 : memref<!tpu.dma_semaphore, #tpu.memory_space<semaphore_mem>>)
        %mul3A_262 = arith.constant 80 : i32
        %mul3A_263 = arith.muli %add3A_252, %mul3A_262 : i32
        %dma_start3A_264 = arith.constant 160 : i32
        %dma_start3A_265 = arith.constant 0 : i32
        %dma_start3A_266 = tpu.memref_slice %arg9[%dma_start3A_264, %dma_start3A_265] : memref<400x64xi32, #tpu.memory_space<vmem>> -> memref<80x64xi32, #tpu.memory_space<vmem>>
        %dma_start3A_267 = tpu.memref_slice %arg7[%mul3A_263] : memref<10000xi32, #tpu.memory_space<vmem>> -> memref<80xi32, #tpu.memory_space<vmem>>
        %dma_start3A_268 = arith.constant 0 : i32
        %dma_start3A_269 = arith.constant 0 : i32
        %dma_start3A_270 = tpu.memref_slice %arg2[%dma_start3A_268, %dma_start3A_269] : memref<10000x64xi32, #tpu.memory_space<hbm>> -> memref<10000x64xi32, #tpu.memory_space<hbm>>
        tpu.enqueue_indirect_dma source(%dma_start3A_270 : memref<10000x64xi32, #tpu.memory_space<hbm>>) target(%dma_start3A_266 : memref<80x64xi32, #tpu.memory_space<vmem>>) offsets(%dma_start3A_267 : memref<80xi32, #tpu.memory_space<vmem>>) semaphore(%arg17 : memref<!tpu.dma_semaphore, #tpu.memory_space<semaphore_mem>>)
      } else {
      }
      %mul3A_184 = arith.constant 5 : i32
      %mul3A_185 = arith.muli %scan3A_88, %mul3A_184 : i32
      %add3A_186 = arith.constant 3 : i32
      %add3A_187 = arith.addi %mul3A_185, %add3A_186 : i32
      %dma_wait3A_188 = arith.constant 240 : i32
      %dma_wait3A_189 = arith.constant 0 : i32
      %dma_wait3A_190 = tpu.memref_slice %arg8[%dma_wait3A_188, %dma_wait3A_189] : memref<400x64xi32, #tpu.memory_space<vmem>> -> memref<80x64xi32, #tpu.memory_space<vmem>>
      %dma_wait3A_191 = arith.constant 0 : i32
      %dma_wait3A_192 = tpu.memref_slice %arg6[%dma_wait3A_191] : memref<10000xi32, #tpu.memory_space<vmem>> -> memref<80xi32, #tpu.memory_space<vmem>>
      %dma_wait3A_193 = arith.constant 0 : i32
      %dma_wait3A_194 = arith.constant 0 : i32
      %dma_wait3A_195 = tpu.memref_slice %arg2[%dma_wait3A_193, %dma_wait3A_194] : memref<10000x64xi32, #tpu.memory_space<hbm>> -> memref<10000x64xi32, #tpu.memory_space<hbm>>
      tpu.wait_indirect_dma semaphore(%arg18 : memref<!tpu.dma_semaphore, #tpu.memory_space<semaphore_mem>>) src(%dma_wait3A_195 : memref<10000x64xi32, #tpu.memory_space<hbm>>) dst(%dma_wait3A_190 : memref<80x64xi32, #tpu.memory_space<vmem>>)
      %dma_wait3A_196 = arith.constant 240 : i32
      %dma_wait3A_197 = arith.constant 0 : i32
      %dma_wait3A_198 = tpu.memref_slice %arg9[%dma_wait3A_196, %dma_wait3A_197] : memref<400x64xi32, #tpu.memory_space<vmem>> -> memref<80x64xi32, #tpu.memory_space<vmem>>
      %dma_wait3A_199 = arith.constant 0 : i32
      %dma_wait3A_200 = tpu.memref_slice %arg7[%dma_wait3A_199] : memref<10000xi32, #tpu.memory_space<vmem>> -> memref<80xi32, #tpu.memory_space<vmem>>
      %dma_wait3A_201 = arith.constant 0 : i32
      %dma_wait3A_202 = arith.constant 0 : i32
      %dma_wait3A_203 = tpu.memref_slice %arg2[%dma_wait3A_201, %dma_wait3A_202] : memref<10000x64xi32, #tpu.memory_space<hbm>> -> memref<10000x64xi32, #tpu.memory_space<hbm>>
      tpu.wait_indirect_dma semaphore(%arg19 : memref<!tpu.dma_semaphore, #tpu.memory_space<semaphore_mem>>) src(%dma_wait3A_203 : memref<10000x64xi32, #tpu.memory_space<hbm>>) dst(%dma_wait3A_198 : memref<80x64xi32, #tpu.memory_space<vmem>>)
      %parallel_loop3A_204 = arith.constant 0 : i32
      %parallel_loop3A_205 = arith.constant 40 : i32
      %parallel_loop3A_206 = arith.constant 1 : i32
      scf.for %parallel_loop3A_251 = %parallel_loop3A_204 to %parallel_loop3A_205 step %parallel_loop3A_206  : i32 {
        %parallel_loop3A_252 = arith.constant 8 : i32
        %parallel_loop3A_253 = arith.divsi %parallel_loop3A_251, %parallel_loop3A_252 : i32
        %parallel_loop3A_254 = arith.constant 0 : i32
        %parallel_loop3A_255 = arith.cmpi sgt, %parallel_loop3A_251, %parallel_loop3A_254 : i32
        %parallel_loop3A_256 = arith.extui %parallel_loop3A_255 : i1 to i32
        %parallel_loop3A_257 = arith.constant 0 : i32
        %parallel_loop3A_258 = arith.cmpi slt, %parallel_loop3A_251, %parallel_loop3A_257 : i32
        %parallel_loop3A_259 = arith.extui %parallel_loop3A_258 : i1 to i32
        %parallel_loop3A_260 = arith.subi %parallel_loop3A_256, %parallel_loop3A_259 : i32
        %parallel_loop3A_261 = arith.constant 0 : i32
        %parallel_loop3A_262 = arith.cmpi sgt, %parallel_loop3A_252, %parallel_loop3A_261 : i32
        %parallel_loop3A_263 = arith.extui %parallel_loop3A_262 : i1 to i32
        %parallel_loop3A_264 = arith.constant 0 : i32
        %parallel_loop3A_265 = arith.cmpi slt, %parallel_loop3A_252, %parallel_loop3A_264 : i32
        %parallel_loop3A_266 = arith.extui %parallel_loop3A_265 : i1 to i32
        %parallel_loop3A_267 = arith.subi %parallel_loop3A_263, %parallel_loop3A_266 : i32
        %parallel_loop3A_268 = arith.cmpi ne, %parallel_loop3A_260, %parallel_loop3A_267 : i32
        %parallel_loop3A_269 = arith.remsi %parallel_loop3A_251, %parallel_loop3A_252 : i32
        %parallel_loop3A_270 = arith.constant 0 : i32
        %parallel_loop3A_271 = arith.cmpi ne, %parallel_loop3A_269, %parallel_loop3A_270 : i32
        %parallel_loop3A_272 = arith.andi %parallel_loop3A_268, %parallel_loop3A_271 : i1
        %parallel_loop3A_273 = arith.constant 1 : i32
        %parallel_loop3A_274 = arith.subi %parallel_loop3A_253, %parallel_loop3A_273 : i32
        %parallel_loop3A_275 = arith.select %parallel_loop3A_272, %parallel_loop3A_274, %parallel_loop3A_253 : i32
        %parallel_loop3A_276 = arith.constant 8 : i32
        %parallel_loop3A_277 = arith.constant 0 : i32
        %parallel_loop3A_278 = arith.cmpi eq, %parallel_loop3A_276, %parallel_loop3A_277 : i32
        %parallel_loop3A_279 = arith.constant 1 : i32
        %parallel_loop3A_280 = arith.select %parallel_loop3A_278, %parallel_loop3A_279, %parallel_loop3A_276 : i32
        %parallel_loop3A_281 = arith.remsi %parallel_loop3A_251, %parallel_loop3A_280 : i32
        %parallel_loop3A_282 = arith.constant 0 : i32
        %parallel_loop3A_283 = arith.cmpi ne, %parallel_loop3A_281, %parallel_loop3A_282 : i32
        %parallel_loop3A_284 = arith.constant 0 : i32
        %parallel_loop3A_285 = arith.cmpi slt, %parallel_loop3A_281, %parallel_loop3A_284 : i32
        %parallel_loop3A_286 = arith.constant 0 : i32
        %parallel_loop3A_287 = arith.cmpi slt, %parallel_loop3A_280, %parallel_loop3A_286 : i32
        %parallel_loop3A_288 = arith.xori %parallel_loop3A_285, %parallel_loop3A_287 : i1
        %parallel_loop3A_289 = arith.andi %parallel_loop3A_288, %parallel_loop3A_283 : i1
        %parallel_loop3A_290 = arith.addi %parallel_loop3A_281, %parallel_loop3A_280 : i32
        %parallel_loop3A_291 = arith.select %parallel_loop3A_289, %parallel_loop3A_290, %parallel_loop3A_281 : i32
        %parallel_loop3A_292 = arith.constant 1 : i32
        %parallel_loop3A_293 = arith.andi %parallel_loop3A_291, %parallel_loop3A_292 : i32
        %parallel_loop3A_294 = arith.constant 2 : i32
        %parallel_loop3A_295 = arith.shli %parallel_loop3A_293, %parallel_loop3A_294 : i32
        %parallel_loop3A_296 = arith.constant 2 : i32
        %parallel_loop3A_297 = arith.andi %parallel_loop3A_291, %parallel_loop3A_296 : i32
        %parallel_loop3A_298 = arith.ori %parallel_loop3A_295, %parallel_loop3A_297 : i32
        %parallel_loop3A_299 = arith.constant 4 : i32
        %parallel_loop3A_300 = arith.andi %parallel_loop3A_291, %parallel_loop3A_299 : i32
        %parallel_loop3A_301 = arith.constant 2 : i32
        %parallel_loop3A_302 = arith.shrsi %parallel_loop3A_300, %parallel_loop3A_301 : i32
        %parallel_loop3A_303 = arith.ori %parallel_loop3A_298, %parallel_loop3A_302 : i32
        %parallel_loop3A_304 = arith.constant 16 : i32
        %parallel_loop3A_305 = arith.muli %parallel_loop3A_275, %parallel_loop3A_304 : i32
        %parallel_loop3A_306 = arith.constant 240 : i32
        %parallel_loop3A_307 = arith.addi %parallel_loop3A_306, %parallel_loop3A_305 : i32
        %parallel_loop3A_308 = arith.addi %parallel_loop3A_307, %parallel_loop3A_303 : i32
        %parallel_loop3A_309 = arith.index_cast %parallel_loop3A_308 : i32 to index
        %parallel_loop3A_310 = arith.constant 0 : index
        %parallel_loop3A_311 = tpu.vector_load %arg8[%parallel_loop3A_309, %parallel_loop3A_310] {strides = array<i32>} : memref<400x64xi32, #tpu.memory_space<vmem>>, vector<1x16xi32>,
        %parallel_loop3A_312 = vector.shape_cast %parallel_loop3A_311 : vector<1x16xi32> to vector<16xi32>
        %parallel_loop3A_313 = arith.constant 16 : i32
        %parallel_loop3A_314 = vector.broadcast %parallel_loop3A_313 : i32 to vector<16xi32>
        %parallel_loop3A_315 = arith.shli %parallel_loop3A_312, %parallel_loop3A_314 : vector<16xi32>
        %parallel_loop3A_316 = tpu.bitcast %parallel_loop3A_315 : vector<16xi32> -> vector<16xf32>
        %parallel_loop3A_317 = arith.constant -65536 : i32
        %parallel_loop3A_318 = vector.broadcast %parallel_loop3A_317 : i32 to vector<16xi32>
        %parallel_loop3A_319 = arith.andi %parallel_loop3A_312, %parallel_loop3A_318 : vector<16xi32>
        %parallel_loop3A_320 = tpu.bitcast %parallel_loop3A_319 : vector<16xi32> -> vector<16xf32>
        %parallel_loop3A_321 = arith.index_cast %parallel_loop3A_308 : i32 to index
        %parallel_loop3A_322 = arith.constant 0 : index
        %parallel_loop3A_323 = tpu.vector_load %arg9[%parallel_loop3A_321, %parallel_loop3A_322] {strides = array<i32>} : memref<400x64xi32, #tpu.memory_space<vmem>>, vector<1x16xi32>,
        %parallel_loop3A_324 = vector.shape_cast %parallel_loop3A_323 : vector<1x16xi32> to vector<16xi32>
        %parallel_loop3A_325 = arith.constant 16 : i32
        %parallel_loop3A_326 = vector.broadcast %parallel_loop3A_325 : i32 to vector<16xi32>
        %parallel_loop3A_327 = arith.shli %parallel_loop3A_324, %parallel_loop3A_326 : vector<16xi32>
        %parallel_loop3A_328 = tpu.bitcast %parallel_loop3A_327 : vector<16xi32> -> vector<16xf32>
        %parallel_loop3A_329 = arith.constant -65536 : i32
        %parallel_loop3A_330 = vector.broadcast %parallel_loop3A_329 : i32 to vector<16xi32>
        %parallel_loop3A_331 = arith.andi %parallel_loop3A_324, %parallel_loop3A_330 : vector<16xi32>
        %parallel_loop3A_332 = tpu.bitcast %parallel_loop3A_331 : vector<16xi32> -> vector<16xf32>
        %parallel_loop3A_333 = arith.mulf %parallel_loop3A_316, %parallel_loop3A_328 : vector<16xf32>
        %parallel_loop3A_334 = arith.mulf %parallel_loop3A_320, %parallel_loop3A_332 : vector<16xf32>
        %parallel_loop3A_335 = arith.index_cast %parallel_loop3A_308 : i32 to index
        %parallel_loop3A_336 = arith.constant 16 : index
        %parallel_loop3A_337 = tpu.vector_load %arg8[%parallel_loop3A_335, %parallel_loop3A_336] {strides = array<i32>} : memref<400x64xi32, #tpu.memory_space<vmem>>, vector<1x16xi32>,
        %parallel_loop3A_338 = vector.shape_cast %parallel_loop3A_337 : vector<1x16xi32> to vector<16xi32>
        %parallel_loop3A_339 = arith.constant 16 : i32
        %parallel_loop3A_340 = vector.broadcast %parallel_loop3A_339 : i32 to vector<16xi32>
        %parallel_loop3A_341 = arith.shli %parallel_loop3A_338, %parallel_loop3A_340 : vector<16xi32>
        %parallel_loop3A_342 = tpu.bitcast %parallel_loop3A_341 : vector<16xi32> -> vector<16xf32>
        %parallel_loop3A_343 = arith.constant -65536 : i32
        %parallel_loop3A_344 = vector.broadcast %parallel_loop3A_343 : i32 to vector<16xi32>
        %parallel_loop3A_345 = arith.andi %parallel_loop3A_338, %parallel_loop3A_344 : vector<16xi32>
        %parallel_loop3A_346 = tpu.bitcast %parallel_loop3A_345 : vector<16xi32> -> vector<16xf32>
        %parallel_loop3A_347 = arith.index_cast %parallel_loop3A_308 : i32 to index
        %parallel_loop3A_348 = arith.constant 16 : index
        %parallel_loop3A_349 = tpu.vector_load %arg9[%parallel_loop3A_347, %parallel_loop3A_348] {strides = array<i32>} : memref<400x64xi32, #tpu.memory_space<vmem>>, vector<1x16xi32>,
        %parallel_loop3A_350 = vector.shape_cast %parallel_loop3A_349 : vector<1x16xi32> to vector<16xi32>
        %parallel_loop3A_351 = arith.constant 16 : i32
        %parallel_loop3A_352 = vector.broadcast %parallel_loop3A_351 : i32 to vector<16xi32>
        %parallel_loop3A_353 = arith.shli %parallel_loop3A_350, %parallel_loop3A_352 : vector<16xi32>
        %parallel_loop3A_354 = tpu.bitcast %parallel_loop3A_353 : vector<16xi32> -> vector<16xf32>
        %parallel_loop3A_355 = arith.constant -65536 : i32
        %parallel_loop3A_356 = vector.broadcast %parallel_loop3A_355 : i32 to vector<16xi32>
        %parallel_loop3A_357 = arith.andi %parallel_loop3A_350, %parallel_loop3A_356 : vector<16xi32>
        %parallel_loop3A_358 = tpu.bitcast %parallel_loop3A_357 : vector<16xi32> -> vector<16xf32>
        %parallel_loop3A_359 = arith.mulf %parallel_loop3A_342, %parallel_loop3A_354 : vector<16xf32>
        %parallel_loop3A_360 = arith.mulf %parallel_loop3A_346, %parallel_loop3A_358 : vector<16xf32>
        %parallel_loop3A_361 = arith.index_cast %parallel_loop3A_308 : i32 to index
        %parallel_loop3A_362 = arith.constant 32 : index
        %parallel_loop3A_363 = tpu.vector_load %arg8[%parallel_loop3A_361, %parallel_loop3A_362] {strides = array<i32>} : memref<400x64xi32, #tpu.memory_space<vmem>>, vector<1x16xi32>,
        %parallel_loop3A_364 = vector.shape_cast %parallel_loop3A_363 : vector<1x16xi32> to vector<16xi32>
        %parallel_loop3A_365 = arith.constant 16 : i32
        %parallel_loop3A_366 = vector.broadcast %parallel_loop3A_365 : i32 to vector<16xi32>
        %parallel_loop3A_367 = arith.shli %parallel_loop3A_364, %parallel_loop3A_366 : vector<16xi32>
        %parallel_loop3A_368 = tpu.bitcast %parallel_loop3A_367 : vector<16xi32> -> vector<16xf32>
        %parallel_loop3A_369 = arith.constant -65536 : i32
        %parallel_loop3A_370 = vector.broadcast %parallel_loop3A_369 : i32 to vector<16xi32>
        %parallel_loop3A_371 = arith.andi %parallel_loop3A_364, %parallel_loop3A_370 : vector<16xi32>
        %parallel_loop3A_372 = tpu.bitcast %parallel_loop3A_371 : vector<16xi32> -> vector<16xf32>
        %parallel_loop3A_373 = arith.index_cast %parallel_loop3A_308 : i32 to index
        %parallel_loop3A_374 = arith.constant 32 : index
        %parallel_loop3A_375 = tpu.vector_load %arg9[%parallel_loop3A_373, %parallel_loop3A_374] {strides = array<i32>} : memref<400x64xi32, #tpu.memory_space<vmem>>, vector<1x16xi32>,
        %parallel_loop3A_376 = vector.shape_cast %parallel_loop3A_375 : vector<1x16xi32> to vector<16xi32>
        %parallel_loop3A_377 = arith.constant 16 : i32
        %parallel_loop3A_378 = vector.broadcast %parallel_loop3A_377 : i32 to vector<16xi32>
        %parallel_loop3A_379 = arith.shli %parallel_loop3A_376, %parallel_loop3A_378 : vector<16xi32>
        %parallel_loop3A_380 = tpu.bitcast %parallel_loop3A_379 : vector<16xi32> -> vector<16xf32>
        %parallel_loop3A_381 = arith.constant -65536 : i32
        %parallel_loop3A_382 = vector.broadcast %parallel_loop3A_381 : i32 to vector<16xi32>
        %parallel_loop3A_383 = arith.andi %parallel_loop3A_376, %parallel_loop3A_382 : vector<16xi32>
        %parallel_loop3A_384 = tpu.bitcast %parallel_loop3A_383 : vector<16xi32> -> vector<16xf32>
        %parallel_loop3A_385 = arith.mulf %parallel_loop3A_368, %parallel_loop3A_380 : vector<16xf32>
        %parallel_loop3A_386 = arith.mulf %parallel_loop3A_372, %parallel_loop3A_384 : vector<16xf32>
        %parallel_loop3A_387 = arith.index_cast %parallel_loop3A_308 : i32 to index
        %parallel_loop3A_388 = arith.constant 48 : index
        %parallel_loop3A_389 = tpu.vector_load %arg8[%parallel_loop3A_387, %parallel_loop3A_388] {strides = array<i32>} : memref<400x64xi32, #tpu.memory_space<vmem>>, vector<1x16xi32>,
        %parallel_loop3A_390 = vector.shape_cast %parallel_loop3A_389 : vector<1x16xi32> to vector<16xi32>
        %parallel_loop3A_391 = arith.constant 16 : i32
        %parallel_loop3A_392 = vector.broadcast %parallel_loop3A_391 : i32 to vector<16xi32>
        %parallel_loop3A_393 = arith.shli %parallel_loop3A_390, %parallel_loop3A_392 : vector<16xi32>
        %parallel_loop3A_394 = tpu.bitcast %parallel_loop3A_393 : vector<16xi32> -> vector<16xf32>
        %parallel_loop3A_395 = arith.constant -65536 : i32
        %parallel_loop3A_396 = vector.broadcast %parallel_loop3A_395 : i32 to vector<16xi32>
        %parallel_loop3A_397 = arith.andi %parallel_loop3A_390, %parallel_loop3A_396 : vector<16xi32>
        %parallel_loop3A_398 = tpu.bitcast %parallel_loop3A_397 : vector<16xi32> -> vector<16xf32>
        %parallel_loop3A_399 = arith.index_cast %parallel_loop3A_308 : i32 to index
        %parallel_loop3A_400 = arith.constant 48 : index
        %parallel_loop3A_401 = tpu.vector_load %arg9[%parallel_loop3A_399, %parallel_loop3A_400] {strides = array<i32>} : memref<400x64xi32, #tpu.memory_space<vmem>>, vector<1x16xi32>,
        %parallel_loop3A_402 = vector.shape_cast %parallel_loop3A_401 : vector<1x16xi32> to vector<16xi32>
        %parallel_loop3A_403 = arith.constant 16 : i32
        %parallel_loop3A_404 = vector.broadcast %parallel_loop3A_403 : i32 to vector<16xi32>
        %parallel_loop3A_405 = arith.shli %parallel_loop3A_402, %parallel_loop3A_404 : vector<16xi32>
        %parallel_loop3A_406 = tpu.bitcast %parallel_loop3A_405 : vector<16xi32> -> vector<16xf32>
        %parallel_loop3A_407 = arith.constant -65536 : i32
        %parallel_loop3A_408 = vector.broadcast %parallel_loop3A_407 : i32 to vector<16xi32>
        %parallel_loop3A_409 = arith.andi %parallel_loop3A_402, %parallel_loop3A_408 : vector<16xi32>
        %parallel_loop3A_410 = tpu.bitcast %parallel_loop3A_409 : vector<16xi32> -> vector<16xf32>
        %parallel_loop3A_411 = arith.mulf %parallel_loop3A_394, %parallel_loop3A_406 : vector<16xf32>
        %parallel_loop3A_412 = arith.mulf %parallel_loop3A_398, %parallel_loop3A_410 : vector<16xf32>
        %parallel_loop3A_413 = arith.addf %parallel_loop3A_333, %parallel_loop3A_334 : vector<16xf32>
        %parallel_loop3A_414 = arith.addf %parallel_loop3A_359, %parallel_loop3A_360 : vector<16xf32>
        %parallel_loop3A_415 = arith.addf %parallel_loop3A_385, %parallel_loop3A_386 : vector<16xf32>
        %parallel_loop3A_416 = arith.addf %parallel_loop3A_411, %parallel_loop3A_412 : vector<16xf32>
        %parallel_loop3A_417 = arith.addf %parallel_loop3A_413, %parallel_loop3A_414 : vector<16xf32>
        %parallel_loop3A_418 = arith.addf %parallel_loop3A_415, %parallel_loop3A_416 : vector<16xf32>
        %parallel_loop3A_419 = arith.addf %parallel_loop3A_417, %parallel_loop3A_418 : vector<16xf32>
        %parallel_loop3A_420 = arith.constant 8 : i32
        %parallel_loop3A_421 = arith.addi %parallel_loop3A_308, %parallel_loop3A_420 : i32
        %parallel_loop3A_422 = arith.index_cast %parallel_loop3A_421 : i32 to index
        %parallel_loop3A_423 = arith.constant 0 : index
        %parallel_loop3A_424 = tpu.vector_load %arg8[%parallel_loop3A_422, %parallel_loop3A_423] {strides = array<i32>} : memref<400x64xi32, #tpu.memory_space<vmem>>, vector<1x16xi32>,
        %parallel_loop3A_425 = vector.shape_cast %parallel_loop3A_424 : vector<1x16xi32> to vector<16xi32>
        %parallel_loop3A_426 = arith.constant 16 : i32
        %parallel_loop3A_427 = vector.broadcast %parallel_loop3A_426 : i32 to vector<16xi32>
        %parallel_loop3A_428 = arith.shli %parallel_loop3A_425, %parallel_loop3A_427 : vector<16xi32>
        %parallel_loop3A_429 = tpu.bitcast %parallel_loop3A_428 : vector<16xi32> -> vector<16xf32>
        %parallel_loop3A_430 = arith.constant -65536 : i32
        %parallel_loop3A_431 = vector.broadcast %parallel_loop3A_430 : i32 to vector<16xi32>
        %parallel_loop3A_432 = arith.andi %parallel_loop3A_425, %parallel_loop3A_431 : vector<16xi32>
        %parallel_loop3A_433 = tpu.bitcast %parallel_loop3A_432 : vector<16xi32> -> vector<16xf32>
        %parallel_loop3A_434 = arith.index_cast %parallel_loop3A_421 : i32 to index
        %parallel_loop3A_435 = arith.constant 0 : index
        %parallel_loop3A_436 = tpu.vector_load %arg9[%parallel_loop3A_434, %parallel_loop3A_435] {strides = array<i32>} : memref<400x64xi32, #tpu.memory_space<vmem>>, vector<1x16xi32>,
        %parallel_loop3A_437 = vector.shape_cast %parallel_loop3A_436 : vector<1x16xi32> to vector<16xi32>
        %parallel_loop3A_438 = arith.constant 16 : i32
        %parallel_loop3A_439 = vector.broadcast %parallel_loop3A_438 : i32 to vector<16xi32>
        %parallel_loop3A_440 = arith.shli %parallel_loop3A_437, %parallel_loop3A_439 : vector<16xi32>
        %parallel_loop3A_441 = tpu.bitcast %parallel_loop3A_440 : vector<16xi32> -> vector<16xf32>
        %parallel_loop3A_442 = arith.constant -65536 : i32
        %parallel_loop3A_443 = vector.broadcast %parallel_loop3A_442 : i32 to vector<16xi32>
        %parallel_loop3A_444 = arith.andi %parallel_loop3A_437, %parallel_loop3A_443 : vector<16xi32>
        %parallel_loop3A_445 = tpu.bitcast %parallel_loop3A_444 : vector<16xi32> -> vector<16xf32>
        %parallel_loop3A_446 = arith.mulf %parallel_loop3A_429, %parallel_loop3A_441 : vector<16xf32>
        %parallel_loop3A_447 = arith.mulf %parallel_loop3A_433, %parallel_loop3A_445 : vector<16xf32>
        %parallel_loop3A_448 = arith.index_cast %parallel_loop3A_421 : i32 to index
        %parallel_loop3A_449 = arith.constant 16 : index
        %parallel_loop3A_450 = tpu.vector_load %arg8[%parallel_loop3A_448, %parallel_loop3A_449] {strides = array<i32>} : memref<400x64xi32, #tpu.memory_space<vmem>>, vector<1x16xi32>,
        %parallel_loop3A_451 = vector.shape_cast %parallel_loop3A_450 : vector<1x16xi32> to vector<16xi32>
        %parallel_loop3A_452 = arith.constant 16 : i32
        %parallel_loop3A_453 = vector.broadcast %parallel_loop3A_452 : i32 to vector<16xi32>
        %parallel_loop3A_454 = arith.shli %parallel_loop3A_451, %parallel_loop3A_453 : vector<16xi32>
        %parallel_loop3A_455 = tpu.bitcast %parallel_loop3A_454 : vector<16xi32> -> vector<16xf32>
        %parallel_loop3A_456 = arith.constant -65536 : i32
        %parallel_loop3A_457 = vector.broadcast %parallel_loop3A_456 : i32 to vector<16xi32>
        %parallel_loop3A_458 = arith.andi %parallel_loop3A_451, %parallel_loop3A_457 : vector<16xi32>
        %parallel_loop3A_459 = tpu.bitcast %parallel_loop3A_458 : vector<16xi32> -> vector<16xf32>
        %parallel_loop3A_460 = arith.index_cast %parallel_loop3A_421 : i32 to index
        %parallel_loop3A_461 = arith.constant 16 : index
        %parallel_loop3A_462 = tpu.vector_load %arg9[%parallel_loop3A_460, %parallel_loop3A_461] {strides = array<i32>} : memref<400x64xi32, #tpu.memory_space<vmem>>, vector<1x16xi32>,
        %parallel_loop3A_463 = vector.shape_cast %parallel_loop3A_462 : vector<1x16xi32> to vector<16xi32>
        %parallel_loop3A_464 = arith.constant 16 : i32
        %parallel_loop3A_465 = vector.broadcast %parallel_loop3A_464 : i32 to vector<16xi32>
        %parallel_loop3A_466 = arith.shli %parallel_loop3A_463, %parallel_loop3A_465 : vector<16xi32>
        %parallel_loop3A_467 = tpu.bitcast %parallel_loop3A_466 : vector<16xi32> -> vector<16xf32>
        %parallel_loop3A_468 = arith.constant -65536 : i32
        %parallel_loop3A_469 = vector.broadcast %parallel_loop3A_468 : i32 to vector<16xi32>
        %parallel_loop3A_470 = arith.andi %parallel_loop3A_463, %parallel_loop3A_469 : vector<16xi32>
        %parallel_loop3A_471 = tpu.bitcast %parallel_loop3A_470 : vector<16xi32> -> vector<16xf32>
        %parallel_loop3A_472 = arith.mulf %parallel_loop3A_455, %parallel_loop3A_467 : vector<16xf32>
        %parallel_loop3A_473 = arith.mulf %parallel_loop3A_459, %parallel_loop3A_471 : vector<16xf32>
        %parallel_loop3A_474 = arith.index_cast %parallel_loop3A_421 : i32 to index
        %parallel_loop3A_475 = arith.constant 32 : index
        %parallel_loop3A_476 = tpu.vector_load %arg8[%parallel_loop3A_474, %parallel_loop3A_475] {strides = array<i32>} : memref<400x64xi32, #tpu.memory_space<vmem>>, vector<1x16xi32>,
        %parallel_loop3A_477 = vector.shape_cast %parallel_loop3A_476 : vector<1x16xi32> to vector<16xi32>
        %parallel_loop3A_478 = arith.constant 16 : i32
        %parallel_loop3A_479 = vector.broadcast %parallel_loop3A_478 : i32 to vector<16xi32>
        %parallel_loop3A_480 = arith.shli %parallel_loop3A_477, %parallel_loop3A_479 : vector<16xi32>
        %parallel_loop3A_481 = tpu.bitcast %parallel_loop3A_480 : vector<16xi32> -> vector<16xf32>
        %parallel_loop3A_482 = arith.constant -65536 : i32
        %parallel_loop3A_483 = vector.broadcast %parallel_loop3A_482 : i32 to vector<16xi32>
        %parallel_loop3A_484 = arith.andi %parallel_loop3A_477, %parallel_loop3A_483 : vector<16xi32>
        %parallel_loop3A_485 = tpu.bitcast %parallel_loop3A_484 : vector<16xi32> -> vector<16xf32>
        %parallel_loop3A_486 = arith.index_cast %parallel_loop3A_421 : i32 to index
        %parallel_loop3A_487 = arith.constant 32 : index
        %parallel_loop3A_488 = tpu.vector_load %arg9[%parallel_loop3A_486, %parallel_loop3A_487] {strides = array<i32>} : memref<400x64xi32, #tpu.memory_space<vmem>>, vector<1x16xi32>,
        %parallel_loop3A_489 = vector.shape_cast %parallel_loop3A_488 : vector<1x16xi32> to vector<16xi32>
        %parallel_loop3A_490 = arith.constant 16 : i32
        %parallel_loop3A_491 = vector.broadcast %parallel_loop3A_490 : i32 to vector<16xi32>
        %parallel_loop3A_492 = arith.shli %parallel_loop3A_489, %parallel_loop3A_491 : vector<16xi32>
        %parallel_loop3A_493 = tpu.bitcast %parallel_loop3A_492 : vector<16xi32> -> vector<16xf32>
        %parallel_loop3A_494 = arith.constant -65536 : i32
        %parallel_loop3A_495 = vector.broadcast %parallel_loop3A_494 : i32 to vector<16xi32>
        %parallel_loop3A_496 = arith.andi %parallel_loop3A_489, %parallel_loop3A_495 : vector<16xi32>
        %parallel_loop3A_497 = tpu.bitcast %parallel_loop3A_496 : vector<16xi32> -> vector<16xf32>
        %parallel_loop3A_498 = arith.mulf %parallel_loop3A_481, %parallel_loop3A_493 : vector<16xf32>
        %parallel_loop3A_499 = arith.mulf %parallel_loop3A_485, %parallel_loop3A_497 : vector<16xf32>
        %parallel_loop3A_500 = arith.index_cast %parallel_loop3A_421 : i32 to index
        %parallel_loop3A_501 = arith.constant 48 : index
        %parallel_loop3A_502 = tpu.vector_load %arg8[%parallel_loop3A_500, %parallel_loop3A_501] {strides = array<i32>} : memref<400x64xi32, #tpu.memory_space<vmem>>, vector<1x16xi32>,
        %parallel_loop3A_503 = vector.shape_cast %parallel_loop3A_502 : vector<1x16xi32> to vector<16xi32>
        %parallel_loop3A_504 = arith.constant 16 : i32
        %parallel_loop3A_505 = vector.broadcast %parallel_loop3A_504 : i32 to vector<16xi32>
        %parallel_loop3A_506 = arith.shli %parallel_loop3A_503, %parallel_loop3A_505 : vector<16xi32>
        %parallel_loop3A_507 = tpu.bitcast %parallel_loop3A_506 : vector<16xi32> -> vector<16xf32>
        %parallel_loop3A_508 = arith.constant -65536 : i32
        %parallel_loop3A_509 = vector.broadcast %parallel_loop3A_508 : i32 to vector<16xi32>
        %parallel_loop3A_510 = arith.andi %parallel_loop3A_503, %parallel_loop3A_509 : vector<16xi32>
        %parallel_loop3A_511 = tpu.bitcast %parallel_loop3A_510 : vector<16xi32> -> vector<16xf32>
        %parallel_loop3A_512 = arith.index_cast %parallel_loop3A_421 : i32 to index
        %parallel_loop3A_513 = arith.constant 48 : index
        %parallel_loop3A_514 = tpu.vector_load %arg9[%parallel_loop3A_512, %parallel_loop3A_513] {strides = array<i32>} : memref<400x64xi32, #tpu.memory_space<vmem>>, vector<1x16xi32>,
        %parallel_loop3A_515 = vector.shape_cast %parallel_loop3A_514 : vector<1x16xi32> to vector<16xi32>
        %parallel_loop3A_516 = arith.constant 16 : i32
        %parallel_loop3A_517 = vector.broadcast %parallel_loop3A_516 : i32 to vector<16xi32>
        %parallel_loop3A_518 = arith.shli %parallel_loop3A_515, %parallel_loop3A_517 : vector<16xi32>
        %parallel_loop3A_519 = tpu.bitcast %parallel_loop3A_518 : vector<16xi32> -> vector<16xf32>
        %parallel_loop3A_520 = arith.constant -65536 : i32
        %parallel_loop3A_521 = vector.broadcast %parallel_loop3A_520 : i32 to vector<16xi32>
        %parallel_loop3A_522 = arith.andi %parallel_loop3A_515, %parallel_loop3A_521 : vector<16xi32>
        %parallel_loop3A_523 = tpu.bitcast %parallel_loop3A_522 : vector<16xi32> -> vector<16xf32>
        %parallel_loop3A_524 = arith.mulf %parallel_loop3A_507, %parallel_loop3A_519 : vector<16xf32>
        %parallel_loop3A_525 = arith.mulf %parallel_loop3A_511, %parallel_loop3A_523 : vector<16xf32>
        %parallel_loop3A_526 = arith.addf %parallel_loop3A_446, %parallel_loop3A_447 : vector<16xf32>
        %parallel_loop3A_527 = arith.addf %parallel_loop3A_472, %parallel_loop3A_473 : vector<16xf32>
        %parallel_loop3A_528 = arith.addf %parallel_loop3A_498, %parallel_loop3A_499 : vector<16xf32>
        %parallel_loop3A_529 = arith.addf %parallel_loop3A_524, %parallel_loop3A_525 : vector<16xf32>
        %parallel_loop3A_530 = arith.addf %parallel_loop3A_526, %parallel_loop3A_527 : vector<16xf32>
        %parallel_loop3A_531 = arith.addf %parallel_loop3A_528, %parallel_loop3A_529 : vector<16xf32>
        %parallel_loop3A_532 = arith.addf %parallel_loop3A_530, %parallel_loop3A_531 : vector<16xf32>
        %parallel_loop3A_533 = arith.constant 8 : i32
        %parallel_loop3A_534 = vector.broadcast %parallel_loop3A_533 : i32 to vector<16xi32>
        %parallel_loop3A_535 = arith.andi %iota3A, %parallel_loop3A_534 : vector<16xi32>
        %parallel_loop3A_536 = arith.constant 0 : i32
        %parallel_loop3A_537 = vector.broadcast %parallel_loop3A_536 : i32 to vector<16xi32>
        %parallel_loop3A_538 = arith.cmpi eq, %parallel_loop3A_535, %parallel_loop3A_537 : vector<16xi32>
        %parallel_loop3A_539 = arith.select %parallel_loop3A_538, %parallel_loop3A_419, %parallel_loop3A_532 : vector<16xi1>, vector<16xf32>
        %parallel_loop3A_540 = arith.select %parallel_loop3A_538, %parallel_loop3A_532, %parallel_loop3A_419 : vector<16xi1>, vector<16xf32>
        %parallel_loop3A_541 = arith.constant 8 : i32
        %parallel_loop3A_542 = vector.broadcast %parallel_loop3A_541 : i32 to vector<16xi32>
        %parallel_loop3A_543 = arith.xori %iota3A, %parallel_loop3A_542 : vector<16xi32>
        %parallel_loop3A_544 = vector.shape_cast %parallel_loop3A_543 : vector<16xi32> to vector<16x1xi32>
        %parallel_loop3A_545 = vector.shape_cast %parallel_loop3A_544 : vector<16x1xi32> to vector<16xi32>
        %parallel_loop3A_546 = tpu.dynamic_gather %parallel_loop3A_540[%parallel_loop3A_545] in [0] : vector<16xf32>, vector<16xi32> -> vector<16xf32>
        %parallel_loop3A_547 = arith.addf %parallel_loop3A_539, %parallel_loop3A_546 : vector<16xf32>
        %parallel_loop3A_548 = arith.constant 16 : i32
        %parallel_loop3A_549 = arith.muli %parallel_loop3A_251, %parallel_loop3A_548 : i32
        %parallel_loop3A_550 = arith.index_cast %parallel_loop3A_549 : i32 to index
        %parallel_loop3A_551 = tpu.vector_load %arg11[%parallel_loop3A_550] {strides = array<i32>} : memref<640xf32, #tpu.memory_space<vmem>>, vector<16xf32>,
        %parallel_loop3A_552 = vector.shape_cast %parallel_loop3A_551 : vector<16xf32> to vector<16xf32>
        %parallel_loop3A_553 = vector.shape_cast %parallel_loop3A_547 : vector<16xf32> to vector<16xf32>
        tpu.vector_store %arg11[%parallel_loop3A_550], %parallel_loop3A_553 {strides = array<i32>} : memref<640xf32, #tpu.memory_space<vmem>>, vector<16xf32>,
      } {sc.loop_unroll_factor = 2 : i64, sc.parallel_access}
      %parallel_loop3A_207 = arith.constant 0 : i32
      %parallel_loop3A_208 = arith.constant 5 : i32
      %parallel_loop3A_209 = arith.constant 1 : i32
      scf.for %parallel_loop3A_251 = %parallel_loop3A_207 to %parallel_loop3A_208 step %parallel_loop3A_209  : i32 {
        %parallel_loop3A_252 = arith.constant 8 : i32
        %parallel_loop3A_253 = arith.muli %parallel_loop3A_251, %parallel_loop3A_252 : i32
        %parallel_loop3A_254 = arith.constant 0 : i32
        %parallel_loop3A_255 = arith.addi %parallel_loop3A_253, %parallel_loop3A_254 : i32
        %parallel_loop3A_256 = arith.constant 16 : i32
        %parallel_loop3A_257 = arith.muli %parallel_loop3A_255, %parallel_loop3A_256 : i32
        %parallel_loop3A_258 = arith.index_cast %parallel_loop3A_257 : i32 to index
        %parallel_loop3A_259 = tpu.vector_load %arg11[%parallel_loop3A_258] {strides = array<i32>} : memref<640xf32, #tpu.memory_space<vmem>>, vector<16xf32>,
        %parallel_loop3A_260 = vector.shape_cast %parallel_loop3A_259 : vector<16xf32> to vector<16xf32>
        %parallel_loop3A_261 = arith.constant 8 : i32
        %parallel_loop3A_262 = arith.muli %parallel_loop3A_251, %parallel_loop3A_261 : i32
        %parallel_loop3A_263 = arith.constant 1 : i32
        %parallel_loop3A_264 = arith.addi %parallel_loop3A_262, %parallel_loop3A_263 : i32
        %parallel_loop3A_265 = arith.constant 16 : i32
        %parallel_loop3A_266 = arith.muli %parallel_loop3A_264, %parallel_loop3A_265 : i32
        %parallel_loop3A_267 = arith.index_cast %parallel_loop3A_266 : i32 to index
        %parallel_loop3A_268 = tpu.vector_load %arg11[%parallel_loop3A_267] {strides = array<i32>} : memref<640xf32, #tpu.memory_space<vmem>>, vector<16xf32>,
        %parallel_loop3A_269 = vector.shape_cast %parallel_loop3A_268 : vector<16xf32> to vector<16xf32>
        %parallel_loop3A_270 = arith.constant 8 : i32
        %parallel_loop3A_271 = arith.muli %parallel_loop3A_251, %parallel_loop3A_270 : i32
        %parallel_loop3A_272 = arith.constant 2 : i32
        %parallel_loop3A_273 = arith.addi %parallel_loop3A_271, %parallel_loop3A_272 : i32
        %parallel_loop3A_274 = arith.constant 16 : i32
        %parallel_loop3A_275 = arith.muli %parallel_loop3A_273, %parallel_loop3A_274 : i32
        %parallel_loop3A_276 = arith.index_cast %parallel_loop3A_275 : i32 to index
        %parallel_loop3A_277 = tpu.vector_load %arg11[%parallel_loop3A_276] {strides = array<i32>} : memref<640xf32, #tpu.memory_space<vmem>>, vector<16xf32>,
        %parallel_loop3A_278 = vector.shape_cast %parallel_loop3A_277 : vector<16xf32> to vector<16xf32>
        %parallel_loop3A_279 = arith.constant 8 : i32
        %parallel_loop3A_280 = arith.muli %parallel_loop3A_251, %parallel_loop3A_279 : i32
        %parallel_loop3A_281 = arith.constant 3 : i32
        %parallel_loop3A_282 = arith.addi %parallel_loop3A_280, %parallel_loop3A_281 : i32
        %parallel_loop3A_283 = arith.constant 16 : i32
        %parallel_loop3A_284 = arith.muli %parallel_loop3A_282, %parallel_loop3A_283 : i32
        %parallel_loop3A_285 = arith.index_cast %parallel_loop3A_284 : i32 to index
        %parallel_loop3A_286 = tpu.vector_load %arg11[%parallel_loop3A_285] {strides = array<i32>} : memref<640xf32, #tpu.memory_space<vmem>>, vector<16xf32>,
        %parallel_loop3A_287 = vector.shape_cast %parallel_loop3A_286 : vector<16xf32> to vector<16xf32>
        %parallel_loop3A_288 = arith.constant 8 : i32
        %parallel_loop3A_289 = arith.muli %parallel_loop3A_251, %parallel_loop3A_288 : i32
        %parallel_loop3A_290 = arith.constant 4 : i32
        %parallel_loop3A_291 = arith.addi %parallel_loop3A_289, %parallel_loop3A_290 : i32
        %parallel_loop3A_292 = arith.constant 16 : i32
        %parallel_loop3A_293 = arith.muli %parallel_loop3A_291, %parallel_loop3A_292 : i32
        %parallel_loop3A_294 = arith.index_cast %parallel_loop3A_293 : i32 to index
        %parallel_loop3A_295 = tpu.vector_load %arg11[%parallel_loop3A_294] {strides = array<i32>} : memref<640xf32, #tpu.memory_space<vmem>>, vector<16xf32>,
        %parallel_loop3A_296 = vector.shape_cast %parallel_loop3A_295 : vector<16xf32> to vector<16xf32>
        %parallel_loop3A_297 = arith.constant 8 : i32
        %parallel_loop3A_298 = arith.muli %parallel_loop3A_251, %parallel_loop3A_297 : i32
        %parallel_loop3A_299 = arith.constant 5 : i32
        %parallel_loop3A_300 = arith.addi %parallel_loop3A_298, %parallel_loop3A_299 : i32
        %parallel_loop3A_301 = arith.constant 16 : i32
        %parallel_loop3A_302 = arith.muli %parallel_loop3A_300, %parallel_loop3A_301 : i32
        %parallel_loop3A_303 = arith.index_cast %parallel_loop3A_302 : i32 to index
        %parallel_loop3A_304 = tpu.vector_load %arg11[%parallel_loop3A_303] {strides = array<i32>} : memref<640xf32, #tpu.memory_space<vmem>>, vector<16xf32>,
        %parallel_loop3A_305 = vector.shape_cast %parallel_loop3A_304 : vector<16xf32> to vector<16xf32>
        %parallel_loop3A_306 = arith.constant 8 : i32
        %parallel_loop3A_307 = arith.muli %parallel_loop3A_251, %parallel_loop3A_306 : i32
        %parallel_loop3A_308 = arith.constant 6 : i32
        %parallel_loop3A_309 = arith.addi %parallel_loop3A_307, %parallel_loop3A_308 : i32
        %parallel_loop3A_310 = arith.constant 16 : i32
        %parallel_loop3A_311 = arith.muli %parallel_loop3A_309, %parallel_loop3A_310 : i32
        %parallel_loop3A_312 = arith.index_cast %parallel_loop3A_311 : i32 to index
        %parallel_loop3A_313 = tpu.vector_load %arg11[%parallel_loop3A_312] {strides = array<i32>} : memref<640xf32, #tpu.memory_space<vmem>>, vector<16xf32>,
        %parallel_loop3A_314 = vector.shape_cast %parallel_loop3A_313 : vector<16xf32> to vector<16xf32>
        %parallel_loop3A_315 = arith.constant 8 : i32
        %parallel_loop3A_316 = arith.muli %parallel_loop3A_251, %parallel_loop3A_315 : i32
        %parallel_loop3A_317 = arith.constant 7 : i32
        %parallel_loop3A_318 = arith.addi %parallel_loop3A_316, %parallel_loop3A_317 : i32
        %parallel_loop3A_319 = arith.constant 16 : i32
        %parallel_loop3A_320 = arith.muli %parallel_loop3A_318, %parallel_loop3A_319 : i32
        %parallel_loop3A_321 = arith.index_cast %parallel_loop3A_320 : i32 to index
        %parallel_loop3A_322 = tpu.vector_load %arg11[%parallel_loop3A_321] {strides = array<i32>} : memref<640xf32, #tpu.memory_space<vmem>>, vector<16xf32>,
        %parallel_loop3A_323 = vector.shape_cast %parallel_loop3A_322 : vector<16xf32> to vector<16xf32>
        %parallel_loop3A_324 = arith.constant 4 : i32
        %parallel_loop3A_325 = vector.broadcast %parallel_loop3A_324 : i32 to vector<16xi32>
        %parallel_loop3A_326 = arith.andi %iota3A, %parallel_loop3A_325 : vector<16xi32>
        %parallel_loop3A_327 = arith.constant 0 : i32
        %parallel_loop3A_328 = vector.broadcast %parallel_loop3A_327 : i32 to vector<16xi32>
        %parallel_loop3A_329 = arith.cmpi eq, %parallel_loop3A_326, %parallel_loop3A_328 : vector<16xi32>
        %parallel_loop3A_330 = arith.select %parallel_loop3A_329, %parallel_loop3A_260, %parallel_loop3A_269 : vector<16xi1>, vector<16xf32>
        %parallel_loop3A_331 = arith.select %parallel_loop3A_329, %parallel_loop3A_269, %parallel_loop3A_260 : vector<16xi1>, vector<16xf32>
        %parallel_loop3A_332 = arith.constant 4 : i32
        %parallel_loop3A_333 = vector.broadcast %parallel_loop3A_332 : i32 to vector<16xi32>
        %parallel_loop3A_334 = arith.xori %iota3A, %parallel_loop3A_333 : vector<16xi32>
        %parallel_loop3A_335 = vector.shape_cast %parallel_loop3A_334 : vector<16xi32> to vector<16x1xi32>
        %parallel_loop3A_336 = vector.shape_cast %parallel_loop3A_335 : vector<16x1xi32> to vector<16xi32>
        %parallel_loop3A_337 = tpu.dynamic_gather %parallel_loop3A_331[%parallel_loop3A_336] in [0] : vector<16xf32>, vector<16xi32> -> vector<16xf32>
        %parallel_loop3A_338 = arith.addf %parallel_loop3A_330, %parallel_loop3A_337 : vector<16xf32>
        %parallel_loop3A_339 = arith.constant 4 : i32
        %parallel_loop3A_340 = vector.broadcast %parallel_loop3A_339 : i32 to vector<16xi32>
        %parallel_loop3A_341 = arith.andi %iota3A, %parallel_loop3A_340 : vector<16xi32>
        %parallel_loop3A_342 = arith.constant 0 : i32
        %parallel_loop3A_343 = vector.broadcast %parallel_loop3A_342 : i32 to vector<16xi32>
        %parallel_loop3A_344 = arith.cmpi eq, %parallel_loop3A_341, %parallel_loop3A_343 : vector<16xi32>
        %parallel_loop3A_345 = arith.select %parallel_loop3A_344, %parallel_loop3A_278, %parallel_loop3A_287 : vector<16xi1>, vector<16xf32>
        %parallel_loop3A_346 = arith.select %parallel_loop3A_344, %parallel_loop3A_287, %parallel_loop3A_278 : vector<16xi1>, vector<16xf32>
        %parallel_loop3A_347 = arith.constant 4 : i32
        %parallel_loop3A_348 = vector.broadcast %parallel_loop3A_347 : i32 to vector<16xi32>
        %parallel_loop3A_349 = arith.xori %iota3A, %parallel_loop3A_348 : vector<16xi32>
        %parallel_loop3A_350 = vector.shape_cast %parallel_loop3A_349 : vector<16xi32> to vector<16x1xi32>
        %parallel_loop3A_351 = vector.shape_cast %parallel_loop3A_350 : vector<16x1xi32> to vector<16xi32>
        %parallel_loop3A_352 = tpu.dynamic_gather %parallel_loop3A_346[%parallel_loop3A_351] in [0] : vector<16xf32>, vector<16xi32> -> vector<16xf32>
        %parallel_loop3A_353 = arith.addf %parallel_loop3A_345, %parallel_loop3A_352 : vector<16xf32>
        %parallel_loop3A_354 = arith.constant 4 : i32
        %parallel_loop3A_355 = vector.broadcast %parallel_loop3A_354 : i32 to vector<16xi32>
        %parallel_loop3A_356 = arith.andi %iota3A, %parallel_loop3A_355 : vector<16xi32>
        %parallel_loop3A_357 = arith.constant 0 : i32
        %parallel_loop3A_358 = vector.broadcast %parallel_loop3A_357 : i32 to vector<16xi32>
        %parallel_loop3A_359 = arith.cmpi eq, %parallel_loop3A_356, %parallel_loop3A_358 : vector<16xi32>
        %parallel_loop3A_360 = arith.select %parallel_loop3A_359, %parallel_loop3A_296, %parallel_loop3A_305 : vector<16xi1>, vector<16xf32>
        %parallel_loop3A_361 = arith.select %parallel_loop3A_359, %parallel_loop3A_305, %parallel_loop3A_296 : vector<16xi1>, vector<16xf32>
        %parallel_loop3A_362 = arith.constant 4 : i32
        %parallel_loop3A_363 = vector.broadcast %parallel_loop3A_362 : i32 to vector<16xi32>
        %parallel_loop3A_364 = arith.xori %iota3A, %parallel_loop3A_363 : vector<16xi32>
        %parallel_loop3A_365 = vector.shape_cast %parallel_loop3A_364 : vector<16xi32> to vector<16x1xi32>
        %parallel_loop3A_366 = vector.shape_cast %parallel_loop3A_365 : vector<16x1xi32> to vector<16xi32>
        %parallel_loop3A_367 = tpu.dynamic_gather %parallel_loop3A_361[%parallel_loop3A_366] in [0] : vector<16xf32>, vector<16xi32> -> vector<16xf32>
        %parallel_loop3A_368 = arith.addf %parallel_loop3A_360, %parallel_loop3A_367 : vector<16xf32>
        %parallel_loop3A_369 = arith.constant 4 : i32
        %parallel_loop3A_370 = vector.broadcast %parallel_loop3A_369 : i32 to vector<16xi32>
        %parallel_loop3A_371 = arith.andi %iota3A, %parallel_loop3A_370 : vector<16xi32>
        %parallel_loop3A_372 = arith.constant 0 : i32
        %parallel_loop3A_373 = vector.broadcast %parallel_loop3A_372 : i32 to vector<16xi32>
        %parallel_loop3A_374 = arith.cmpi eq, %parallel_loop3A_371, %parallel_loop3A_373 : vector<16xi32>
        %parallel_loop3A_375 = arith.select %parallel_loop3A_374, %parallel_loop3A_314, %parallel_loop3A_323 : vector<16xi1>, vector<16xf32>
        %parallel_loop3A_376 = arith.select %parallel_loop3A_374, %parallel_loop3A_323, %parallel_loop3A_314 : vector<16xi1>, vector<16xf32>
        %parallel_loop3A_377 = arith.constant 4 : i32
        %parallel_loop3A_378 = vector.broadcast %parallel_loop3A_377 : i32 to vector<16xi32>
        %parallel_loop3A_379 = arith.xori %iota3A, %parallel_loop3A_378 : vector<16xi32>
        %parallel_loop3A_380 = vector.shape_cast %parallel_loop3A_379 : vector<16xi32> to vector<16x1xi32>
        %parallel_loop3A_381 = vector.shape_cast %parallel_loop3A_380 : vector<16x1xi32> to vector<16xi32>
        %parallel_loop3A_382 = tpu.dynamic_gather %parallel_loop3A_376[%parallel_loop3A_381] in [0] : vector<16xf32>, vector<16xi32> -> vector<16xf32>
        %parallel_loop3A_383 = arith.addf %parallel_loop3A_375, %parallel_loop3A_382 : vector<16xf32>
        %parallel_loop3A_384 = arith.constant 2 : i32
        %parallel_loop3A_385 = vector.broadcast %parallel_loop3A_384 : i32 to vector<16xi32>
        %parallel_loop3A_386 = arith.andi %iota3A, %parallel_loop3A_385 : vector<16xi32>
        %parallel_loop3A_387 = arith.constant 0 : i32
        %parallel_loop3A_388 = vector.broadcast %parallel_loop3A_387 : i32 to vector<16xi32>
        %parallel_loop3A_389 = arith.cmpi eq, %parallel_loop3A_386, %parallel_loop3A_388 : vector<16xi32>
        %parallel_loop3A_390 = arith.select %parallel_loop3A_389, %parallel_loop3A_338, %parallel_loop3A_353 : vector<16xi1>, vector<16xf32>
        %parallel_loop3A_391 = arith.select %parallel_loop3A_389, %parallel_loop3A_353, %parallel_loop3A_338 : vector<16xi1>, vector<16xf32>
        %parallel_loop3A_392 = arith.constant 2 : i32
        %parallel_loop3A_393 = vector.broadcast %parallel_loop3A_392 : i32 to vector<16xi32>
        %parallel_loop3A_394 = arith.xori %iota3A, %parallel_loop3A_393 : vector<16xi32>
        %parallel_loop3A_395 = vector.shape_cast %parallel_loop3A_394 : vector<16xi32> to vector<16x1xi32>
        %parallel_loop3A_396 = vector.shape_cast %parallel_loop3A_395 : vector<16x1xi32> to vector<16xi32>
        %parallel_loop3A_397 = tpu.dynamic_gather %parallel_loop3A_391[%parallel_loop3A_396] in [0] : vector<16xf32>, vector<16xi32> -> vector<16xf32>
        %parallel_loop3A_398 = arith.addf %parallel_loop3A_390, %parallel_loop3A_397 : vector<16xf32>
        %parallel_loop3A_399 = arith.constant 2 : i32
        %parallel_loop3A_400 = vector.broadcast %parallel_loop3A_399 : i32 to vector<16xi32>
        %parallel_loop3A_401 = arith.andi %iota3A, %parallel_loop3A_400 : vector<16xi32>
        %parallel_loop3A_402 = arith.constant 0 : i32
        %parallel_loop3A_403 = vector.broadcast %parallel_loop3A_402 : i32 to vector<16xi32>
        %parallel_loop3A_404 = arith.cmpi eq, %parallel_loop3A_401, %parallel_loop3A_403 : vector<16xi32>
        %parallel_loop3A_405 = arith.select %parallel_loop3A_404, %parallel_loop3A_368, %parallel_loop3A_383 : vector<16xi1>, vector<16xf32>
        %parallel_loop3A_406 = arith.select %parallel_loop3A_404, %parallel_loop3A_383, %parallel_loop3A_368 : vector<16xi1>, vector<16xf32>
        %parallel_loop3A_407 = arith.constant 2 : i32
        %parallel_loop3A_408 = vector.broadcast %parallel_loop3A_407 : i32 to vector<16xi32>
        %parallel_loop3A_409 = arith.xori %iota3A, %parallel_loop3A_408 : vector<16xi32>
        %parallel_loop3A_410 = vector.shape_cast %parallel_loop3A_409 : vector<16xi32> to vector<16x1xi32>
        %parallel_loop3A_411 = vector.shape_cast %parallel_loop3A_410 : vector<16x1xi32> to vector<16xi32>
        %parallel_loop3A_412 = tpu.dynamic_gather %parallel_loop3A_406[%parallel_loop3A_411] in [0] : vector<16xf32>, vector<16xi32> -> vector<16xf32>
        %parallel_loop3A_413 = arith.addf %parallel_loop3A_405, %parallel_loop3A_412 : vector<16xf32>
        %parallel_loop3A_414 = arith.constant 1 : i32
        %parallel_loop3A_415 = vector.broadcast %parallel_loop3A_414 : i32 to vector<16xi32>
        %parallel_loop3A_416 = arith.andi %iota3A, %parallel_loop3A_415 : vector<16xi32>
        %parallel_loop3A_417 = arith.constant 0 : i32
        %parallel_loop3A_418 = vector.broadcast %parallel_loop3A_417 : i32 to vector<16xi32>
        %parallel_loop3A_419 = arith.cmpi eq, %parallel_loop3A_416, %parallel_loop3A_418 : vector<16xi32>
        %parallel_loop3A_420 = arith.select %parallel_loop3A_419, %parallel_loop3A_398, %parallel_loop3A_413 : vector<16xi1>, vector<16xf32>
        %parallel_loop3A_421 = arith.select %parallel_loop3A_419, %parallel_loop3A_413, %parallel_loop3A_398 : vector<16xi1>, vector<16xf32>
        %parallel_loop3A_422 = arith.constant 1 : i32
        %parallel_loop3A_423 = vector.broadcast %parallel_loop3A_422 : i32 to vector<16xi32>
        %parallel_loop3A_424 = arith.xori %iota3A, %parallel_loop3A_423 : vector<16xi32>
        %parallel_loop3A_425 = vector.shape_cast %parallel_loop3A_424 : vector<16xi32> to vector<16x1xi32>
        %parallel_loop3A_426 = vector.shape_cast %parallel_loop3A_425 : vector<16x1xi32> to vector<16xi32>
        %parallel_loop3A_427 = tpu.dynamic_gather %parallel_loop3A_421[%parallel_loop3A_426] in [0] : vector<16xf32>, vector<16xi32> -> vector<16xf32>
        %parallel_loop3A_428 = arith.addf %parallel_loop3A_420, %parallel_loop3A_427 : vector<16xf32>
        %parallel_loop3A_429 = arith.constant 0.000000e+00 : f32
        %parallel_loop3A_430 = vector.broadcast %parallel_loop3A_429 : f32 to vector<16xf32>
        %parallel_loop3A_431 = arith.subf %parallel_loop3A_430, %parallel_loop3A_428 : vector<16xf32>
        %parallel_loop3A_432 = math.exp %parallel_loop3A_431 : vector<16xf32>
        %parallel_loop3A_433 = arith.constant 1.000000e+00 : f32
        %parallel_loop3A_434 = vector.broadcast %parallel_loop3A_433 : f32 to vector<16xf32>
        %parallel_loop3A_435 = arith.addf %parallel_loop3A_434, %parallel_loop3A_432 : vector<16xf32>
        %parallel_loop3A_436 = arith.constant 1.000000e+00 : f32
        %parallel_loop3A_437 = vector.broadcast %parallel_loop3A_436 : f32 to vector<16xf32>
        %parallel_loop3A_438 = arith.divf %parallel_loop3A_437, %parallel_loop3A_435 : vector<16xf32>
        %parallel_loop3A_439 = arith.constant 80 : i32
        %parallel_loop3A_440 = arith.muli %add3A_187, %parallel_loop3A_439 : i32
        %parallel_loop3A_441 = arith.constant 16 : i32
        %parallel_loop3A_442 = arith.muli %parallel_loop3A_251, %parallel_loop3A_441 : i32
        %parallel_loop3A_443 = arith.addi %parallel_loop3A_440, %parallel_loop3A_442 : i32
        %parallel_loop3A_444 = arith.index_cast %parallel_loop3A_443 : i32 to index
        %parallel_loop3A_445 = tpu.vector_load %arg10[%parallel_loop3A_444] {strides = array<i32>} : memref<10000xf32, #tpu.memory_space<vmem>>, vector<16xf32>,
        %parallel_loop3A_446 = vector.shape_cast %parallel_loop3A_445 : vector<16xf32> to vector<16xf32>
        %parallel_loop3A_447 = vector.shape_cast %parallel_loop3A_438 : vector<16xf32> to vector<16xf32>
        tpu.vector_store %arg10[%parallel_loop3A_444], %parallel_loop3A_447 {strides = array<i32>} : memref<10000xf32, #tpu.memory_space<vmem>>, vector<16xf32>,
      } {sc.loop_unroll_factor = 1 : i64, sc.parallel_access}
      %add3A_210 = arith.constant 5 : i32
      %add3A_211 = arith.addi %add3A_187, %add3A_210 : i32
      %lt3A_212 = arith.constant 125 : i32
      %lt3A_213 = arith.cmpi slt, %add3A_211, %lt3A_212 : i32
      %convert_element_type3A_214 = arith.extui %lt3A_213 : i1 to i32
      %cond3A_215 = arith.constant 0 : i32
      %cond3A_216 = arith.cmpi ne, %convert_element_type3A_214, %cond3A_215 : i32
      scf.if %cond3A_216 {
        %add3A_251 = arith.constant 5 : i32
        %add3A_252 = arith.addi %add3A_187, %add3A_251 : i32
        %mul3A_253 = arith.constant 80 : i32
        %mul3A_254 = arith.muli %add3A_252, %mul3A_253 : i32
        %dma_start3A_255 = arith.constant 240 : i32
        %dma_start3A_256 = arith.constant 0 : i32
        %dma_start3A_257 = tpu.memref_slice %arg8[%dma_start3A_255, %dma_start3A_256] : memref<400x64xi32, #tpu.memory_space<vmem>> -> memref<80x64xi32, #tpu.memory_space<vmem>>
        %dma_start3A_258 = tpu.memref_slice %arg6[%mul3A_254] : memref<10000xi32, #tpu.memory_space<vmem>> -> memref<80xi32, #tpu.memory_space<vmem>>
        %dma_start3A_259 = arith.constant 0 : i32
        %dma_start3A_260 = arith.constant 0 : i32
        %dma_start3A_261 = tpu.memref_slice %arg2[%dma_start3A_259, %dma_start3A_260] : memref<10000x64xi32, #tpu.memory_space<hbm>> -> memref<10000x64xi32, #tpu.memory_space<hbm>>
        tpu.enqueue_indirect_dma source(%dma_start3A_261 : memref<10000x64xi32, #tpu.memory_space<hbm>>) target(%dma_start3A_257 : memref<80x64xi32, #tpu.memory_space<vmem>>) offsets(%dma_start3A_258 : memref<80xi32, #tpu.memory_space<vmem>>) semaphore(%arg18 : memref<!tpu.dma_semaphore, #tpu.memory_space<semaphore_mem>>)
        %mul3A_262 = arith.constant 80 : i32
        %mul3A_263 = arith.muli %add3A_252, %mul3A_262 : i32
        %dma_start3A_264 = arith.constant 240 : i32
        %dma_start3A_265 = arith.constant 0 : i32
        %dma_start3A_266 = tpu.memref_slice %arg9[%dma_start3A_264, %dma_start3A_265] : memref<400x64xi32, #tpu.memory_space<vmem>> -> memref<80x64xi32, #tpu.memory_space<vmem>>
        %dma_start3A_267 = tpu.memref_slice %arg7[%mul3A_263] : memref<10000xi32, #tpu.memory_space<vmem>> -> memref<80xi32, #tpu.memory_space<vmem>>
        %dma_start3A_268 = arith.constant 0 : i32
        %dma_start3A_269 = arith.constant 0 : i32
        %dma_start3A_270 = tpu.memref_slice %arg2[%dma_start3A_268, %dma_start3A_269] : memref<10000x64xi32, #tpu.memory_space<hbm>> -> memref<10000x64xi32, #tpu.memory_space<hbm>>
        tpu.enqueue_indirect_dma source(%dma_start3A_270 : memref<10000x64xi32, #tpu.memory_space<hbm>>) target(%dma_start3A_266 : memref<80x64xi32, #tpu.memory_space<vmem>>) offsets(%dma_start3A_267 : memref<80xi32, #tpu.memory_space<vmem>>) semaphore(%arg19 : memref<!tpu.dma_semaphore, #tpu.memory_space<semaphore_mem>>)
      } else {
      }
      %mul3A_217 = arith.constant 5 : i32
      %mul3A_218 = arith.muli %scan3A_88, %mul3A_217 : i32
      %add3A_219 = arith.constant 4 : i32
      %add3A_220 = arith.addi %mul3A_218, %add3A_219 : i32
      %dma_wait3A_221 = arith.constant 320 : i32
      %dma_wait3A_222 = arith.constant 0 : i32
      %dma_wait3A_223 = tpu.memref_slice %arg8[%dma_wait3A_221, %dma_wait3A_222] : memref<400x64xi32, #tpu.memory_space<vmem>> -> memref<80x64xi32, #tpu.memory_space<vmem>>
      %dma_wait3A_224 = arith.constant 0 : i32
      %dma_wait3A_225 = tpu.memref_slice %arg6[%dma_wait3A_224] : memref<10000xi32, #tpu.memory_space<vmem>> -> memref<80xi32, #tpu.memory_space<vmem>>
      %dma_wait3A_226 = arith.constant 0 : i32
      %dma_wait3A_227 = arith.constant 0 : i32
      %dma_wait3A_228 = tpu.memref_slice %arg2[%dma_wait3A_226, %dma_wait3A_227] : memref<10000x64xi32, #tpu.memory_space<hbm>> -> memref<10000x64xi32, #tpu.memory_space<hbm>>
      tpu.wait_indirect_dma semaphore(%arg20 : memref<!tpu.dma_semaphore, #tpu.memory_space<semaphore_mem>>) src(%dma_wait3A_228 : memref<10000x64xi32, #tpu.memory_space<hbm>>) dst(%dma_wait3A_223 : memref<80x64xi32, #tpu.memory_space<vmem>>)
      %dma_wait3A_229 = arith.constant 320 : i32
      %dma_wait3A_230 = arith.constant 0 : i32
      %dma_wait3A_231 = tpu.memref_slice %arg9[%dma_wait3A_229, %dma_wait3A_230] : memref<400x64xi32, #tpu.memory_space<vmem>> -> memref<80x64xi32, #tpu.memory_space<vmem>>
      %dma_wait3A_232 = arith.constant 0 : i32
      %dma_wait3A_233 = tpu.memref_slice %arg7[%dma_wait3A_232] : memref<10000xi32, #tpu.memory_space<vmem>> -> memref<80xi32, #tpu.memory_space<vmem>>
      %dma_wait3A_234 = arith.constant 0 : i32
      %dma_wait3A_235 = arith.constant 0 : i32
      %dma_wait3A_236 = tpu.memref_slice %arg2[%dma_wait3A_234, %dma_wait3A_235] : memref<10000x64xi32, #tpu.memory_space<hbm>> -> memref<10000x64xi32, #tpu.memory_space<hbm>>
      tpu.wait_indirect_dma semaphore(%arg21 : memref<!tpu.dma_semaphore, #tpu.memory_space<semaphore_mem>>) src(%dma_wait3A_236 : memref<10000x64xi32, #tpu.memory_space<hbm>>) dst(%dma_wait3A_231 : memref<80x64xi32, #tpu.memory_space<vmem>>)
      %parallel_loop3A_237 = arith.constant 0 : i32
      %parallel_loop3A_238 = arith.constant 40 : i32
      %parallel_loop3A_239 = arith.constant 1 : i32
      scf.for %parallel_loop3A_251 = %parallel_loop3A_237 to %parallel_loop3A_238 step %parallel_loop3A_239  : i32 {
        %parallel_loop3A_252 = arith.constant 8 : i32
        %parallel_loop3A_253 = arith.divsi %parallel_loop3A_251, %parallel_loop3A_252 : i32
        %parallel_loop3A_254 = arith.constant 0 : i32
        %parallel_loop3A_255 = arith.cmpi sgt, %parallel_loop3A_251, %parallel_loop3A_254 : i32
        %parallel_loop3A_256 = arith.extui %parallel_loop3A_255 : i1 to i32
        %parallel_loop3A_257 = arith.constant 0 : i32
        %parallel_loop3A_258 = arith.cmpi slt, %parallel_loop3A_251, %parallel_loop3A_257 : i32
        %parallel_loop3A_259 = arith.extui %parallel_loop3A_258 : i1 to i32
        %parallel_loop3A_260 = arith.subi %parallel_loop3A_256, %parallel_loop3A_259 : i32
        %parallel_loop3A_261 = arith.constant 0 : i32
        %parallel_loop3A_262 = arith.cmpi sgt, %parallel_loop3A_252, %parallel_loop3A_261 : i32
        %parallel_loop3A_263 = arith.extui %parallel_loop3A_262 : i1 to i32
        %parallel_loop3A_264 = arith.constant 0 : i32
        %parallel_loop3A_265 = arith.cmpi slt, %parallel_loop3A_252, %parallel_loop3A_264 : i32
        %parallel_loop3A_266 = arith.extui %parallel_loop3A_265 : i1 to i32
        %parallel_loop3A_267 = arith.subi %parallel_loop3A_263, %parallel_loop3A_266 : i32
        %parallel_loop3A_268 = arith.cmpi ne, %parallel_loop3A_260, %parallel_loop3A_267 : i32
        %parallel_loop3A_269 = arith.remsi %parallel_loop3A_251, %parallel_loop3A_252 : i32
        %parallel_loop3A_270 = arith.constant 0 : i32
        %parallel_loop3A_271 = arith.cmpi ne, %parallel_loop3A_269, %parallel_loop3A_270 : i32
        %parallel_loop3A_272 = arith.andi %parallel_loop3A_268, %parallel_loop3A_271 : i1
        %parallel_loop3A_273 = arith.constant 1 : i32
        %parallel_loop3A_274 = arith.subi %parallel_loop3A_253, %parallel_loop3A_273 : i32
        %parallel_loop3A_275 = arith.select %parallel_loop3A_272, %parallel_loop3A_274, %parallel_loop3A_253 : i32
        %parallel_loop3A_276 = arith.constant 8 : i32
        %parallel_loop3A_277 = arith.constant 0 : i32
        %parallel_loop3A_278 = arith.cmpi eq, %parallel_loop3A_276, %parallel_loop3A_277 : i32
        %parallel_loop3A_279 = arith.constant 1 : i32
        %parallel_loop3A_280 = arith.select %parallel_loop3A_278, %parallel_loop3A_279, %parallel_loop3A_276 : i32
        %parallel_loop3A_281 = arith.remsi %parallel_loop3A_251, %parallel_loop3A_280 : i32
        %parallel_loop3A_282 = arith.constant 0 : i32
        %parallel_loop3A_283 = arith.cmpi ne, %parallel_loop3A_281, %parallel_loop3A_282 : i32
        %parallel_loop3A_284 = arith.constant 0 : i32
        %parallel_loop3A_285 = arith.cmpi slt, %parallel_loop3A_281, %parallel_loop3A_284 : i32
        %parallel_loop3A_286 = arith.constant 0 : i32
        %parallel_loop3A_287 = arith.cmpi slt, %parallel_loop3A_280, %parallel_loop3A_286 : i32
        %parallel_loop3A_288 = arith.xori %parallel_loop3A_285, %parallel_loop3A_287 : i1
        %parallel_loop3A_289 = arith.andi %parallel_loop3A_288, %parallel_loop3A_283 : i1
        %parallel_loop3A_290 = arith.addi %parallel_loop3A_281, %parallel_loop3A_280 : i32
        %parallel_loop3A_291 = arith.select %parallel_loop3A_289, %parallel_loop3A_290, %parallel_loop3A_281 : i32
        %parallel_loop3A_292 = arith.constant 1 : i32
        %parallel_loop3A_293 = arith.andi %parallel_loop3A_291, %parallel_loop3A_292 : i32
        %parallel_loop3A_294 = arith.constant 2 : i32
        %parallel_loop3A_295 = arith.shli %parallel_loop3A_293, %parallel_loop3A_294 : i32
        %parallel_loop3A_296 = arith.constant 2 : i32
        %parallel_loop3A_297 = arith.andi %parallel_loop3A_291, %parallel_loop3A_296 : i32
        %parallel_loop3A_298 = arith.ori %parallel_loop3A_295, %parallel_loop3A_297 : i32
        %parallel_loop3A_299 = arith.constant 4 : i32
        %parallel_loop3A_300 = arith.andi %parallel_loop3A_291, %parallel_loop3A_299 : i32
        %parallel_loop3A_301 = arith.constant 2 : i32
        %parallel_loop3A_302 = arith.shrsi %parallel_loop3A_300, %parallel_loop3A_301 : i32
        %parallel_loop3A_303 = arith.ori %parallel_loop3A_298, %parallel_loop3A_302 : i32
        %parallel_loop3A_304 = arith.constant 16 : i32
        %parallel_loop3A_305 = arith.muli %parallel_loop3A_275, %parallel_loop3A_304 : i32
        %parallel_loop3A_306 = arith.constant 320 : i32
        %parallel_loop3A_307 = arith.addi %parallel_loop3A_306, %parallel_loop3A_305 : i32
        %parallel_loop3A_308 = arith.addi %parallel_loop3A_307, %parallel_loop3A_303 : i32
        %parallel_loop3A_309 = arith.index_cast %parallel_loop3A_308 : i32 to index
        %parallel_loop3A_310 = arith.constant 0 : index
        %parallel_loop3A_311 = tpu.vector_load %arg8[%parallel_loop3A_309, %parallel_loop3A_310] {strides = array<i32>} : memref<400x64xi32, #tpu.memory_space<vmem>>, vector<1x16xi32>,
        %parallel_loop3A_312 = vector.shape_cast %parallel_loop3A_311 : vector<1x16xi32> to vector<16xi32>
        %parallel_loop3A_313 = arith.constant 16 : i32
        %parallel_loop3A_314 = vector.broadcast %parallel_loop3A_313 : i32 to vector<16xi32>
        %parallel_loop3A_315 = arith.shli %parallel_loop3A_312, %parallel_loop3A_314 : vector<16xi32>
        %parallel_loop3A_316 = tpu.bitcast %parallel_loop3A_315 : vector<16xi32> -> vector<16xf32>
        %parallel_loop3A_317 = arith.constant -65536 : i32
        %parallel_loop3A_318 = vector.broadcast %parallel_loop3A_317 : i32 to vector<16xi32>
        %parallel_loop3A_319 = arith.andi %parallel_loop3A_312, %parallel_loop3A_318 : vector<16xi32>
        %parallel_loop3A_320 = tpu.bitcast %parallel_loop3A_319 : vector<16xi32> -> vector<16xf32>
        %parallel_loop3A_321 = arith.index_cast %parallel_loop3A_308 : i32 to index
        %parallel_loop3A_322 = arith.constant 0 : index
        %parallel_loop3A_323 = tpu.vector_load %arg9[%parallel_loop3A_321, %parallel_loop3A_322] {strides = array<i32>} : memref<400x64xi32, #tpu.memory_space<vmem>>, vector<1x16xi32>,
        %parallel_loop3A_324 = vector.shape_cast %parallel_loop3A_323 : vector<1x16xi32> to vector<16xi32>
        %parallel_loop3A_325 = arith.constant 16 : i32
        %parallel_loop3A_326 = vector.broadcast %parallel_loop3A_325 : i32 to vector<16xi32>
        %parallel_loop3A_327 = arith.shli %parallel_loop3A_324, %parallel_loop3A_326 : vector<16xi32>
        %parallel_loop3A_328 = tpu.bitcast %parallel_loop3A_327 : vector<16xi32> -> vector<16xf32>
        %parallel_loop3A_329 = arith.constant -65536 : i32
        %parallel_loop3A_330 = vector.broadcast %parallel_loop3A_329 : i32 to vector<16xi32>
        %parallel_loop3A_331 = arith.andi %parallel_loop3A_324, %parallel_loop3A_330 : vector<16xi32>
        %parallel_loop3A_332 = tpu.bitcast %parallel_loop3A_331 : vector<16xi32> -> vector<16xf32>
        %parallel_loop3A_333 = arith.mulf %parallel_loop3A_316, %parallel_loop3A_328 : vector<16xf32>
        %parallel_loop3A_334 = arith.mulf %parallel_loop3A_320, %parallel_loop3A_332 : vector<16xf32>
        %parallel_loop3A_335 = arith.index_cast %parallel_loop3A_308 : i32 to index
        %parallel_loop3A_336 = arith.constant 16 : index
        %parallel_loop3A_337 = tpu.vector_load %arg8[%parallel_loop3A_335, %parallel_loop3A_336] {strides = array<i32>} : memref<400x64xi32, #tpu.memory_space<vmem>>, vector<1x16xi32>,
        %parallel_loop3A_338 = vector.shape_cast %parallel_loop3A_337 : vector<1x16xi32> to vector<16xi32>
        %parallel_loop3A_339 = arith.constant 16 : i32
        %parallel_loop3A_340 = vector.broadcast %parallel_loop3A_339 : i32 to vector<16xi32>
        %parallel_loop3A_341 = arith.shli %parallel_loop3A_338, %parallel_loop3A_340 : vector<16xi32>
        %parallel_loop3A_342 = tpu.bitcast %parallel_loop3A_341 : vector<16xi32> -> vector<16xf32>
        %parallel_loop3A_343 = arith.constant -65536 : i32
        %parallel_loop3A_344 = vector.broadcast %parallel_loop3A_343 : i32 to vector<16xi32>
        %parallel_loop3A_345 = arith.andi %parallel_loop3A_338, %parallel_loop3A_344 : vector<16xi32>
        %parallel_loop3A_346 = tpu.bitcast %parallel_loop3A_345 : vector<16xi32> -> vector<16xf32>
        %parallel_loop3A_347 = arith.index_cast %parallel_loop3A_308 : i32 to index
        %parallel_loop3A_348 = arith.constant 16 : index
        %parallel_loop3A_349 = tpu.vector_load %arg9[%parallel_loop3A_347, %parallel_loop3A_348] {strides = array<i32>} : memref<400x64xi32, #tpu.memory_space<vmem>>, vector<1x16xi32>,
        %parallel_loop3A_350 = vector.shape_cast %parallel_loop3A_349 : vector<1x16xi32> to vector<16xi32>
        %parallel_loop3A_351 = arith.constant 16 : i32
        %parallel_loop3A_352 = vector.broadcast %parallel_loop3A_351 : i32 to vector<16xi32>
        %parallel_loop3A_353 = arith.shli %parallel_loop3A_350, %parallel_loop3A_352 : vector<16xi32>
        %parallel_loop3A_354 = tpu.bitcast %parallel_loop3A_353 : vector<16xi32> -> vector<16xf32>
        %parallel_loop3A_355 = arith.constant -65536 : i32
        %parallel_loop3A_356 = vector.broadcast %parallel_loop3A_355 : i32 to vector<16xi32>
        %parallel_loop3A_357 = arith.andi %parallel_loop3A_350, %parallel_loop3A_356 : vector<16xi32>
        %parallel_loop3A_358 = tpu.bitcast %parallel_loop3A_357 : vector<16xi32> -> vector<16xf32>
        %parallel_loop3A_359 = arith.mulf %parallel_loop3A_342, %parallel_loop3A_354 : vector<16xf32>
        %parallel_loop3A_360 = arith.mulf %parallel_loop3A_346, %parallel_loop3A_358 : vector<16xf32>
        %parallel_loop3A_361 = arith.index_cast %parallel_loop3A_308 : i32 to index
        %parallel_loop3A_362 = arith.constant 32 : index
        %parallel_loop3A_363 = tpu.vector_load %arg8[%parallel_loop3A_361, %parallel_loop3A_362] {strides = array<i32>} : memref<400x64xi32, #tpu.memory_space<vmem>>, vector<1x16xi32>,
        %parallel_loop3A_364 = vector.shape_cast %parallel_loop3A_363 : vector<1x16xi32> to vector<16xi32>
        %parallel_loop3A_365 = arith.constant 16 : i32
        %parallel_loop3A_366 = vector.broadcast %parallel_loop3A_365 : i32 to vector<16xi32>
        %parallel_loop3A_367 = arith.shli %parallel_loop3A_364, %parallel_loop3A_366 : vector<16xi32>
        %parallel_loop3A_368 = tpu.bitcast %parallel_loop3A_367 : vector<16xi32> -> vector<16xf32>
        %parallel_loop3A_369 = arith.constant -65536 : i32
        %parallel_loop3A_370 = vector.broadcast %parallel_loop3A_369 : i32 to vector<16xi32>
        %parallel_loop3A_371 = arith.andi %parallel_loop3A_364, %parallel_loop3A_370 : vector<16xi32>
        %parallel_loop3A_372 = tpu.bitcast %parallel_loop3A_371 : vector<16xi32> -> vector<16xf32>
        %parallel_loop3A_373 = arith.index_cast %parallel_loop3A_308 : i32 to index
        %parallel_loop3A_374 = arith.constant 32 : index
        %parallel_loop3A_375 = tpu.vector_load %arg9[%parallel_loop3A_373, %parallel_loop3A_374] {strides = array<i32>} : memref<400x64xi32, #tpu.memory_space<vmem>>, vector<1x16xi32>,
        %parallel_loop3A_376 = vector.shape_cast %parallel_loop3A_375 : vector<1x16xi32> to vector<16xi32>
        %parallel_loop3A_377 = arith.constant 16 : i32
        %parallel_loop3A_378 = vector.broadcast %parallel_loop3A_377 : i32 to vector<16xi32>
        %parallel_loop3A_379 = arith.shli %parallel_loop3A_376, %parallel_loop3A_378 : vector<16xi32>
        %parallel_loop3A_380 = tpu.bitcast %parallel_loop3A_379 : vector<16xi32> -> vector<16xf32>
        %parallel_loop3A_381 = arith.constant -65536 : i32
        %parallel_loop3A_382 = vector.broadcast %parallel_loop3A_381 : i32 to vector<16xi32>
        %parallel_loop3A_383 = arith.andi %parallel_loop3A_376, %parallel_loop3A_382 : vector<16xi32>
        %parallel_loop3A_384 = tpu.bitcast %parallel_loop3A_383 : vector<16xi32> -> vector<16xf32>
        %parallel_loop3A_385 = arith.mulf %parallel_loop3A_368, %parallel_loop3A_380 : vector<16xf32>
        %parallel_loop3A_386 = arith.mulf %parallel_loop3A_372, %parallel_loop3A_384 : vector<16xf32>
        %parallel_loop3A_387 = arith.index_cast %parallel_loop3A_308 : i32 to index
        %parallel_loop3A_388 = arith.constant 48 : index
        %parallel_loop3A_389 = tpu.vector_load %arg8[%parallel_loop3A_387, %parallel_loop3A_388] {strides = array<i32>} : memref<400x64xi32, #tpu.memory_space<vmem>>, vector<1x16xi32>,
        %parallel_loop3A_390 = vector.shape_cast %parallel_loop3A_389 : vector<1x16xi32> to vector<16xi32>
        %parallel_loop3A_391 = arith.constant 16 : i32
        %parallel_loop3A_392 = vector.broadcast %parallel_loop3A_391 : i32 to vector<16xi32>
        %parallel_loop3A_393 = arith.shli %parallel_loop3A_390, %parallel_loop3A_392 : vector<16xi32>
        %parallel_loop3A_394 = tpu.bitcast %parallel_loop3A_393 : vector<16xi32> -> vector<16xf32>
        %parallel_loop3A_395 = arith.constant -65536 : i32
        %parallel_loop3A_396 = vector.broadcast %parallel_loop3A_395 : i32 to vector<16xi32>
        %parallel_loop3A_397 = arith.andi %parallel_loop3A_390, %parallel_loop3A_396 : vector<16xi32>
        %parallel_loop3A_398 = tpu.bitcast %parallel_loop3A_397 : vector<16xi32> -> vector<16xf32>
        %parallel_loop3A_399 = arith.index_cast %parallel_loop3A_308 : i32 to index
        %parallel_loop3A_400 = arith.constant 48 : index
        %parallel_loop3A_401 = tpu.vector_load %arg9[%parallel_loop3A_399, %parallel_loop3A_400] {strides = array<i32>} : memref<400x64xi32, #tpu.memory_space<vmem>>, vector<1x16xi32>,
        %parallel_loop3A_402 = vector.shape_cast %parallel_loop3A_401 : vector<1x16xi32> to vector<16xi32>
        %parallel_loop3A_403 = arith.constant 16 : i32
        %parallel_loop3A_404 = vector.broadcast %parallel_loop3A_403 : i32 to vector<16xi32>
        %parallel_loop3A_405 = arith.shli %parallel_loop3A_402, %parallel_loop3A_404 : vector<16xi32>
        %parallel_loop3A_406 = tpu.bitcast %parallel_loop3A_405 : vector<16xi32> -> vector<16xf32>
        %parallel_loop3A_407 = arith.constant -65536 : i32
        %parallel_loop3A_408 = vector.broadcast %parallel_loop3A_407 : i32 to vector<16xi32>
        %parallel_loop3A_409 = arith.andi %parallel_loop3A_402, %parallel_loop3A_408 : vector<16xi32>
        %parallel_loop3A_410 = tpu.bitcast %parallel_loop3A_409 : vector<16xi32> -> vector<16xf32>
        %parallel_loop3A_411 = arith.mulf %parallel_loop3A_394, %parallel_loop3A_406 : vector<16xf32>
        %parallel_loop3A_412 = arith.mulf %parallel_loop3A_398, %parallel_loop3A_410 : vector<16xf32>
        %parallel_loop3A_413 = arith.addf %parallel_loop3A_333, %parallel_loop3A_334 : vector<16xf32>
        %parallel_loop3A_414 = arith.addf %parallel_loop3A_359, %parallel_loop3A_360 : vector<16xf32>
        %parallel_loop3A_415 = arith.addf %parallel_loop3A_385, %parallel_loop3A_386 : vector<16xf32>
        %parallel_loop3A_416 = arith.addf %parallel_loop3A_411, %parallel_loop3A_412 : vector<16xf32>
        %parallel_loop3A_417 = arith.addf %parallel_loop3A_413, %parallel_loop3A_414 : vector<16xf32>
        %parallel_loop3A_418 = arith.addf %parallel_loop3A_415, %parallel_loop3A_416 : vector<16xf32>
        %parallel_loop3A_419 = arith.addf %parallel_loop3A_417, %parallel_loop3A_418 : vector<16xf32>
        %parallel_loop3A_420 = arith.constant 8 : i32
        %parallel_loop3A_421 = arith.addi %parallel_loop3A_308, %parallel_loop3A_420 : i32
        %parallel_loop3A_422 = arith.index_cast %parallel_loop3A_421 : i32 to index
        %parallel_loop3A_423 = arith.constant 0 : index
        %parallel_loop3A_424 = tpu.vector_load %arg8[%parallel_loop3A_422, %parallel_loop3A_423] {strides = array<i32>} : memref<400x64xi32, #tpu.memory_space<vmem>>, vector<1x16xi32>,
        %parallel_loop3A_425 = vector.shape_cast %parallel_loop3A_424 : vector<1x16xi32> to vector<16xi32>
        %parallel_loop3A_426 = arith.constant 16 : i32
        %parallel_loop3A_427 = vector.broadcast %parallel_loop3A_426 : i32 to vector<16xi32>
        %parallel_loop3A_428 = arith.shli %parallel_loop3A_425, %parallel_loop3A_427 : vector<16xi32>
        %parallel_loop3A_429 = tpu.bitcast %parallel_loop3A_428 : vector<16xi32> -> vector<16xf32>
        %parallel_loop3A_430 = arith.constant -65536 : i32
        %parallel_loop3A_431 = vector.broadcast %parallel_loop3A_430 : i32 to vector<16xi32>
        %parallel_loop3A_432 = arith.andi %parallel_loop3A_425, %parallel_loop3A_431 : vector<16xi32>
        %parallel_loop3A_433 = tpu.bitcast %parallel_loop3A_432 : vector<16xi32> -> vector<16xf32>
        %parallel_loop3A_434 = arith.index_cast %parallel_loop3A_421 : i32 to index
        %parallel_loop3A_435 = arith.constant 0 : index
        %parallel_loop3A_436 = tpu.vector_load %arg9[%parallel_loop3A_434, %parallel_loop3A_435] {strides = array<i32>} : memref<400x64xi32, #tpu.memory_space<vmem>>, vector<1x16xi32>,
        %parallel_loop3A_437 = vector.shape_cast %parallel_loop3A_436 : vector<1x16xi32> to vector<16xi32>
        %parallel_loop3A_438 = arith.constant 16 : i32
        %parallel_loop3A_439 = vector.broadcast %parallel_loop3A_438 : i32 to vector<16xi32>
        %parallel_loop3A_440 = arith.shli %parallel_loop3A_437, %parallel_loop3A_439 : vector<16xi32>
        %parallel_loop3A_441 = tpu.bitcast %parallel_loop3A_440 : vector<16xi32> -> vector<16xf32>
        %parallel_loop3A_442 = arith.constant -65536 : i32
        %parallel_loop3A_443 = vector.broadcast %parallel_loop3A_442 : i32 to vector<16xi32>
        %parallel_loop3A_444 = arith.andi %parallel_loop3A_437, %parallel_loop3A_443 : vector<16xi32>
        %parallel_loop3A_445 = tpu.bitcast %parallel_loop3A_444 : vector<16xi32> -> vector<16xf32>
        %parallel_loop3A_446 = arith.mulf %parallel_loop3A_429, %parallel_loop3A_441 : vector<16xf32>
        %parallel_loop3A_447 = arith.mulf %parallel_loop3A_433, %parallel_loop3A_445 : vector<16xf32>
        %parallel_loop3A_448 = arith.index_cast %parallel_loop3A_421 : i32 to index
        %parallel_loop3A_449 = arith.constant 16 : index
        %parallel_loop3A_450 = tpu.vector_load %arg8[%parallel_loop3A_448, %parallel_loop3A_449] {strides = array<i32>} : memref<400x64xi32, #tpu.memory_space<vmem>>, vector<1x16xi32>,
        %parallel_loop3A_451 = vector.shape_cast %parallel_loop3A_450 : vector<1x16xi32> to vector<16xi32>
        %parallel_loop3A_452 = arith.constant 16 : i32
        %parallel_loop3A_453 = vector.broadcast %parallel_loop3A_452 : i32 to vector<16xi32>
        %parallel_loop3A_454 = arith.shli %parallel_loop3A_451, %parallel_loop3A_453 : vector<16xi32>
        %parallel_loop3A_455 = tpu.bitcast %parallel_loop3A_454 : vector<16xi32> -> vector<16xf32>
        %parallel_loop3A_456 = arith.constant -65536 : i32
        %parallel_loop3A_457 = vector.broadcast %parallel_loop3A_456 : i32 to vector<16xi32>
        %parallel_loop3A_458 = arith.andi %parallel_loop3A_451, %parallel_loop3A_457 : vector<16xi32>
        %parallel_loop3A_459 = tpu.bitcast %parallel_loop3A_458 : vector<16xi32> -> vector<16xf32>
        %parallel_loop3A_460 = arith.index_cast %parallel_loop3A_421 : i32 to index
        %parallel_loop3A_461 = arith.constant 16 : index
        %parallel_loop3A_462 = tpu.vector_load %arg9[%parallel_loop3A_460, %parallel_loop3A_461] {strides = array<i32>} : memref<400x64xi32, #tpu.memory_space<vmem>>, vector<1x16xi32>,
        %parallel_loop3A_463 = vector.shape_cast %parallel_loop3A_462 : vector<1x16xi32> to vector<16xi32>
        %parallel_loop3A_464 = arith.constant 16 : i32
        %parallel_loop3A_465 = vector.broadcast %parallel_loop3A_464 : i32 to vector<16xi32>
        %parallel_loop3A_466 = arith.shli %parallel_loop3A_463, %parallel_loop3A_465 : vector<16xi32>
        %parallel_loop3A_467 = tpu.bitcast %parallel_loop3A_466 : vector<16xi32> -> vector<16xf32>
        %parallel_loop3A_468 = arith.constant -65536 : i32
        %parallel_loop3A_469 = vector.broadcast %parallel_loop3A_468 : i32 to vector<16xi32>
        %parallel_loop3A_470 = arith.andi %parallel_loop3A_463, %parallel_loop3A_469 : vector<16xi32>
        %parallel_loop3A_471 = tpu.bitcast %parallel_loop3A_470 : vector<16xi32> -> vector<16xf32>
        %parallel_loop3A_472 = arith.mulf %parallel_loop3A_455, %parallel_loop3A_467 : vector<16xf32>
        %parallel_loop3A_473 = arith.mulf %parallel_loop3A_459, %parallel_loop3A_471 : vector<16xf32>
        %parallel_loop3A_474 = arith.index_cast %parallel_loop3A_421 : i32 to index
        %parallel_loop3A_475 = arith.constant 32 : index
        %parallel_loop3A_476 = tpu.vector_load %arg8[%parallel_loop3A_474, %parallel_loop3A_475] {strides = array<i32>} : memref<400x64xi32, #tpu.memory_space<vmem>>, vector<1x16xi32>,
        %parallel_loop3A_477 = vector.shape_cast %parallel_loop3A_476 : vector<1x16xi32> to vector<16xi32>
        %parallel_loop3A_478 = arith.constant 16 : i32
        %parallel_loop3A_479 = vector.broadcast %parallel_loop3A_478 : i32 to vector<16xi32>
        %parallel_loop3A_480 = arith.shli %parallel_loop3A_477, %parallel_loop3A_479 : vector<16xi32>
        %parallel_loop3A_481 = tpu.bitcast %parallel_loop3A_480 : vector<16xi32> -> vector<16xf32>
        %parallel_loop3A_482 = arith.constant -65536 : i32
        %parallel_loop3A_483 = vector.broadcast %parallel_loop3A_482 : i32 to vector<16xi32>
        %parallel_loop3A_484 = arith.andi %parallel_loop3A_477, %parallel_loop3A_483 : vector<16xi32>
        %parallel_loop3A_485 = tpu.bitcast %parallel_loop3A_484 : vector<16xi32> -> vector<16xf32>
        %parallel_loop3A_486 = arith.index_cast %parallel_loop3A_421 : i32 to index
        %parallel_loop3A_487 = arith.constant 32 : index
        %parallel_loop3A_488 = tpu.vector_load %arg9[%parallel_loop3A_486, %parallel_loop3A_487] {strides = array<i32>} : memref<400x64xi32, #tpu.memory_space<vmem>>, vector<1x16xi32>,
        %parallel_loop3A_489 = vector.shape_cast %parallel_loop3A_488 : vector<1x16xi32> to vector<16xi32>
        %parallel_loop3A_490 = arith.constant 16 : i32
        %parallel_loop3A_491 = vector.broadcast %parallel_loop3A_490 : i32 to vector<16xi32>
        %parallel_loop3A_492 = arith.shli %parallel_loop3A_489, %parallel_loop3A_491 : vector<16xi32>
        %parallel_loop3A_493 = tpu.bitcast %parallel_loop3A_492 : vector<16xi32> -> vector<16xf32>
        %parallel_loop3A_494 = arith.constant -65536 : i32
        %parallel_loop3A_495 = vector.broadcast %parallel_loop3A_494 : i32 to vector<16xi32>
        %parallel_loop3A_496 = arith.andi %parallel_loop3A_489, %parallel_loop3A_495 : vector<16xi32>
        %parallel_loop3A_497 = tpu.bitcast %parallel_loop3A_496 : vector<16xi32> -> vector<16xf32>
        %parallel_loop3A_498 = arith.mulf %parallel_loop3A_481, %parallel_loop3A_493 : vector<16xf32>
        %parallel_loop3A_499 = arith.mulf %parallel_loop3A_485, %parallel_loop3A_497 : vector<16xf32>
        %parallel_loop3A_500 = arith.index_cast %parallel_loop3A_421 : i32 to index
        %parallel_loop3A_501 = arith.constant 48 : index
        %parallel_loop3A_502 = tpu.vector_load %arg8[%parallel_loop3A_500, %parallel_loop3A_501] {strides = array<i32>} : memref<400x64xi32, #tpu.memory_space<vmem>>, vector<1x16xi32>,
        %parallel_loop3A_503 = vector.shape_cast %parallel_loop3A_502 : vector<1x16xi32> to vector<16xi32>
        %parallel_loop3A_504 = arith.constant 16 : i32
        %parallel_loop3A_505 = vector.broadcast %parallel_loop3A_504 : i32 to vector<16xi32>
        %parallel_loop3A_506 = arith.shli %parallel_loop3A_503, %parallel_loop3A_505 : vector<16xi32>
        %parallel_loop3A_507 = tpu.bitcast %parallel_loop3A_506 : vector<16xi32> -> vector<16xf32>
        %parallel_loop3A_508 = arith.constant -65536 : i32
        %parallel_loop3A_509 = vector.broadcast %parallel_loop3A_508 : i32 to vector<16xi32>
        %parallel_loop3A_510 = arith.andi %parallel_loop3A_503, %parallel_loop3A_509 : vector<16xi32>
        %parallel_loop3A_511 = tpu.bitcast %parallel_loop3A_510 : vector<16xi32> -> vector<16xf32>
        %parallel_loop3A_512 = arith.index_cast %parallel_loop3A_421 : i32 to index
        %parallel_loop3A_513 = arith.constant 48 : index
        %parallel_loop3A_514 = tpu.vector_load %arg9[%parallel_loop3A_512, %parallel_loop3A_513] {strides = array<i32>} : memref<400x64xi32, #tpu.memory_space<vmem>>, vector<1x16xi32>,
        %parallel_loop3A_515 = vector.shape_cast %parallel_loop3A_514 : vector<1x16xi32> to vector<16xi32>
        %parallel_loop3A_516 = arith.constant 16 : i32
        %parallel_loop3A_517 = vector.broadcast %parallel_loop3A_516 : i32 to vector<16xi32>
        %parallel_loop3A_518 = arith.shli %parallel_loop3A_515, %parallel_loop3A_517 : vector<16xi32>
        %parallel_loop3A_519 = tpu.bitcast %parallel_loop3A_518 : vector<16xi32> -> vector<16xf32>
        %parallel_loop3A_520 = arith.constant -65536 : i32
        %parallel_loop3A_521 = vector.broadcast %parallel_loop3A_520 : i32 to vector<16xi32>
        %parallel_loop3A_522 = arith.andi %parallel_loop3A_515, %parallel_loop3A_521 : vector<16xi32>
        %parallel_loop3A_523 = tpu.bitcast %parallel_loop3A_522 : vector<16xi32> -> vector<16xf32>
        %parallel_loop3A_524 = arith.mulf %parallel_loop3A_507, %parallel_loop3A_519 : vector<16xf32>
        %parallel_loop3A_525 = arith.mulf %parallel_loop3A_511, %parallel_loop3A_523 : vector<16xf32>
        %parallel_loop3A_526 = arith.addf %parallel_loop3A_446, %parallel_loop3A_447 : vector<16xf32>
        %parallel_loop3A_527 = arith.addf %parallel_loop3A_472, %parallel_loop3A_473 : vector<16xf32>
        %parallel_loop3A_528 = arith.addf %parallel_loop3A_498, %parallel_loop3A_499 : vector<16xf32>
        %parallel_loop3A_529 = arith.addf %parallel_loop3A_524, %parallel_loop3A_525 : vector<16xf32>
        %parallel_loop3A_530 = arith.addf %parallel_loop3A_526, %parallel_loop3A_527 : vector<16xf32>
        %parallel_loop3A_531 = arith.addf %parallel_loop3A_528, %parallel_loop3A_529 : vector<16xf32>
        %parallel_loop3A_532 = arith.addf %parallel_loop3A_530, %parallel_loop3A_531 : vector<16xf32>
        %parallel_loop3A_533 = arith.constant 8 : i32
        %parallel_loop3A_534 = vector.broadcast %parallel_loop3A_533 : i32 to vector<16xi32>
        %parallel_loop3A_535 = arith.andi %iota3A, %parallel_loop3A_534 : vector<16xi32>
        %parallel_loop3A_536 = arith.constant 0 : i32
        %parallel_loop3A_537 = vector.broadcast %parallel_loop3A_536 : i32 to vector<16xi32>
        %parallel_loop3A_538 = arith.cmpi eq, %parallel_loop3A_535, %parallel_loop3A_537 : vector<16xi32>
        %parallel_loop3A_539 = arith.select %parallel_loop3A_538, %parallel_loop3A_419, %parallel_loop3A_532 : vector<16xi1>, vector<16xf32>
        %parallel_loop3A_540 = arith.select %parallel_loop3A_538, %parallel_loop3A_532, %parallel_loop3A_419 : vector<16xi1>, vector<16xf32>
        %parallel_loop3A_541 = arith.constant 8 : i32
        %parallel_loop3A_542 = vector.broadcast %parallel_loop3A_541 : i32 to vector<16xi32>
        %parallel_loop3A_543 = arith.xori %iota3A, %parallel_loop3A_542 : vector<16xi32>
        %parallel_loop3A_544 = vector.shape_cast %parallel_loop3A_543 : vector<16xi32> to vector<16x1xi32>
        %parallel_loop3A_545 = vector.shape_cast %parallel_loop3A_544 : vector<16x1xi32> to vector<16xi32>
        %parallel_loop3A_546 = tpu.dynamic_gather %parallel_loop3A_540[%parallel_loop3A_545] in [0] : vector<16xf32>, vector<16xi32> -> vector<16xf32>
        %parallel_loop3A_547 = arith.addf %parallel_loop3A_539, %parallel_loop3A_546 : vector<16xf32>
        %parallel_loop3A_548 = arith.constant 16 : i32
        %parallel_loop3A_549 = arith.muli %parallel_loop3A_251, %parallel_loop3A_548 : i32
        %parallel_loop3A_550 = arith.index_cast %parallel_loop3A_549 : i32 to index
        %parallel_loop3A_551 = tpu.vector_load %arg11[%parallel_loop3A_550] {strides = array<i32>} : memref<640xf32, #tpu.memory_space<vmem>>, vector<16xf32>,
        %parallel_loop3A_552 = vector.shape_cast %parallel_loop3A_551 : vector<16xf32> to vector<16xf32>
        %parallel_loop3A_553 = vector.shape_cast %parallel_loop3A_547 : vector<16xf32> to vector<16xf32>
        tpu.vector_store %arg11[%parallel_loop3A_550], %parallel_loop3A_553 {strides = array<i32>} : memref<640xf32, #tpu.memory_space<vmem>>, vector<16xf32>,
      } {sc.loop_unroll_factor = 2 : i64, sc.parallel_access}
      %parallel_loop3A_240 = arith.constant 0 : i32
      %parallel_loop3A_241 = arith.constant 5 : i32
      %parallel_loop3A_242 = arith.constant 1 : i32
      scf.for %parallel_loop3A_251 = %parallel_loop3A_240 to %parallel_loop3A_241 step %parallel_loop3A_242  : i32 {
        %parallel_loop3A_252 = arith.constant 8 : i32
        %parallel_loop3A_253 = arith.muli %parallel_loop3A_251, %parallel_loop3A_252 : i32
        %parallel_loop3A_254 = arith.constant 0 : i32
        %parallel_loop3A_255 = arith.addi %parallel_loop3A_253, %parallel_loop3A_254 : i32
        %parallel_loop3A_256 = arith.constant 16 : i32
        %parallel_loop3A_257 = arith.muli %parallel_loop3A_255, %parallel_loop3A_256 : i32
        %parallel_loop3A_258 = arith.index_cast %parallel_loop3A_257 : i32 to index
        %parallel_loop3A_259 = tpu.vector_load %arg11[%parallel_loop3A_258] {strides = array<i32>} : memref<640xf32, #tpu.memory_space<vmem>>, vector<16xf32>,
        %parallel_loop3A_260 = vector.shape_cast %parallel_loop3A_259 : vector<16xf32> to vector<16xf32>
        %parallel_loop3A_261 = arith.constant 8 : i32
        %parallel_loop3A_262 = arith.muli %parallel_loop3A_251, %parallel_loop3A_261 : i32
        %parallel_loop3A_263 = arith.constant 1 : i32
        %parallel_loop3A_264 = arith.addi %parallel_loop3A_262, %parallel_loop3A_263 : i32
        %parallel_loop3A_265 = arith.constant 16 : i32
        %parallel_loop3A_266 = arith.muli %parallel_loop3A_264, %parallel_loop3A_265 : i32
        %parallel_loop3A_267 = arith.index_cast %parallel_loop3A_266 : i32 to index
        %parallel_loop3A_268 = tpu.vector_load %arg11[%parallel_loop3A_267] {strides = array<i32>} : memref<640xf32, #tpu.memory_space<vmem>>, vector<16xf32>,
        %parallel_loop3A_269 = vector.shape_cast %parallel_loop3A_268 : vector<16xf32> to vector<16xf32>
        %parallel_loop3A_270 = arith.constant 8 : i32
        %parallel_loop3A_271 = arith.muli %parallel_loop3A_251, %parallel_loop3A_270 : i32
        %parallel_loop3A_272 = arith.constant 2 : i32
        %parallel_loop3A_273 = arith.addi %parallel_loop3A_271, %parallel_loop3A_272 : i32
        %parallel_loop3A_274 = arith.constant 16 : i32
        %parallel_loop3A_275 = arith.muli %parallel_loop3A_273, %parallel_loop3A_274 : i32
        %parallel_loop3A_276 = arith.index_cast %parallel_loop3A_275 : i32 to index
        %parallel_loop3A_277 = tpu.vector_load %arg11[%parallel_loop3A_276] {strides = array<i32>} : memref<640xf32, #tpu.memory_space<vmem>>, vector<16xf32>,
        %parallel_loop3A_278 = vector.shape_cast %parallel_loop3A_277 : vector<16xf32> to vector<16xf32>
        %parallel_loop3A_279 = arith.constant 8 : i32
        %parallel_loop3A_280 = arith.muli %parallel_loop3A_251, %parallel_loop3A_279 : i32
        %parallel_loop3A_281 = arith.constant 3 : i32
        %parallel_loop3A_282 = arith.addi %parallel_loop3A_280, %parallel_loop3A_281 : i32
        %parallel_loop3A_283 = arith.constant 16 : i32
        %parallel_loop3A_284 = arith.muli %parallel_loop3A_282, %parallel_loop3A_283 : i32
        %parallel_loop3A_285 = arith.index_cast %parallel_loop3A_284 : i32 to index
        %parallel_loop3A_286 = tpu.vector_load %arg11[%parallel_loop3A_285] {strides = array<i32>} : memref<640xf32, #tpu.memory_space<vmem>>, vector<16xf32>,
        %parallel_loop3A_287 = vector.shape_cast %parallel_loop3A_286 : vector<16xf32> to vector<16xf32>
        %parallel_loop3A_288 = arith.constant 8 : i32
        %parallel_loop3A_289 = arith.muli %parallel_loop3A_251, %parallel_loop3A_288 : i32
        %parallel_loop3A_290 = arith.constant 4 : i32
        %parallel_loop3A_291 = arith.addi %parallel_loop3A_289, %parallel_loop3A_290 : i32
        %parallel_loop3A_292 = arith.constant 16 : i32
        %parallel_loop3A_293 = arith.muli %parallel_loop3A_291, %parallel_loop3A_292 : i32
        %parallel_loop3A_294 = arith.index_cast %parallel_loop3A_293 : i32 to index
        %parallel_loop3A_295 = tpu.vector_load %arg11[%parallel_loop3A_294] {strides = array<i32>} : memref<640xf32, #tpu.memory_space<vmem>>, vector<16xf32>,
        %parallel_loop3A_296 = vector.shape_cast %parallel_loop3A_295 : vector<16xf32> to vector<16xf32>
        %parallel_loop3A_297 = arith.constant 8 : i32
        %parallel_loop3A_298 = arith.muli %parallel_loop3A_251, %parallel_loop3A_297 : i32
        %parallel_loop3A_299 = arith.constant 5 : i32
        %parallel_loop3A_300 = arith.addi %parallel_loop3A_298, %parallel_loop3A_299 : i32
        %parallel_loop3A_301 = arith.constant 16 : i32
        %parallel_loop3A_302 = arith.muli %parallel_loop3A_300, %parallel_loop3A_301 : i32
        %parallel_loop3A_303 = arith.index_cast %parallel_loop3A_302 : i32 to index
        %parallel_loop3A_304 = tpu.vector_load %arg11[%parallel_loop3A_303] {strides = array<i32>} : memref<640xf32, #tpu.memory_space<vmem>>, vector<16xf32>,
        %parallel_loop3A_305 = vector.shape_cast %parallel_loop3A_304 : vector<16xf32> to vector<16xf32>
        %parallel_loop3A_306 = arith.constant 8 : i32
        %parallel_loop3A_307 = arith.muli %parallel_loop3A_251, %parallel_loop3A_306 : i32
        %parallel_loop3A_308 = arith.constant 6 : i32
        %parallel_loop3A_309 = arith.addi %parallel_loop3A_307, %parallel_loop3A_308 : i32
        %parallel_loop3A_310 = arith.constant 16 : i32
        %parallel_loop3A_311 = arith.muli %parallel_loop3A_309, %parallel_loop3A_310 : i32
        %parallel_loop3A_312 = arith.index_cast %parallel_loop3A_311 : i32 to index
        %parallel_loop3A_313 = tpu.vector_load %arg11[%parallel_loop3A_312] {strides = array<i32>} : memref<640xf32, #tpu.memory_space<vmem>>, vector<16xf32>,
        %parallel_loop3A_314 = vector.shape_cast %parallel_loop3A_313 : vector<16xf32> to vector<16xf32>
        %parallel_loop3A_315 = arith.constant 8 : i32
        %parallel_loop3A_316 = arith.muli %parallel_loop3A_251, %parallel_loop3A_315 : i32
        %parallel_loop3A_317 = arith.constant 7 : i32
        %parallel_loop3A_318 = arith.addi %parallel_loop3A_316, %parallel_loop3A_317 : i32
        %parallel_loop3A_319 = arith.constant 16 : i32
        %parallel_loop3A_320 = arith.muli %parallel_loop3A_318, %parallel_loop3A_319 : i32
        %parallel_loop3A_321 = arith.index_cast %parallel_loop3A_320 : i32 to index
        %parallel_loop3A_322 = tpu.vector_load %arg11[%parallel_loop3A_321] {strides = array<i32>} : memref<640xf32, #tpu.memory_space<vmem>>, vector<16xf32>,
        %parallel_loop3A_323 = vector.shape_cast %parallel_loop3A_322 : vector<16xf32> to vector<16xf32>
        %parallel_loop3A_324 = arith.constant 4 : i32
        %parallel_loop3A_325 = vector.broadcast %parallel_loop3A_324 : i32 to vector<16xi32>
        %parallel_loop3A_326 = arith.andi %iota3A, %parallel_loop3A_325 : vector<16xi32>
        %parallel_loop3A_327 = arith.constant 0 : i32
        %parallel_loop3A_328 = vector.broadcast %parallel_loop3A_327 : i32 to vector<16xi32>
        %parallel_loop3A_329 = arith.cmpi eq, %parallel_loop3A_326, %parallel_loop3A_328 : vector<16xi32>
        %parallel_loop3A_330 = arith.select %parallel_loop3A_329, %parallel_loop3A_260, %parallel_loop3A_269 : vector<16xi1>, vector<16xf32>
        %parallel_loop3A_331 = arith.select %parallel_loop3A_329, %parallel_loop3A_269, %parallel_loop3A_260 : vector<16xi1>, vector<16xf32>
        %parallel_loop3A_332 = arith.constant 4 : i32
        %parallel_loop3A_333 = vector.broadcast %parallel_loop3A_332 : i32 to vector<16xi32>
        %parallel_loop3A_334 = arith.xori %iota3A, %parallel_loop3A_333 : vector<16xi32>
        %parallel_loop3A_335 = vector.shape_cast %parallel_loop3A_334 : vector<16xi32> to vector<16x1xi32>
        %parallel_loop3A_336 = vector.shape_cast %parallel_loop3A_335 : vector<16x1xi32> to vector<16xi32>
        %parallel_loop3A_337 = tpu.dynamic_gather %parallel_loop3A_331[%parallel_loop3A_336] in [0] : vector<16xf32>, vector<16xi32> -> vector<16xf32>
        %parallel_loop3A_338 = arith.addf %parallel_loop3A_330, %parallel_loop3A_337 : vector<16xf32>
        %parallel_loop3A_339 = arith.constant 4 : i32
        %parallel_loop3A_340 = vector.broadcast %parallel_loop3A_339 : i32 to vector<16xi32>
        %parallel_loop3A_341 = arith.andi %iota3A, %parallel_loop3A_340 : vector<16xi32>
        %parallel_loop3A_342 = arith.constant 0 : i32
        %parallel_loop3A_343 = vector.broadcast %parallel_loop3A_342 : i32 to vector<16xi32>
        %parallel_loop3A_344 = arith.cmpi eq, %parallel_loop3A_341, %parallel_loop3A_343 : vector<16xi32>
        %parallel_loop3A_345 = arith.select %parallel_loop3A_344, %parallel_loop3A_278, %parallel_loop3A_287 : vector<16xi1>, vector<16xf32>
        %parallel_loop3A_346 = arith.select %parallel_loop3A_344, %parallel_loop3A_287, %parallel_loop3A_278 : vector<16xi1>, vector<16xf32>
        %parallel_loop3A_347 = arith.constant 4 : i32
        %parallel_loop3A_348 = vector.broadcast %parallel_loop3A_347 : i32 to vector<16xi32>
        %parallel_loop3A_349 = arith.xori %iota3A, %parallel_loop3A_348 : vector<16xi32>
        %parallel_loop3A_350 = vector.shape_cast %parallel_loop3A_349 : vector<16xi32> to vector<16x1xi32>
        %parallel_loop3A_351 = vector.shape_cast %parallel_loop3A_350 : vector<16x1xi32> to vector<16xi32>
        %parallel_loop3A_352 = tpu.dynamic_gather %parallel_loop3A_346[%parallel_loop3A_351] in [0] : vector<16xf32>, vector<16xi32> -> vector<16xf32>
        %parallel_loop3A_353 = arith.addf %parallel_loop3A_345, %parallel_loop3A_352 : vector<16xf32>
        %parallel_loop3A_354 = arith.constant 4 : i32
        %parallel_loop3A_355 = vector.broadcast %parallel_loop3A_354 : i32 to vector<16xi32>
        %parallel_loop3A_356 = arith.andi %iota3A, %parallel_loop3A_355 : vector<16xi32>
        %parallel_loop3A_357 = arith.constant 0 : i32
        %parallel_loop3A_358 = vector.broadcast %parallel_loop3A_357 : i32 to vector<16xi32>
        %parallel_loop3A_359 = arith.cmpi eq, %parallel_loop3A_356, %parallel_loop3A_358 : vector<16xi32>
        %parallel_loop3A_360 = arith.select %parallel_loop3A_359, %parallel_loop3A_296, %parallel_loop3A_305 : vector<16xi1>, vector<16xf32>
        %parallel_loop3A_361 = arith.select %parallel_loop3A_359, %parallel_loop3A_305, %parallel_loop3A_296 : vector<16xi1>, vector<16xf32>
        %parallel_loop3A_362 = arith.constant 4 : i32
        %parallel_loop3A_363 = vector.broadcast %parallel_loop3A_362 : i32 to vector<16xi32>
        %parallel_loop3A_364 = arith.xori %iota3A, %parallel_loop3A_363 : vector<16xi32>
        %parallel_loop3A_365 = vector.shape_cast %parallel_loop3A_364 : vector<16xi32> to vector<16x1xi32>
        %parallel_loop3A_366 = vector.shape_cast %parallel_loop3A_365 : vector<16x1xi32> to vector<16xi32>
        %parallel_loop3A_367 = tpu.dynamic_gather %parallel_loop3A_361[%parallel_loop3A_366] in [0] : vector<16xf32>, vector<16xi32> -> vector<16xf32>
        %parallel_loop3A_368 = arith.addf %parallel_loop3A_360, %parallel_loop3A_367 : vector<16xf32>
        %parallel_loop3A_369 = arith.constant 4 : i32
        %parallel_loop3A_370 = vector.broadcast %parallel_loop3A_369 : i32 to vector<16xi32>
        %parallel_loop3A_371 = arith.andi %iota3A, %parallel_loop3A_370 : vector<16xi32>
        %parallel_loop3A_372 = arith.constant 0 : i32
        %parallel_loop3A_373 = vector.broadcast %parallel_loop3A_372 : i32 to vector<16xi32>
        %parallel_loop3A_374 = arith.cmpi eq, %parallel_loop3A_371, %parallel_loop3A_373 : vector<16xi32>
        %parallel_loop3A_375 = arith.select %parallel_loop3A_374, %parallel_loop3A_314, %parallel_loop3A_323 : vector<16xi1>, vector<16xf32>
        %parallel_loop3A_376 = arith.select %parallel_loop3A_374, %parallel_loop3A_323, %parallel_loop3A_314 : vector<16xi1>, vector<16xf32>
        %parallel_loop3A_377 = arith.constant 4 : i32
        %parallel_loop3A_378 = vector.broadcast %parallel_loop3A_377 : i32 to vector<16xi32>
        %parallel_loop3A_379 = arith.xori %iota3A, %parallel_loop3A_378 : vector<16xi32>
        %parallel_loop3A_380 = vector.shape_cast %parallel_loop3A_379 : vector<16xi32> to vector<16x1xi32>
        %parallel_loop3A_381 = vector.shape_cast %parallel_loop3A_380 : vector<16x1xi32> to vector<16xi32>
        %parallel_loop3A_382 = tpu.dynamic_gather %parallel_loop3A_376[%parallel_loop3A_381] in [0] : vector<16xf32>, vector<16xi32> -> vector<16xf32>
        %parallel_loop3A_383 = arith.addf %parallel_loop3A_375, %parallel_loop3A_382 : vector<16xf32>
        %parallel_loop3A_384 = arith.constant 2 : i32
        %parallel_loop3A_385 = vector.broadcast %parallel_loop3A_384 : i32 to vector<16xi32>
        %parallel_loop3A_386 = arith.andi %iota3A, %parallel_loop3A_385 : vector<16xi32>
        %parallel_loop3A_387 = arith.constant 0 : i32
        %parallel_loop3A_388 = vector.broadcast %parallel_loop3A_387 : i32 to vector<16xi32>
        %parallel_loop3A_389 = arith.cmpi eq, %parallel_loop3A_386, %parallel_loop3A_388 : vector<16xi32>
        %parallel_loop3A_390 = arith.select %parallel_loop3A_389, %parallel_loop3A_338, %parallel_loop3A_353 : vector<16xi1>, vector<16xf32>
        %parallel_loop3A_391 = arith.select %parallel_loop3A_389, %parallel_loop3A_353, %parallel_loop3A_338 : vector<16xi1>, vector<16xf32>
        %parallel_loop3A_392 = arith.constant 2 : i32
        %parallel_loop3A_393 = vector.broadcast %parallel_loop3A_392 : i32 to vector<16xi32>
        %parallel_loop3A_394 = arith.xori %iota3A, %parallel_loop3A_393 : vector<16xi32>
        %parallel_loop3A_395 = vector.shape_cast %parallel_loop3A_394 : vector<16xi32> to vector<16x1xi32>
        %parallel_loop3A_396 = vector.shape_cast %parallel_loop3A_395 : vector<16x1xi32> to vector<16xi32>
        %parallel_loop3A_397 = tpu.dynamic_gather %parallel_loop3A_391[%parallel_loop3A_396] in [0] : vector<16xf32>, vector<16xi32> -> vector<16xf32>
        %parallel_loop3A_398 = arith.addf %parallel_loop3A_390, %parallel_loop3A_397 : vector<16xf32>
        %parallel_loop3A_399 = arith.constant 2 : i32
        %parallel_loop3A_400 = vector.broadcast %parallel_loop3A_399 : i32 to vector<16xi32>
        %parallel_loop3A_401 = arith.andi %iota3A, %parallel_loop3A_400 : vector<16xi32>
        %parallel_loop3A_402 = arith.constant 0 : i32
        %parallel_loop3A_403 = vector.broadcast %parallel_loop3A_402 : i32 to vector<16xi32>
        %parallel_loop3A_404 = arith.cmpi eq, %parallel_loop3A_401, %parallel_loop3A_403 : vector<16xi32>
        %parallel_loop3A_405 = arith.select %parallel_loop3A_404, %parallel_loop3A_368, %parallel_loop3A_383 : vector<16xi1>, vector<16xf32>
        %parallel_loop3A_406 = arith.select %parallel_loop3A_404, %parallel_loop3A_383, %parallel_loop3A_368 : vector<16xi1>, vector<16xf32>
        %parallel_loop3A_407 = arith.constant 2 : i32
        %parallel_loop3A_408 = vector.broadcast %parallel_loop3A_407 : i32 to vector<16xi32>
        %parallel_loop3A_409 = arith.xori %iota3A, %parallel_loop3A_408 : vector<16xi32>
        %parallel_loop3A_410 = vector.shape_cast %parallel_loop3A_409 : vector<16xi32> to vector<16x1xi32>
        %parallel_loop3A_411 = vector.shape_cast %parallel_loop3A_410 : vector<16x1xi32> to vector<16xi32>
        %parallel_loop3A_412 = tpu.dynamic_gather %parallel_loop3A_406[%parallel_loop3A_411] in [0] : vector<16xf32>, vector<16xi32> -> vector<16xf32>
        %parallel_loop3A_413 = arith.addf %parallel_loop3A_405, %parallel_loop3A_412 : vector<16xf32>
        %parallel_loop3A_414 = arith.constant 1 : i32
        %parallel_loop3A_415 = vector.broadcast %parallel_loop3A_414 : i32 to vector<16xi32>
        %parallel_loop3A_416 = arith.andi %iota3A, %parallel_loop3A_415 : vector<16xi32>
        %parallel_loop3A_417 = arith.constant 0 : i32
        %parallel_loop3A_418 = vector.broadcast %parallel_loop3A_417 : i32 to vector<16xi32>
        %parallel_loop3A_419 = arith.cmpi eq, %parallel_loop3A_416, %parallel_loop3A_418 : vector<16xi32>
        %parallel_loop3A_420 = arith.select %parallel_loop3A_419, %parallel_loop3A_398, %parallel_loop3A_413 : vector<16xi1>, vector<16xf32>
        %parallel_loop3A_421 = arith.select %parallel_loop3A_419, %parallel_loop3A_413, %parallel_loop3A_398 : vector<16xi1>, vector<16xf32>
        %parallel_loop3A_422 = arith.constant 1 : i32
        %parallel_loop3A_423 = vector.broadcast %parallel_loop3A_422 : i32 to vector<16xi32>
        %parallel_loop3A_424 = arith.xori %iota3A, %parallel_loop3A_423 : vector<16xi32>
        %parallel_loop3A_425 = vector.shape_cast %parallel_loop3A_424 : vector<16xi32> to vector<16x1xi32>
        %parallel_loop3A_426 = vector.shape_cast %parallel_loop3A_425 : vector<16x1xi32> to vector<16xi32>
        %parallel_loop3A_427 = tpu.dynamic_gather %parallel_loop3A_421[%parallel_loop3A_426] in [0] : vector<16xf32>, vector<16xi32> -> vector<16xf32>
        %parallel_loop3A_428 = arith.addf %parallel_loop3A_420, %parallel_loop3A_427 : vector<16xf32>
        %parallel_loop3A_429 = arith.constant 0.000000e+00 : f32
        %parallel_loop3A_430 = vector.broadcast %parallel_loop3A_429 : f32 to vector<16xf32>
        %parallel_loop3A_431 = arith.subf %parallel_loop3A_430, %parallel_loop3A_428 : vector<16xf32>
        %parallel_loop3A_432 = math.exp %parallel_loop3A_431 : vector<16xf32>
        %parallel_loop3A_433 = arith.constant 1.000000e+00 : f32
        %parallel_loop3A_434 = vector.broadcast %parallel_loop3A_433 : f32 to vector<16xf32>
        %parallel_loop3A_435 = arith.addf %parallel_loop3A_434, %parallel_loop3A_432 : vector<16xf32>
        %parallel_loop3A_436 = arith.constant 1.000000e+00 : f32
        %parallel_loop3A_437 = vector.broadcast %parallel_loop3A_436 : f32 to vector<16xf32>
        %parallel_loop3A_438 = arith.divf %parallel_loop3A_437, %parallel_loop3A_435 : vector<16xf32>
        %parallel_loop3A_439 = arith.constant 80 : i32
        %parallel_loop3A_440 = arith.muli %add3A_220, %parallel_loop3A_439 : i32
        %parallel_loop3A_441 = arith.constant 16 : i32
        %parallel_loop3A_442 = arith.muli %parallel_loop3A_251, %parallel_loop3A_441 : i32
        %parallel_loop3A_443 = arith.addi %parallel_loop3A_440, %parallel_loop3A_442 : i32
        %parallel_loop3A_444 = arith.index_cast %parallel_loop3A_443 : i32 to index
        %parallel_loop3A_445 = tpu.vector_load %arg10[%parallel_loop3A_444] {strides = array<i32>} : memref<10000xf32, #tpu.memory_space<vmem>>, vector<16xf32>,
        %parallel_loop3A_446 = vector.shape_cast %parallel_loop3A_445 : vector<16xf32> to vector<16xf32>
        %parallel_loop3A_447 = vector.shape_cast %parallel_loop3A_438 : vector<16xf32> to vector<16xf32>
        tpu.vector_store %arg10[%parallel_loop3A_444], %parallel_loop3A_447 {strides = array<i32>} : memref<10000xf32, #tpu.memory_space<vmem>>, vector<16xf32>,
      } {sc.loop_unroll_factor = 1 : i64, sc.parallel_access}
      %add3A_243 = arith.constant 5 : i32
      %add3A_244 = arith.addi %add3A_220, %add3A_243 : i32
      %lt3A_245 = arith.constant 125 : i32
      %lt3A_246 = arith.cmpi slt, %add3A_244, %lt3A_245 : i32
      %convert_element_type3A_247 = arith.extui %lt3A_246 : i1 to i32
      %cond3A_248 = arith.constant 0 : i32
      %cond3A_249 = arith.cmpi ne, %convert_element_type3A_247, %cond3A_248 : i32
      scf.if %cond3A_249 {
        %add3A_251 = arith.constant 5 : i32
        %add3A_252 = arith.addi %add3A_220, %add3A_251 : i32
        %mul3A_253 = arith.constant 80 : i32
        %mul3A_254 = arith.muli %add3A_252, %mul3A_253 : i32
        %dma_start3A_255 = arith.constant 320 : i32
        %dma_start3A_256 = arith.constant 0 : i32
        %dma_start3A_257 = tpu.memref_slice %arg8[%dma_start3A_255, %dma_start3A_256] : memref<400x64xi32, #tpu.memory_space<vmem>> -> memref<80x64xi32, #tpu.memory_space<vmem>>
        %dma_start3A_258 = tpu.memref_slice %arg6[%mul3A_254] : memref<10000xi32, #tpu.memory_space<vmem>> -> memref<80xi32, #tpu.memory_space<vmem>>
        %dma_start3A_259 = arith.constant 0 : i32
        %dma_start3A_260 = arith.constant 0 : i32
        %dma_start3A_261 = tpu.memref_slice %arg2[%dma_start3A_259, %dma_start3A_260] : memref<10000x64xi32, #tpu.memory_space<hbm>> -> memref<10000x64xi32, #tpu.memory_space<hbm>>
        tpu.enqueue_indirect_dma source(%dma_start3A_261 : memref<10000x64xi32, #tpu.memory_space<hbm>>) target(%dma_start3A_257 : memref<80x64xi32, #tpu.memory_space<vmem>>) offsets(%dma_start3A_258 : memref<80xi32, #tpu.memory_space<vmem>>) semaphore(%arg20 : memref<!tpu.dma_semaphore, #tpu.memory_space<semaphore_mem>>)
        %mul3A_262 = arith.constant 80 : i32
        %mul3A_263 = arith.muli %add3A_252, %mul3A_262 : i32
        %dma_start3A_264 = arith.constant 320 : i32
        %dma_start3A_265 = arith.constant 0 : i32
        %dma_start3A_266 = tpu.memref_slice %arg9[%dma_start3A_264, %dma_start3A_265] : memref<400x64xi32, #tpu.memory_space<vmem>> -> memref<80x64xi32, #tpu.memory_space<vmem>>
        %dma_start3A_267 = tpu.memref_slice %arg7[%mul3A_263] : memref<10000xi32, #tpu.memory_space<vmem>> -> memref<80xi32, #tpu.memory_space<vmem>>
        %dma_start3A_268 = arith.constant 0 : i32
        %dma_start3A_269 = arith.constant 0 : i32
        %dma_start3A_270 = tpu.memref_slice %arg2[%dma_start3A_268, %dma_start3A_269] : memref<10000x64xi32, #tpu.memory_space<hbm>> -> memref<10000x64xi32, #tpu.memory_space<hbm>>
        tpu.enqueue_indirect_dma source(%dma_start3A_270 : memref<10000x64xi32, #tpu.memory_space<hbm>>) target(%dma_start3A_266 : memref<80x64xi32, #tpu.memory_space<vmem>>) offsets(%dma_start3A_267 : memref<80xi32, #tpu.memory_space<vmem>>) semaphore(%arg21 : memref<!tpu.dma_semaphore, #tpu.memory_space<semaphore_mem>>)
      } else {
      }
      %scan3A_250 = arith.constant 0 : i32
      scf.yield %scan3A_250 : i32
    }
    %scan3A_87 = arith.constant 25 : i32
    "tpu.region"() ({
      %run_scoped3A = tpu.sem_alloc : memref<!tpu.dma_semaphore, #tpu.memory_space<semaphore_mem>>
      %dma_start3A_88 = tpu.memref_slice %arg5[%mul3A_2] : memref<320000xf32, #tpu.memory_space<hbm>> -> memref<10000xf32, #tpu.memory_space<hbm>>
      %dma_start3A_89 = tpu.memref_slice %arg5[%mul3A_2] : memref<320000xf32, #tpu.memory_space<hbm>> -> memref<10000xf32, #tpu.memory_space<hbm>>
      tpu.enqueue_dma source(%arg10 : memref<10000xf32, #tpu.memory_space<vmem>>) target(%dma_start3A_89 : memref<10000xf32, #tpu.memory_space<hbm>>) target_semaphore(%run_scoped3A : memref<!tpu.dma_semaphore, #tpu.memory_space<semaphore_mem>>)
      %dma_wait3A = tpu.memref_slice %arg5[%mul3A_2] : memref<320000xf32, #tpu.memory_space<hbm>> -> memref<10000xf32, #tpu.memory_space<hbm>>
      %dma_wait3A_90 = tpu.memref_slice %arg5[%mul3A_2] : memref<320000xf32, #tpu.memory_space<hbm>> -> memref<10000xf32, #tpu.memory_space<hbm>>
      tpu.wait_dma2 semaphore(%run_scoped3A : memref<!tpu.dma_semaphore, #tpu.memory_space<semaphore_mem>>) src(%arg10 : memref<10000xf32, #tpu.memory_space<vmem>>) dst(%dma_wait3A_90 : memref<10000xf32, #tpu.memory_space<hbm>>)
      tpu.yield
    }) : () -> ()
    return
  }
}

</mosaic_0001>

<sc_bundles>
// kernel: _decode.3.cloned.1.call-start
scs
__scs_entry_jumppad:
0x0: {  	(pc) =	sbr.rel $0x88, $3  }
0x1: {  	(tag) =	ssettag $0x0;
	lr =	simm.s32 $0x1  }
0x2: {  	[smem:$0x3F9E] =	sst lr;
	_ =	strace $0xD0000000  }
0x3: {  	_ = 	snop  }
0x4: {  	_ = 	snop  }
0x5: {  	_ = 	snop  }
0x6: {  	_ = 	snop  }
0x7: {  	_ = 	snop  }
__scs_overlays_trampoline_lowered:
0x8: {  	[smem:$0x3FAD] =	sst s0  }
0x9: {  	[smem:$0x3FAE] =	sst s1  }
0xa: {  	[smem:$0x3FAF] =	sst s2  }
0xb: {  	[smem:$0x3FB0] =	sst s3  }
0xc: {  	[smem:$0x3FB1] =	sst s4  }
0xd: {  	[smem:$0x3FB2] =	sst s5  }
0xe: {  	[smem:$0x3FB3] =	sst s6  }
0xf: {  	[smem:$0x3FB4] =	sst s7  }
0x10: {  	[smem:$0x3FB5] =	sst s8  }
0x11: {  	[smem:$0x3FB6] =	sst s9;
	s0 =	simm.s32 @!p0 $0x0  }
0x12: {  	s1 =	sld [smem:$0x3F9C];
	s0 =	simm.s32 @p0 $0x1  }
0x13: {  	[smem:$0x3FB7] =	sst s0;
	s0 =	simm.s32 @!p1 $0x0  }
0x14: {  	s2 =	sld [smem:$0x3F9B];
	s0 =	simm.s32 @p1 $0x1  }
0x15: {  	[smem:$0x3FB8] =	sst s0;
	s0 =	simm.s32 @!p2 $0x0  }
0x16: {  	s3 =	sld [smem:$0x3FDB];
	s0 =	simm.s32 @p2 $0x1  }
0x17: {  	s4 =	simm.s32 $0x1BF5;
	[smem:$0x3FBA] =	sst s0  }
0x18: {  	s0 =	sld [smem:$0x3F9D];
	_ =	swait.ge [sflag:s4], $0x0  }
0x19: {  	s7 =	sld [smem:$0x3F9E]  }
0x1a: {  	s8 =	sadd.s32 $0xFFFFE003, lr  }
0x1b: {  	s9 =	sadd.s32 $0xFFFFFEF7, lr;
	s5 =	simm.s32 $0xFFFFFFFF;
	p2 =	slt.u32 s8, $0xFFFFF086  }
0x1c: {  	p1 =	slt.u32 s9, $0xF7A;
	s5 =	simm.s32 @!p2 $0x0  }
0x1d: {  	s5 =	simm.s32 @p1 $0x1;
	p0 =	seq.s32 s7, s2  }
0x1e: {  	s7 =	smul.u32 @!p0 $0xF7A, s2;
	p2 =	seq.s32 @!p0 s5, $0x0  }
0x1f: {  	s9 =	smul.u32 $0xF7A, s1;
	s8 =	simm.s32 @!p0 $0x1BF5;
	p2 =	por !p2, p0  }
0x20: {  	[sflag:s8] =	ssyncset.s32 @!p0 $0xFFFFF086;
	s6 =	sadd.s32 @!p0 s3, s7;
	s7 =	simm.s32 @!p0 $0x108  }
0x21: {  	s3 =	sadd.s32 s3, s9;
	s6 =	sadd.s32 @!p0 $0x88, s6;
	s7 =	simm.s32 @p2 $0x1082  }
0x22: {  	[simem:s7], [sflag:s8] =	dma.local @!p0 [hbm:s6], $0xF7A  }
0x23: {  	s9 =	sor.u32 $0xD0000000, s2;
	s6 =	simm.s32 $0x108;
	_ =	swait.ge @!p0 [sflag:s8], $0x0  }
0x24: {  	s3 =	sadd.s32 $0x88, s3;
	s6 =	simm.s32 @!p1 $0x1082;
	[sflag:s4] =	ssyncset.s32 $0xFFFFF086  }
0x25: {  	[simem:s6], [sflag:s4] =	dma.local [hbm:s3], $0xF7A  }
0x26: {  	[smem:$0x3F9E] =	sst s1;
	(tag) =	ssettag s2;
	_ =	strace s9  }
0x27: {  	s1 =	sld [smem:$0x3FAE]  }
0x28: {  	s2 =	sld [smem:$0x3FAF]  }
0x29: {  	s4 =	sld [smem:$0x3FB1]  }
0x2a: {  	p0 =	seq.s32 s5, $0x0;
	s5 =	sld [smem:$0x3FB2]  }
0x2b: {  	s6 =	sld [smem:$0x3FB3]  }
0x2c: {  	s7 =	sld [smem:$0x3FB4]  }
0x2d: {  	s3 =	simm.s32 $0x108;
	s8 =	sld [smem:$0x3FB5]  }
0x2e: {  	s3 =	simm.s32 @!p0 $0x1082;
	s9 =	sld [smem:$0x3FB6]  }
0x2f: {  	lr =	sadd.s32 s0, s3;
	s0 =	sld [smem:$0x3FAD]  }
0x30: {  	s3 =	sld [smem:$0x3FB0]  }
0x31: {  	[smem:$0x3FB9] =	sst s10  }
0x32: {  	s10 =	sld [smem:$0x3FB7];
	_ =	sdelay $0x3  }
0x33: {  	p0 =	seq.s32 s10, $0x1;
	s10 =	sld [smem:$0x3FB9];
	_ =	sdelay $0x3  }
0x34: {  	[smem:$0x3FB9] =	sst s10  }
0x35: {  	s10 =	sld [smem:$0x3FB8];
	_ =	sdelay $0x3  }
0x36: {  	p1 =	seq.s32 s10, $0x1;
	s10 =	sld [smem:$0x3FB9];
	_ =	sdelay $0x3  }
0x37: {  	[smem:$0x3FB9] =	sst s10  }
0x38: {  	s10 =	sld [smem:$0x3FBA]  }
0x39: {  	_ = 	snop;
	(pc) =	sbr.ind lr, $3  }
0x3a: {  	_ = 	snop  }
0x3b: {  	_ = 	snop  }
0x3c: {  	p2 =	seq.s32 s10, $0x1;
	s10 =	sld [smem:$0x3FB9]  }
0x3d: {  	_ =	shalt  }
0x3e: {  	_ =	shalt  }
0x3f: {  	_ =	shalt  }
0x40: {  	_ =	shalt  }
0x41: {  	_ =	shalt  }
0x42: {  	_ =	shalt  }
0x43: {  	_ =	shalt  }
0x44: {  	_ =	shalt  }
0x45: {  	_ =	shalt  }
0x46: {  	_ =	shalt  }
0x47: {  	_ =	shalt  }
0x48: {  	_ =	shalt  }
0x49: {  	_ =	shalt  }
0x4a: {  	_ =	shalt  }
0x4b: {  	_ =	shalt  }
0x4c: {  	_ =	shalt  }
0x4d: {  	_ =	shalt  }
0x4e: {  	_ =	shalt  }
0x4f: {  	_ =	shalt  }
0x50: {  	_ =	shalt  }
0x51: {  	_ =	shalt  }
0x52: {  	_ =	shalt  }
0x53: {  	_ =	shalt  }
0x54: {  	_ =	shalt  }
0x55: {  	_ =	shalt  }
0x56: {  	_ =	shalt  }
0x57: {  	_ =	shalt  }
0x58: {  	_ =	shalt  }
0x59: {  	_ =	shalt  }
0x5a: {  	_ =	shalt  }
0x5b: {  	_ =	shalt  }
0x5c: {  	_ =	shalt  }
0x5d: {  	_ =	shalt  }
0x5e: {  	_ =	shalt  }
0x5f: {  	_ =	shalt  }
0x60: {  	_ =	shalt  }
0x61: {  	_ =	shalt  }
0x62: {  	_ =	shalt  }
0x63: {  	_ =	shalt  }
0x64: {  	_ =	shalt  }
0x65: {  	_ =	shalt  }
0x66: {  	_ =	shalt  }
0x67: {  	_ =	shalt  }
0x68: {  	_ =	shalt  }
0x69: {  	_ =	shalt  }
0x6a: {  	_ =	shalt  }
0x6b: {  	_ =	shalt  }
0x6c: {  	_ =	shalt  }
0x6d: {  	_ =	shalt  }
0x6e: {  	_ =	shalt  }
0x6f: {  	_ =	shalt  }
0x70: {  	_ =	shalt  }
0x71: {  	_ =	shalt  }
0x72: {  	_ =	shalt  }
0x73: {  	_ =	shalt  }
0x74: {  	_ =	shalt  }
0x75: {  	_ =	shalt  }
0x76: {  	_ =	shalt  }
0x77: {  	_ =	shalt  }
0x78: {  	_ =	shalt  }
0x79: {  	_ =	shalt  }
0x7a: {  	_ =	shalt  }
0x7b: {  	_ =	shalt  }
0x7c: {  	_ =	shalt  }
0x7d: {  	_ =	shalt  }
0x7e: {  	_ =	shalt  }
0x7f: {  	_ =	shalt  }
0x80: {  	_ =	shalt  }
0x81: {  	_ =	shalt  }
0x82: {  	_ =	shalt  }
0x83: {  	_ =	shalt  }
0x84: {  	_ =	shalt  }
0x85: {  	_ =	shalt  }
0x86: {  	_ =	shalt  }
0x87: {  	_ =	shalt  }
.Lfunc_end0:
.L_simem_size_0:
called_computation_lowered:
.L_overlay_start_0:
0x88: {  	s2 =	sld [smem:$0x3FD9]  }
0x89: {  	s3 =	sld [smem:$0x3FFE];
	_ =	sdelay $0x1  }
0x8a: {  	s1 =	srdreg.scid  }
0x8b: {  	s0 =	sand.u32 $0x1, s1  }
0x8c: {  	s17 =	sshll.u32 s0, $0xA;
	s2 =	sadd.s32 s3, s2  }
0x8d: {  	s2 =	sadd.s32 s2, s17  }
0x8e: {  	[smem:$0x3FC5] =	sst s2  }
0x8f: {  	_ = 	snop  }
0x90: {  	s2 =	sld [smem:$0x3FC8]  }
0x91: {  	s18 =	sld [smem:$0x3FC7]  }
0x92: {  	s4 =	sld [smem:$0x3FD0];
	(tm) =	ssettm $0x1  }
0x93: {  	s5 =	sld [smem:$0x3FFB];
	_ =	sdelay $0x3  }
0x94: {  	_ =	strace s5  }
0x95: {  	s5 =	sld [smem:$0x3FFC];
	_ =	sdelay $0x3  }
0x96: {  	_ =	strace s5  }
0x97: {  	s5 =	sld [smem:$0x3FFD];
	_ =	sdelay $0x3  }
0x98: {  	_ =	strace s5  }
0x99: {  	_ =	strace $0x8FFFFFFF  }
0x9a: {  	s19 =	sld [smem:$0x3FDB];
	_ =	sdelay $0x1  }
0x9b: {  	s6 =	simm.s32 $_scs_section_size  }
0x9c: {  	s7 =	simm.s32 $_size__tile_overlayer_lowered;
	s8 =	simm.s32 $_tile_overlayer_lowered  }
0x9d: {  	s22 =	simm.s32 $0x1BFF;
	s21 =	sshll.u32 s8, $0x1;
	s5 =	sadd.s32 s6, s19  }
0x9e: {  	s9 =	simm.s32 $0x0;
	s20 =	sshll.u32 s7, $0x1;
	s7 =	sadd.s32 s21, s5  }
0x9f: {  	[timem:s9], [sflag:s22] =	dma.local [hbm:s7], s20  }
0xa0: {  	_ =	swait.ge [sflag:s22], s20  }
0xa1: {  	s6 =	ssub.s32 $0x0, s20;
	[sflag:s22] =	ssyncset.done $0x0  }
0xa2: {  	[sflag:s22] =	ssyncadd.s32 s6;
	_ =	sdelay $0x1  }
0xa3: {  	s23 =	simm.s32 $0x1B8B  }
0xa4: {  	_ =	swait.ge [sflag:s23], $0x1  }
0xa5: {  	[sflag:s23] =	ssyncset.done $0x0  }
0xa6: {  	s25 =	simm.s32 $0x1B8E;
	s24 =	sld [smem:$0x3FFE];
	[sflag:s23] =	ssyncadd.s32 $0xFFFFFFFF  }
0xa7: {  	s26 =	simm.s32 $execute0_lowered;
	[smem:$0x3FD2] =	sst s25  }
0xa8: {  	s7 =	sshll.u32 s26, $0x1;
	_ =	strace $0x80000046;
	[dreg:$0x1] =	wrdreg $0xFFFFFFFF  }
0xa9: {  	s28 =	simm.s32 $_size_execute0_lowered;
	s5 =	sadd.s32 s5, s7;
	[dreg:$0x0] =	wrdreg $0x0  }
0xaa: {  	s7 =	sshll.u32 s28, $0x1;
	[dreg:$0x2] =	wrdreg s5  }
0xab: {  	[dreg:$0x3] =	wrdreg s7  }
0xac: {  	[dreg:$0x4] =	wrdreg $0xC0  }
0xad: {  	_ =	task [dreg:s9], $0x5FFFF  }
0xae: {  	[dreg:$0x1] =	wrdreg $0xFFFFFFFF  }
0xaf: {  	[dreg:$0x0] =	wrdreg $0x60  }
0xb0: {  	[dreg:$0x2] =	wrdreg s24  }
0xb1: {  	[dreg:$0x3] =	wrdreg s2  }
0xb2: {  	[dreg:$0x4] =	wrdreg s18  }
0xb3: {  	[dreg:$0x5] =	wrdreg s4  }
0xb4: {  	[dreg:$0x6] =	wrdreg $0x9  }
0xb5: {  	_ =	task.clear_ibuf [dreg:s9], $0x7FFFF;
	_ =	strace $0x90000046  }
0xb6: {  	s29 =	simm.s32 $0x9;
	_ =	strace $0x80000048  }
0xb7: {  	_ =	swait.ge [sflag:s29], $0x1  }
0xb8: {  	[sflag:s29] =	ssyncadd.s32 $0xFFFFFFFF  }
0xb9: {  	_ =	strace $0x90000048  }
0xba: {  	_ =	sfence  }
0xbb: {  	s30 =	sld [smem:$0x0];
	_ =	sdelay $0x2  }
0xbc: {  	s31 =	sshll.u32 s1, $0xD;
	s1 =	sshrl.u32 s1, $0x2  }
0xbd: {  	s3 =	sand.u32 $0x4000, s31;
	s1 =	sadd.s32 s1, s30  }
0xbe: {  	s0 =	sor.u32 s3, s0;
	s1 =	sshll.u32 s1, $0x11  }
0xbf: {  	s0 =	sor.u32 s1, s0  }
0xc0: {  	s0 =	sadd.s32 $0x8F2B, s0  }
0xc1: {  	[sflag:s0] =	ssyncadd.remote.s32 $0x1  }
0xc2: {  	_ =	sfence.sel $0xFFFF  }
0xc3: {  	[dreg:$0x0] =	wrdreg $0xFFFFFFFF;
	(pc) =	sbr.abs _section_cstart, $3  }
0xc4: {  	[dreg:$0x1] =	wrdreg $0xFFFFFFFF  }
0xc5: {  	_ =	task.clear_ibuf [dreg:s9], $0x2FFFF;
	_ =	strace $0x9FFFFFFF  }
0xc6: {  	(tm) =	ssettm $0x7FFFFFFF  }
0xc7: {  	_ =	shalt  }
tec
execute0_lowered:
.L_overlay_start_1:
0x0: {  	(tag) =	ssettag $0x1  }
0x1: {  	v0 =	vimm.s32 $0x76543210;
	v1 =	vimm.s32 $0xFEDCBA98;
	v2 =	vimm.s32 $0xBA98FEDC  }
0x2: {  	v3 =	vimm.s32 $0x32107654;
	vm0 =	vcmask $0x2F20;
	vm1 =	vcmask $0xF00  }
0x3: {  	vm2 =	vcmask $0x700;
	vm3 =	vcmask $0x300;
	v1 =	vunpack.c.l.s4.s8 v1  }
0x4: {  	s0 =	rddreg [dreg:$0x0];
	v0 =	vunpack.c.l.s4.s8 v0;
	v2 =	vunpack.c.l.s4.s8 v2;
	v3 =	vunpack.c.l.s4.s8 v3  }
0x5: {  	s1 =	rddreg [dreg:$0x1];
	vm0 =	vmor vm1, vm0;
	vm1 =	vcmask $0x1710;
	v1 =	vunpack.c.0.s8.s32 v1  }
0x6: {  	s2 =	rddreg [dreg:$0x2];
	vm1 =	vmor vm2, vm1;
	vm2 =	vcmask $0xB08;
	v0 =	vunpack.c.0.s8.s32 v0  }
0x7: {  	s4 =	rddreg [dreg:$0x3];
	v2 =	vunpack.c.0.s8.s32 v2;
	v3 =	vunpack.c.0.s8.s32 v3;
	v1 =	vand.u32 $0xF, v1  }
0x8: {  	s3 =	srdreg.scid;
	s6 =	stileid.u32;
	s9 =	simm.s32 $0x50;
	v4 =	vimm.s32 $0x67452301;
	vm2 =	vmor vm3, vm2;
	v0 =	vcombine.low v1, v0  }
0x9: {  	s28 =	simm.s32 $0x10220;
	s29 =	simm.s32 $0x1;
	s30 =	simm.s32 $0x2;
	v1 =	vcombine.low v3, v2;
	v2 =	vimm.s32 $0xDCFE98BA;
	v3 =	vimm.s32 $0x54761032  }
0xa: {  	s31 =	simm.s32 $0x3;
	s10 =	simm.s32 $0x6;
	s11 =	simm.s32 $0x7;
	vm3 =	vcmask $0x1310;
	v2 =	vunpack.c.l.s4.s8 v2;
	v3 =	vunpack.c.l.s4.s8 v3  }
0xb: {  	vm4 =	vcmask $0x2720;
	s12 =	simm.s32 $0x8;
	s5 =	sand.u32 $0x1, s3;
	s6 =	sshll.u32 s6, $0x1;
	v4 =	vunpack.c.l.s4.s8 v4;
	vm2 =	vmor vm2, vm3  }
0xc: {  	s13 =	simm.s32 $0x9;
	s7 =	ssub.s32 $0x2, s5;
	s5 =	sor.u32 s5, s6;
	vm3 =	vcmask $0x1B18;
	v2 =	vunpack.c.0.s8.s32 v2;
	v3 =	vunpack.c.0.s8.s32 v3  }
0xd: {  	s14 =	simm.s32 $0xA;
	s3 =	simm.s32 $0x0;
	s5 =	smul.u32 $0x4E2, s5;
	vm1 =	vmor vm1, vm4;
	vm4 =	vcmask $0x3730;
	vm2 =	vmor vm2, vm3  }
0xe: {  	s16 =	simm.s32 $0x0;
	[smem:$0x7FF] =	sst s3;
	s23 =	sshrl.u32 s7, $0x1;
	vm3 =	vcmask $0x2320;
	v2 =	vcombine.low v3, v2;
	v3 =	vimm.s32 $0xEFCDAB89  }
.Ltmp0:
0xf: {  	_ =	strace $0x80000047;
	s1 =	sadd.s32 s1, s5;
	vm2 =	vmor vm2, vm3;
	vm3 =	vcmask $0x2B28;
	v3 =	vunpack.c.l.s4.s8 v3;
	(pc) =	sbr.rel .LBB2_1-.Ltmp0, $4  }
0x10: {  	v4 =	vunpack.c.0.s8.s32 v4;
	s6 =	ssub.s32 s7, s23;
	s24 =	sadd.s32 s2, s5;
	[dreg:$0x5] =	wrdreg s1;
	vm2 =	vmor vm2, vm3;
	vm3 =	vcmask $0x3330  }
0x11: {  	s7 =	simm.s32 $0xB;
	s25 =	sadd.s32 s4, s5;
	[dreg:$0x6] =	wrdreg s24;
	vm2 =	vmor vm2, vm3;
	vm3 =	vcmask $0x3B38;
	v3 =	vunpack.c.0.s8.s32 v3  }
0x12: {  	vm1 =	vmor vm1, vm4;
	s26 =	smax.u32 s6, $0x1;
	s2 =	simm.s32 $0x5;
	[dreg:$0x7] =	wrdreg s25;
	v1 =	vand.u32 $0xF, v1;
	vm2 =	vmor vm2, vm3  }
0x13: {  	[dreg:$0x8] =	wrdreg s26;
	s25 =	simm.s32 $0x9E20;
	s1 =	simm.s32 $0x4;
	vm3 =	vmmov $0xff;
	v2 =	vand.u32 $0xF, v2;
	v3 =	vcombine.low v4, v3  }
.LBB2_24:
0x14: {  	s3 =	simm.s32 $0x0;
	s4 =	rddreg [dreg:$0x7];
	s5 =	simm.s32 $0x11620  }
0x15: {  	[hbm4b:s4+s3] =	stream.linear.scatter [tilespmem:s5], [sflag:$0xB], $0x2710, $0x38;
	[tilespmem:$0x13FB0] =	vst v63  }
0x16: {  	_ =	swait.ge [sflag:s7], $0x2710  }
0x17: {  	s16 =	sadd.s32 $0x1, s16;
	s26 =	rddreg [dreg:$0x8]  }
0x18: {  	p0 =	sne.s32 s16, s26  }
.Ltmp1:
0x19: {  	_ = 	snop;
	(pc) =	sbr.rel @!p0 .LBB2_25-.Ltmp1, $3  }
0x1a: {  	_ =	sdelay $0x1  }
0x1b: {  	[sflag:s7] =	ssyncset.done $0x0  }
0x1c: {  	[sflag:s7] =	ssyncadd.s32 $0xFFFFD8F0  }
.LBB2_1:
0x1d: {  	s4 =	rddreg [dreg:$0x5]  }
0x1e: {  	[tilespmem:s3], [sflag:$0xB] =	stream.linear.gather [hbm4b:s4+s3], $0x2710, $0x38;
	[tilespmem:$0x13FB0] =	vst v63  }
0x1f: {  	_ =	swait.ge [sflag:s7], $0x2710  }
0x20: {  	[sflag:s7] =	ssyncset.done $0x0  }
0x21: {  	s5 =	simm.s32 $0x2710;
	s24 =	rddreg [dreg:$0x6];
	[sflag:s7] =	ssyncadd.s32 $0xFFFFD8F0  }
0x22: {  	[tilespmem:s5], [sflag:$0xB] =	stream.linear.gather [hbm4b:s24+s3], $0x2710, $0x38;
	[tilespmem:$0x13FB0] =	vst v63  }
0x23: {  	_ =	swait.ge [sflag:s7], $0x2710  }
0x24: {  	[sflag:s7] =	ssyncset.done $0x0  }
0x25: {  	s26 =	simm.s32 $0x4E20;
	[sflag:s7] =	ssyncadd.s32 $0xFFFFD8F0  }
0x26: {  	[tilespmem:s26], [sflag:$0x1] =	stream.indirect.gather [hbm4b:s0+s9], $0x40, s3, s9, $0xb8;
	[tilespmem:$0x13FB0] =	vst v63  }
0x27: {  	s4 =	simm.s32 $0xB220  }
0x28: {  	[tilespmem:s4], [sflag:$0x2] =	stream.indirect.gather [hbm4b:s0+s9], $0x40, s5, s9, $0xb8;
	[tilespmem:$0x13FB0] =	vst v63  }
0x29: {  	s5 =	simm.s32 $0x6220  }
0x2a: {  	[tilespmem:s5], [sflag:$0x3] =	stream.indirect.gather [hbm4b:s0+s9], $0x40, s9, s9, $0xb8;
	[tilespmem:$0x13FB0] =	vst v63  }
0x2b: {  	s6 =	simm.s32 $0x2760;
	s8 =	simm.s32 $0xC620  }
0x2c: {  	[tilespmem:s8], [sflag:$0x4] =	stream.indirect.gather [hbm4b:s0+s9], $0x40, s6, s9, $0xb8;
	[tilespmem:$0x13FB0] =	vst v63  }
0x2d: {  	s15 =	simm.s32 $0xA0;
	s17 =	simm.s32 $0x7620  }
0x2e: {  	[tilespmem:s17], [sflag:$0x5] =	stream.indirect.gather [hbm4b:s0+s9], $0x40, s15, s9, $0xb8;
	[tilespmem:$0x13FB0] =	vst v63  }
0x2f: {  	s18 =	simm.s32 $0x27B0;
	s19 =	simm.s32 $0xDA20  }
0x30: {  	[tilespmem:s19], [sflag:$0x6] =	stream.indirect.gather [hbm4b:s0+s9], $0x40, s18, s9, $0xb8;
	[tilespmem:$0x13FB0] =	vst v63  }
0x31: {  	s20 =	simm.s32 $0xF0;
	s21 =	simm.s32 $0x8A20;
	s22 =	simm.s32 $0x2800  }
0x32: {  	[tilespmem:s21], [sflag:$0x7] =	stream.indirect.gather [hbm4b:s0+s9], $0x40, s20, s9, $0xb8;
	[tilespmem:$0x13FB0] =	vst v63  }
0x33: {  	s23 =	simm.s32 $0xEE20;
	s24 =	simm.s32 $0x140;
	s26 =	simm.s32 $0x2850  }
0x34: {  	[tilespmem:s23], [sflag:$0x8] =	stream.indirect.gather [hbm4b:s0+s9], $0x40, s22, s9, $0xb8;
	[tilespmem:$0x13FB0] =	vst v63  }
0x35: {  	s17 =	simm.s32 $0x11670;
	s18 =	simm.s32 $0x116C0;
	s19 =	simm.s32 $0x11710  }
0x36: {  	[tilespmem:s25], [sflag:$0x9] =	stream.indirect.gather [hbm4b:s0+s9], $0x40, s24, s9, $0xb8;
	[tilespmem:$0x13FB0] =	vst v63  }
0x37: {  	s20 =	simm.s32 $0x11760;
	s21 =	simm.s32 $0x11620;
	s23 =	simm.s32 $0x0  }
0x38: {  	[tilespmem:s28], [sflag:$0xA] =	stream.indirect.gather [hbm4b:s0+s9], $0x40, s26, s9, $0xb8;
	[tilespmem:$0x13FB0] =	vst v63  }
.LBB2_2:
0x39: {  	_ =	swait.ge [sflag:s29], $0x1400;
	s4 =	simm.s32 $0x0  }
0x3a: {  	s5 =	simm.s32 $0x0;
	s24 =	simm.s32 $0x0;
	[sflag:s29] =	ssyncset.done $0x0  }
0x3b: {  	s4 =	sand.u32 $0x2, s4;
	s5 =	sand.u32 $0x1, s5;
	[sflag:s29] =	ssyncadd.s32 $0xFFFFEC00  }
0x3c: {  	s15 =	sand.u32 $0x70, s24;
	s4 =	sor.u32 s4, s5;
	_ =	swait.ge [sflag:s30], $0x1400  }
0x3d: {  	s4 =	sor.u32 s15, s4;
	[sflag:s30] =	ssyncset.done $0x0  }
0x3e: {  	s4 =	sshll.u32 s4, $0x6;
	[sflag:s30] =	ssyncadd.s32 $0xFFFFEC00  }
0x3f: {  	v4 =	vld [tilespmem:s4+$0x4F20]  }
0x40: {  	v5 =	vld [tilespmem:s4+$0xB320]  }
0x41: {  	v6 =	vld [tilespmem:s4+$0x4F30]  }
0x42: {  	v7 =	vld [tilespmem:s4+$0xB330]  }
0x43: {  	v8 =	vld [tilespmem:s4+$0x4F40]  }
0x44: {  	v9 =	vld [tilespmem:s4+$0xB340]  }
0x45: {  	v10 =	vld [tilespmem:s4+$0x4F50]  }
0x46: {  	v11 =	vld [tilespmem:s4+$0xB350]  }
0x47: {  	v12 =	vld [tilespmem:s4+$0x5120];
	v13 =	vshll.u32 v4, $0x10  }
0x48: {  	v14 =	vld [tilespmem:s4+$0xB520];
	v4 =	vand.u32 $0xFFFF0000, v4;
	v15 =	vshll.u32 v5, $0x10;
	v5 =	vand.u32 $0xFFFF0000, v5  }
0x49: {  	v16 =	vld [tilespmem:s4+$0x5130];
	v17 =	vshll.u32 v6, $0x10;
	v6 =	vand.u32 $0xFFFF0000, v6;
	v18 =	vshll.u32 v7, $0x10  }
0x4a: {  	v19 =	vld [tilespmem:s4+$0xB530];
	v7 =	vand.u32 $0xFFFF0000, v7;
	v20 =	vshll.u32 v8, $0x10;
	v8 =	vand.u32 $0xFFFF0000, v8  }
0x4b: {  	v22 =	vshll.u32 v9, $0x10;
	v9 =	vand.u32 $0xFFFF0000, v9;
	v23 =	vshll.u32 v10, $0x10  }
0x4c: {  	v21 =	vld [tilespmem:s4+$0x5140];
	v10 =	vand.u32 $0xFFFF0000, v10;
	v24 =	vshll.u32 v11, $0x10;
	v11 =	vand.u32 $0xFFFF0000, v11  }
0x4d: {  	v26 =	vshll.u32 v12, $0x10;
	v12 =	vand.u32 $0xFFFF0000, v12;
	v27 =	vshll.u32 v14, $0x10  }
0x4e: {  	v25 =	vld [tilespmem:s4+$0xB540];
	v14 =	vand.u32 $0xFFFF0000, v14;
	v28 =	vshll.u32 v16, $0x10;
	v16 =	vand.u32 $0xFFFF0000, v16  }
0x4f: {  	v30 =	vshll.u32 v19, $0x10;
	v13 =	vmul.f32 v15, v13;
	v4 =	vmul.f32 v5, v4  }
0x50: {  	v19 =	vand.u32 $0xFFFF0000, v19;
	v17 =	vmul.f32 v18, v17;
	v6 =	vmul.f32 v7, v6  }
0x51: {  	v29 =	vld [tilespmem:s4+$0x5150];
	v31 =	vshll.u32 v21, $0x10;
	v18 =	vmul.f32 v22, v20;
	v8 =	vmul.f32 v9, v8  }
0x52: {  	v5 =	vand.u32 $0xFFFF0000, v21;
	v15 =	vld [tilespmem:s4+$0xB550];
	v21 =	vmul.f32 v24, v23;
	v10 =	vmul.f32 v11, v10  }
0x53: {  	v7 =	vshll.u32 v25, $0x10;
	v9 =	vld [tilespmem:s4+$0x4E20];
	v23 =	vmul.f32 v27, v26;
	v12 =	vmul.f32 v14, v12  }
0x54: {  	v20 =	vand.u32 $0xFFFF0000, v25;
	v11 =	vld [tilespmem:s4+$0xB220];
	v25 =	vmul.f32 v30, v28;
	v16 =	vmul.f32 v19, v16  }
0x55: {  	v19 =	vld [tilespmem:s4+$0xB230];
	v7 =	vmul.f32 v7, v31;
	v4 =	vadd.f32 v4, v13;
	v6 =	vadd.f32 v6, v17  }
0x56: {  	v27 =	vld [tilespmem:s4+$0x5050];
	v5 =	vmul.f32 v20, v5;
	v8 =	vadd.f32 v8, v18;
	v10 =	vadd.f32 v10, v21  }
0x57: {  	v22 =	vshll.u32 v29, $0x10;
	v30 =	vld [tilespmem:s4+$0xB450];
	v12 =	vadd.f32 v12, v23;
	v16 =	vadd.f32 v16, v25  }
0x58: {  	v24 =	vand.u32 $0xFFFF0000, v29;
	v5 =	vadd.f32 v5, v7;
	v4 =	vadd.f32 v6, v4  }
0x59: {  	v13 =	vld [tilespmem:s4+$0xB240];
	v8 =	vadd.f32 v10, v8;
	v26 =	vshll.u32 v15, $0x10;
	v15 =	vand.u32 $0xFFFF0000, v15  }
0x5a: {  	v18 =	vld [tilespmem:s4+$0x4E50];
	v21 =	vshll.u32 v9, $0x10;
	v9 =	vand.u32 $0xFFFF0000, v9;
	v10 =	vand.u32 $0xFFFF0000, v11  }
0x5b: {  	v7 =	vld [tilespmem:s4+$0x5020];
	v23 =	vshll.u32 v19, $0x10;
	v19 =	vand.u32 $0xFFFF0000, v19;
	v37 =	vshll.u32 v27, $0x10  }
0x5c: {  	v6 =	vld [tilespmem:s4+$0xB420];
	v27 =	vand.u32 $0xFFFF0000, v27;
	v38 =	vshll.u32 v30, $0x10;
	v17 =	vmul.f32 v26, v22  }
0x5d: {  	v14 =	vld [tilespmem:s4+$0x4E30];
	v15 =	vmul.f32 v15, v24;
	v4 =	vadd.f32 v8, v4;
	v9 =	vmul.f32 v10, v9  }
0x5e: {  	v22 =	vld [tilespmem:s4+$0xB250];
	v10 =	vand.u32 $0xFFFF0000, v30;
	v25 =	vshll.u32 v13, $0x10;
	v13 =	vand.u32 $0xFFFF0000, v13  }
0x5f: {  	v8 =	vld [tilespmem:s4+$0x5040];
	v26 =	vshll.u32 v18, $0x10;
	v18 =	vand.u32 $0xFFFF0000, v18;
	v10 =	vmul.f32 v10, v27  }
0x60: {  	v24 =	vld [tilespmem:s4+$0xB440];
	v15 =	vadd.f32 v15, v17;
	v17 =	vshll.u32 v11, $0x10;
	v11 =	vadd.f32 v16, v12  }
0x61: {  	v31 =	vshll.u32 v7, $0x10;
	v7 =	vand.u32 $0xFFFF0000, v7;
	v32 =	vshll.u32 v6, $0x10  }
0x62: {  	v20 =	vld [tilespmem:s4+$0x4E40];
	v6 =	vand.u32 $0xFFFF0000, v6;
	v17 =	vmul.f32 v17, v21;
	v5 =	vadd.f32 v15, v5  }
0x63: {  	v15 =	vshll.u32 v14, $0x10;
	v14 =	vand.u32 $0xFFFF0000, v14;
	v6 =	vmul.f32 v6, v7  }
0x64: {  	s22 =	simm.s32 $0x2;
	s26 =	simm.s32 $0x0;
	v12 =	vld [tilespmem:s4+$0x5030];
	v29 =	vshll.u32 v22, $0x10;
	v22 =	vand.u32 $0xFFFF0000, v22;
	v35 =	vshll.u32 v8, $0x10  }
0x65: {  	s6 =	simm.s32 $0x4;
	s5 =	sand.u32 $0x1, s26;
	v16 =	vld [tilespmem:s4+$0xB430];
	s4 =	sand.u32 $0x2, s22;
	v8 =	vand.u32 $0xFFFF0000, v8;
	v36 =	vshll.u32 v24, $0x10;
	v24 =	vand.u32 $0xFFFF0000, v24  }
0x66: {  	s3 =	sand.u32 $0x70, s6;
	s4 =	sor.u32 s4, s5;
	v15 =	vmul.f32 v23, v15;
	v14 =	vmul.f32 v19, v14;
	v9 =	vadd.f32 v9, v17  }
0x67: {  	s4 =	sor.u32 s3, s4;
	v5 =	vadd.f32 v5, v11;
	v11 =	vshll.u32 v20, $0x10;
	v18 =	vmul.f32 v22, v18  }
0x68: {  	s4 =	sshll.u32 s4, $0x6;
	v20 =	vand.u32 $0xFFFF0000, v20;
	v21 =	vmul.f32 v36, v35;
	v8 =	vmul.f32 v24, v8  }
0x69: {  	v19 =	vld [tilespmem:s4+$0x4F20];
	v22 =	vmul.f32 v38, v37;
	v33 =	vshll.u32 v12, $0x10;
	v12 =	vand.u32 $0xFFFF0000, v12  }
0x6a: {  	v23 =	vld [tilespmem:s4+$0x4F50];
	v34 =	vshll.u32 v16, $0x10;
	v11 =	vmul.f32 v25, v11;
	v13 =	vmul.f32 v13, v20  }
0x6b: {  	v43 =	vld [tilespmem:s4+$0x5050];
	v16 =	vand.u32 $0xFFFF0000, v16;
	v20 =	vmul.f32 v29, v26;
	v14 =	vadd.f32 v14, v15  }
0x6c: {  	v25 =	vld [tilespmem:s4+$0x5140];
	v12 =	vmul.f32 v16, v12;
	v8 =	vadd.f32 v8, v21;
	v11 =	vadd.f32 v13, v11  }
0x6d: {  	v17 =	vld [tilespmem:s4+$0xB320];
	v13 =	vmul.f32 v32, v31;
	v18 =	vadd.f32 v18, v20;
	v20 =	vmul.f32 v34, v33  }
0x6e: {  	v7 =	vld [tilespmem:s4+$0xB330];
	v28 =	vsel vm3, v5, v4;
	v10 =	vadd.f32 v10, v22;
	v14 =	vadd.f32 v14, v9  }
0x6f: {  	v15 =	vld [tilespmem:s4+$0x4F30];
	v4 =	vsel vm3, v4, v5;
	v6 =	vadd.f32 v6, v13;
	v12 =	vadd.f32 v12, v20  }
0x70: {  	v16 =	vld [tilespmem:s4+$0x4F40];
	v20 =	vperm.xlane v28, v0;
	v11 =	vadd.f32 v18, v11;
	v27 =	vshll.u32 v23, $0x10  }
0x71: {  	v21 =	vld [tilespmem:s4+$0xB350];
	v23 =	vand.u32 $0xFFFF0000, v23;
	v33 =	vand.u32 $0xFFFF0000, v43;
	v41 =	vshll.u32 v25, $0x10  }
0x72: {  	v22 =	vld [tilespmem:s4+$0xB530];
	v9 =	vadd.f32 v4, v20;
	v5 =	vadd.f32 v12, v6;
	v12 =	vshll.u32 v19, $0x10  }
0x73: {  	v4 =	vadd.f32 v11, v14;
	v6 =	vadd.f32 v10, v8;
	v8 =	vand.u32 $0xFFFF0000, v19  }
0x74: {  	v29 =	vld [tilespmem:s4+$0xB540];
	v10 =	vshll.u32 v17, $0x10;
	v11 =	vand.u32 $0xFFFF0000, v17;
	v17 =	vshll.u32 v15, $0x10  }
0x75: {  	v39 =	vld [tilespmem:s4+$0x5150];
	v15 =	vand.u32 $0xFFFF0000, v15;
	v19 =	vshll.u32 v7, $0x10;
	v7 =	vand.u32 $0xFFFF0000, v7  }
0x76: {  	v13 =	vld [tilespmem:s4+$0xB340];
	v24 =	vshll.u32 v16, $0x10;
	v16 =	vand.u32 $0xFFFF0000, v16;
	v28 =	vshll.u32 v21, $0x10  }
0x77: {  	v18 =	vld [tilespmem:s4+$0x5120];
	v21 =	vand.u32 $0xFFFF0000, v21;
	v40 =	vshll.u32 v22, $0x10;
	v22 =	vand.u32 $0xFFFF0000, v22  }
0x78: {  	v10 =	vmul.f32 v10, v12;
	v8 =	vmul.f32 v11, v8;
	v11 =	vand.u32 $0xFFFF0000, v25  }
0x79: {  	v20 =	vld [tilespmem:s4+$0xB520];
	v17 =	vmul.f32 v19, v17;
	v7 =	vmul.f32 v7, v15;
	v15 =	vshll.u32 v29, $0x10  }
0x7a: {  	v14 =	vld [tilespmem:s4+$0x5130];
	v21 =	vmul.f32 v21, v23;
	v23 =	vshll.u32 v39, $0x10;
	v15 =	vmul.f32 v15, v41  }
0x7b: {  	v6 =	vadd.f32 v6, v5;
	v26 =	vshll.u32 v13, $0x10;
	v13 =	vand.u32 $0xFFFF0000, v13  }
0x7c: {  	v30 =	vshll.u32 v18, $0x10;
	v18 =	vand.u32 $0xFFFF0000, v18;
	v8 =	vadd.f32 v8, v10  }
0x7d: {  	v12 =	vld [tilespmem:s4+$0xB550];
	v7 =	vadd.f32 v7, v17;
	v19 =	vmul.f32 v26, v24;
	v13 =	vmul.f32 v13, v16  }
0x7e: {  	v25 =	vld [tilespmem:s4+$0x4E20];
	v16 =	vand.u32 $0xFFFF0000, v29;
	v24 =	vmul.f32 v28, v27;
	v31 =	vshll.u32 v20, $0x10  }
0x7f: {  	v20 =	vand.u32 $0xFFFF0000, v20;
	v38 =	vshll.u32 v14, $0x10;
	v14 =	vand.u32 $0xFFFF0000, v14  }
0x80: {  	v11 =	vmul.f32 v16, v11;
	v7 =	vadd.f32 v7, v8;
	v26 =	vmul.f32 v31, v30  }
0x81: {  	v27 =	vld [tilespmem:s4+$0xB220];
	v18 =	vmul.f32 v20, v18;
	v20 =	vand.u32 $0xFFFF0000, v39;
	v28 =	vmul.f32 v40, v38  }
0x82: {  	v29 =	vld [tilespmem:s4+$0x4E30];
	v14 =	vmul.f32 v22, v14;
	v22 =	vshll.u32 v12, $0x10;
	v12 =	vand.u32 $0xFFFF0000, v12  }
0x83: {  	v17 =	vld [tilespmem:s4+$0x4E40];
	v13 =	vadd.f32 v13, v19;
	v19 =	vadd.f32 v21, v24;
	v21 =	vshll.u32 v25, $0x10  }
0x84: {  	v16 =	vld [tilespmem:s4+$0xB230];
	v10 =	vmul.f32 v22, v23;
	v12 =	vmul.f32 v12, v20;
	v11 =	vadd.f32 v11, v15  }
0x85: {  	v39 =	vshll.u32 v43, $0x10;
	v18 =	vadd.f32 v18, v26;
	v14 =	vadd.f32 v14, v28  }
0x86: {  	v31 =	vld [tilespmem:s4+$0xB440];
	v23 =	vand.u32 $0xFFFF0000, v25;
	v8 =	vadd.f32 v19, v13;
	v10 =	vadd.f32 v12, v10  }
0x87: {  	v20 =	vld [tilespmem:s4+$0xB240];
	v15 =	vshll.u32 v27, $0x10;
	v19 =	vand.u32 $0xFFFF0000, v27;
	v24 =	vand.u32 $0xFFFF0000, v29  }
0x88: {  	v22 =	vld [tilespmem:s4+$0x4E50];
	v27 =	vshll.u32 v17, $0x10;
	v17 =	vand.u32 $0xFFFF0000, v17;
	v14 =	vadd.f32 v14, v18  }
0x89: {  	v13 =	vld [tilespmem:s4+$0x5020];
	v18 =	vshll.u32 v29, $0x10;
	v25 =	vshll.u32 v16, $0x10;
	v16 =	vand.u32 $0xFFFF0000, v16  }
0x8a: {  	v7 =	vadd.f32 v8, v7;
	v15 =	vmul.f32 v15, v21;
	v19 =	vmul.f32 v19, v23  }
0x8b: {  	v12 =	vld [tilespmem:s4+$0xB250];
	v10 =	vadd.f32 v10, v11;
	v48 =	vshll.u32 v31, $0x10;
	v31 =	vand.u32 $0xFFFF0000, v31  }
0x8c: {  	v29 =	vld [tilespmem:s4+$0x5040];
	v18 =	vmul.f32 v25, v18;
	v16 =	vmul.f32 v16, v24;
	v28 =	vshll.u32 v20, $0x10  }
0x8d: {  	v20 =	vand.u32 $0xFFFF0000, v20;
	v30 =	vshll.u32 v22, $0x10;
	v22 =	vand.u32 $0xFFFF0000, v22  }
0x8e: {  	v26 =	vld [tilespmem:s4+$0x5030];
	v15 =	vadd.f32 v19, v15;
	v8 =	vadd.f32 v10, v14;
	v44 =	vshll.u32 v13, $0x10  }
0x8f: {  	v11 =	vld [tilespmem:s4+$0xB420];
	v13 =	vand.u32 $0xFFFF0000, v13;
	v5 =	vmul.f32 v28, v27;
	v17 =	vmul.f32 v20, v17  }
0x90: {  	s6 =	simm.s32 $0x1;
	s26 =	simm.s32 $0x4;
	v14 =	vld [tilespmem:s4+$0xB430];
	v16 =	vadd.f32 v16, v18;
	v42 =	vshll.u32 v12, $0x10;
	v12 =	vand.u32 $0xFFFF0000, v12  }
0x91: {  	s8 =	sand.u32 $0x2, s26;
	s15 =	simm.s32 $0x8;
	v10 =	vsel vm3, v8, v7;
	v7 =	vsel vm3, v7, v8;
	v8 =	vld [tilespmem:s4+$0xB450];
	v47 =	vshll.u32 v29, $0x10;
	s4 =	sand.u32 $0x1, s6  }
0x92: {  	s22 =	sand.u32 $0x70, s15;
	v29 =	vand.u32 $0xFFFF0000, v29;
	v20 =	vmul.f32 v42, v30;
	v12 =	vmul.f32 v12, v22;
	s4 =	sor.u32 s8, s4  }
0x93: {  	v5 =	vadd.f32 v17, v5;
	v15 =	vadd.f32 v16, v15;
	v10 =	vperm.xlane v10, v0;
	s4 =	sor.u32 s22, s4  }
0x94: {  	v45 =	vshll.u32 v11, $0x10;
	v22 =	vmul.f32 v48, v47;
	v24 =	vmul.f32 v31, v29;
	s5 =	sshll.u32 s4, $0x6  }
0x95: {  	v17 =	vmul.f32 v45, v44;
	v12 =	vadd.f32 v12, v20;
	v10 =	vadd.f32 v7, v10;
	v23 =	vld [tilespmem:s5+$0x4F20]  }
0x96: {  	v7 =	vand.u32 $0xFFFF0000, v11;
	v11 =	vshll.u32 v26, $0x10;
	v26 =	vand.u32 $0xFFFF0000, v26;
	v19 =	vld [tilespmem:s5+$0xB320]  }
0x97: {  	v46 =	vshll.u32 v14, $0x10;
	v14 =	vand.u32 $0xFFFF0000, v14;
	v16 =	vadd.f32 v24, v22;
	v18 =	vld [tilespmem:s5+$0x4F30]  }
0x98: {  	v22 =	vsel vm3, v6, v4;
	v7 =	vmul.f32 v7, v13;
	v13 =	vld [tilespmem:s5+$0xB330];
	v11 =	vmul.f32 v46, v11  }
0x99: {  	v14 =	vmul.f32 v14, v26;
	v20 =	vld [tilespmem:s5+$0x4F40];
	v21 =	vshll.u32 v8, $0x10;
	v8 =	vand.u32 $0xFFFF0000, v8  }
0x9a: {  	v24 =	vld [tilespmem:s5+$0xB350];
	v12 =	vadd.f32 v12, v5;
	v21 =	vmul.f32 v21, v39;
	v8 =	vmul.f32 v8, v33  }
0x9b: {  	v5 =	vperm.xlane v22, v0;
	v22 =	vld [tilespmem:s5+$0xB520];
	v7 =	vadd.f32 v7, v17;
	v11 =	vadd.f32 v14, v11  }
0x9c: {  	v4 =	vsel vm3, v4, v6;
	v26 =	vld [tilespmem:s5+$0xB530];
	v6 =	vadd.f32 v12, v15;
	v8 =	vadd.f32 v8, v21  }
0x9d: {  	v28 =	vld [tilespmem:s5+$0x5140];
	v7 =	vadd.f32 v11, v7;
	v11 =	vshll.u32 v23, $0x10;
	v12 =	vand.u32 $0xFFFF0000, v23  }
0x9e: {  	v49 =	vld [tilespmem:s5+$0xB540];
	v15 =	vshll.u32 v19, $0x10;
	v23 =	vshll.u32 v18, $0x10;
	v18 =	vand.u32 $0xFFFF0000, v18  }
0x9f: {  	v17 =	vld [tilespmem:s5+$0xB340];
	v25 =	vshll.u32 v13, $0x10;
	v13 =	vand.u32 $0xFFFF0000, v13;
	v27 =	vshll.u32 v20, $0x10  }
0xa0: {  	v14 =	vld [tilespmem:s5+$0x4F50];
	v20 =	vand.u32 $0xFFFF0000, v20;
	v31 =	vshll.u32 v24, $0x10;
	v24 =	vand.u32 $0xFFFF0000, v24  }
0xa1: {  	v51 =	vshll.u32 v22, $0x10;
	v22 =	vand.u32 $0xFFFF0000, v22;
	v54 =	vshll.u32 v26, $0x10  }
0xa2: {  	v26 =	vand.u32 $0xFFFF0000, v26;
	v55 =	vshll.u32 v28, $0x10;
	v8 =	vadd.f32 v8, v16  }
0xa3: {  	v53 =	vld [tilespmem:s5+$0x5150];
	v16 =	vand.u32 $0xFFFF0000, v19;
	v11 =	vmul.f32 v15, v11;
	v15 =	vand.u32 $0xFFFF0000, v28  }
0xa4: {  	v21 =	vld [tilespmem:s5+$0x5120];
	v23 =	vmul.f32 v25, v23;
	v13 =	vmul.f32 v13, v18;
	v18 =	vshll.u32 v49, $0x10  }
0xa5: {  	v29 =	vshll.u32 v17, $0x10;
	v17 =	vand.u32 $0xFFFF0000, v17;
	v30 =	vshll.u32 v14, $0x10  }
0xa6: {  	v19 =	vld [tilespmem:s5+$0x5130];
	v14 =	vand.u32 $0xFFFF0000, v14;
	v12 =	vmul.f32 v16, v12;
	v18 =	vmul.f32 v18, v55  }
0xa7: {  	v25 =	vmul.f32 v29, v27;
	v17 =	vmul.f32 v17, v20;
	v20 =	vand.u32 $0xFFFF0000, v49  }
0xa8: {  	v16 =	vld [tilespmem:s5+$0xB550];
	v27 =	vmul.f32 v31, v30;
	v14 =	vmul.f32 v24, v14;
	v24 =	vshll.u32 v53, $0x10  }
0xa9: {  	v56 =	vld [tilespmem:s5+$0x4E30];
	v23 =	vadd.f32 v13, v23;
	v50 =	vshll.u32 v21, $0x10;
	v21 =	vand.u32 $0xFFFF0000, v21  }
0xaa: {  	v60 =	vld [tilespmem:s5+$0x5020];
	v15 =	vmul.f32 v20, v15;
	v57 =	vadd.f32 v12, v11;
	v29 =	vmul.f32 v51, v50  }
0xab: {  	v59 =	vld [tilespmem:s5+$0xB250];
	v21 =	vmul.f32 v22, v21;
	v22 =	vand.u32 $0xFFFF0000, v53;
	v52 =	vshll.u32 v19, $0x10  }
0xac: {  	v28 =	vld [tilespmem:s5+$0x4E20];
	v17 =	vadd.f32 v17, v25;
	v19 =	vand.u32 $0xFFFF0000, v19;
	v31 =	vmul.f32 v54, v52  }
0xad: {  	v30 =	vld [tilespmem:s5+$0xB220];
	v19 =	vmul.f32 v26, v19;
	v26 =	vshll.u32 v16, $0x10;
	v16 =	vand.u32 $0xFFFF0000, v16  }
0xae: {  	s8 =	simm.s32 $0x13D40;
	v20 =	vld [tilespmem:s5+$0xB230];
	v14 =	vadd.f32 v14, v27;
	v13 =	vmul.f32 v26, v24;
	v16 =	vmul.f32 v16, v22  }
0xaf: {  	[tilespmem:s8+$0x0] =	vst v9;
	s4 =	simm.s32 $0x13D60;
	v58 =	vld [tilespmem:s5+$0x4E50];
	v9 =	vshll.u32 v60, $0x10;
	v15 =	vadd.f32 v15, v18;
	v21 =	vadd.f32 v21, v29  }
0xb0: {  	[tilespmem:s4+$0x0] =	vst v10;
	v10 =	vand.u32 $0xFFFF0000, v60;
	v25 =	vld [tilespmem:s5+$0xB240];
	v19 =	vadd.f32 v19, v31;
	v16 =	vadd.f32 v16, v13  }
0xb1: {  	v11 =	vshll.u32 v28, $0x10;
	v23 =	vadd.f32 v23, v57;
	v27 =	vadd.f32 v14, v17;
	v24 =	vld [tilespmem:s5+$0x4E40]  }
0xb2: {  	v12 =	vand.u32 $0xFFFF0000, v28;
	v22 =	vld [tilespmem:s5+$0xB420];
	v19 =	vadd.f32 v19, v21;
	v21 =	vadd.f32 v16, v15  }
0xb3: {  	v32 =	vld [tilespmem:s5+$0x5050];
	v28 =	vshll.u32 v59, $0x10;
	v14 =	vand.u32 $0xFFFF0000, v30;
	v17 =	vshll.u32 v20, $0x10  }
0xb4: {  	v29 =	vld [tilespmem:s5+$0x5040];
	v18 =	vand.u32 $0xFFFF0000, v20;
	v33 =	vadd.f32 v27, v23;
	v61 =	vadd.f32 v21, v19  }
0xb5: {  	v26 =	vld [tilespmem:s5+$0x5030];
	v13 =	vshll.u32 v30, $0x10;
	v23 =	vshll.u32 v25, $0x10;
	v15 =	vshll.u32 v56, $0x10  }
0xb6: {  	v27 =	vld [tilespmem:s5+$0xB430];
	v16 =	vand.u32 $0xFFFF0000, v56;
	v20 =	vand.u32 $0xFFFF0000, v24;
	v30 =	vsel vm3, v61, v33  }
0xb7: {  	v31 =	vld [tilespmem:s5+$0xB440];
	v34 =	vshll.u32 v22, $0x10;
	v19 =	vshll.u32 v24, $0x10;
	v62 =	vperm.xlane v30, v0  }
0xb8: {  	v24 =	vand.u32 $0xFFFF0000, v25;
	v21 =	vshll.u32 v58, $0x10;
	v63 =	vsel vm3, v33, v61;
	v33 =	vld [tilespmem:s5+$0xB450]  }
0xb9: {  	v25 =	vand.u32 $0xFFFF0000, v58;
	s5 =	simm.s32 $0x13D60;
	v30 =	vand.u32 $0xFFFF0000, v59;
	v35 =	vadd.f32 v63, v62  }
.LBB2_3:
0xba: {  	s26 =	sadd.s32 $0x2, s26;
	v22 =	vand.u32 $0xFFFF0000, v22;
	v36 =	vshll.u32 v26, $0x10;
	v26 =	vand.u32 $0xFFFF0000, v26;
	s4 =	sadd.s32 $0x20, s4  }
0xbb: {  	v37 =	vshll.u32 v27, $0x10;
	v27 =	vand.u32 $0xFFFF0000, v27;
	v38 =	vshll.u32 v29, $0x10;
	s6 =	sshrl.u32 s26, $0x2;
	p0 =	slt.u32 s26, $0x26;
	[tilespmem:s4+$0x0] =	vst v35  }
0xbc: {  	v29 =	vand.u32 $0xFFFF0000, v29;
	s15 =	sadd.s32 $0x4, s15;
	s22 =	sand.u32 $0x2, s26;
	v35 =	vshll.u32 v31, $0x10;
	v31 =	vand.u32 $0xFFFF0000, v31;
	s6 =	sand.u32 $0x1, s6  }
0xbd: {  	v39 =	vshll.u32 v32, $0x10;
	v32 =	vand.u32 $0xFFFF0000, v32;
	v40 =	vshll.u32 v33, $0x10;
	s6 =	sor.u32 s22, s6;
	s22 =	sand.u32 $0x70, s15  }
0xbe: {  	v11 =	vmul.f32 v13, v11;
	v12 =	vmul.f32 v14, v12;
	v13 =	vand.u32 $0xFFFF0000, v33;
	s6 =	sor.u32 s22, s6  }
0xbf: {  	v14 =	vmul.f32 v17, v15;
	v15 =	vmul.f32 v18, v16;
	v8 =	vadd.f32 v8, v7;
	s6 =	sshll.u32 s6, $0x6  }
0xc0: {  	v7 =	vmul.f32 v23, v19;
	v17 =	vmul.f32 v24, v20;
	v11 =	vadd.f32 v12, v11;
	v16 =	vld [tilespmem:s6+$0x4F20]  }
0xc1: {  	v18 =	vmul.f32 v28, v21;
	v19 =	vmul.f32 v30, v25;
	v14 =	vadd.f32 v15, v14;
	v12 =	vld [tilespmem:s6+$0xB320]  }
0xc2: {  	v9 =	vmul.f32 v34, v9;
	v10 =	vmul.f32 v22, v10;
	v7 =	vadd.f32 v17, v7;
	v15 =	vld [tilespmem:s6+$0x4F30]  }
0xc3: {  	v20 =	vmul.f32 v27, v26;
	v18 =	vadd.f32 v19, v18;
	v19 =	vmul.f32 v37, v36;
	v17 =	vld [tilespmem:s6+$0xB330]  }
0xc4: {  	v22 =	vmul.f32 v35, v38;
	v23 =	vmul.f32 v31, v29;
	v9 =	vadd.f32 v10, v9;
	v21 =	vld [tilespmem:s6+$0x4F40]  }
0xc5: {  	v24 =	vmul.f32 v40, v39;
	v13 =	vmul.f32 v13, v32;
	v19 =	vadd.f32 v20, v19;
	v10 =	vld [tilespmem:s6+$0xB340]  }
0xc6: {  	v11 =	vadd.f32 v14, v11;
	v14 =	vadd.f32 v23, v22;
	v22 =	vsel vm3, v8, v6;
	v20 =	vld [tilespmem:s6+$0x4F50]  }
0xc7: {  	v13 =	vadd.f32 v13, v24;
	v18 =	vadd.f32 v18, v7;
	v22 =	vperm.xlane v22, v0;
	v23 =	vld [tilespmem:s6+$0xB350]  }
0xc8: {  	v7 =	vadd.f32 v19, v9;
	v9 =	vadd.f32 v4, v5;
	v4 =	vsel vm3, v6, v8;
	v24 =	vld [tilespmem:s6+$0x5120]  }
0xc9: {  	v6 =	vadd.f32 v18, v11;
	v8 =	vadd.f32 v13, v14;
	v5 =	vmovc v22;
	v19 =	vshll.u32 v16, $0x10;
	v25 =	vld [tilespmem:s6+$0xB520]  }
0xca: {  	v11 =	vand.u32 $0xFFFF0000, v16;
	v13 =	vshll.u32 v12, $0x10;
	v12 =	vand.u32 $0xFFFF0000, v12;
	v14 =	vld [tilespmem:s6+$0x5130];
	[tilespmem:s8+$0xFFFFFFF0] =	vst v9;
	s8 =	smov.u32 s5;
	s5 =	smov.u32 s4  }
0xcb: {  	v16 =	vshll.u32 v17, $0x10;
	v9 =	vshll.u32 v15, $0x10;
	v15 =	vand.u32 $0xFFFF0000, v15;
	v18 =	vld [tilespmem:s6+$0xB530]  }
0xcc: {  	v17 =	vand.u32 $0xFFFF0000, v17;
	v22 =	vshll.u32 v21, $0x10;
	v21 =	vand.u32 $0xFFFF0000, v21;
	v26 =	vld [tilespmem:s6+$0x5140]  }
0xcd: {  	v27 =	vshll.u32 v10, $0x10;
	v10 =	vand.u32 $0xFFFF0000, v10;
	v29 =	vshll.u32 v20, $0x10;
	v28 =	vld [tilespmem:s6+$0x4E20]  }
0xce: {  	v20 =	vand.u32 $0xFFFF0000, v20;
	v30 =	vshll.u32 v23, $0x10;
	v23 =	vand.u32 $0xFFFF0000, v23;
	v31 =	vld [tilespmem:s6+$0xB540]  }
0xcf: {  	v33 =	vshll.u32 v24, $0x10;
	v24 =	vand.u32 $0xFFFF0000, v24;
	v34 =	vshll.u32 v25, $0x10;
	v32 =	vld [tilespmem:s6+$0xB220]  }
0xd0: {  	v25 =	vand.u32 $0xFFFF0000, v25;
	v35 =	vshll.u32 v14, $0x10;
	v14 =	vand.u32 $0xFFFF0000, v14;
	v36 =	vld [tilespmem:s6+$0x5150]  }
0xd1: {  	v38 =	vshll.u32 v18, $0x10;
	v18 =	vand.u32 $0xFFFF0000, v18;
	v37 =	vld [tilespmem:s6+$0x4E30];
	v39 =	vshll.u32 v26, $0x10  }
0xd2: {  	v13 =	vmul.f32 v13, v19;
	v11 =	vmul.f32 v12, v11;
	v12 =	vand.u32 $0xFFFF0000, v26;
	v19 =	vld [tilespmem:s6+$0xB550]  }
0xd3: {  	v9 =	vmul.f32 v16, v9;
	v15 =	vmul.f32 v17, v15;
	v40 =	vld [tilespmem:s6+$0xB230];
	v16 =	vshll.u32 v31, $0x10  }
0xd4: {  	v17 =	vmul.f32 v27, v22;
	v10 =	vmul.f32 v10, v21;
	v21 =	vand.u32 $0xFFFF0000, v31;
	v41 =	vld [tilespmem:s6+$0x4E40]  }
0xd5: {  	v27 =	vmul.f32 v30, v29;
	v20 =	vmul.f32 v23, v20;
	v42 =	vld [tilespmem:s6+$0xB240];
	v23 =	vshll.u32 v36, $0x10  }
0xd6: {  	v29 =	vmul.f32 v34, v33;
	v24 =	vmul.f32 v25, v24;
	v25 =	vand.u32 $0xFFFF0000, v36;
	v30 =	vld [tilespmem:s6+$0x4E50]  }
0xd7: {  	v14 =	vmul.f32 v18, v14;
	v31 =	vmul.f32 v38, v35;
	v34 =	vld [tilespmem:s6+$0xB250];
	v18 =	vshll.u32 v19, $0x10  }
0xd8: {  	v16 =	vmul.f32 v16, v39;
	v21 =	vmul.f32 v21, v12;
	v12 =	vand.u32 $0xFFFF0000, v19;
	v35 =	vld [tilespmem:s6+$0x5020]  }
0xd9: {  	v9 =	vadd.f32 v15, v9;
	v19 =	vadd.f32 v11, v13;
	v13 =	vmul.f32 v18, v23;
	v22 =	vld [tilespmem:s6+$0xB420]  }
0xda: {  	v10 =	vadd.f32 v10, v17;
	v15 =	vadd.f32 v20, v27;
	v17 =	vmul.f32 v12, v25;
	v26 =	vld [tilespmem:s6+$0x5030]  }
0xdb: {  	v20 =	vadd.f32 v14, v31;
	v11 =	vshll.u32 v28, $0x10;
	v18 =	vadd.f32 v24, v29;
	v27 =	vld [tilespmem:s6+$0xB430]  }
0xdc: {  	v16 =	vadd.f32 v21, v16;
	v12 =	vand.u32 $0xFFFF0000, v28;
	v17 =	vadd.f32 v17, v13;
	v29 =	vld [tilespmem:s6+$0x5040]  }
0xdd: {  	v10 =	vadd.f32 v15, v10;
	v9 =	vadd.f32 v9, v19;
	v13 =	vshll.u32 v32, $0x10;
	v31 =	vld [tilespmem:s6+$0xB440]  }
0xde: {  	v14 =	vand.u32 $0xFFFF0000, v32;
	v19 =	vadd.f32 v20, v18;
	v20 =	vadd.f32 v17, v16;
	v32 =	vld [tilespmem:s6+$0x5050]  }
0xdf: {  	v15 =	vshll.u32 v37, $0x10;
	v16 =	vand.u32 $0xFFFF0000, v37;
	v17 =	vshll.u32 v40, $0x10;
	v33 =	vld [tilespmem:s6+$0xB450]  }
0xe0: {  	v18 =	vand.u32 $0xFFFF0000, v40;
	v10 =	vadd.f32 v10, v9;
	v36 =	vadd.f32 v20, v19  }
.Ltmp2:
0xe1: {  	v23 =	vshll.u32 v42, $0x10;
	v19 =	vshll.u32 v41, $0x10;
	v20 =	vand.u32 $0xFFFF0000, v41;
	(pc) =	sbr.rel @p0 .LBB2_3-.Ltmp2, $4  }
0xe2: {  	v24 =	vand.u32 $0xFFFF0000, v42;
	v21 =	vshll.u32 v30, $0x10;
	v9 =	vsel vm3, v36, v10  }
0xe3: {  	v25 =	vand.u32 $0xFFFF0000, v30;
	v28 =	vshll.u32 v34, $0x10;
	v37 =	vperm.xlane v9, v0  }
0xe4: {  	v30 =	vand.u32 $0xFFFF0000, v34;
	v36 =	vsel vm3, v10, v36;
	v9 =	vshll.u32 v35, $0x10  }
0xe5: {  	v34 =	vshll.u32 v22, $0x10;
	v10 =	vand.u32 $0xFFFF0000, v35;
	v35 =	vadd.f32 v36, v37  }
0xe6: {  	v22 =	vand.u32 $0xFFFF0000, v22;
	v36 =	vshll.u32 v26, $0x10;
	v51 =	vand.u32 $0xFFFF0000, v26  }
0xe7: {  	v37 =	vshll.u32 v27, $0x10;
	v38 =	vshll.u32 v29, $0x10;
	v53 =	vand.u32 $0xFFFF0000, v29  }
0xe8: {  	v39 =	vshll.u32 v31, $0x10;
	v11 =	vmul.f32 v13, v11;
	v12 =	vmul.f32 v14, v12  }
0xe9: {  	v54 =	vand.u32 $0xFFFF0000, v31;
	v14 =	vmul.f32 v17, v15;
	v15 =	vmul.f32 v18, v16  }
0xea: {  	v40 =	vshll.u32 v32, $0x10;
	v56 =	vmul.f32 v23, v19;
	v57 =	vmul.f32 v24, v20  }
0xeb: {  	v13 =	vand.u32 $0xFFFF0000, v32;
	v59 =	vmul.f32 v28, v21;
	v60 =	vmul.f32 v30, v25  }
0xec: {  	v55 =	vshll.u32 v33, $0x10;
	v9 =	vmul.f32 v34, v9;
	v10 =	vmul.f32 v22, v10  }
0xed: {  	v58 =	vand.u32 $0xFFFF0000, v33;
	v61 =	vmul.f32 v39, v38;
	v62 =	vmul.f32 v54, v53  }
0xee: {  	v52 =	vand.u32 $0xFFFF0000, v27;
	v16 =	vmul.f32 v55, v40;
	v13 =	vmul.f32 v58, v13  }
0xef: {  	v11 =	vadd.f32 v12, v11;
	v12 =	vadd.f32 v15, v14;
	v14 =	vmul.f32 v37, v36  }
0xf0: {  	v15 =	vmul.f32 v52, v51;
	v17 =	vadd.f32 v57, v56;
	v20 =	vadd.f32 v60, v59  }
0xf1: {  	v9 =	vadd.f32 v10, v9;
	v13 =	vadd.f32 v13, v16  }
0xf2: {  	v10 =	vadd.f32 v15, v14;
	v14 =	vadd.f32 v62, v61  }
0xf3: {  	v11 =	vadd.f32 v12, v11;
	v12 =	vadd.f32 v20, v17  }
0xf4: {  	v9 =	vadd.f32 v10, v9;
	v10 =	vadd.f32 v13, v14  }
0xf5: {  	v7 =	vadd.f32 v8, v7  }
0xf6: {  	v8 =	vadd.f32 v12, v11;
	v9 =	vadd.f32 v10, v9  }
0xf7: {  	v10 =	vsel vm3, v7, v6  }
0xf8: {  	v10 =	vperm.xlane v10, v0;
	v11 =	vsel vm3, v9, v8  }
0xf9: {  	s4 =	sadd.s32 $0x20, s4;
	v4 =	vadd.f32 v4, v5;
	v6 =	vsel vm3, v6, v7;
	v5 =	vperm.xlane v11, v0  }
0xfa: {  	[tilespmem:s4+$0x0] =	vst v35;
	v7 =	vsel vm3, v8, v9;
	v6 =	vadd.f32 v6, v10  }
0xfb: {  	[tilespmem:s8+$0xFFFFFFF0] =	vst v4;
	v4 =	vadd.f32 v7, v5  }
0xfc: {  	[tilespmem:s5+$0xFFFFFFF0] =	vst v6  }
0xfd: {  	s22 =	simm.s32 $0x13D70;
	[tilespmem:s4+$0xFFFFFFF0] =	vst v4  }
0xfe: {  	v4 =	vld [tilespmem:s22+$0xFFFFFFC0]  }
0xff: {  	v5 =	vld [tilespmem:s22+$0xFFFFFFD0]  }
0x100: {  	v6 =	vld [tilespmem:s22+$0xFFFFFFE0]  }
0x101: {  	v7 =	vld [tilespmem:s22+$0xFFFFFFF0]  }
0x102: {  	v8 =	vld [tilespmem:s22+$0x0]  }
0x103: {  	v9 =	vld [tilespmem:s22+$0x10]  }
0x104: {  	v10 =	vld [tilespmem:s22+$0x20]  }
0x105: {  	v11 =	vld [tilespmem:s22+$0x30];
	_ =	sdelay $0x2  }
0x106: {  	s26 =	simm.s32 $0x13DF0;
	v12 =	vsel vm0, v4, v5;
	v13 =	vsel vm0, v6, v7  }
0x107: {  	v14 =	vld [tilespmem:s26+$0xFFFFFFC0];
	v4 =	vsel vm0, v5, v4;
	v5 =	vsel vm0, v7, v6;
	v6 =	vsel vm0, v9, v8  }
0x108: {  	v15 =	vld [tilespmem:s26+$0x10];
	v7 =	vsel vm0, v11, v10;
	v4 =	vperm.xlane v4, v1;
	v5 =	vperm.xlane v5, v1  }
0x109: {  	v8 =	vsel vm0, v8, v9;
	v9 =	vld [tilespmem:s26+$0xFFFFFFD0];
	v6 =	vperm.xlane v6, v1;
	v7 =	vperm.xlane v7, v1  }
0x10a: {  	v10 =	vsel vm0, v10, v11;
	v11 =	vld [tilespmem:s26+$0xFFFFFFE0];
	v4 =	vadd.f32 v4, v12;
	v5 =	vadd.f32 v5, v13  }
0x10b: {  	v6 =	vadd.f32 v6, v8;
	v7 =	vadd.f32 v7, v10;
	v8 =	vld [tilespmem:s26+$0xFFFFFFF0]  }
0x10c: {  	v10 =	vld [tilespmem:s26+$0x0];
	v12 =	vsel vm1, v5, v4  }
0x10d: {  	v63 =	vld [tilespmem:s26+$0x20];
	v13 =	vsel vm1, v7, v6;
	v12 =	vperm.xlane v12, v2  }
0x10e: {  	v4 =	vsel vm1, v4, v5;
	v5 =	vsel vm1, v6, v7;
	v6 =	vld [tilespmem:s26+$0x30];
	v13 =	vperm.xlane v13, v2  }
0x10f: {  	v4 =	vadd.f32 v12, v4  }
0x110: {  	v5 =	vadd.f32 v13, v5;
	v12 =	vsel vm0, v14, v9;
	v13 =	vsel vm0, v11, v8  }
0x111: {  	v9 =	vsel vm0, v9, v14;
	v8 =	vsel vm0, v8, v11;
	v11 =	vsel vm0, v15, v10  }
0x112: {  	v9 =	vperm.xlane v9, v1;
	v8 =	vperm.xlane v8, v1;
	v7 =	vsel vm2, v5, v4  }
0x113: {  	v11 =	vperm.xlane v11, v1;
	v14 =	vsel vm0, v6, v63;
	v7 =	vperm.xlane v7, v3  }
0x114: {  	v5 =	vsel vm2, v4, v5;
	v12 =	vadd.f32 v9, v12;
	v8 =	vadd.f32 v8, v13  }
0x115: {  	v10 =	vsel vm0, v10, v15;
	v14 =	vperm.xlane v14, v1;
	v9 =	vadd.f32 v5, v7  }
0x116: {  	v6 =	vsel vm0, v63, v6;
	v10 =	vadd.f32 v11, v10;
	v11 =	vsel vm1, v8, v12  }
0x117: {  	v6 =	vadd.f32 v14, v6;
	v11 =	vperm.xlane v11, v2;
	v14 =	vsub.f32 $0.0e+00, v9  }
0x118: {  	v8 =	vsel vm1, v12, v8  }
0x119: {  	v12 =	vadd.f32 v11, v8;
	v11 =	vmul.f32 $1.442695020e+00, v14;
	_ =	sdelay $0x1  }
0x11a: {  	s6 =	simm.s32 $0x13E70;
	(erf) = vpow2.f32 v11  }
0x11b: {  	v4 =	vld [tilespmem:s6+$0xFFFFFFC0]  }
0x11c: {  	v5 =	vld [tilespmem:s6+$0xFFFFFFD0];
	v13 =	vsel vm1, v6, v10  }
0x11d: {  	v7 =	vld [tilespmem:s6+$0xFFFFFFE0];
	v13 =	vperm.xlane v13, v2  }
0x11e: {  	v9 =	vld [tilespmem:s6+$0xFFFFFFF0];
	v10 =	vsel vm1, v10, v6  }
0x11f: {  	v6 =	vld [tilespmem:s6+$0x0];
	v13 =	vadd.f32 v13, v10  }
0x120: {  	v10 =	vld [tilespmem:s6+$0x10]  }
0x121: {  	v8 =	vld [tilespmem:s6+$0x20];
	v14 =	vsel vm2, v13, v12  }
0x122: {  	s8 =	simm.s32 $0xC0;
	s5 =	simm.s32 $0x40;
	s4 =	simm.s32 $0x80;
	v11 =	vld [tilespmem:s6+$0x30];
	v14 =	vperm.xlane v14, v3  }
.LBB2_5:
0x123: {  	p0 =	sne.s32 s8, $0x100;
	v15 =	vsel vm0, v4, v5;
	v12 =	vsel vm2, v12, v13;
	v13 =	vpop (erf)  }
0x124: {  	v16 =	vsel vm0, v7, v9;
	v12 =	vadd.f32 v12, v14;
	v13 =	vadd.f32 $1.000000000e+00, v13  }
0x125: {  	v4 =	vsel vm0, v5, v4;
	v5 =	vsel vm0, v9, v7;
	v7 =	vsel vm0, v10, v6  }
0x126: {  	v4 =	vperm.xlane v4, v1;
	v9 =	vsub.f32 $0.0e+00, v12;
	(erf) = vrcp.f32 v13  }
0x127: {  	v5 =	vperm.xlane v5, v1;
	v7 =	vperm.xlane v7, v1;
	v12 =	vsel vm0, v11, v8  }
0x128: {  	v6 =	vsel vm0, v6, v10;
	v10 =	vperm.xlane v12, v1;
	v9 =	vmul.f32 $1.442695020e+00, v9  }
0x129: {  	v13 =	vadd.f32 v5, v16;
	v12 =	vadd.f32 v4, v15;
	v4 =	vsel vm0, v8, v11  }
0x12a: {  	s6 =	sadd.s32 $0x80, s6;
	v6 =	vadd.f32 v7, v6;
	v8 =	vadd.f32 v10, v4;
	(erf) = vpow2.f32 v9  }
0x12b: {  	v4 =	vld [tilespmem:s6+$0xFFFFFFC0]  }
0x12c: {  	v9 =	vsel vm1, v13, v12;
	v5 =	vld [tilespmem:s6+$0xFFFFFFD0];
	v10 =	vsel vm1, v8, v6  }
0x12d: {  	v11 =	vperm.xlane v9, v2;
	v7 =	vld [tilespmem:s6+$0xFFFFFFE0];
	v10 =	vperm.xlane v10, v2  }
.Ltmp3:
0x12e: {  	s15 =	sshra.s32 s24, $0x2;
	s24 =	smov.u32 s5;
	v12 =	vsel vm1, v12, v13;
	v14 =	vsel vm1, v6, v8;
	v9 =	vld [tilespmem:s6+$0xFFFFFFF0];
	(pc) =	sbr.rel @p0 .LBB2_5-.Ltmp3, $4  }
0x12f: {  	s5 =	smov.u32 s4;
	s4 =	smov.u32 s8;
	s15 =	sadd.s32 s15, s21;
	v12 =	vadd.f32 v11, v12;
	v6 =	vld [tilespmem:s6+$0x0];
	v13 =	vadd.f32 v10, v14;
	v8 =	vpop (erf)  }
0x130: {  	v10 =	vld [tilespmem:s6+$0x10];
	[tilespmem:s15+$0x0] =	vst v8  }
0x131: {  	v8 =	vld [tilespmem:s6+$0x20];
	v14 =	vsel vm2, v13, v12  }
0x132: {  	s8 =	sadd.s32 $0x40, s8;
	v11 =	vld [tilespmem:s6+$0x30];
	v14 =	vperm.xlane v14, v3  }
0x133: {  	_ = 	snop  }
0x134: {  	v15 =	vsel vm0, v4, v5;
	v12 =	vsel vm2, v12, v13;
	v16 =	vsel vm0, v7, v9  }
0x135: {  	v13 =	vpop (erf);
	v4 =	vsel vm0, v5, v4;
	v5 =	vsel vm0, v9, v7;
	v12 =	vadd.f32 v12, v14  }
0x136: {  	v13 =	vadd.f32 $1.000000000e+00, v13;
	v4 =	vperm.xlane v4, v1;
	v5 =	vperm.xlane v5, v1  }
0x137: {  	v7 =	vsel vm0, v10, v6;
	v9 =	vsub.f32 $0.0e+00, v12;
	v12 =	vsel vm0, v11, v8  }
0x138: {  	v6 =	vsel vm0, v6, v10;
	v7 =	vperm.xlane v7, v1;
	v10 =	vperm.xlane v12, v1  }
0x139: {  	v4 =	vadd.f32 v4, v15;
	v5 =	vadd.f32 v5, v16;
	v8 =	vsel vm0, v8, v11  }
0x13a: {  	v9 =	vmul.f32 $1.442695020e+00, v9;
	v6 =	vadd.f32 v7, v6;
	v7 =	vadd.f32 v10, v8  }
0x13b: {  	(erf) = vrcp.f32 v13  }
0x13c: {  	(erf) = vpow2.f32 v9;
	v8 =	vsel vm1, v5, v4;
	v9 =	vsel vm1, v7, v6  }
0x13d: {  	v8 =	vperm.xlane v8, v2;
	v9 =	vperm.xlane v9, v2  }
0x13e: {  	v4 =	vsel vm1, v4, v5;
	v5 =	vsel vm1, v6, v7  }
0x13f: {  	v4 =	vadd.f32 v8, v4;
	v5 =	vadd.f32 v9, v5;
	_ =	sdelay $0x1  }
0x140: {  	v6 =	vsel vm2, v5, v4  }
0x141: {  	v6 =	vperm.xlane v6, v3  }
0x142: {  	v4 =	vsel vm2, v4, v5  }
0x143: {  	v4 =	vadd.f32 v4, v6  }
0x144: {  	v5 =	vpop (erf)  }
0x145: {  	v6 =	vpop (erf);
	v4 =	vsub.f32 $0.0e+00, v4  }
0x146: {  	v6 =	vadd.f32 $1.000000000e+00, v6  }
0x147: {  	v4 =	vmul.f32 $1.442695020e+00, v4  }
0x148: {  	(erf) = vrcp.f32 v6  }
0x149: {  	(erf) = vpow2.f32 v4;
	_ =	sdelay $0x7  }
0x14a: {  	v4 =	vpop (erf)  }
0x14b: {  	v6 =	vpop (erf)  }
0x14c: {  	v6 =	vadd.f32 $1.000000000e+00, v6;
	_ =	sdelay $0x1  }
0x14d: {  	(erf) = vrcp.f32 v6;
	_ =	sdelay $0x5  }
0x14e: {  	s6 =	sshra.s32 s24, $0x2  }
0x14f: {  	s5 =	sshra.s32 s5, $0x2;
	p0 =	seq.s32 s23, $0x18;
	s6 =	sadd.s32 s6, s21  }
0x150: {  	s4 =	sshra.s32 s4, $0x2;
	s5 =	sadd.s32 s5, s21;
	s24 =	smul.u32 @!p0 $0x190, s23;
	[tilespmem:s6+$0x0] =	vst v5  }
0x151: {  	s4 =	sadd.s32 s4, s21;
	[tilespmem:s5+$0x0] =	vst v4;
	v4 =	vpop (erf)  }
0x152: {  	s6 =	simm.s32 @!p0 $0x4E20;
	s5 =	simm.s32 @!p0 $0x50;
	[tilespmem:s4+$0x0] =	vst v4;
	s4 =	sadd.s32 @!p0 $0x190, s24  }
0x153: {  	[tilespmem:s6], [sflag:$0x1] =	stream.indirect.gather @!p0 [hbm4b:s0+s5], $0x40, s4, s5, $0xb8;
	[tilespmem:$0x13FB0] =	vst v63  }
0x154: {  	s4 =	sadd.s32 @!p0 $0x28A0, s24;
	s6 =	simm.s32 @!p0 $0xB220  }
0x155: {  	[tilespmem:s6], [sflag:$0x2] =	stream.indirect.gather @!p0 [hbm4b:s0+s5], $0x40, s4, s5, $0xb8;
	[tilespmem:$0x13FB0] =	vst v63  }
0x156: {  	s15 =	simm.s32 $0x0;
	_ =	swait.ge [sflag:s31], $0x1400  }
0x157: {  	s22 =	simm.s32 $0x0;
	s26 =	simm.s32 $0x0;
	[sflag:s31] =	ssyncset.done $0x0  }
0x158: {  	s4 =	sand.u32 $0x2, s15;
	s5 =	sand.u32 $0x1, s22;
	[sflag:s31] =	ssyncadd.s32 $0xFFFFEC00  }
0x159: {  	s3 =	sand.u32 $0x70, s26;
	s4 =	sor.u32 s4, s5;
	_ =	swait.ge [sflag:s1], $0x1400  }
0x15a: {  	s4 =	sor.u32 s4, s3;
	[sflag:s1] =	ssyncset.done $0x0  }
0x15b: {  	s4 =	sshll.u32 s4, $0x6;
	[sflag:s1] =	ssyncadd.s32 $0xFFFFEC00  }
0x15c: {  	v4 =	vld [tilespmem:s4+$0x6320]  }
0x15d: {  	v5 =	vld [tilespmem:s4+$0xC720]  }
0x15e: {  	v6 =	vld [tilespmem:s4+$0x6330]  }
0x15f: {  	v7 =	vld [tilespmem:s4+$0xC730]  }
0x160: {  	v8 =	vld [tilespmem:s4+$0x6340]  }
0x161: {  	v9 =	vld [tilespmem:s4+$0xC740]  }
0x162: {  	v10 =	vld [tilespmem:s4+$0x6350]  }
0x163: {  	v11 =	vld [tilespmem:s4+$0xC750]  }
0x164: {  	v12 =	vld [tilespmem:s4+$0x6520];
	v13 =	vshll.u32 v4, $0x10  }
0x165: {  	v14 =	vld [tilespmem:s4+$0xC920];
	v4 =	vand.u32 $0xFFFF0000, v4;
	v15 =	vshll.u32 v5, $0x10;
	v5 =	vand.u32 $0xFFFF0000, v5  }
0x166: {  	v16 =	vld [tilespmem:s4+$0x6530];
	v17 =	vshll.u32 v6, $0x10;
	v6 =	vand.u32 $0xFFFF0000, v6;
	v18 =	vshll.u32 v7, $0x10  }
0x167: {  	v19 =	vld [tilespmem:s4+$0xC930];
	v7 =	vand.u32 $0xFFFF0000, v7;
	v20 =	vshll.u32 v8, $0x10;
	v8 =	vand.u32 $0xFFFF0000, v8  }
0x168: {  	v22 =	vshll.u32 v9, $0x10;
	v9 =	vand.u32 $0xFFFF0000, v9;
	v23 =	vshll.u32 v10, $0x10  }
0x169: {  	v21 =	vld [tilespmem:s4+$0x6540];
	v10 =	vand.u32 $0xFFFF0000, v10;
	v24 =	vshll.u32 v11, $0x10;
	v11 =	vand.u32 $0xFFFF0000, v11  }
0x16a: {  	v26 =	vshll.u32 v12, $0x10;
	v12 =	vand.u32 $0xFFFF0000, v12;
	v27 =	vshll.u32 v14, $0x10  }
0x16b: {  	v25 =	vld [tilespmem:s4+$0xC940];
	v14 =	vand.u32 $0xFFFF0000, v14;
	v28 =	vshll.u32 v16, $0x10;
	v16 =	vand.u32 $0xFFFF0000, v16  }
0x16c: {  	v30 =	vshll.u32 v19, $0x10;
	v13 =	vmul.f32 v15, v13;
	v4 =	vmul.f32 v5, v4  }
0x16d: {  	v19 =	vand.u32 $0xFFFF0000, v19;
	v17 =	vmul.f32 v18, v17;
	v6 =	vmul.f32 v7, v6  }
0x16e: {  	v29 =	vld [tilespmem:s4+$0x6550];
	v31 =	vshll.u32 v21, $0x10;
	v18 =	vmul.f32 v22, v20;
	v8 =	vmul.f32 v9, v8  }
0x16f: {  	v5 =	vand.u32 $0xFFFF0000, v21;
	v15 =	vld [tilespmem:s4+$0xC950];
	v21 =	vmul.f32 v24, v23;
	v10 =	vmul.f32 v11, v10  }
0x170: {  	v7 =	vshll.u32 v25, $0x10;
	v9 =	vld [tilespmem:s4+$0x6220];
	v23 =	vmul.f32 v27, v26;
	v12 =	vmul.f32 v14, v12  }
0x171: {  	v20 =	vand.u32 $0xFFFF0000, v25;
	v11 =	vld [tilespmem:s4+$0xC620];
	v25 =	vmul.f32 v30, v28;
	v16 =	vmul.f32 v19, v16  }
0x172: {  	v19 =	vld [tilespmem:s4+$0xC630];
	v7 =	vmul.f32 v7, v31;
	v4 =	vadd.f32 v4, v13;
	v6 =	vadd.f32 v6, v17  }
0x173: {  	v27 =	vld [tilespmem:s4+$0x6450];
	v5 =	vmul.f32 v20, v5;
	v8 =	vadd.f32 v8, v18;
	v10 =	vadd.f32 v10, v21  }
0x174: {  	v22 =	vshll.u32 v29, $0x10;
	v30 =	vld [tilespmem:s4+$0xC850];
	v12 =	vadd.f32 v12, v23;
	v16 =	vadd.f32 v16, v25  }
0x175: {  	v24 =	vand.u32 $0xFFFF0000, v29;
	v5 =	vadd.f32 v5, v7;
	v4 =	vadd.f32 v6, v4  }
0x176: {  	v13 =	vld [tilespmem:s4+$0xC640];
	v8 =	vadd.f32 v10, v8;
	v26 =	vshll.u32 v15, $0x10;
	v15 =	vand.u32 $0xFFFF0000, v15  }
0x177: {  	v18 =	vld [tilespmem:s4+$0x6250];
	v21 =	vshll.u32 v9, $0x10;
	v9 =	vand.u32 $0xFFFF0000, v9;
	v10 =	vand.u32 $0xFFFF0000, v11  }
0x178: {  	v7 =	vld [tilespmem:s4+$0x6420];
	v23 =	vshll.u32 v19, $0x10;
	v19 =	vand.u32 $0xFFFF0000, v19;
	v37 =	vshll.u32 v27, $0x10  }
0x179: {  	v6 =	vld [tilespmem:s4+$0xC820];
	v27 =	vand.u32 $0xFFFF0000, v27;
	v38 =	vshll.u32 v30, $0x10;
	v17 =	vmul.f32 v26, v22  }
0x17a: {  	v14 =	vld [tilespmem:s4+$0x6230];
	v15 =	vmul.f32 v15, v24;
	v4 =	vadd.f32 v8, v4;
	v9 =	vmul.f32 v10, v9  }
0x17b: {  	v22 =	vld [tilespmem:s4+$0xC650];
	v10 =	vand.u32 $0xFFFF0000, v30;
	v25 =	vshll.u32 v13, $0x10;
	v13 =	vand.u32 $0xFFFF0000, v13  }
0x17c: {  	v8 =	vld [tilespmem:s4+$0x6440];
	v26 =	vshll.u32 v18, $0x10;
	v18 =	vand.u32 $0xFFFF0000, v18;
	v10 =	vmul.f32 v10, v27  }
0x17d: {  	v24 =	vld [tilespmem:s4+$0xC840];
	v15 =	vadd.f32 v15, v17;
	v17 =	vshll.u32 v11, $0x10;
	v11 =	vadd.f32 v16, v12  }
0x17e: {  	v31 =	vshll.u32 v7, $0x10;
	v7 =	vand.u32 $0xFFFF0000, v7;
	v32 =	vshll.u32 v6, $0x10  }
0x17f: {  	v20 =	vld [tilespmem:s4+$0x6240];
	v6 =	vand.u32 $0xFFFF0000, v6;
	v17 =	vmul.f32 v17, v21;
	v5 =	vadd.f32 v15, v5  }
0x180: {  	v15 =	vshll.u32 v14, $0x10;
	v14 =	vand.u32 $0xFFFF0000, v14;
	v6 =	vmul.f32 v6, v7  }
0x181: {  	s6 =	simm.s32 $0x0;
	s5 =	simm.s32 $0x2;
	v12 =	vld [tilespmem:s4+$0x6430];
	v29 =	vshll.u32 v22, $0x10;
	v22 =	vand.u32 $0xFFFF0000, v22;
	v35 =	vshll.u32 v8, $0x10  }
0x182: {  	s8 =	simm.s32 $0x4;
	v16 =	vld [tilespmem:s4+$0xC830];
	s4 =	sand.u32 $0x2, s5;
	s5 =	sand.u32 $0x1, s6;
	v8 =	vand.u32 $0xFFFF0000, v8;
	v36 =	vshll.u32 v24, $0x10;
	v24 =	vand.u32 $0xFFFF0000, v24  }
0x183: {  	s15 =	sand.u32 $0x70, s8;
	s4 =	sor.u32 s4, s5;
	v15 =	vmul.f32 v23, v15;
	v14 =	vmul.f32 v19, v14;
	v9 =	vadd.f32 v9, v17  }
0x184: {  	s4 =	sor.u32 s4, s15;
	v5 =	vadd.f32 v5, v11;
	v11 =	vshll.u32 v20, $0x10;
	v18 =	vmul.f32 v22, v18  }
0x185: {  	s4 =	sshll.u32 s4, $0x6;
	v20 =	vand.u32 $0xFFFF0000, v20;
	v21 =	vmul.f32 v36, v35;
	v8 =	vmul.f32 v24, v8  }
0x186: {  	v19 =	vld [tilespmem:s4+$0x6320];
	v22 =	vmul.f32 v38, v37;
	v33 =	vshll.u32 v12, $0x10;
	v12 =	vand.u32 $0xFFFF0000, v12  }
0x187: {  	v23 =	vld [tilespmem:s4+$0x6350];
	v34 =	vshll.u32 v16, $0x10;
	v11 =	vmul.f32 v25, v11;
	v13 =	vmul.f32 v13, v20  }
0x188: {  	v43 =	vld [tilespmem:s4+$0x6450];
	v16 =	vand.u32 $0xFFFF0000, v16;
	v20 =	vmul.f32 v29, v26;
	v14 =	vadd.f32 v14, v15  }
0x189: {  	v25 =	vld [tilespmem:s4+$0x6540];
	v12 =	vmul.f32 v16, v12;
	v8 =	vadd.f32 v8, v21;
	v11 =	vadd.f32 v13, v11  }
0x18a: {  	v17 =	vld [tilespmem:s4+$0xC720];
	v13 =	vmul.f32 v32, v31;
	v18 =	vadd.f32 v18, v20;
	v20 =	vmul.f32 v34, v33  }
0x18b: {  	v7 =	vld [tilespmem:s4+$0xC730];
	v28 =	vsel vm3, v5, v4;
	v10 =	vadd.f32 v10, v22;
	v14 =	vadd.f32 v14, v9  }
0x18c: {  	v15 =	vld [tilespmem:s4+$0x6330];
	v4 =	vsel vm3, v4, v5;
	v6 =	vadd.f32 v6, v13;
	v12 =	vadd.f32 v12, v20  }
0x18d: {  	v16 =	vld [tilespmem:s4+$0x6340];
	v20 =	vperm.xlane v28, v0;
	v11 =	vadd.f32 v18, v11;
	v27 =	vshll.u32 v23, $0x10  }
0x18e: {  	v21 =	vld [tilespmem:s4+$0xC750];
	v23 =	vand.u32 $0xFFFF0000, v23;
	v33 =	vand.u32 $0xFFFF0000, v43;
	v41 =	vshll.u32 v25, $0x10  }
0x18f: {  	v22 =	vld [tilespmem:s4+$0xC930];
	v9 =	vadd.f32 v4, v20;
	v5 =	vadd.f32 v12, v6;
	v12 =	vshll.u32 v19, $0x10  }
0x190: {  	v4 =	vadd.f32 v11, v14;
	v6 =	vadd.f32 v10, v8;
	v8 =	vand.u32 $0xFFFF0000, v19  }
0x191: {  	v29 =	vld [tilespmem:s4+$0xC940];
	v10 =	vshll.u32 v17, $0x10;
	v11 =	vand.u32 $0xFFFF0000, v17;
	v17 =	vshll.u32 v15, $0x10  }
0x192: {  	v39 =	vld [tilespmem:s4+$0x6550];
	v15 =	vand.u32 $0xFFFF0000, v15;
	v19 =	vshll.u32 v7, $0x10;
	v7 =	vand.u32 $0xFFFF0000, v7  }
0x193: {  	v13 =	vld [tilespmem:s4+$0xC740];
	v24 =	vshll.u32 v16, $0x10;
	v16 =	vand.u32 $0xFFFF0000, v16;
	v28 =	vshll.u32 v21, $0x10  }
0x194: {  	v18 =	vld [tilespmem:s4+$0x6520];
	v21 =	vand.u32 $0xFFFF0000, v21;
	v40 =	vshll.u32 v22, $0x10;
	v22 =	vand.u32 $0xFFFF0000, v22  }
0x195: {  	v10 =	vmul.f32 v10, v12;
	v8 =	vmul.f32 v11, v8;
	v11 =	vand.u32 $0xFFFF0000, v25  }
0x196: {  	v20 =	vld [tilespmem:s4+$0xC920];
	v17 =	vmul.f32 v19, v17;
	v7 =	vmul.f32 v7, v15;
	v15 =	vshll.u32 v29, $0x10  }
0x197: {  	v14 =	vld [tilespmem:s4+$0x6530];
	v21 =	vmul.f32 v21, v23;
	v23 =	vshll.u32 v39, $0x10;
	v15 =	vmul.f32 v15, v41  }
0x198: {  	v6 =	vadd.f32 v6, v5;
	v26 =	vshll.u32 v13, $0x10;
	v13 =	vand.u32 $0xFFFF0000, v13  }
0x199: {  	v30 =	vshll.u32 v18, $0x10;
	v18 =	vand.u32 $0xFFFF0000, v18;
	v8 =	vadd.f32 v8, v10  }
0x19a: {  	v12 =	vld [tilespmem:s4+$0xC950];
	v7 =	vadd.f32 v7, v17;
	v19 =	vmul.f32 v26, v24;
	v13 =	vmul.f32 v13, v16  }
0x19b: {  	v25 =	vld [tilespmem:s4+$0x6220];
	v16 =	vand.u32 $0xFFFF0000, v29;
	v24 =	vmul.f32 v28, v27;
	v31 =	vshll.u32 v20, $0x10  }
0x19c: {  	v20 =	vand.u32 $0xFFFF0000, v20;
	v38 =	vshll.u32 v14, $0x10;
	v14 =	vand.u32 $0xFFFF0000, v14  }
0x19d: {  	v11 =	vmul.f32 v16, v11;
	v7 =	vadd.f32 v7, v8;
	v26 =	vmul.f32 v31, v30  }
0x19e: {  	v27 =	vld [tilespmem:s4+$0xC620];
	v18 =	vmul.f32 v20, v18;
	v20 =	vand.u32 $0xFFFF0000, v39;
	v28 =	vmul.f32 v40, v38  }
0x19f: {  	v29 =	vld [tilespmem:s4+$0x6230];
	v14 =	vmul.f32 v22, v14;
	v22 =	vshll.u32 v12, $0x10;
	v12 =	vand.u32 $0xFFFF0000, v12  }
0x1a0: {  	v17 =	vld [tilespmem:s4+$0x6240];
	v13 =	vadd.f32 v13, v19;
	v19 =	vadd.f32 v21, v24;
	v21 =	vshll.u32 v25, $0x10  }
0x1a1: {  	v16 =	vld [tilespmem:s4+$0xC630];
	v10 =	vmul.f32 v22, v23;
	v12 =	vmul.f32 v12, v20;
	v11 =	vadd.f32 v11, v15  }
0x1a2: {  	v39 =	vshll.u32 v43, $0x10;
	v18 =	vadd.f32 v18, v26;
	v14 =	vadd.f32 v14, v28  }
0x1a3: {  	v31 =	vld [tilespmem:s4+$0xC840];
	v23 =	vand.u32 $0xFFFF0000, v25;
	v8 =	vadd.f32 v19, v13;
	v10 =	vadd.f32 v12, v10  }
0x1a4: {  	v20 =	vld [tilespmem:s4+$0xC640];
	v15 =	vshll.u32 v27, $0x10;
	v19 =	vand.u32 $0xFFFF0000, v27;
	v24 =	vand.u32 $0xFFFF0000, v29  }
0x1a5: {  	v22 =	vld [tilespmem:s4+$0x6250];
	v27 =	vshll.u32 v17, $0x10;
	v17 =	vand.u32 $0xFFFF0000, v17;
	v14 =	vadd.f32 v14, v18  }
0x1a6: {  	v13 =	vld [tilespmem:s4+$0x6420];
	v18 =	vshll.u32 v29, $0x10;
	v25 =	vshll.u32 v16, $0x10;
	v16 =	vand.u32 $0xFFFF0000, v16  }
0x1a7: {  	v7 =	vadd.f32 v8, v7;
	v15 =	vmul.f32 v15, v21;
	v19 =	vmul.f32 v19, v23  }
0x1a8: {  	v12 =	vld [tilespmem:s4+$0xC650];
	v10 =	vadd.f32 v10, v11;
	v48 =	vshll.u32 v31, $0x10;
	v31 =	vand.u32 $0xFFFF0000, v31  }
0x1a9: {  	v29 =	vld [tilespmem:s4+$0x6440];
	v18 =	vmul.f32 v25, v18;
	v16 =	vmul.f32 v16, v24;
	v28 =	vshll.u32 v20, $0x10  }
0x1aa: {  	v20 =	vand.u32 $0xFFFF0000, v20;
	v30 =	vshll.u32 v22, $0x10;
	v22 =	vand.u32 $0xFFFF0000, v22  }
0x1ab: {  	v26 =	vld [tilespmem:s4+$0x6430];
	v15 =	vadd.f32 v19, v15;
	v8 =	vadd.f32 v10, v14;
	v44 =	vshll.u32 v13, $0x10  }
0x1ac: {  	v11 =	vld [tilespmem:s4+$0xC820];
	v13 =	vand.u32 $0xFFFF0000, v13;
	v5 =	vmul.f32 v28, v27;
	v17 =	vmul.f32 v20, v17  }
0x1ad: {  	s22 =	simm.s32 $0x1;
	s15 =	simm.s32 $0x4;
	v14 =	vld [tilespmem:s4+$0xC830];
	v16 =	vadd.f32 v16, v18;
	v42 =	vshll.u32 v12, $0x10;
	v12 =	vand.u32 $0xFFFF0000, v12  }
0x1ae: {  	s8 =	simm.s32 $0x8;
	s3 =	sand.u32 $0x2, s15;
	v10 =	vsel vm3, v8, v7;
	v7 =	vsel vm3, v7, v8;
	v8 =	vld [tilespmem:s4+$0xC850];
	v47 =	vshll.u32 v29, $0x10;
	s4 =	sand.u32 $0x1, s22  }
0x1af: {  	s6 =	sand.u32 $0x70, s8;
	v29 =	vand.u32 $0xFFFF0000, v29;
	v20 =	vmul.f32 v42, v30;
	v12 =	vmul.f32 v12, v22;
	s4 =	sor.u32 s3, s4  }
0x1b0: {  	v5 =	vadd.f32 v17, v5;
	v15 =	vadd.f32 v16, v15;
	v10 =	vperm.xlane v10, v0;
	s4 =	sor.u32 s4, s6  }
0x1b1: {  	v45 =	vshll.u32 v11, $0x10;
	v22 =	vmul.f32 v48, v47;
	v24 =	vmul.f32 v31, v29;
	s22 =	sshll.u32 s4, $0x6  }
0x1b2: {  	v17 =	vmul.f32 v45, v44;
	v12 =	vadd.f32 v12, v20;
	v10 =	vadd.f32 v7, v10;
	v23 =	vld [tilespmem:s22+$0x6320]  }
0x1b3: {  	v7 =	vand.u32 $0xFFFF0000, v11;
	v11 =	vshll.u32 v26, $0x10;
	v26 =	vand.u32 $0xFFFF0000, v26;
	v19 =	vld [tilespmem:s22+$0xC720]  }
0x1b4: {  	v46 =	vshll.u32 v14, $0x10;
	v14 =	vand.u32 $0xFFFF0000, v14;
	v16 =	vadd.f32 v24, v22;
	v18 =	vld [tilespmem:s22+$0x6330]  }
0x1b5: {  	v22 =	vsel vm3, v6, v4;
	v7 =	vmul.f32 v7, v13;
	v13 =	vld [tilespmem:s22+$0xC730];
	v11 =	vmul.f32 v46, v11  }
0x1b6: {  	v14 =	vmul.f32 v14, v26;
	v20 =	vld [tilespmem:s22+$0x6340];
	v21 =	vshll.u32 v8, $0x10;
	v8 =	vand.u32 $0xFFFF0000, v8  }
0x1b7: {  	v24 =	vld [tilespmem:s22+$0xC750];
	v12 =	vadd.f32 v12, v5;
	v21 =	vmul.f32 v21, v39;
	v8 =	vmul.f32 v8, v33  }
0x1b8: {  	v5 =	vperm.xlane v22, v0;
	v22 =	vld [tilespmem:s22+$0xC920];
	v7 =	vadd.f32 v7, v17;
	v11 =	vadd.f32 v14, v11  }
0x1b9: {  	v4 =	vsel vm3, v4, v6;
	v26 =	vld [tilespmem:s22+$0xC930];
	v6 =	vadd.f32 v12, v15;
	v8 =	vadd.f32 v8, v21  }
0x1ba: {  	v28 =	vld [tilespmem:s22+$0x6540];
	v7 =	vadd.f32 v11, v7;
	v11 =	vshll.u32 v23, $0x10;
	v12 =	vand.u32 $0xFFFF0000, v23  }
0x1bb: {  	v49 =	vld [tilespmem:s22+$0xC940];
	v15 =	vshll.u32 v19, $0x10;
	v23 =	vshll.u32 v18, $0x10;
	v18 =	vand.u32 $0xFFFF0000, v18  }
0x1bc: {  	v17 =	vld [tilespmem:s22+$0xC740];
	v25 =	vshll.u32 v13, $0x10;
	v13 =	vand.u32 $0xFFFF0000, v13;
	v27 =	vshll.u32 v20, $0x10  }
0x1bd: {  	v14 =	vld [tilespmem:s22+$0x6350];
	v20 =	vand.u32 $0xFFFF0000, v20;
	v31 =	vshll.u32 v24, $0x10;
	v24 =	vand.u32 $0xFFFF0000, v24  }
0x1be: {  	v51 =	vshll.u32 v22, $0x10;
	v22 =	vand.u32 $0xFFFF0000, v22;
	v54 =	vshll.u32 v26, $0x10  }
0x1bf: {  	v26 =	vand.u32 $0xFFFF0000, v26;
	v55 =	vshll.u32 v28, $0x10;
	v8 =	vadd.f32 v8, v16  }
0x1c0: {  	v53 =	vld [tilespmem:s22+$0x6550];
	v16 =	vand.u32 $0xFFFF0000, v19;
	v11 =	vmul.f32 v15, v11;
	v15 =	vand.u32 $0xFFFF0000, v28  }
0x1c1: {  	v21 =	vld [tilespmem:s22+$0x6520];
	v23 =	vmul.f32 v25, v23;
	v13 =	vmul.f32 v13, v18;
	v18 =	vshll.u32 v49, $0x10  }
0x1c2: {  	v29 =	vshll.u32 v17, $0x10;
	v17 =	vand.u32 $0xFFFF0000, v17;
	v30 =	vshll.u32 v14, $0x10  }
0x1c3: {  	v19 =	vld [tilespmem:s22+$0x6530];
	v14 =	vand.u32 $0xFFFF0000, v14;
	v12 =	vmul.f32 v16, v12;
	v18 =	vmul.f32 v18, v55  }
0x1c4: {  	v25 =	vmul.f32 v29, v27;
	v17 =	vmul.f32 v17, v20;
	v20 =	vand.u32 $0xFFFF0000, v49  }
0x1c5: {  	v16 =	vld [tilespmem:s22+$0xC950];
	v27 =	vmul.f32 v31, v30;
	v14 =	vmul.f32 v24, v14;
	v24 =	vshll.u32 v53, $0x10  }
0x1c6: {  	v56 =	vld [tilespmem:s22+$0x6230];
	v23 =	vadd.f32 v13, v23;
	v50 =	vshll.u32 v21, $0x10;
	v21 =	vand.u32 $0xFFFF0000, v21  }
0x1c7: {  	v60 =	vld [tilespmem:s22+$0x6420];
	v15 =	vmul.f32 v20, v15;
	v57 =	vadd.f32 v12, v11;
	v29 =	vmul.f32 v51, v50  }
0x1c8: {  	v59 =	vld [tilespmem:s22+$0xC650];
	v21 =	vmul.f32 v22, v21;
	v22 =	vand.u32 $0xFFFF0000, v53;
	v52 =	vshll.u32 v19, $0x10  }
0x1c9: {  	v28 =	vld [tilespmem:s22+$0x6220];
	v17 =	vadd.f32 v17, v25;
	v19 =	vand.u32 $0xFFFF0000, v19;
	v31 =	vmul.f32 v54, v52  }
0x1ca: {  	v30 =	vld [tilespmem:s22+$0xC620];
	v19 =	vmul.f32 v26, v19;
	v26 =	vshll.u32 v16, $0x10;
	v16 =	vand.u32 $0xFFFF0000, v16  }
0x1cb: {  	s4 =	simm.s32 $0x13D40;
	v20 =	vld [tilespmem:s22+$0xC630];
	v14 =	vadd.f32 v14, v27;
	v13 =	vmul.f32 v26, v24;
	v16 =	vmul.f32 v16, v22  }
0x1cc: {  	s5 =	simm.s32 $0x13D60;
	v58 =	vld [tilespmem:s22+$0x6250];
	[tilespmem:s4+$0x0] =	vst v9;
	v9 =	vshll.u32 v60, $0x10;
	v15 =	vadd.f32 v15, v18;
	v21 =	vadd.f32 v21, v29  }
0x1cd: {  	[tilespmem:s5+$0x0] =	vst v10;
	v10 =	vand.u32 $0xFFFF0000, v60;
	v25 =	vld [tilespmem:s22+$0xC640];
	v19 =	vadd.f32 v19, v31;
	v16 =	vadd.f32 v16, v13  }
0x1ce: {  	v11 =	vshll.u32 v28, $0x10;
	v23 =	vadd.f32 v23, v57;
	v27 =	vadd.f32 v14, v17;
	v24 =	vld [tilespmem:s22+$0x6240]  }
0x1cf: {  	v12 =	vand.u32 $0xFFFF0000, v28;
	v22 =	vld [tilespmem:s22+$0xC820];
	v19 =	vadd.f32 v19, v21;
	v21 =	vadd.f32 v16, v15  }
0x1d0: {  	v32 =	vld [tilespmem:s22+$0x6450];
	v28 =	vshll.u32 v59, $0x10;
	v14 =	vand.u32 $0xFFFF0000, v30;
	v17 =	vshll.u32 v20, $0x10  }
0x1d1: {  	v29 =	vld [tilespmem:s22+$0x6440];
	v18 =	vand.u32 $0xFFFF0000, v20;
	v33 =	vadd.f32 v27, v23;
	v61 =	vadd.f32 v21, v19  }
0x1d2: {  	v26 =	vld [tilespmem:s22+$0x6430];
	v13 =	vshll.u32 v30, $0x10;
	v23 =	vshll.u32 v25, $0x10;
	v15 =	vshll.u32 v56, $0x10  }
0x1d3: {  	v27 =	vld [tilespmem:s22+$0xC830];
	v16 =	vand.u32 $0xFFFF0000, v56;
	v20 =	vand.u32 $0xFFFF0000, v24;
	v30 =	vsel vm3, v61, v33  }
0x1d4: {  	v31 =	vld [tilespmem:s22+$0xC840];
	v34 =	vshll.u32 v22, $0x10;
	v19 =	vshll.u32 v24, $0x10;
	v62 =	vperm.xlane v30, v0  }
0x1d5: {  	v24 =	vand.u32 $0xFFFF0000, v25;
	v21 =	vshll.u32 v58, $0x10;
	v63 =	vsel vm3, v33, v61;
	v33 =	vld [tilespmem:s22+$0xC850]  }
0x1d6: {  	s6 =	simm.s32 $0x13D60;
	v25 =	vand.u32 $0xFFFF0000, v58;
	v30 =	vand.u32 $0xFFFF0000, v59;
	v35 =	vadd.f32 v63, v62  }
.LBB2_7:
0x1d7: {  	s15 =	sadd.s32 $0x2, s15;
	v22 =	vand.u32 $0xFFFF0000, v22;
	v36 =	vshll.u32 v26, $0x10;
	v26 =	vand.u32 $0xFFFF0000, v26;
	s5 =	sadd.s32 $0x20, s5  }
0x1d8: {  	v37 =	vshll.u32 v27, $0x10;
	v27 =	vand.u32 $0xFFFF0000, v27;
	v38 =	vshll.u32 v29, $0x10;
	s22 =	sshrl.u32 s15, $0x2;
	p1 =	slt.u32 s15, $0x26;
	[tilespmem:s5+$0x0] =	vst v35  }
0x1d9: {  	v29 =	vand.u32 $0xFFFF0000, v29;
	s8 =	sadd.s32 $0x4, s8;
	s3 =	sand.u32 $0x2, s15;
	v35 =	vshll.u32 v31, $0x10;
	v31 =	vand.u32 $0xFFFF0000, v31;
	s22 =	sand.u32 $0x1, s22  }
0x1da: {  	v39 =	vshll.u32 v32, $0x10;
	v32 =	vand.u32 $0xFFFF0000, v32;
	v40 =	vshll.u32 v33, $0x10;
	s3 =	sor.u32 s3, s22;
	s22 =	sand.u32 $0x70, s8  }
0x1db: {  	v11 =	vmul.f32 v13, v11;
	v12 =	vmul.f32 v14, v12;
	v13 =	vand.u32 $0xFFFF0000, v33;
	s3 =	sor.u32 s3, s22  }
0x1dc: {  	v14 =	vmul.f32 v17, v15;
	v15 =	vmul.f32 v18, v16;
	v8 =	vadd.f32 v8, v7;
	s22 =	sshll.u32 s3, $0x6  }
0x1dd: {  	v7 =	vmul.f32 v23, v19;
	v17 =	vmul.f32 v24, v20;
	v11 =	vadd.f32 v12, v11;
	v16 =	vld [tilespmem:s22+$0x6320]  }
0x1de: {  	v18 =	vmul.f32 v28, v21;
	v19 =	vmul.f32 v30, v25;
	v14 =	vadd.f32 v15, v14;
	v12 =	vld [tilespmem:s22+$0xC720]  }
0x1df: {  	v9 =	vmul.f32 v34, v9;
	v10 =	vmul.f32 v22, v10;
	v7 =	vadd.f32 v17, v7;
	v15 =	vld [tilespmem:s22+$0x6330]  }
0x1e0: {  	v20 =	vmul.f32 v27, v26;
	v18 =	vadd.f32 v19, v18;
	v19 =	vmul.f32 v37, v36;
	v17 =	vld [tilespmem:s22+$0xC730]  }
0x1e1: {  	v22 =	vmul.f32 v35, v38;
	v23 =	vmul.f32 v31, v29;
	v9 =	vadd.f32 v10, v9;
	v21 =	vld [tilespmem:s22+$0x6340]  }
0x1e2: {  	v24 =	vmul.f32 v40, v39;
	v13 =	vmul.f32 v13, v32;
	v19 =	vadd.f32 v20, v19;
	v10 =	vld [tilespmem:s22+$0xC740]  }
0x1e3: {  	v11 =	vadd.f32 v14, v11;
	v14 =	vadd.f32 v23, v22;
	v22 =	vsel vm3, v8, v6;
	v20 =	vld [tilespmem:s22+$0x6350]  }
0x1e4: {  	v13 =	vadd.f32 v13, v24;
	v18 =	vadd.f32 v18, v7;
	v22 =	vperm.xlane v22, v0;
	v23 =	vld [tilespmem:s22+$0xC750]  }
0x1e5: {  	v7 =	vadd.f32 v19, v9;
	v9 =	vadd.f32 v4, v5;
	v4 =	vsel vm3, v6, v8;
	v24 =	vld [tilespmem:s22+$0x6520]  }
0x1e6: {  	v6 =	vadd.f32 v18, v11;
	v8 =	vadd.f32 v13, v14;
	v5 =	vmovc v22;
	v19 =	vshll.u32 v16, $0x10;
	v25 =	vld [tilespmem:s22+$0xC920]  }
0x1e7: {  	v11 =	vand.u32 $0xFFFF0000, v16;
	v13 =	vshll.u32 v12, $0x10;
	v12 =	vand.u32 $0xFFFF0000, v12;
	v14 =	vld [tilespmem:s22+$0x6530];
	[tilespmem:s4+$0xFFFFFFF0] =	vst v9;
	s4 =	smov.u32 s6;
	s6 =	smov.u32 s5  }
0x1e8: {  	v16 =	vshll.u32 v17, $0x10;
	v9 =	vshll.u32 v15, $0x10;
	v15 =	vand.u32 $0xFFFF0000, v15;
	v18 =	vld [tilespmem:s22+$0xC930]  }
0x1e9: {  	v17 =	vand.u32 $0xFFFF0000, v17;
	v22 =	vshll.u32 v21, $0x10;
	v21 =	vand.u32 $0xFFFF0000, v21;
	v26 =	vld [tilespmem:s22+$0x6540]  }
0x1ea: {  	v27 =	vshll.u32 v10, $0x10;
	v10 =	vand.u32 $0xFFFF0000, v10;
	v29 =	vshll.u32 v20, $0x10;
	v28 =	vld [tilespmem:s22+$0x6220]  }
0x1eb: {  	v20 =	vand.u32 $0xFFFF0000, v20;
	v30 =	vshll.u32 v23, $0x10;
	v23 =	vand.u32 $0xFFFF0000, v23;
	v31 =	vld [tilespmem:s22+$0xC940]  }
0x1ec: {  	v33 =	vshll.u32 v24, $0x10;
	v24 =	vand.u32 $0xFFFF0000, v24;
	v34 =	vshll.u32 v25, $0x10;
	v32 =	vld [tilespmem:s22+$0xC620]  }
0x1ed: {  	v25 =	vand.u32 $0xFFFF0000, v25;
	v35 =	vshll.u32 v14, $0x10;
	v14 =	vand.u32 $0xFFFF0000, v14;
	v36 =	vld [tilespmem:s22+$0x6550]  }
0x1ee: {  	v38 =	vshll.u32 v18, $0x10;
	v18 =	vand.u32 $0xFFFF0000, v18;
	v37 =	vld [tilespmem:s22+$0x6230];
	v39 =	vshll.u32 v26, $0x10  }
0x1ef: {  	v13 =	vmul.f32 v13, v19;
	v11 =	vmul.f32 v12, v11;
	v12 =	vand.u32 $0xFFFF0000, v26;
	v19 =	vld [tilespmem:s22+$0xC950]  }
0x1f0: {  	v9 =	vmul.f32 v16, v9;
	v15 =	vmul.f32 v17, v15;
	v40 =	vld [tilespmem:s22+$0xC630];
	v16 =	vshll.u32 v31, $0x10  }
0x1f1: {  	v17 =	vmul.f32 v27, v22;
	v10 =	vmul.f32 v10, v21;
	v21 =	vand.u32 $0xFFFF0000, v31;
	v41 =	vld [tilespmem:s22+$0x6240]  }
0x1f2: {  	v27 =	vmul.f32 v30, v29;
	v20 =	vmul.f32 v23, v20;
	v42 =	vld [tilespmem:s22+$0xC640];
	v23 =	vshll.u32 v36, $0x10  }
0x1f3: {  	v29 =	vmul.f32 v34, v33;
	v24 =	vmul.f32 v25, v24;
	v25 =	vand.u32 $0xFFFF0000, v36;
	v30 =	vld [tilespmem:s22+$0x6250]  }
0x1f4: {  	v14 =	vmul.f32 v18, v14;
	v31 =	vmul.f32 v38, v35;
	v34 =	vld [tilespmem:s22+$0xC650];
	v18 =	vshll.u32 v19, $0x10  }
0x1f5: {  	v16 =	vmul.f32 v16, v39;
	v21 =	vmul.f32 v21, v12;
	v12 =	vand.u32 $0xFFFF0000, v19;
	v35 =	vld [tilespmem:s22+$0x6420]  }
0x1f6: {  	v9 =	vadd.f32 v15, v9;
	v19 =	vadd.f32 v11, v13;
	v13 =	vmul.f32 v18, v23;
	v22 =	vld [tilespmem:s22+$0xC820]  }
0x1f7: {  	v10 =	vadd.f32 v10, v17;
	v15 =	vadd.f32 v20, v27;
	v17 =	vmul.f32 v12, v25;
	v26 =	vld [tilespmem:s22+$0x6430]  }
0x1f8: {  	v20 =	vadd.f32 v14, v31;
	v11 =	vshll.u32 v28, $0x10;
	v18 =	vadd.f32 v24, v29;
	v27 =	vld [tilespmem:s22+$0xC830]  }
0x1f9: {  	v16 =	vadd.f32 v21, v16;
	v12 =	vand.u32 $0xFFFF0000, v28;
	v17 =	vadd.f32 v17, v13;
	v29 =	vld [tilespmem:s22+$0x6440]  }
0x1fa: {  	v10 =	vadd.f32 v15, v10;
	v9 =	vadd.f32 v9, v19;
	v13 =	vshll.u32 v32, $0x10;
	v31 =	vld [tilespmem:s22+$0xC840]  }
0x1fb: {  	v14 =	vand.u32 $0xFFFF0000, v32;
	v19 =	vadd.f32 v20, v18;
	v20 =	vadd.f32 v17, v16;
	v32 =	vld [tilespmem:s22+$0x6450]  }
0x1fc: {  	v15 =	vshll.u32 v37, $0x10;
	v16 =	vand.u32 $0xFFFF0000, v37;
	v17 =	vshll.u32 v40, $0x10;
	v33 =	vld [tilespmem:s22+$0xC850]  }
0x1fd: {  	v18 =	vand.u32 $0xFFFF0000, v40;
	v10 =	vadd.f32 v10, v9;
	v36 =	vadd.f32 v20, v19  }
.Ltmp4:
0x1fe: {  	v23 =	vshll.u32 v42, $0x10;
	v19 =	vshll.u32 v41, $0x10;
	v20 =	vand.u32 $0xFFFF0000, v41;
	(pc) =	sbr.rel @p1 .LBB2_7-.Ltmp4, $4  }
0x1ff: {  	v24 =	vand.u32 $0xFFFF0000, v42;
	v21 =	vshll.u32 v30, $0x10;
	v9 =	vsel vm3, v36, v10  }
0x200: {  	v25 =	vand.u32 $0xFFFF0000, v30;
	v28 =	vshll.u32 v34, $0x10;
	v37 =	vperm.xlane v9, v0  }
0x201: {  	v30 =	vand.u32 $0xFFFF0000, v34;
	v36 =	vsel vm3, v10, v36;
	v9 =	vshll.u32 v35, $0x10  }
0x202: {  	v34 =	vshll.u32 v22, $0x10;
	v10 =	vand.u32 $0xFFFF0000, v35;
	v35 =	vadd.f32 v36, v37  }
0x203: {  	v22 =	vand.u32 $0xFFFF0000, v22;
	v36 =	vshll.u32 v26, $0x10;
	v51 =	vand.u32 $0xFFFF0000, v26  }
0x204: {  	v37 =	vshll.u32 v27, $0x10;
	v38 =	vshll.u32 v29, $0x10;
	v53 =	vand.u32 $0xFFFF0000, v29  }
0x205: {  	v39 =	vshll.u32 v31, $0x10;
	v11 =	vmul.f32 v13, v11;
	v12 =	vmul.f32 v14, v12  }
0x206: {  	v54 =	vand.u32 $0xFFFF0000, v31;
	v14 =	vmul.f32 v17, v15;
	v15 =	vmul.f32 v18, v16  }
0x207: {  	v40 =	vshll.u32 v32, $0x10;
	v56 =	vmul.f32 v23, v19;
	v57 =	vmul.f32 v24, v20  }
0x208: {  	v13 =	vand.u32 $0xFFFF0000, v32;
	v59 =	vmul.f32 v28, v21;
	v60 =	vmul.f32 v30, v25  }
0x209: {  	v55 =	vshll.u32 v33, $0x10;
	v9 =	vmul.f32 v34, v9;
	v10 =	vmul.f32 v22, v10  }
0x20a: {  	v58 =	vand.u32 $0xFFFF0000, v33;
	v61 =	vmul.f32 v39, v38;
	v62 =	vmul.f32 v54, v53  }
0x20b: {  	v52 =	vand.u32 $0xFFFF0000, v27;
	v16 =	vmul.f32 v55, v40;
	v13 =	vmul.f32 v58, v13  }
0x20c: {  	v11 =	vadd.f32 v12, v11;
	v12 =	vadd.f32 v15, v14;
	v14 =	vmul.f32 v37, v36  }
0x20d: {  	v15 =	vmul.f32 v52, v51;
	v17 =	vadd.f32 v57, v56;
	v20 =	vadd.f32 v60, v59  }
0x20e: {  	v9 =	vadd.f32 v10, v9;
	v13 =	vadd.f32 v13, v16  }
0x20f: {  	v10 =	vadd.f32 v15, v14;
	v14 =	vadd.f32 v62, v61  }
0x210: {  	v11 =	vadd.f32 v12, v11;
	v12 =	vadd.f32 v20, v17  }
0x211: {  	v9 =	vadd.f32 v10, v9;
	v10 =	vadd.f32 v13, v14  }
0x212: {  	v7 =	vadd.f32 v8, v7  }
0x213: {  	v8 =	vadd.f32 v12, v11;
	v9 =	vadd.f32 v10, v9  }
0x214: {  	v10 =	vsel vm3, v7, v6  }
0x215: {  	v10 =	vperm.xlane v10, v0;
	v11 =	vsel vm3, v9, v8  }
0x216: {  	s3 =	sadd.s32 $0x20, s5;
	v4 =	vadd.f32 v4, v5;
	v6 =	vsel vm3, v6, v7;
	v5 =	vperm.xlane v11, v0  }
0x217: {  	[tilespmem:s3+$0x0] =	vst v35;
	v7 =	vsel vm3, v8, v9;
	v6 =	vadd.f32 v6, v10  }
0x218: {  	[tilespmem:s4+$0xFFFFFFF0] =	vst v4;
	v4 =	vadd.f32 v7, v5  }
0x219: {  	[tilespmem:s6+$0xFFFFFFF0] =	vst v6  }
0x21a: {  	s15 =	simm.s32 $0x13D70;
	[tilespmem:s3+$0xFFFFFFF0] =	vst v4  }
0x21b: {  	v4 =	vld [tilespmem:s15+$0xFFFFFFC0]  }
0x21c: {  	v5 =	vld [tilespmem:s15+$0xFFFFFFD0]  }
0x21d: {  	v6 =	vld [tilespmem:s15+$0xFFFFFFE0]  }
0x21e: {  	v7 =	vld [tilespmem:s15+$0xFFFFFFF0]  }
0x21f: {  	v8 =	vld [tilespmem:s15+$0x0]  }
0x220: {  	v9 =	vld [tilespmem:s15+$0x10]  }
0x221: {  	v10 =	vld [tilespmem:s15+$0x20]  }
0x222: {  	v11 =	vld [tilespmem:s15+$0x30];
	_ =	sdelay $0x2  }
0x223: {  	s22 =	simm.s32 $0x13DF0;
	v12 =	vsel vm0, v4, v5;
	v13 =	vsel vm0, v6, v7  }
0x224: {  	v14 =	vld [tilespmem:s22+$0xFFFFFFC0];
	v4 =	vsel vm0, v5, v4;
	v5 =	vsel vm0, v7, v6;
	v6 =	vsel vm0, v9, v8  }
0x225: {  	v15 =	vld [tilespmem:s22+$0x10];
	v7 =	vsel vm0, v11, v10;
	v4 =	vperm.xlane v4, v1;
	v5 =	vperm.xlane v5, v1  }
0x226: {  	v8 =	vsel vm0, v8, v9;
	v9 =	vld [tilespmem:s22+$0xFFFFFFD0];
	v6 =	vperm.xlane v6, v1;
	v7 =	vperm.xlane v7, v1  }
0x227: {  	v10 =	vsel vm0, v10, v11;
	v11 =	vld [tilespmem:s22+$0xFFFFFFE0];
	v4 =	vadd.f32 v4, v12;
	v5 =	vadd.f32 v5, v13  }
0x228: {  	v6 =	vadd.f32 v6, v8;
	v7 =	vadd.f32 v7, v10;
	v8 =	vld [tilespmem:s22+$0xFFFFFFF0]  }
0x229: {  	v10 =	vld [tilespmem:s22+$0x0];
	v12 =	vsel vm1, v5, v4  }
0x22a: {  	v63 =	vld [tilespmem:s22+$0x20];
	v13 =	vsel vm1, v7, v6;
	v12 =	vperm.xlane v12, v2  }
0x22b: {  	v4 =	vsel vm1, v4, v5;
	v5 =	vsel vm1, v6, v7;
	v6 =	vld [tilespmem:s22+$0x30];
	v13 =	vperm.xlane v13, v2  }
0x22c: {  	v4 =	vadd.f32 v12, v4  }
0x22d: {  	v5 =	vadd.f32 v13, v5;
	v12 =	vsel vm0, v14, v9;
	v13 =	vsel vm0, v11, v8  }
0x22e: {  	v9 =	vsel vm0, v9, v14;
	v8 =	vsel vm0, v8, v11;
	v11 =	vsel vm0, v15, v10  }
0x22f: {  	v9 =	vperm.xlane v9, v1;
	v8 =	vperm.xlane v8, v1;
	v7 =	vsel vm2, v5, v4  }
0x230: {  	v11 =	vperm.xlane v11, v1;
	v14 =	vsel vm0, v6, v63;
	v7 =	vperm.xlane v7, v3  }
0x231: {  	v5 =	vsel vm2, v4, v5;
	v12 =	vadd.f32 v9, v12;
	v8 =	vadd.f32 v8, v13  }
0x232: {  	v10 =	vsel vm0, v10, v15;
	v14 =	vperm.xlane v14, v1;
	v9 =	vadd.f32 v5, v7  }
0x233: {  	v6 =	vsel vm0, v63, v6;
	v10 =	vadd.f32 v11, v10;
	v11 =	vsel vm1, v8, v12  }
0x234: {  	v6 =	vadd.f32 v14, v6;
	v11 =	vperm.xlane v11, v2;
	v14 =	vsub.f32 $0.0e+00, v9  }
0x235: {  	v8 =	vsel vm1, v12, v8  }
0x236: {  	v12 =	vadd.f32 v11, v8;
	v11 =	vmul.f32 $1.442695020e+00, v14;
	_ =	sdelay $0x1  }
0x237: {  	s6 =	simm.s32 $0x13E70;
	(erf) = vpow2.f32 v11  }
0x238: {  	v4 =	vld [tilespmem:s6+$0xFFFFFFC0]  }
0x239: {  	v5 =	vld [tilespmem:s6+$0xFFFFFFD0];
	v13 =	vsel vm1, v6, v10  }
0x23a: {  	v7 =	vld [tilespmem:s6+$0xFFFFFFE0];
	v13 =	vperm.xlane v13, v2  }
0x23b: {  	v9 =	vld [tilespmem:s6+$0xFFFFFFF0];
	v10 =	vsel vm1, v10, v6  }
0x23c: {  	v6 =	vld [tilespmem:s6+$0x0];
	v13 =	vadd.f32 v13, v10  }
0x23d: {  	v10 =	vld [tilespmem:s6+$0x10]  }
0x23e: {  	v8 =	vld [tilespmem:s6+$0x20];
	v14 =	vsel vm2, v13, v12  }
0x23f: {  	s5 =	simm.s32 $0x40;
	s8 =	simm.s32 $0xC0;
	s4 =	simm.s32 $0x80;
	v11 =	vld [tilespmem:s6+$0x30];
	v14 =	vperm.xlane v14, v3  }
.LBB2_9:
0x240: {  	p1 =	sne.s32 s8, $0x100;
	v15 =	vsel vm0, v4, v5;
	v12 =	vsel vm2, v12, v13;
	v13 =	vpop (erf)  }
0x241: {  	v16 =	vsel vm0, v7, v9;
	v12 =	vadd.f32 v12, v14;
	v13 =	vadd.f32 $1.000000000e+00, v13  }
0x242: {  	v4 =	vsel vm0, v5, v4;
	v5 =	vsel vm0, v9, v7;
	v7 =	vsel vm0, v10, v6  }
0x243: {  	v4 =	vperm.xlane v4, v1;
	v9 =	vsub.f32 $0.0e+00, v12;
	(erf) = vrcp.f32 v13  }
0x244: {  	v5 =	vperm.xlane v5, v1;
	v7 =	vperm.xlane v7, v1;
	v12 =	vsel vm0, v11, v8  }
0x245: {  	v6 =	vsel vm0, v6, v10;
	v10 =	vperm.xlane v12, v1;
	v9 =	vmul.f32 $1.442695020e+00, v9  }
0x246: {  	v13 =	vadd.f32 v5, v16;
	v12 =	vadd.f32 v4, v15;
	v4 =	vsel vm0, v8, v11  }
0x247: {  	s6 =	sadd.s32 $0x80, s6;
	v6 =	vadd.f32 v7, v6;
	v8 =	vadd.f32 v10, v4;
	(erf) = vpow2.f32 v9  }
0x248: {  	v4 =	vld [tilespmem:s6+$0xFFFFFFC0]  }
0x249: {  	v9 =	vsel vm1, v13, v12;
	v5 =	vld [tilespmem:s6+$0xFFFFFFD0];
	v10 =	vsel vm1, v8, v6  }
0x24a: {  	v11 =	vperm.xlane v9, v2;
	v7 =	vld [tilespmem:s6+$0xFFFFFFE0];
	v10 =	vperm.xlane v10, v2  }
.Ltmp5:
0x24b: {  	s3 =	sshra.s32 s26, $0x2;
	s26 =	smov.u32 s5;
	v12 =	vsel vm1, v12, v13;
	v14 =	vsel vm1, v6, v8;
	v9 =	vld [tilespmem:s6+$0xFFFFFFF0];
	(pc) =	sbr.rel @p1 .LBB2_9-.Ltmp5, $4  }
0x24c: {  	s5 =	smov.u32 s4;
	s4 =	smov.u32 s8;
	s3 =	sadd.s32 s3, s17;
	v12 =	vadd.f32 v11, v12;
	v6 =	vld [tilespmem:s6+$0x0];
	v13 =	vadd.f32 v10, v14;
	v8 =	vpop (erf)  }
0x24d: {  	v10 =	vld [tilespmem:s6+$0x10];
	[tilespmem:s3+$0x0] =	vst v8  }
0x24e: {  	v8 =	vld [tilespmem:s6+$0x20];
	v14 =	vsel vm2, v13, v12  }
0x24f: {  	s8 =	sadd.s32 $0x40, s8;
	v11 =	vld [tilespmem:s6+$0x30];
	v14 =	vperm.xlane v14, v3  }
0x250: {  	_ = 	snop  }
0x251: {  	v15 =	vsel vm0, v4, v5;
	v12 =	vsel vm2, v12, v13;
	v16 =	vsel vm0, v7, v9  }
0x252: {  	v13 =	vpop (erf);
	v4 =	vsel vm0, v5, v4;
	v5 =	vsel vm0, v9, v7;
	v12 =	vadd.f32 v12, v14  }
0x253: {  	v13 =	vadd.f32 $1.000000000e+00, v13;
	v4 =	vperm.xlane v4, v1;
	v5 =	vperm.xlane v5, v1  }
0x254: {  	v7 =	vsel vm0, v10, v6;
	v9 =	vsub.f32 $0.0e+00, v12;
	v12 =	vsel vm0, v11, v8  }
0x255: {  	v6 =	vsel vm0, v6, v10;
	v7 =	vperm.xlane v7, v1;
	v10 =	vperm.xlane v12, v1  }
0x256: {  	v4 =	vadd.f32 v4, v15;
	v5 =	vadd.f32 v5, v16;
	v8 =	vsel vm0, v8, v11  }
0x257: {  	v9 =	vmul.f32 $1.442695020e+00, v9;
	v6 =	vadd.f32 v7, v6;
	v7 =	vadd.f32 v10, v8  }
0x258: {  	(erf) = vrcp.f32 v13  }
0x259: {  	(erf) = vpow2.f32 v9;
	v8 =	vsel vm1, v5, v4;
	v9 =	vsel vm1, v7, v6  }
0x25a: {  	v8 =	vperm.xlane v8, v2;
	v9 =	vperm.xlane v9, v2  }
0x25b: {  	v4 =	vsel vm1, v4, v5;
	v5 =	vsel vm1, v6, v7  }
0x25c: {  	v4 =	vadd.f32 v8, v4;
	v5 =	vadd.f32 v9, v5;
	_ =	sdelay $0x1  }
0x25d: {  	v6 =	vsel vm2, v5, v4  }
0x25e: {  	v6 =	vperm.xlane v6, v3  }
0x25f: {  	v4 =	vsel vm2, v4, v5  }
0x260: {  	v4 =	vadd.f32 v4, v6  }
0x261: {  	v5 =	vpop (erf)  }
0x262: {  	v6 =	vpop (erf);
	v4 =	vsub.f32 $0.0e+00, v4  }
0x263: {  	v6 =	vadd.f32 $1.000000000e+00, v6  }
0x264: {  	v4 =	vmul.f32 $1.442695020e+00, v4  }
0x265: {  	(erf) = vrcp.f32 v6  }
0x266: {  	(erf) = vpow2.f32 v4;
	_ =	sdelay $0x7  }
0x267: {  	v4 =	vpop (erf)  }
0x268: {  	v6 =	vpop (erf)  }
0x269: {  	v6 =	vadd.f32 $1.000000000e+00, v6;
	_ =	sdelay $0x1  }
0x26a: {  	(erf) = vrcp.f32 v6;
	_ =	sdelay $0x5  }
0x26b: {  	s3 =	sshra.s32 s26, $0x2  }
0x26c: {  	s5 =	sshra.s32 s5, $0x2;
	s3 =	sadd.s32 s3, s17  }
0x26d: {  	s4 =	sshra.s32 s4, $0x2;
	s6 =	sadd.s32 s5, s17;
	[tilespmem:s3+$0x0] =	vst v5  }
0x26e: {  	s8 =	sadd.s32 s4, s17;
	[tilespmem:s6+$0x0] =	vst v4;
	v4 =	vpop (erf)  }
0x26f: {  	s4 =	simm.s32 @!p0 $0x50;
	s5 =	simm.s32 @!p0 $0x6220;
	s3 =	sadd.s32 @!p0 $0x1E0, s24;
	[tilespmem:s8+$0x0] =	vst v4  }
0x270: {  	[tilespmem:s5], [sflag:$0x3] =	stream.indirect.gather @!p0 [hbm4b:s0+s4], $0x40, s3, s4, $0xb8;
	[tilespmem:$0x13FB0] =	vst v63  }
0x271: {  	s3 =	sadd.s32 @!p0 $0x28F0, s24;
	s5 =	simm.s32 @!p0 $0xC620  }
0x272: {  	[tilespmem:s5], [sflag:$0x4] =	stream.indirect.gather @!p0 [hbm4b:s0+s4], $0x40, s3, s4, $0xb8;
	[tilespmem:$0x13FB0] =	vst v63  }
0x273: {  	s15 =	simm.s32 $0x0;
	_ =	swait.ge [sflag:s2], $0x1400  }
0x274: {  	s22 =	simm.s32 $0x0;
	s26 =	simm.s32 $0x0;
	[sflag:s2] =	ssyncset.done $0x0  }
0x275: {  	s3 =	sand.u32 $0x2, s15;
	s4 =	sand.u32 $0x1, s22;
	[sflag:s2] =	ssyncadd.s32 $0xFFFFEC00  }
0x276: {  	s5 =	sand.u32 $0x70, s26;
	s3 =	sor.u32 s3, s4;
	_ =	swait.ge [sflag:s10], $0x1400  }
0x277: {  	s3 =	sor.u32 s3, s5;
	[sflag:s10] =	ssyncset.done $0x0  }
0x278: {  	s4 =	sshll.u32 s3, $0x6;
	[sflag:s10] =	ssyncadd.s32 $0xFFFFEC00  }
0x279: {  	v4 =	vld [tilespmem:s4+$0x7720]  }
0x27a: {  	v5 =	vld [tilespmem:s4+$0xDB20]  }
0x27b: {  	v6 =	vld [tilespmem:s4+$0x7730]  }
0x27c: {  	v7 =	vld [tilespmem:s4+$0xDB30]  }
0x27d: {  	v8 =	vld [tilespmem:s4+$0x7740]  }
0x27e: {  	v9 =	vld [tilespmem:s4+$0xDB40]  }
0x27f: {  	v10 =	vld [tilespmem:s4+$0x7750]  }
0x280: {  	v11 =	vld [tilespmem:s4+$0xDB50]  }
0x281: {  	v12 =	vld [tilespmem:s4+$0x7920];
	v13 =	vshll.u32 v4, $0x10  }
0x282: {  	v14 =	vld [tilespmem:s4+$0xDD20];
	v4 =	vand.u32 $0xFFFF0000, v4;
	v15 =	vshll.u32 v5, $0x10;
	v5 =	vand.u32 $0xFFFF0000, v5  }
0x283: {  	v16 =	vld [tilespmem:s4+$0x7930];
	v17 =	vshll.u32 v6, $0x10;
	v6 =	vand.u32 $0xFFFF0000, v6;
	v18 =	vshll.u32 v7, $0x10  }
0x284: {  	v19 =	vld [tilespmem:s4+$0xDD30];
	v7 =	vand.u32 $0xFFFF0000, v7;
	v20 =	vshll.u32 v8, $0x10;
	v8 =	vand.u32 $0xFFFF0000, v8  }
0x285: {  	v22 =	vshll.u32 v9, $0x10;
	v9 =	vand.u32 $0xFFFF0000, v9;
	v23 =	vshll.u32 v10, $0x10  }
0x286: {  	v21 =	vld [tilespmem:s4+$0x7940];
	v10 =	vand.u32 $0xFFFF0000, v10;
	v24 =	vshll.u32 v11, $0x10;
	v11 =	vand.u32 $0xFFFF0000, v11  }
0x287: {  	v26 =	vshll.u32 v12, $0x10;
	v12 =	vand.u32 $0xFFFF0000, v12;
	v27 =	vshll.u32 v14, $0x10  }
0x288: {  	v25 =	vld [tilespmem:s4+$0xDD40];
	v14 =	vand.u32 $0xFFFF0000, v14;
	v28 =	vshll.u32 v16, $0x10;
	v16 =	vand.u32 $0xFFFF0000, v16  }
0x289: {  	v30 =	vshll.u32 v19, $0x10;
	v13 =	vmul.f32 v15, v13;
	v4 =	vmul.f32 v5, v4  }
0x28a: {  	v19 =	vand.u32 $0xFFFF0000, v19;
	v17 =	vmul.f32 v18, v17;
	v6 =	vmul.f32 v7, v6  }
0x28b: {  	v29 =	vld [tilespmem:s4+$0x7950];
	v31 =	vshll.u32 v21, $0x10;
	v18 =	vmul.f32 v22, v20;
	v8 =	vmul.f32 v9, v8  }
0x28c: {  	v5 =	vand.u32 $0xFFFF0000, v21;
	v15 =	vld [tilespmem:s4+$0xDD50];
	v21 =	vmul.f32 v24, v23;
	v10 =	vmul.f32 v11, v10  }
0x28d: {  	v7 =	vshll.u32 v25, $0x10;
	v9 =	vld [tilespmem:s4+$0x7620];
	v23 =	vmul.f32 v27, v26;
	v12 =	vmul.f32 v14, v12  }
0x28e: {  	v20 =	vand.u32 $0xFFFF0000, v25;
	v11 =	vld [tilespmem:s4+$0xDA20];
	v25 =	vmul.f32 v30, v28;
	v16 =	vmul.f32 v19, v16  }
0x28f: {  	v19 =	vld [tilespmem:s4+$0xDA30];
	v7 =	vmul.f32 v7, v31;
	v4 =	vadd.f32 v4, v13;
	v6 =	vadd.f32 v6, v17  }
0x290: {  	v27 =	vld [tilespmem:s4+$0x7850];
	v5 =	vmul.f32 v20, v5;
	v8 =	vadd.f32 v8, v18;
	v10 =	vadd.f32 v10, v21  }
0x291: {  	v22 =	vshll.u32 v29, $0x10;
	v30 =	vld [tilespmem:s4+$0xDC50];
	v12 =	vadd.f32 v12, v23;
	v16 =	vadd.f32 v16, v25  }
0x292: {  	v24 =	vand.u32 $0xFFFF0000, v29;
	v5 =	vadd.f32 v5, v7;
	v4 =	vadd.f32 v6, v4  }
0x293: {  	v13 =	vld [tilespmem:s4+$0xDA40];
	v8 =	vadd.f32 v10, v8;
	v26 =	vshll.u32 v15, $0x10;
	v15 =	vand.u32 $0xFFFF0000, v15  }
0x294: {  	v18 =	vld [tilespmem:s4+$0x7650];
	v21 =	vshll.u32 v9, $0x10;
	v9 =	vand.u32 $0xFFFF0000, v9;
	v10 =	vand.u32 $0xFFFF0000, v11  }
0x295: {  	v7 =	vld [tilespmem:s4+$0x7820];
	v23 =	vshll.u32 v19, $0x10;
	v19 =	vand.u32 $0xFFFF0000, v19;
	v37 =	vshll.u32 v27, $0x10  }
0x296: {  	v6 =	vld [tilespmem:s4+$0xDC20];
	v27 =	vand.u32 $0xFFFF0000, v27;
	v38 =	vshll.u32 v30, $0x10;
	v17 =	vmul.f32 v26, v22  }
0x297: {  	v14 =	vld [tilespmem:s4+$0x7630];
	v15 =	vmul.f32 v15, v24;
	v4 =	vadd.f32 v8, v4;
	v9 =	vmul.f32 v10, v9  }
0x298: {  	v22 =	vld [tilespmem:s4+$0xDA50];
	v10 =	vand.u32 $0xFFFF0000, v30;
	v25 =	vshll.u32 v13, $0x10;
	v13 =	vand.u32 $0xFFFF0000, v13  }
0x299: {  	v8 =	vld [tilespmem:s4+$0x7840];
	v26 =	vshll.u32 v18, $0x10;
	v18 =	vand.u32 $0xFFFF0000, v18;
	v10 =	vmul.f32 v10, v27  }
0x29a: {  	v24 =	vld [tilespmem:s4+$0xDC40];
	v15 =	vadd.f32 v15, v17;
	v17 =	vshll.u32 v11, $0x10;
	v11 =	vadd.f32 v16, v12  }
0x29b: {  	v31 =	vshll.u32 v7, $0x10;
	v7 =	vand.u32 $0xFFFF0000, v7;
	v32 =	vshll.u32 v6, $0x10  }
0x29c: {  	v20 =	vld [tilespmem:s4+$0x7640];
	v6 =	vand.u32 $0xFFFF0000, v6;
	v17 =	vmul.f32 v17, v21;
	v5 =	vadd.f32 v15, v5  }
0x29d: {  	v15 =	vshll.u32 v14, $0x10;
	v14 =	vand.u32 $0xFFFF0000, v14;
	v6 =	vmul.f32 v6, v7  }
0x29e: {  	s6 =	simm.s32 $0x2;
	s8 =	simm.s32 $0x0;
	v12 =	vld [tilespmem:s4+$0x7830];
	v29 =	vshll.u32 v22, $0x10;
	v22 =	vand.u32 $0xFFFF0000, v22;
	v35 =	vshll.u32 v8, $0x10  }
0x29f: {  	s15 =	simm.s32 $0x4;
	s3 =	sand.u32 $0x2, s6;
	v16 =	vld [tilespmem:s4+$0xDC30];
	s4 =	sand.u32 $0x1, s8;
	v8 =	vand.u32 $0xFFFF0000, v8;
	v36 =	vshll.u32 v24, $0x10;
	v24 =	vand.u32 $0xFFFF0000, v24  }
0x2a0: {  	s22 =	sand.u32 $0x70, s15;
	s3 =	sor.u32 s3, s4;
	v15 =	vmul.f32 v23, v15;
	v14 =	vmul.f32 v19, v14;
	v9 =	vadd.f32 v9, v17  }
0x2a1: {  	s3 =	sor.u32 s3, s22;
	v5 =	vadd.f32 v5, v11;
	v11 =	vshll.u32 v20, $0x10;
	v18 =	vmul.f32 v22, v18  }
0x2a2: {  	s4 =	sshll.u32 s3, $0x6;
	v20 =	vand.u32 $0xFFFF0000, v20;
	v21 =	vmul.f32 v36, v35;
	v8 =	vmul.f32 v24, v8  }
0x2a3: {  	v19 =	vld [tilespmem:s4+$0x7720];
	v22 =	vmul.f32 v38, v37;
	v33 =	vshll.u32 v12, $0x10;
	v12 =	vand.u32 $0xFFFF0000, v12  }
0x2a4: {  	v23 =	vld [tilespmem:s4+$0x7750];
	v34 =	vshll.u32 v16, $0x10;
	v11 =	vmul.f32 v25, v11;
	v13 =	vmul.f32 v13, v20  }
0x2a5: {  	v43 =	vld [tilespmem:s4+$0x7850];
	v16 =	vand.u32 $0xFFFF0000, v16;
	v20 =	vmul.f32 v29, v26;
	v14 =	vadd.f32 v14, v15  }
0x2a6: {  	v25 =	vld [tilespmem:s4+$0x7940];
	v12 =	vmul.f32 v16, v12;
	v8 =	vadd.f32 v8, v21;
	v11 =	vadd.f32 v13, v11  }
0x2a7: {  	v17 =	vld [tilespmem:s4+$0xDB20];
	v13 =	vmul.f32 v32, v31;
	v18 =	vadd.f32 v18, v20;
	v20 =	vmul.f32 v34, v33  }
0x2a8: {  	v7 =	vld [tilespmem:s4+$0xDB30];
	v28 =	vsel vm3, v5, v4;
	v10 =	vadd.f32 v10, v22;
	v14 =	vadd.f32 v14, v9  }
0x2a9: {  	v15 =	vld [tilespmem:s4+$0x7730];
	v4 =	vsel vm3, v4, v5;
	v6 =	vadd.f32 v6, v13;
	v12 =	vadd.f32 v12, v20  }
0x2aa: {  	v16 =	vld [tilespmem:s4+$0x7740];
	v20 =	vperm.xlane v28, v0;
	v11 =	vadd.f32 v18, v11;
	v27 =	vshll.u32 v23, $0x10  }
0x2ab: {  	v21 =	vld [tilespmem:s4+$0xDB50];
	v23 =	vand.u32 $0xFFFF0000, v23;
	v33 =	vand.u32 $0xFFFF0000, v43;
	v41 =	vshll.u32 v25, $0x10  }
0x2ac: {  	v22 =	vld [tilespmem:s4+$0xDD30];
	v9 =	vadd.f32 v4, v20;
	v5 =	vadd.f32 v12, v6;
	v12 =	vshll.u32 v19, $0x10  }
0x2ad: {  	v4 =	vadd.f32 v11, v14;
	v6 =	vadd.f32 v10, v8;
	v8 =	vand.u32 $0xFFFF0000, v19  }
0x2ae: {  	v29 =	vld [tilespmem:s4+$0xDD40];
	v10 =	vshll.u32 v17, $0x10;
	v11 =	vand.u32 $0xFFFF0000, v17;
	v17 =	vshll.u32 v15, $0x10  }
0x2af: {  	v39 =	vld [tilespmem:s4+$0x7950];
	v15 =	vand.u32 $0xFFFF0000, v15;
	v19 =	vshll.u32 v7, $0x10;
	v7 =	vand.u32 $0xFFFF0000, v7  }
0x2b0: {  	v13 =	vld [tilespmem:s4+$0xDB40];
	v24 =	vshll.u32 v16, $0x10;
	v16 =	vand.u32 $0xFFFF0000, v16;
	v28 =	vshll.u32 v21, $0x10  }
0x2b1: {  	v18 =	vld [tilespmem:s4+$0x7920];
	v21 =	vand.u32 $0xFFFF0000, v21;
	v40 =	vshll.u32 v22, $0x10;
	v22 =	vand.u32 $0xFFFF0000, v22  }
0x2b2: {  	v10 =	vmul.f32 v10, v12;
	v8 =	vmul.f32 v11, v8;
	v11 =	vand.u32 $0xFFFF0000, v25  }
0x2b3: {  	v20 =	vld [tilespmem:s4+$0xDD20];
	v17 =	vmul.f32 v19, v17;
	v7 =	vmul.f32 v7, v15;
	v15 =	vshll.u32 v29, $0x10  }
0x2b4: {  	v14 =	vld [tilespmem:s4+$0x7930];
	v21 =	vmul.f32 v21, v23;
	v23 =	vshll.u32 v39, $0x10;
	v15 =	vmul.f32 v15, v41  }
0x2b5: {  	v6 =	vadd.f32 v6, v5;
	v26 =	vshll.u32 v13, $0x10;
	v13 =	vand.u32 $0xFFFF0000, v13  }
0x2b6: {  	v30 =	vshll.u32 v18, $0x10;
	v18 =	vand.u32 $0xFFFF0000, v18;
	v8 =	vadd.f32 v8, v10  }
0x2b7: {  	v12 =	vld [tilespmem:s4+$0xDD50];
	v7 =	vadd.f32 v7, v17;
	v19 =	vmul.f32 v26, v24;
	v13 =	vmul.f32 v13, v16  }
0x2b8: {  	v25 =	vld [tilespmem:s4+$0x7620];
	v16 =	vand.u32 $0xFFFF0000, v29;
	v24 =	vmul.f32 v28, v27;
	v31 =	vshll.u32 v20, $0x10  }
0x2b9: {  	v20 =	vand.u32 $0xFFFF0000, v20;
	v38 =	vshll.u32 v14, $0x10;
	v14 =	vand.u32 $0xFFFF0000, v14  }
0x2ba: {  	v11 =	vmul.f32 v16, v11;
	v7 =	vadd.f32 v7, v8;
	v26 =	vmul.f32 v31, v30  }
0x2bb: {  	v27 =	vld [tilespmem:s4+$0xDA20];
	v18 =	vmul.f32 v20, v18;
	v20 =	vand.u32 $0xFFFF0000, v39;
	v28 =	vmul.f32 v40, v38  }
0x2bc: {  	v29 =	vld [tilespmem:s4+$0x7630];
	v14 =	vmul.f32 v22, v14;
	v22 =	vshll.u32 v12, $0x10;
	v12 =	vand.u32 $0xFFFF0000, v12  }
0x2bd: {  	v17 =	vld [tilespmem:s4+$0x7640];
	v13 =	vadd.f32 v13, v19;
	v19 =	vadd.f32 v21, v24;
	v21 =	vshll.u32 v25, $0x10  }
0x2be: {  	v16 =	vld [tilespmem:s4+$0xDA30];
	v10 =	vmul.f32 v22, v23;
	v12 =	vmul.f32 v12, v20;
	v11 =	vadd.f32 v11, v15  }
0x2bf: {  	v39 =	vshll.u32 v43, $0x10;
	v18 =	vadd.f32 v18, v26;
	v14 =	vadd.f32 v14, v28  }
0x2c0: {  	v31 =	vld [tilespmem:s4+$0xDC40];
	v23 =	vand.u32 $0xFFFF0000, v25;
	v8 =	vadd.f32 v19, v13;
	v10 =	vadd.f32 v12, v10  }
0x2c1: {  	v20 =	vld [tilespmem:s4+$0xDA40];
	v15 =	vshll.u32 v27, $0x10;
	v19 =	vand.u32 $0xFFFF0000, v27;
	v24 =	vand.u32 $0xFFFF0000, v29  }
0x2c2: {  	v22 =	vld [tilespmem:s4+$0x7650];
	v27 =	vshll.u32 v17, $0x10;
	v17 =	vand.u32 $0xFFFF0000, v17;
	v14 =	vadd.f32 v14, v18  }
0x2c3: {  	v13 =	vld [tilespmem:s4+$0x7820];
	v18 =	vshll.u32 v29, $0x10;
	v25 =	vshll.u32 v16, $0x10;
	v16 =	vand.u32 $0xFFFF0000, v16  }
0x2c4: {  	v7 =	vadd.f32 v8, v7;
	v15 =	vmul.f32 v15, v21;
	v19 =	vmul.f32 v19, v23  }
0x2c5: {  	v12 =	vld [tilespmem:s4+$0xDA50];
	v10 =	vadd.f32 v10, v11;
	v48 =	vshll.u32 v31, $0x10;
	v31 =	vand.u32 $0xFFFF0000, v31  }
0x2c6: {  	v29 =	vld [tilespmem:s4+$0x7840];
	v18 =	vmul.f32 v25, v18;
	v16 =	vmul.f32 v16, v24;
	v28 =	vshll.u32 v20, $0x10  }
0x2c7: {  	v20 =	vand.u32 $0xFFFF0000, v20;
	v30 =	vshll.u32 v22, $0x10;
	v22 =	vand.u32 $0xFFFF0000, v22  }
0x2c8: {  	v15 =	vadd.f32 v19, v15;
	v8 =	vadd.f32 v10, v14;
	v44 =	vshll.u32 v13, $0x10  }
0x2c9: {  	s15 =	simm.s32 $0x4;
	s5 =	simm.s32 $0x1;
	v11 =	vld [tilespmem:s4+$0xDC20];
	v13 =	vand.u32 $0xFFFF0000, v13;
	v5 =	vmul.f32 v28, v27;
	v17 =	vmul.f32 v20, v17  }
0x2ca: {  	s6 =	sand.u32 $0x2, s15;
	s8 =	simm.s32 $0x8;
	s3 =	sand.u32 $0x1, s5;
	v16 =	vadd.f32 v16, v18;
	v42 =	vshll.u32 v12, $0x10;
	v12 =	vand.u32 $0xFFFF0000, v12  }
0x2cb: {  	s22 =	sand.u32 $0x70, s8;
	s3 =	sor.u32 s6, s3;
	v26 =	vld [tilespmem:s4+$0x7830];
	v10 =	vsel vm3, v8, v7;
	v7 =	vsel vm3, v7, v8;
	v47 =	vshll.u32 v29, $0x10  }
0x2cc: {  	s3 =	sor.u32 s3, s22;
	v14 =	vld [tilespmem:s4+$0xDC30];
	v29 =	vand.u32 $0xFFFF0000, v29;
	v20 =	vmul.f32 v42, v30;
	v12 =	vmul.f32 v12, v22  }
0x2cd: {  	s6 =	sshll.u32 s3, $0x6;
	v5 =	vadd.f32 v17, v5;
	v15 =	vadd.f32 v16, v15;
	v10 =	vperm.xlane v10, v0  }
0x2ce: {  	v28 =	vld [tilespmem:s6+$0x7940];
	v45 =	vshll.u32 v11, $0x10;
	v22 =	vmul.f32 v48, v47;
	v24 =	vmul.f32 v31, v29  }
0x2cf: {  	v8 =	vld [tilespmem:s4+$0xDC50];
	v17 =	vmul.f32 v45, v44;
	v12 =	vadd.f32 v12, v20;
	v10 =	vadd.f32 v7, v10  }
0x2d0: {  	v23 =	vld [tilespmem:s6+$0x7720];
	v7 =	vand.u32 $0xFFFF0000, v11;
	v11 =	vshll.u32 v26, $0x10;
	v26 =	vand.u32 $0xFFFF0000, v26  }
0x2d1: {  	v19 =	vld [tilespmem:s6+$0xDB20];
	v46 =	vshll.u32 v14, $0x10;
	v14 =	vand.u32 $0xFFFF0000, v14;
	v16 =	vadd.f32 v24, v22  }
0x2d2: {  	v20 =	vld [tilespmem:s6+$0x7740];
	v22 =	vsel vm3, v6, v4;
	v4 =	vsel vm3, v4, v6;
	v7 =	vmul.f32 v7, v13  }
0x2d3: {  	v18 =	vld [tilespmem:s6+$0x7730];
	v55 =	vshll.u32 v28, $0x10;
	v11 =	vmul.f32 v46, v11;
	v14 =	vmul.f32 v14, v26  }
0x2d4: {  	v24 =	vld [tilespmem:s6+$0xDB50];
	v12 =	vadd.f32 v12, v5;
	v5 =	vperm.xlane v22, v0;
	v21 =	vshll.u32 v8, $0x10  }
0x2d5: {  	v13 =	vld [tilespmem:s6+$0xDB30];
	v8 =	vand.u32 $0xFFFF0000, v8;
	v7 =	vadd.f32 v7, v17;
	v21 =	vmul.f32 v21, v39  }
0x2d6: {  	v22 =	vld [tilespmem:s6+$0xDD20];
	v8 =	vmul.f32 v8, v33;
	v11 =	vadd.f32 v14, v11;
	v6 =	vadd.f32 v12, v15  }
0x2d7: {  	v26 =	vld [tilespmem:s6+$0xDD30];
	v12 =	vand.u32 $0xFFFF0000, v23;
	v15 =	vshll.u32 v19, $0x10;
	v27 =	vshll.u32 v20, $0x10  }
0x2d8: {  	v49 =	vld [tilespmem:s6+$0xDD40];
	v20 =	vand.u32 $0xFFFF0000, v20;
	v8 =	vadd.f32 v8, v21;
	v7 =	vadd.f32 v11, v7  }
0x2d9: {  	v17 =	vld [tilespmem:s6+$0xDB40];
	v11 =	vshll.u32 v23, $0x10;
	v23 =	vshll.u32 v18, $0x10;
	v18 =	vand.u32 $0xFFFF0000, v18  }
0x2da: {  	v14 =	vld [tilespmem:s6+$0x7750];
	v31 =	vshll.u32 v24, $0x10;
	v24 =	vand.u32 $0xFFFF0000, v24;
	v25 =	vshll.u32 v13, $0x10  }
0x2db: {  	v13 =	vand.u32 $0xFFFF0000, v13;
	v51 =	vshll.u32 v22, $0x10;
	v22 =	vand.u32 $0xFFFF0000, v22  }
0x2dc: {  	v54 =	vshll.u32 v26, $0x10;
	v26 =	vand.u32 $0xFFFF0000, v26;
	v11 =	vmul.f32 v15, v11  }
0x2dd: {  	v53 =	vld [tilespmem:s6+$0x7950];
	v15 =	vand.u32 $0xFFFF0000, v28;
	v8 =	vadd.f32 v8, v16;
	v16 =	vand.u32 $0xFFFF0000, v19  }
0x2de: {  	v21 =	vld [tilespmem:s6+$0x7920];
	v23 =	vmul.f32 v25, v23;
	v13 =	vmul.f32 v13, v18;
	v18 =	vshll.u32 v49, $0x10  }
0x2df: {  	v29 =	vshll.u32 v17, $0x10;
	v17 =	vand.u32 $0xFFFF0000, v17;
	v30 =	vshll.u32 v14, $0x10  }
0x2e0: {  	v19 =	vld [tilespmem:s6+$0x7930];
	v14 =	vand.u32 $0xFFFF0000, v14;
	v12 =	vmul.f32 v16, v12;
	v18 =	vmul.f32 v18, v55  }
0x2e1: {  	v25 =	vmul.f32 v29, v27;
	v17 =	vmul.f32 v17, v20;
	v20 =	vand.u32 $0xFFFF0000, v49  }
0x2e2: {  	v16 =	vld [tilespmem:s6+$0xDD50];
	v27 =	vmul.f32 v31, v30;
	v14 =	vmul.f32 v24, v14;
	v24 =	vshll.u32 v53, $0x10  }
0x2e3: {  	v56 =	vld [tilespmem:s6+$0x7630];
	v23 =	vadd.f32 v13, v23;
	v50 =	vshll.u32 v21, $0x10;
	v21 =	vand.u32 $0xFFFF0000, v21  }
0x2e4: {  	v60 =	vld [tilespmem:s6+$0x7820];
	v15 =	vmul.f32 v20, v15;
	v57 =	vadd.f32 v12, v11;
	v29 =	vmul.f32 v51, v50  }
0x2e5: {  	v59 =	vld [tilespmem:s6+$0xDA50];
	v21 =	vmul.f32 v22, v21;
	v22 =	vand.u32 $0xFFFF0000, v53;
	v52 =	vshll.u32 v19, $0x10  }
0x2e6: {  	v28 =	vld [tilespmem:s6+$0x7620];
	v17 =	vadd.f32 v17, v25;
	v19 =	vand.u32 $0xFFFF0000, v19;
	v31 =	vmul.f32 v54, v52  }
0x2e7: {  	v30 =	vld [tilespmem:s6+$0xDA20];
	v19 =	vmul.f32 v26, v19;
	v26 =	vshll.u32 v16, $0x10;
	v16 =	vand.u32 $0xFFFF0000, v16  }
0x2e8: {  	s4 =	simm.s32 $0x13D40;
	v20 =	vld [tilespmem:s6+$0xDA30];
	v14 =	vadd.f32 v14, v27;
	v13 =	vmul.f32 v26, v24;
	v16 =	vmul.f32 v16, v22  }
0x2e9: {  	s5 =	simm.s32 $0x13D60;
	v58 =	vld [tilespmem:s6+$0x7650];
	[tilespmem:s4+$0x0] =	vst v9;
	v9 =	vshll.u32 v60, $0x10;
	v15 =	vadd.f32 v15, v18;
	v21 =	vadd.f32 v21, v29  }
0x2ea: {  	[tilespmem:s5+$0x0] =	vst v10;
	v10 =	vand.u32 $0xFFFF0000, v60;
	v25 =	vld [tilespmem:s6+$0xDA40];
	v19 =	vadd.f32 v19, v31;
	v16 =	vadd.f32 v16, v13  }
0x2eb: {  	v11 =	vshll.u32 v28, $0x10;
	v23 =	vadd.f32 v23, v57;
	v27 =	vadd.f32 v14, v17;
	v24 =	vld [tilespmem:s6+$0x7640]  }
0x2ec: {  	v12 =	vand.u32 $0xFFFF0000, v28;
	v22 =	vld [tilespmem:s6+$0xDC20];
	v19 =	vadd.f32 v19, v21;
	v21 =	vadd.f32 v16, v15  }
0x2ed: {  	v32 =	vld [tilespmem:s6+$0x7850];
	v28 =	vshll.u32 v59, $0x10;
	v14 =	vand.u32 $0xFFFF0000, v30;
	v17 =	vshll.u32 v20, $0x10  }
0x2ee: {  	v29 =	vld [tilespmem:s6+$0x7840];
	v18 =	vand.u32 $0xFFFF0000, v20;
	v33 =	vadd.f32 v27, v23;
	v61 =	vadd.f32 v21, v19  }
0x2ef: {  	v26 =	vld [tilespmem:s6+$0x7830];
	v13 =	vshll.u32 v30, $0x10;
	v23 =	vshll.u32 v25, $0x10;
	v15 =	vshll.u32 v56, $0x10  }
0x2f0: {  	v27 =	vld [tilespmem:s6+$0xDC30];
	v16 =	vand.u32 $0xFFFF0000, v56;
	v20 =	vand.u32 $0xFFFF0000, v24;
	v30 =	vsel vm3, v61, v33  }
0x2f1: {  	v31 =	vld [tilespmem:s6+$0xDC40];
	v34 =	vshll.u32 v22, $0x10;
	v19 =	vshll.u32 v24, $0x10;
	v62 =	vperm.xlane v30, v0  }
0x2f2: {  	v24 =	vand.u32 $0xFFFF0000, v25;
	v21 =	vshll.u32 v58, $0x10;
	v63 =	vsel vm3, v33, v61;
	v33 =	vld [tilespmem:s6+$0xDC50]  }
0x2f3: {  	v25 =	vand.u32 $0xFFFF0000, v58;
	s6 =	simm.s32 $0x13D60;
	v30 =	vand.u32 $0xFFFF0000, v59;
	v35 =	vadd.f32 v63, v62  }
.LBB2_11:
0x2f4: {  	s15 =	sadd.s32 $0x2, s15;
	v22 =	vand.u32 $0xFFFF0000, v22;
	v36 =	vshll.u32 v26, $0x10;
	v26 =	vand.u32 $0xFFFF0000, v26;
	s5 =	sadd.s32 $0x20, s5  }
0x2f5: {  	v37 =	vshll.u32 v27, $0x10;
	v27 =	vand.u32 $0xFFFF0000, v27;
	v38 =	vshll.u32 v29, $0x10;
	s3 =	sshrl.u32 s15, $0x2;
	p1 =	slt.u32 s15, $0x26;
	[tilespmem:s5+$0x0] =	vst v35  }
0x2f6: {  	v29 =	vand.u32 $0xFFFF0000, v29;
	s8 =	sadd.s32 $0x4, s8;
	s22 =	sand.u32 $0x2, s15;
	v35 =	vshll.u32 v31, $0x10;
	v31 =	vand.u32 $0xFFFF0000, v31;
	s3 =	sand.u32 $0x1, s3  }
0x2f7: {  	v39 =	vshll.u32 v32, $0x10;
	v32 =	vand.u32 $0xFFFF0000, v32;
	v40 =	vshll.u32 v33, $0x10;
	s3 =	sor.u32 s22, s3;
	s22 =	sand.u32 $0x70, s8  }
0x2f8: {  	v11 =	vmul.f32 v13, v11;
	v12 =	vmul.f32 v14, v12;
	v13 =	vand.u32 $0xFFFF0000, v33;
	s3 =	sor.u32 s3, s22  }
0x2f9: {  	v14 =	vmul.f32 v17, v15;
	v15 =	vmul.f32 v18, v16;
	v8 =	vadd.f32 v8, v7;
	s22 =	sshll.u32 s3, $0x6  }
0x2fa: {  	v7 =	vmul.f32 v23, v19;
	v17 =	vmul.f32 v24, v20;
	v11 =	vadd.f32 v12, v11;
	v16 =	vld [tilespmem:s22+$0x7720]  }
0x2fb: {  	v18 =	vmul.f32 v28, v21;
	v19 =	vmul.f32 v30, v25;
	v14 =	vadd.f32 v15, v14;
	v12 =	vld [tilespmem:s22+$0xDB20]  }
0x2fc: {  	v9 =	vmul.f32 v34, v9;
	v10 =	vmul.f32 v22, v10;
	v7 =	vadd.f32 v17, v7;
	v15 =	vld [tilespmem:s22+$0x7730]  }
0x2fd: {  	v20 =	vmul.f32 v27, v26;
	v18 =	vadd.f32 v19, v18;
	v19 =	vmul.f32 v37, v36;
	v17 =	vld [tilespmem:s22+$0xDB30]  }
0x2fe: {  	v22 =	vmul.f32 v35, v38;
	v23 =	vmul.f32 v31, v29;
	v9 =	vadd.f32 v10, v9;
	v21 =	vld [tilespmem:s22+$0x7740]  }
0x2ff: {  	v24 =	vmul.f32 v40, v39;
	v13 =	vmul.f32 v13, v32;
	v19 =	vadd.f32 v20, v19;
	v10 =	vld [tilespmem:s22+$0xDB40]  }
0x300: {  	v11 =	vadd.f32 v14, v11;
	v14 =	vadd.f32 v23, v22;
	v22 =	vsel vm3, v8, v6;
	v20 =	vld [tilespmem:s22+$0x7750]  }
0x301: {  	v13 =	vadd.f32 v13, v24;
	v18 =	vadd.f32 v18, v7;
	v22 =	vperm.xlane v22, v0;
	v23 =	vld [tilespmem:s22+$0xDB50]  }
0x302: {  	v7 =	vadd.f32 v19, v9;
	v9 =	vadd.f32 v4, v5;
	v4 =	vsel vm3, v6, v8;
	v24 =	vld [tilespmem:s22+$0x7920]  }
0x303: {  	v6 =	vadd.f32 v18, v11;
	v8 =	vadd.f32 v13, v14;
	v5 =	vmovc v22;
	v19 =	vshll.u32 v16, $0x10;
	v25 =	vld [tilespmem:s22+$0xDD20]  }
0x304: {  	v11 =	vand.u32 $0xFFFF0000, v16;
	v13 =	vshll.u32 v12, $0x10;
	v12 =	vand.u32 $0xFFFF0000, v12;
	v14 =	vld [tilespmem:s22+$0x7930];
	[tilespmem:s4+$0xFFFFFFF0] =	vst v9;
	s4 =	smov.u32 s6;
	s6 =	smov.u32 s5  }
0x305: {  	v16 =	vshll.u32 v17, $0x10;
	v9 =	vshll.u32 v15, $0x10;
	v15 =	vand.u32 $0xFFFF0000, v15;
	v18 =	vld [tilespmem:s22+$0xDD30]  }
0x306: {  	v17 =	vand.u32 $0xFFFF0000, v17;
	v22 =	vshll.u32 v21, $0x10;
	v21 =	vand.u32 $0xFFFF0000, v21;
	v26 =	vld [tilespmem:s22+$0x7940]  }
0x307: {  	v27 =	vshll.u32 v10, $0x10;
	v10 =	vand.u32 $0xFFFF0000, v10;
	v29 =	vshll.u32 v20, $0x10;
	v28 =	vld [tilespmem:s22+$0x7620]  }
0x308: {  	v20 =	vand.u32 $0xFFFF0000, v20;
	v30 =	vshll.u32 v23, $0x10;
	v23 =	vand.u32 $0xFFFF0000, v23;
	v31 =	vld [tilespmem:s22+$0xDD40]  }
0x309: {  	v33 =	vshll.u32 v24, $0x10;
	v24 =	vand.u32 $0xFFFF0000, v24;
	v34 =	vshll.u32 v25, $0x10;
	v32 =	vld [tilespmem:s22+$0xDA20]  }
0x30a: {  	v25 =	vand.u32 $0xFFFF0000, v25;
	v35 =	vshll.u32 v14, $0x10;
	v14 =	vand.u32 $0xFFFF0000, v14;
	v36 =	vld [tilespmem:s22+$0x7950]  }
0x30b: {  	v38 =	vshll.u32 v18, $0x10;
	v18 =	vand.u32 $0xFFFF0000, v18;
	v37 =	vld [tilespmem:s22+$0x7630];
	v39 =	vshll.u32 v26, $0x10  }
0x30c: {  	v13 =	vmul.f32 v13, v19;
	v11 =	vmul.f32 v12, v11;
	v12 =	vand.u32 $0xFFFF0000, v26;
	v19 =	vld [tilespmem:s22+$0xDD50]  }
0x30d: {  	v9 =	vmul.f32 v16, v9;
	v15 =	vmul.f32 v17, v15;
	v40 =	vld [tilespmem:s22+$0xDA30];
	v16 =	vshll.u32 v31, $0x10  }
0x30e: {  	v17 =	vmul.f32 v27, v22;
	v10 =	vmul.f32 v10, v21;
	v21 =	vand.u32 $0xFFFF0000, v31;
	v41 =	vld [tilespmem:s22+$0x7640]  }
0x30f: {  	v27 =	vmul.f32 v30, v29;
	v20 =	vmul.f32 v23, v20;
	v42 =	vld [tilespmem:s22+$0xDA40];
	v23 =	vshll.u32 v36, $0x10  }
0x310: {  	v29 =	vmul.f32 v34, v33;
	v24 =	vmul.f32 v25, v24;
	v25 =	vand.u32 $0xFFFF0000, v36;
	v30 =	vld [tilespmem:s22+$0x7650]  }
0x311: {  	v14 =	vmul.f32 v18, v14;
	v31 =	vmul.f32 v38, v35;
	v34 =	vld [tilespmem:s22+$0xDA50];
	v18 =	vshll.u32 v19, $0x10  }
0x312: {  	v16 =	vmul.f32 v16, v39;
	v21 =	vmul.f32 v21, v12;
	v12 =	vand.u32 $0xFFFF0000, v19;
	v35 =	vld [tilespmem:s22+$0x7820]  }
0x313: {  	v9 =	vadd.f32 v15, v9;
	v19 =	vadd.f32 v11, v13;
	v13 =	vmul.f32 v18, v23;
	v22 =	vld [tilespmem:s22+$0xDC20]  }
0x314: {  	v10 =	vadd.f32 v10, v17;
	v15 =	vadd.f32 v20, v27;
	v17 =	vmul.f32 v12, v25;
	v26 =	vld [tilespmem:s22+$0x7830]  }
0x315: {  	v20 =	vadd.f32 v14, v31;
	v11 =	vshll.u32 v28, $0x10;
	v18 =	vadd.f32 v24, v29;
	v27 =	vld [tilespmem:s22+$0xDC30]  }
0x316: {  	v16 =	vadd.f32 v21, v16;
	v12 =	vand.u32 $0xFFFF0000, v28;
	v17 =	vadd.f32 v17, v13;
	v29 =	vld [tilespmem:s22+$0x7840]  }
0x317: {  	v10 =	vadd.f32 v15, v10;
	v9 =	vadd.f32 v9, v19;
	v13 =	vshll.u32 v32, $0x10;
	v31 =	vld [tilespmem:s22+$0xDC40]  }
0x318: {  	v14 =	vand.u32 $0xFFFF0000, v32;
	v19 =	vadd.f32 v20, v18;
	v20 =	vadd.f32 v17, v16;
	v32 =	vld [tilespmem:s22+$0x7850]  }
0x319: {  	v15 =	vshll.u32 v37, $0x10;
	v16 =	vand.u32 $0xFFFF0000, v37;
	v17 =	vshll.u32 v40, $0x10;
	v33 =	vld [tilespmem:s22+$0xDC50]  }
0x31a: {  	v18 =	vand.u32 $0xFFFF0000, v40;
	v10 =	vadd.f32 v10, v9;
	v36 =	vadd.f32 v20, v19  }
.Ltmp6:
0x31b: {  	v23 =	vshll.u32 v42, $0x10;
	v19 =	vshll.u32 v41, $0x10;
	v20 =	vand.u32 $0xFFFF0000, v41;
	(pc) =	sbr.rel @p1 .LBB2_11-.Ltmp6, $4  }
0x31c: {  	v24 =	vand.u32 $0xFFFF0000, v42;
	v21 =	vshll.u32 v30, $0x10;
	v9 =	vsel vm3, v36, v10  }
0x31d: {  	v25 =	vand.u32 $0xFFFF0000, v30;
	v28 =	vshll.u32 v34, $0x10;
	v37 =	vperm.xlane v9, v0  }
0x31e: {  	v30 =	vand.u32 $0xFFFF0000, v34;
	v36 =	vsel vm3, v10, v36;
	v9 =	vshll.u32 v35, $0x10  }
0x31f: {  	v34 =	vshll.u32 v22, $0x10;
	v10 =	vand.u32 $0xFFFF0000, v35;
	v35 =	vadd.f32 v36, v37  }
0x320: {  	v22 =	vand.u32 $0xFFFF0000, v22;
	v36 =	vshll.u32 v26, $0x10;
	v51 =	vand.u32 $0xFFFF0000, v26  }
0x321: {  	v37 =	vshll.u32 v27, $0x10;
	v38 =	vshll.u32 v29, $0x10;
	v53 =	vand.u32 $0xFFFF0000, v29  }
0x322: {  	v39 =	vshll.u32 v31, $0x10;
	v11 =	vmul.f32 v13, v11;
	v12 =	vmul.f32 v14, v12  }
0x323: {  	v54 =	vand.u32 $0xFFFF0000, v31;
	v14 =	vmul.f32 v17, v15;
	v15 =	vmul.f32 v18, v16  }
0x324: {  	v40 =	vshll.u32 v32, $0x10;
	v56 =	vmul.f32 v23, v19;
	v57 =	vmul.f32 v24, v20  }
0x325: {  	v13 =	vand.u32 $0xFFFF0000, v32;
	v59 =	vmul.f32 v28, v21;
	v60 =	vmul.f32 v30, v25  }
0x326: {  	v55 =	vshll.u32 v33, $0x10;
	v9 =	vmul.f32 v34, v9;
	v10 =	vmul.f32 v22, v10  }
0x327: {  	v58 =	vand.u32 $0xFFFF0000, v33;
	v61 =	vmul.f32 v39, v38;
	v62 =	vmul.f32 v54, v53  }
0x328: {  	v52 =	vand.u32 $0xFFFF0000, v27;
	v16 =	vmul.f32 v55, v40;
	v13 =	vmul.f32 v58, v13  }
0x329: {  	v11 =	vadd.f32 v12, v11;
	v12 =	vadd.f32 v15, v14;
	v14 =	vmul.f32 v37, v36  }
0x32a: {  	v15 =	vmul.f32 v52, v51;
	v17 =	vadd.f32 v57, v56;
	v20 =	vadd.f32 v60, v59  }
0x32b: {  	v9 =	vadd.f32 v10, v9;
	v13 =	vadd.f32 v13, v16  }
0x32c: {  	v10 =	vadd.f32 v15, v14;
	v14 =	vadd.f32 v62, v61  }
0x32d: {  	v11 =	vadd.f32 v12, v11;
	v12 =	vadd.f32 v20, v17  }
0x32e: {  	v9 =	vadd.f32 v10, v9;
	v10 =	vadd.f32 v13, v14  }
0x32f: {  	v7 =	vadd.f32 v8, v7  }
0x330: {  	v8 =	vadd.f32 v12, v11;
	v9 =	vadd.f32 v10, v9  }
0x331: {  	v10 =	vsel vm3, v7, v6  }
0x332: {  	v10 =	vperm.xlane v10, v0;
	v11 =	vsel vm3, v9, v8  }
0x333: {  	s3 =	sadd.s32 $0x20, s5;
	v4 =	vadd.f32 v4, v5;
	v6 =	vsel vm3, v6, v7;
	v5 =	vperm.xlane v11, v0  }
0x334: {  	[tilespmem:s3+$0x0] =	vst v35;
	v7 =	vsel vm3, v8, v9;
	v6 =	vadd.f32 v6, v10  }
0x335: {  	[tilespmem:s4+$0xFFFFFFF0] =	vst v4;
	v4 =	vadd.f32 v7, v5  }
0x336: {  	[tilespmem:s6+$0xFFFFFFF0] =	vst v6  }
0x337: {  	s15 =	simm.s32 $0x13D70;
	[tilespmem:s3+$0xFFFFFFF0] =	vst v4  }
0x338: {  	v4 =	vld [tilespmem:s15+$0xFFFFFFC0]  }
0x339: {  	v5 =	vld [tilespmem:s15+$0xFFFFFFD0]  }
0x33a: {  	v6 =	vld [tilespmem:s15+$0xFFFFFFE0]  }
0x33b: {  	v7 =	vld [tilespmem:s15+$0xFFFFFFF0]  }
0x33c: {  	v8 =	vld [tilespmem:s15+$0x0]  }
0x33d: {  	v9 =	vld [tilespmem:s15+$0x10]  }
0x33e: {  	v10 =	vld [tilespmem:s15+$0x20]  }
0x33f: {  	v11 =	vld [tilespmem:s15+$0x30];
	_ =	sdelay $0x2  }
0x340: {  	s22 =	simm.s32 $0x13DF0;
	v12 =	vsel vm0, v4, v5;
	v13 =	vsel vm0, v6, v7  }
0x341: {  	v14 =	vld [tilespmem:s22+$0xFFFFFFC0];
	v4 =	vsel vm0, v5, v4;
	v5 =	vsel vm0, v7, v6;
	v6 =	vsel vm0, v9, v8  }
0x342: {  	v15 =	vld [tilespmem:s22+$0x10];
	v7 =	vsel vm0, v11, v10;
	v4 =	vperm.xlane v4, v1;
	v5 =	vperm.xlane v5, v1  }
0x343: {  	v8 =	vsel vm0, v8, v9;
	v9 =	vld [tilespmem:s22+$0xFFFFFFD0];
	v6 =	vperm.xlane v6, v1;
	v7 =	vperm.xlane v7, v1  }
0x344: {  	v10 =	vsel vm0, v10, v11;
	v11 =	vld [tilespmem:s22+$0xFFFFFFE0];
	v4 =	vadd.f32 v4, v12;
	v5 =	vadd.f32 v5, v13  }
0x345: {  	v6 =	vadd.f32 v6, v8;
	v7 =	vadd.f32 v7, v10;
	v8 =	vld [tilespmem:s22+$0xFFFFFFF0]  }
0x346: {  	v10 =	vld [tilespmem:s22+$0x0];
	v12 =	vsel vm1, v5, v4  }
0x347: {  	v63 =	vld [tilespmem:s22+$0x20];
	v13 =	vsel vm1, v7, v6;
	v12 =	vperm.xlane v12, v2  }
0x348: {  	v4 =	vsel vm1, v4, v5;
	v5 =	vsel vm1, v6, v7;
	v6 =	vld [tilespmem:s22+$0x30];
	v13 =	vperm.xlane v13, v2  }
0x349: {  	v4 =	vadd.f32 v12, v4  }
0x34a: {  	v5 =	vadd.f32 v13, v5;
	v12 =	vsel vm0, v14, v9;
	v13 =	vsel vm0, v11, v8  }
0x34b: {  	v9 =	vsel vm0, v9, v14;
	v8 =	vsel vm0, v8, v11;
	v11 =	vsel vm0, v15, v10  }
0x34c: {  	v9 =	vperm.xlane v9, v1;
	v8 =	vperm.xlane v8, v1;
	v7 =	vsel vm2, v5, v4  }
0x34d: {  	v11 =	vperm.xlane v11, v1;
	v14 =	vsel vm0, v6, v63;
	v7 =	vperm.xlane v7, v3  }
0x34e: {  	v5 =	vsel vm2, v4, v5;
	v12 =	vadd.f32 v9, v12;
	v8 =	vadd.f32 v8, v13  }
0x34f: {  	v10 =	vsel vm0, v10, v15;
	v14 =	vperm.xlane v14, v1;
	v9 =	vadd.f32 v5, v7  }
0x350: {  	v6 =	vsel vm0, v63, v6;
	v10 =	vadd.f32 v11, v10;
	v11 =	vsel vm1, v8, v12  }
0x351: {  	v6 =	vadd.f32 v14, v6;
	v11 =	vperm.xlane v11, v2;
	v14 =	vsub.f32 $0.0e+00, v9  }
0x352: {  	v8 =	vsel vm1, v12, v8  }
0x353: {  	v12 =	vadd.f32 v11, v8;
	v11 =	vmul.f32 $1.442695020e+00, v14;
	_ =	sdelay $0x1  }
0x354: {  	s6 =	simm.s32 $0x13E70;
	(erf) = vpow2.f32 v11  }
0x355: {  	v4 =	vld [tilespmem:s6+$0xFFFFFFC0]  }
0x356: {  	v5 =	vld [tilespmem:s6+$0xFFFFFFD0];
	v13 =	vsel vm1, v6, v10  }
0x357: {  	v7 =	vld [tilespmem:s6+$0xFFFFFFE0];
	v13 =	vperm.xlane v13, v2  }
0x358: {  	v9 =	vld [tilespmem:s6+$0xFFFFFFF0];
	v10 =	vsel vm1, v10, v6  }
0x359: {  	v6 =	vld [tilespmem:s6+$0x0];
	v13 =	vadd.f32 v13, v10  }
0x35a: {  	v10 =	vld [tilespmem:s6+$0x10]  }
0x35b: {  	v8 =	vld [tilespmem:s6+$0x20];
	v14 =	vsel vm2, v13, v12  }
0x35c: {  	s5 =	simm.s32 $0x40;
	s8 =	simm.s32 $0xC0;
	s4 =	simm.s32 $0x80;
	v11 =	vld [tilespmem:s6+$0x30];
	v14 =	vperm.xlane v14, v3  }
.LBB2_13:
0x35d: {  	p1 =	sne.s32 s8, $0x100;
	v15 =	vsel vm0, v4, v5;
	v12 =	vsel vm2, v12, v13;
	v13 =	vpop (erf)  }
0x35e: {  	v16 =	vsel vm0, v7, v9;
	v12 =	vadd.f32 v12, v14;
	v13 =	vadd.f32 $1.000000000e+00, v13  }
0x35f: {  	v4 =	vsel vm0, v5, v4;
	v5 =	vsel vm0, v9, v7;
	v7 =	vsel vm0, v10, v6  }
0x360: {  	v4 =	vperm.xlane v4, v1;
	v9 =	vsub.f32 $0.0e+00, v12;
	(erf) = vrcp.f32 v13  }
0x361: {  	v5 =	vperm.xlane v5, v1;
	v7 =	vperm.xlane v7, v1;
	v12 =	vsel vm0, v11, v8  }
0x362: {  	v6 =	vsel vm0, v6, v10;
	v10 =	vperm.xlane v12, v1;
	v9 =	vmul.f32 $1.442695020e+00, v9  }
0x363: {  	v13 =	vadd.f32 v5, v16;
	v12 =	vadd.f32 v4, v15;
	v4 =	vsel vm0, v8, v11  }
0x364: {  	s6 =	sadd.s32 $0x80, s6;
	v6 =	vadd.f32 v7, v6;
	v8 =	vadd.f32 v10, v4;
	(erf) = vpow2.f32 v9  }
0x365: {  	v4 =	vld [tilespmem:s6+$0xFFFFFFC0]  }
0x366: {  	v9 =	vsel vm1, v13, v12;
	v5 =	vld [tilespmem:s6+$0xFFFFFFD0];
	v10 =	vsel vm1, v8, v6  }
0x367: {  	v11 =	vperm.xlane v9, v2;
	v7 =	vld [tilespmem:s6+$0xFFFFFFE0];
	v10 =	vperm.xlane v10, v2  }
.Ltmp7:
0x368: {  	s3 =	sshra.s32 s26, $0x2;
	s26 =	smov.u32 s5;
	v12 =	vsel vm1, v12, v13;
	v14 =	vsel vm1, v6, v8;
	v9 =	vld [tilespmem:s6+$0xFFFFFFF0];
	(pc) =	sbr.rel @p1 .LBB2_13-.Ltmp7, $4  }
0x369: {  	s5 =	smov.u32 s4;
	s4 =	smov.u32 s8;
	s3 =	sadd.s32 s3, s18;
	v12 =	vadd.f32 v11, v12;
	v6 =	vld [tilespmem:s6+$0x0];
	v13 =	vadd.f32 v10, v14;
	v8 =	vpop (erf)  }
0x36a: {  	v10 =	vld [tilespmem:s6+$0x10];
	[tilespmem:s3+$0x0] =	vst v8  }
0x36b: {  	v8 =	vld [tilespmem:s6+$0x20];
	v14 =	vsel vm2, v13, v12  }
0x36c: {  	s8 =	sadd.s32 $0x40, s8;
	v11 =	vld [tilespmem:s6+$0x30];
	v14 =	vperm.xlane v14, v3  }
0x36d: {  	_ = 	snop  }
0x36e: {  	v15 =	vsel vm0, v4, v5;
	v12 =	vsel vm2, v12, v13;
	v16 =	vsel vm0, v7, v9  }
0x36f: {  	v13 =	vpop (erf);
	v4 =	vsel vm0, v5, v4;
	v5 =	vsel vm0, v9, v7;
	v12 =	vadd.f32 v12, v14  }
0x370: {  	v13 =	vadd.f32 $1.000000000e+00, v13;
	v4 =	vperm.xlane v4, v1;
	v5 =	vperm.xlane v5, v1  }
0x371: {  	v7 =	vsel vm0, v10, v6;
	v9 =	vsub.f32 $0.0e+00, v12;
	v12 =	vsel vm0, v11, v8  }
0x372: {  	v6 =	vsel vm0, v6, v10;
	v7 =	vperm.xlane v7, v1;
	v10 =	vperm.xlane v12, v1  }
0x373: {  	v4 =	vadd.f32 v4, v15;
	v5 =	vadd.f32 v5, v16;
	v8 =	vsel vm0, v8, v11  }
0x374: {  	v9 =	vmul.f32 $1.442695020e+00, v9;
	v6 =	vadd.f32 v7, v6;
	v7 =	vadd.f32 v10, v8  }
0x375: {  	(erf) = vrcp.f32 v13  }
0x376: {  	(erf) = vpow2.f32 v9;
	v8 =	vsel vm1, v5, v4;
	v9 =	vsel vm1, v7, v6  }
0x377: {  	v8 =	vperm.xlane v8, v2;
	v9 =	vperm.xlane v9, v2  }
0x378: {  	v4 =	vsel vm1, v4, v5;
	v5 =	vsel vm1, v6, v7  }
0x379: {  	v4 =	vadd.f32 v8, v4;
	v5 =	vadd.f32 v9, v5;
	_ =	sdelay $0x1  }
0x37a: {  	v6 =	vsel vm2, v5, v4  }
0x37b: {  	v6 =	vperm.xlane v6, v3  }
0x37c: {  	v4 =	vsel vm2, v4, v5  }
0x37d: {  	v4 =	vadd.f32 v4, v6  }
0x37e: {  	v5 =	vpop (erf)  }
0x37f: {  	v6 =	vpop (erf);
	v4 =	vsub.f32 $0.0e+00, v4  }
0x380: {  	v6 =	vadd.f32 $1.000000000e+00, v6  }
0x381: {  	v4 =	vmul.f32 $1.442695020e+00, v4  }
0x382: {  	(erf) = vrcp.f32 v6  }
0x383: {  	(erf) = vpow2.f32 v4;
	_ =	sdelay $0x7  }
0x384: {  	v4 =	vpop (erf)  }
0x385: {  	v6 =	vpop (erf)  }
0x386: {  	v6 =	vadd.f32 $1.000000000e+00, v6;
	_ =	sdelay $0x1  }
0x387: {  	(erf) = vrcp.f32 v6;
	_ =	sdelay $0x5  }
0x388: {  	s3 =	sshra.s32 s26, $0x2  }
0x389: {  	s5 =	sshra.s32 s5, $0x2;
	s3 =	sadd.s32 s3, s18  }
0x38a: {  	s4 =	sshra.s32 s4, $0x2;
	s6 =	sadd.s32 s5, s18;
	[tilespmem:s3+$0x0] =	vst v5  }
0x38b: {  	s8 =	sadd.s32 s4, s18;
	[tilespmem:s6+$0x0] =	vst v4;
	v4 =	vpop (erf)  }
0x38c: {  	s4 =	simm.s32 @!p0 $0x50;
	s5 =	simm.s32 @!p0 $0x7620;
	s3 =	sadd.s32 @!p0 $0x230, s24;
	[tilespmem:s8+$0x0] =	vst v4  }
0x38d: {  	[tilespmem:s5], [sflag:$0x5] =	stream.indirect.gather @!p0 [hbm4b:s0+s4], $0x40, s3, s4, $0xb8;
	[tilespmem:$0x13FB0] =	vst v63  }
0x38e: {  	s3 =	sadd.s32 @!p0 $0x2940, s24;
	s5 =	simm.s32 @!p0 $0xDA20  }
0x38f: {  	[tilespmem:s5], [sflag:$0x6] =	stream.indirect.gather @!p0 [hbm4b:s0+s4], $0x40, s3, s4, $0xb8;
	[tilespmem:$0x13FB0] =	vst v63  }
0x390: {  	s15 =	simm.s32 $0x0;
	_ =	swait.ge [sflag:s11], $0x1400  }
0x391: {  	s22 =	simm.s32 $0x0;
	s26 =	simm.s32 $0x0;
	[sflag:s11] =	ssyncset.done $0x0  }
0x392: {  	s3 =	sand.u32 $0x2, s15;
	s4 =	sand.u32 $0x1, s22;
	[sflag:s11] =	ssyncadd.s32 $0xFFFFEC00  }
0x393: {  	s5 =	sand.u32 $0x70, s26;
	s3 =	sor.u32 s3, s4;
	_ =	swait.ge [sflag:s12], $0x1400  }
0x394: {  	s3 =	sor.u32 s3, s5;
	[sflag:s12] =	ssyncset.done $0x0  }
0x395: {  	s4 =	sshll.u32 s3, $0x6;
	[sflag:s12] =	ssyncadd.s32 $0xFFFFEC00  }
0x396: {  	v4 =	vld [tilespmem:s4+$0x8B20]  }
0x397: {  	v5 =	vld [tilespmem:s4+$0xEF20]  }
0x398: {  	v6 =	vld [tilespmem:s4+$0x8B30]  }
0x399: {  	v7 =	vld [tilespmem:s4+$0xEF30]  }
0x39a: {  	v8 =	vld [tilespmem:s4+$0x8B40]  }
0x39b: {  	v9 =	vld [tilespmem:s4+$0xEF40]  }
0x39c: {  	v10 =	vld [tilespmem:s4+$0x8B50]  }
0x39d: {  	v11 =	vld [tilespmem:s4+$0xEF50]  }
0x39e: {  	v12 =	vld [tilespmem:s4+$0x8D20];
	v13 =	vshll.u32 v4, $0x10  }
0x39f: {  	v14 =	vld [tilespmem:s4+$0xF120];
	v4 =	vand.u32 $0xFFFF0000, v4;
	v15 =	vshll.u32 v5, $0x10;
	v5 =	vand.u32 $0xFFFF0000, v5  }
0x3a0: {  	v16 =	vld [tilespmem:s4+$0x8D30];
	v17 =	vshll.u32 v6, $0x10;
	v6 =	vand.u32 $0xFFFF0000, v6;
	v18 =	vshll.u32 v7, $0x10  }
0x3a1: {  	v19 =	vld [tilespmem:s4+$0xF130];
	v7 =	vand.u32 $0xFFFF0000, v7;
	v20 =	vshll.u32 v8, $0x10;
	v8 =	vand.u32 $0xFFFF0000, v8  }
0x3a2: {  	v22 =	vshll.u32 v9, $0x10;
	v9 =	vand.u32 $0xFFFF0000, v9;
	v23 =	vshll.u32 v10, $0x10  }
0x3a3: {  	v21 =	vld [tilespmem:s4+$0x8D40];
	v10 =	vand.u32 $0xFFFF0000, v10;
	v24 =	vshll.u32 v11, $0x10;
	v11 =	vand.u32 $0xFFFF0000, v11  }
0x3a4: {  	v26 =	vshll.u32 v12, $0x10;
	v12 =	vand.u32 $0xFFFF0000, v12;
	v27 =	vshll.u32 v14, $0x10  }
0x3a5: {  	v25 =	vld [tilespmem:s4+$0xF140];
	v14 =	vand.u32 $0xFFFF0000, v14;
	v28 =	vshll.u32 v16, $0x10;
	v16 =	vand.u32 $0xFFFF0000, v16  }
0x3a6: {  	v30 =	vshll.u32 v19, $0x10;
	v13 =	vmul.f32 v15, v13;
	v4 =	vmul.f32 v5, v4  }
0x3a7: {  	v19 =	vand.u32 $0xFFFF0000, v19;
	v17 =	vmul.f32 v18, v17;
	v6 =	vmul.f32 v7, v6  }
0x3a8: {  	v29 =	vld [tilespmem:s4+$0x8D50];
	v31 =	vshll.u32 v21, $0x10;
	v18 =	vmul.f32 v22, v20;
	v8 =	vmul.f32 v9, v8  }
0x3a9: {  	v5 =	vand.u32 $0xFFFF0000, v21;
	v15 =	vld [tilespmem:s4+$0xF150];
	v21 =	vmul.f32 v24, v23;
	v10 =	vmul.f32 v11, v10  }
0x3aa: {  	v7 =	vshll.u32 v25, $0x10;
	v9 =	vld [tilespmem:s4+$0x8A20];
	v23 =	vmul.f32 v27, v26;
	v12 =	vmul.f32 v14, v12  }
0x3ab: {  	v20 =	vand.u32 $0xFFFF0000, v25;
	v11 =	vld [tilespmem:s4+$0xEE20];
	v25 =	vmul.f32 v30, v28;
	v16 =	vmul.f32 v19, v16  }
0x3ac: {  	v19 =	vld [tilespmem:s4+$0xEE30];
	v7 =	vmul.f32 v7, v31;
	v4 =	vadd.f32 v4, v13;
	v6 =	vadd.f32 v6, v17  }
0x3ad: {  	v27 =	vld [tilespmem:s4+$0x8C50];
	v5 =	vmul.f32 v20, v5;
	v8 =	vadd.f32 v8, v18;
	v10 =	vadd.f32 v10, v21  }
0x3ae: {  	v22 =	vshll.u32 v29, $0x10;
	v30 =	vld [tilespmem:s4+$0xF050];
	v12 =	vadd.f32 v12, v23;
	v16 =	vadd.f32 v16, v25  }
0x3af: {  	v24 =	vand.u32 $0xFFFF0000, v29;
	v5 =	vadd.f32 v5, v7;
	v4 =	vadd.f32 v6, v4  }
0x3b0: {  	v13 =	vld [tilespmem:s4+$0xEE40];
	v8 =	vadd.f32 v10, v8;
	v26 =	vshll.u32 v15, $0x10;
	v15 =	vand.u32 $0xFFFF0000, v15  }
0x3b1: {  	v18 =	vld [tilespmem:s4+$0x8A50];
	v21 =	vshll.u32 v9, $0x10;
	v9 =	vand.u32 $0xFFFF0000, v9;
	v10 =	vand.u32 $0xFFFF0000, v11  }
0x3b2: {  	v7 =	vld [tilespmem:s4+$0x8C20];
	v23 =	vshll.u32 v19, $0x10;
	v19 =	vand.u32 $0xFFFF0000, v19;
	v37 =	vshll.u32 v27, $0x10  }
0x3b3: {  	v6 =	vld [tilespmem:s4+$0xF020];
	v27 =	vand.u32 $0xFFFF0000, v27;
	v38 =	vshll.u32 v30, $0x10;
	v17 =	vmul.f32 v26, v22  }
0x3b4: {  	v14 =	vld [tilespmem:s4+$0x8A30];
	v15 =	vmul.f32 v15, v24;
	v4 =	vadd.f32 v8, v4;
	v9 =	vmul.f32 v10, v9  }
0x3b5: {  	v22 =	vld [tilespmem:s4+$0xEE50];
	v10 =	vand.u32 $0xFFFF0000, v30;
	v25 =	vshll.u32 v13, $0x10;
	v13 =	vand.u32 $0xFFFF0000, v13  }
0x3b6: {  	v8 =	vld [tilespmem:s4+$0x8C40];
	v26 =	vshll.u32 v18, $0x10;
	v18 =	vand.u32 $0xFFFF0000, v18;
	v10 =	vmul.f32 v10, v27  }
0x3b7: {  	v24 =	vld [tilespmem:s4+$0xF040];
	v15 =	vadd.f32 v15, v17;
	v17 =	vshll.u32 v11, $0x10;
	v11 =	vadd.f32 v16, v12  }
0x3b8: {  	v31 =	vshll.u32 v7, $0x10;
	v7 =	vand.u32 $0xFFFF0000, v7;
	v32 =	vshll.u32 v6, $0x10  }
0x3b9: {  	v20 =	vld [tilespmem:s4+$0x8A40];
	v6 =	vand.u32 $0xFFFF0000, v6;
	v17 =	vmul.f32 v17, v21;
	v5 =	vadd.f32 v15, v5  }
0x3ba: {  	v15 =	vshll.u32 v14, $0x10;
	v14 =	vand.u32 $0xFFFF0000, v14;
	v6 =	vmul.f32 v6, v7  }
0x3bb: {  	s6 =	simm.s32 $0x2;
	s8 =	simm.s32 $0x0;
	v12 =	vld [tilespmem:s4+$0x8C30];
	v29 =	vshll.u32 v22, $0x10;
	v22 =	vand.u32 $0xFFFF0000, v22;
	v35 =	vshll.u32 v8, $0x10  }
0x3bc: {  	s15 =	simm.s32 $0x4;
	s3 =	sand.u32 $0x2, s6;
	v16 =	vld [tilespmem:s4+$0xF030];
	s4 =	sand.u32 $0x1, s8;
	v8 =	vand.u32 $0xFFFF0000, v8;
	v36 =	vshll.u32 v24, $0x10;
	v24 =	vand.u32 $0xFFFF0000, v24  }
0x3bd: {  	s22 =	sand.u32 $0x70, s15;
	s3 =	sor.u32 s3, s4;
	v15 =	vmul.f32 v23, v15;
	v14 =	vmul.f32 v19, v14;
	v9 =	vadd.f32 v9, v17  }
0x3be: {  	s3 =	sor.u32 s3, s22;
	v5 =	vadd.f32 v5, v11;
	v11 =	vshll.u32 v20, $0x10;
	v18 =	vmul.f32 v22, v18  }
0x3bf: {  	s4 =	sshll.u32 s3, $0x6;
	v20 =	vand.u32 $0xFFFF0000, v20;
	v21 =	vmul.f32 v36, v35;
	v8 =	vmul.f32 v24, v8  }
0x3c0: {  	v19 =	vld [tilespmem:s4+$0x8B20];
	v22 =	vmul.f32 v38, v37;
	v33 =	vshll.u32 v12, $0x10;
	v12 =	vand.u32 $0xFFFF0000, v12  }
0x3c1: {  	v23 =	vld [tilespmem:s4+$0x8B50];
	v34 =	vshll.u32 v16, $0x10;
	v11 =	vmul.f32 v25, v11;
	v13 =	vmul.f32 v13, v20  }
0x3c2: {  	v43 =	vld [tilespmem:s4+$0x8C50];
	v16 =	vand.u32 $0xFFFF0000, v16;
	v20 =	vmul.f32 v29, v26;
	v14 =	vadd.f32 v14, v15  }
0x3c3: {  	v25 =	vld [tilespmem:s4+$0x8D40];
	v12 =	vmul.f32 v16, v12;
	v8 =	vadd.f32 v8, v21;
	v11 =	vadd.f32 v13, v11  }
0x3c4: {  	v17 =	vld [tilespmem:s4+$0xEF20];
	v13 =	vmul.f32 v32, v31;
	v18 =	vadd.f32 v18, v20;
	v20 =	vmul.f32 v34, v33  }
0x3c5: {  	v7 =	vld [tilespmem:s4+$0xEF30];
	v28 =	vsel vm3, v5, v4;
	v10 =	vadd.f32 v10, v22;
	v14 =	vadd.f32 v14, v9  }
0x3c6: {  	v15 =	vld [tilespmem:s4+$0x8B30];
	v4 =	vsel vm3, v4, v5;
	v6 =	vadd.f32 v6, v13;
	v12 =	vadd.f32 v12, v20  }
0x3c7: {  	v16 =	vld [tilespmem:s4+$0x8B40];
	v20 =	vperm.xlane v28, v0;
	v11 =	vadd.f32 v18, v11;
	v27 =	vshll.u32 v23, $0x10  }
0x3c8: {  	v21 =	vld [tilespmem:s4+$0xEF50];
	v23 =	vand.u32 $0xFFFF0000, v23;
	v33 =	vand.u32 $0xFFFF0000, v43;
	v41 =	vshll.u32 v25, $0x10  }
0x3c9: {  	v22 =	vld [tilespmem:s4+$0xF130];
	v9 =	vadd.f32 v4, v20;
	v5 =	vadd.f32 v12, v6;
	v12 =	vshll.u32 v19, $0x10  }
0x3ca: {  	v4 =	vadd.f32 v11, v14;
	v6 =	vadd.f32 v10, v8;
	v8 =	vand.u32 $0xFFFF0000, v19  }
0x3cb: {  	v29 =	vld [tilespmem:s4+$0xF140];
	v10 =	vshll.u32 v17, $0x10;
	v11 =	vand.u32 $0xFFFF0000, v17;
	v17 =	vshll.u32 v15, $0x10  }
0x3cc: {  	v39 =	vld [tilespmem:s4+$0x8D50];
	v15 =	vand.u32 $0xFFFF0000, v15;
	v19 =	vshll.u32 v7, $0x10;
	v7 =	vand.u32 $0xFFFF0000, v7  }
0x3cd: {  	v13 =	vld [tilespmem:s4+$0xEF40];
	v24 =	vshll.u32 v16, $0x10;
	v16 =	vand.u32 $0xFFFF0000, v16;
	v28 =	vshll.u32 v21, $0x10  }
0x3ce: {  	v18 =	vld [tilespmem:s4+$0x8D20];
	v21 =	vand.u32 $0xFFFF0000, v21;
	v40 =	vshll.u32 v22, $0x10;
	v22 =	vand.u32 $0xFFFF0000, v22  }
0x3cf: {  	v10 =	vmul.f32 v10, v12;
	v8 =	vmul.f32 v11, v8;
	v11 =	vand.u32 $0xFFFF0000, v25  }
0x3d0: {  	v20 =	vld [tilespmem:s4+$0xF120];
	v17 =	vmul.f32 v19, v17;
	v7 =	vmul.f32 v7, v15;
	v15 =	vshll.u32 v29, $0x10  }
0x3d1: {  	v14 =	vld [tilespmem:s4+$0x8D30];
	v21 =	vmul.f32 v21, v23;
	v23 =	vshll.u32 v39, $0x10;
	v15 =	vmul.f32 v15, v41  }
0x3d2: {  	v6 =	vadd.f32 v6, v5;
	v26 =	vshll.u32 v13, $0x10;
	v13 =	vand.u32 $0xFFFF0000, v13  }
0x3d3: {  	v30 =	vshll.u32 v18, $0x10;
	v18 =	vand.u32 $0xFFFF0000, v18;
	v8 =	vadd.f32 v8, v10  }
0x3d4: {  	v12 =	vld [tilespmem:s4+$0xF150];
	v7 =	vadd.f32 v7, v17;
	v19 =	vmul.f32 v26, v24;
	v13 =	vmul.f32 v13, v16  }
0x3d5: {  	v25 =	vld [tilespmem:s4+$0x8A20];
	v16 =	vand.u32 $0xFFFF0000, v29;
	v24 =	vmul.f32 v28, v27;
	v31 =	vshll.u32 v20, $0x10  }
0x3d6: {  	v20 =	vand.u32 $0xFFFF0000, v20;
	v38 =	vshll.u32 v14, $0x10;
	v14 =	vand.u32 $0xFFFF0000, v14  }
0x3d7: {  	v11 =	vmul.f32 v16, v11;
	v7 =	vadd.f32 v7, v8;
	v26 =	vmul.f32 v31, v30  }
0x3d8: {  	v27 =	vld [tilespmem:s4+$0xEE20];
	v18 =	vmul.f32 v20, v18;
	v20 =	vand.u32 $0xFFFF0000, v39;
	v28 =	vmul.f32 v40, v38  }
0x3d9: {  	v29 =	vld [tilespmem:s4+$0x8A30];
	v14 =	vmul.f32 v22, v14;
	v22 =	vshll.u32 v12, $0x10;
	v12 =	vand.u32 $0xFFFF0000, v12  }
0x3da: {  	v17 =	vld [tilespmem:s4+$0x8A40];
	v13 =	vadd.f32 v13, v19;
	v19 =	vadd.f32 v21, v24;
	v21 =	vshll.u32 v25, $0x10  }
0x3db: {  	v16 =	vld [tilespmem:s4+$0xEE30];
	v10 =	vmul.f32 v22, v23;
	v12 =	vmul.f32 v12, v20;
	v11 =	vadd.f32 v11, v15  }
0x3dc: {  	v39 =	vshll.u32 v43, $0x10;
	v18 =	vadd.f32 v18, v26;
	v14 =	vadd.f32 v14, v28  }
0x3dd: {  	v31 =	vld [tilespmem:s4+$0xF040];
	v23 =	vand.u32 $0xFFFF0000, v25;
	v8 =	vadd.f32 v19, v13;
	v10 =	vadd.f32 v12, v10  }
0x3de: {  	v20 =	vld [tilespmem:s4+$0xEE40];
	v15 =	vshll.u32 v27, $0x10;
	v19 =	vand.u32 $0xFFFF0000, v27;
	v24 =	vand.u32 $0xFFFF0000, v29  }
0x3df: {  	v22 =	vld [tilespmem:s4+$0x8A50];
	v27 =	vshll.u32 v17, $0x10;
	v17 =	vand.u32 $0xFFFF0000, v17;
	v14 =	vadd.f32 v14, v18  }
0x3e0: {  	v13 =	vld [tilespmem:s4+$0x8C20];
	v18 =	vshll.u32 v29, $0x10;
	v25 =	vshll.u32 v16, $0x10;
	v16 =	vand.u32 $0xFFFF0000, v16  }
0x3e1: {  	v7 =	vadd.f32 v8, v7;
	v15 =	vmul.f32 v15, v21;
	v19 =	vmul.f32 v19, v23  }
0x3e2: {  	v12 =	vld [tilespmem:s4+$0xEE50];
	v10 =	vadd.f32 v10, v11;
	v48 =	vshll.u32 v31, $0x10;
	v31 =	vand.u32 $0xFFFF0000, v31  }
0x3e3: {  	v29 =	vld [tilespmem:s4+$0x8C40];
	v18 =	vmul.f32 v25, v18;
	v16 =	vmul.f32 v16, v24;
	v28 =	vshll.u32 v20, $0x10  }
0x3e4: {  	v20 =	vand.u32 $0xFFFF0000, v20;
	v30 =	vshll.u32 v22, $0x10;
	v22 =	vand.u32 $0xFFFF0000, v22  }
0x3e5: {  	v15 =	vadd.f32 v19, v15;
	v8 =	vadd.f32 v10, v14;
	v44 =	vshll.u32 v13, $0x10  }
0x3e6: {  	s15 =	simm.s32 $0x4;
	s5 =	simm.s32 $0x1;
	v11 =	vld [tilespmem:s4+$0xF020];
	v13 =	vand.u32 $0xFFFF0000, v13;
	v5 =	vmul.f32 v28, v27;
	v17 =	vmul.f32 v20, v17  }
0x3e7: {  	s6 =	sand.u32 $0x2, s15;
	s8 =	simm.s32 $0x8;
	s3 =	sand.u32 $0x1, s5;
	v16 =	vadd.f32 v16, v18;
	v42 =	vshll.u32 v12, $0x10;
	v12 =	vand.u32 $0xFFFF0000, v12  }
0x3e8: {  	s22 =	sand.u32 $0x70, s8;
	s3 =	sor.u32 s6, s3;
	v26 =	vld [tilespmem:s4+$0x8C30];
	v10 =	vsel vm3, v8, v7;
	v7 =	vsel vm3, v7, v8;
	v47 =	vshll.u32 v29, $0x10  }
0x3e9: {  	s3 =	sor.u32 s3, s22;
	v14 =	vld [tilespmem:s4+$0xF030];
	v29 =	vand.u32 $0xFFFF0000, v29;
	v20 =	vmul.f32 v42, v30;
	v12 =	vmul.f32 v12, v22  }
0x3ea: {  	s6 =	sshll.u32 s3, $0x6;
	v5 =	vadd.f32 v17, v5;
	v15 =	vadd.f32 v16, v15;
	v10 =	vperm.xlane v10, v0  }
0x3eb: {  	v28 =	vld [tilespmem:s6+$0x8D40];
	v45 =	vshll.u32 v11, $0x10;
	v22 =	vmul.f32 v48, v47;
	v24 =	vmul.f32 v31, v29  }
0x3ec: {  	v8 =	vld [tilespmem:s4+$0xF050];
	v17 =	vmul.f32 v45, v44;
	v12 =	vadd.f32 v12, v20;
	v10 =	vadd.f32 v7, v10  }
0x3ed: {  	v23 =	vld [tilespmem:s6+$0x8B20];
	v7 =	vand.u32 $0xFFFF0000, v11;
	v11 =	vshll.u32 v26, $0x10;
	v26 =	vand.u32 $0xFFFF0000, v26  }
0x3ee: {  	v19 =	vld [tilespmem:s6+$0xEF20];
	v46 =	vshll.u32 v14, $0x10;
	v14 =	vand.u32 $0xFFFF0000, v14;
	v16 =	vadd.f32 v24, v22  }
0x3ef: {  	v20 =	vld [tilespmem:s6+$0x8B40];
	v22 =	vsel vm3, v6, v4;
	v4 =	vsel vm3, v4, v6;
	v7 =	vmul.f32 v7, v13  }
0x3f0: {  	v18 =	vld [tilespmem:s6+$0x8B30];
	v55 =	vshll.u32 v28, $0x10;
	v11 =	vmul.f32 v46, v11;
	v14 =	vmul.f32 v14, v26  }
0x3f1: {  	v24 =	vld [tilespmem:s6+$0xEF50];
	v12 =	vadd.f32 v12, v5;
	v5 =	vperm.xlane v22, v0;
	v21 =	vshll.u32 v8, $0x10  }
0x3f2: {  	v13 =	vld [tilespmem:s6+$0xEF30];
	v8 =	vand.u32 $0xFFFF0000, v8;
	v7 =	vadd.f32 v7, v17;
	v21 =	vmul.f32 v21, v39  }
0x3f3: {  	v22 =	vld [tilespmem:s6+$0xF120];
	v8 =	vmul.f32 v8, v33;
	v11 =	vadd.f32 v14, v11;
	v6 =	vadd.f32 v12, v15  }
0x3f4: {  	v26 =	vld [tilespmem:s6+$0xF130];
	v12 =	vand.u32 $0xFFFF0000, v23;
	v15 =	vshll.u32 v19, $0x10;
	v27 =	vshll.u32 v20, $0x10  }
0x3f5: {  	v49 =	vld [tilespmem:s6+$0xF140];
	v20 =	vand.u32 $0xFFFF0000, v20;
	v8 =	vadd.f32 v8, v21;
	v7 =	vadd.f32 v11, v7  }
0x3f6: {  	v17 =	vld [tilespmem:s6+$0xEF40];
	v11 =	vshll.u32 v23, $0x10;
	v23 =	vshll.u32 v18, $0x10;
	v18 =	vand.u32 $0xFFFF0000, v18  }
0x3f7: {  	v14 =	vld [tilespmem:s6+$0x8B50];
	v31 =	vshll.u32 v24, $0x10;
	v24 =	vand.u32 $0xFFFF0000, v24;
	v25 =	vshll.u32 v13, $0x10  }
0x3f8: {  	v13 =	vand.u32 $0xFFFF0000, v13;
	v51 =	vshll.u32 v22, $0x10;
	v22 =	vand.u32 $0xFFFF0000, v22  }
0x3f9: {  	v54 =	vshll.u32 v26, $0x10;
	v26 =	vand.u32 $0xFFFF0000, v26;
	v11 =	vmul.f32 v15, v11  }
0x3fa: {  	v53 =	vld [tilespmem:s6+$0x8D50];
	v15 =	vand.u32 $0xFFFF0000, v28;
	v8 =	vadd.f32 v8, v16;
	v16 =	vand.u32 $0xFFFF0000, v19  }
0x3fb: {  	v21 =	vld [tilespmem:s6+$0x8D20];
	v23 =	vmul.f32 v25, v23;
	v13 =	vmul.f32 v13, v18;
	v18 =	vshll.u32 v49, $0x10  }
0x3fc: {  	v29 =	vshll.u32 v17, $0x10;
	v17 =	vand.u32 $0xFFFF0000, v17;
	v30 =	vshll.u32 v14, $0x10  }
0x3fd: {  	v19 =	vld [tilespmem:s6+$0x8D30];
	v14 =	vand.u32 $0xFFFF0000, v14;
	v12 =	vmul.f32 v16, v12;
	v18 =	vmul.f32 v18, v55  }
0x3fe: {  	v25 =	vmul.f32 v29, v27;
	v17 =	vmul.f32 v17, v20;
	v20 =	vand.u32 $0xFFFF0000, v49  }
0x3ff: {  	v16 =	vld [tilespmem:s6+$0xF150];
	v27 =	vmul.f32 v31, v30;
	v14 =	vmul.f32 v24, v14;
	v24 =	vshll.u32 v53, $0x10  }
0x400: {  	v56 =	vld [tilespmem:s6+$0x8A30];
	v23 =	vadd.f32 v13, v23;
	v50 =	vshll.u32 v21, $0x10;
	v21 =	vand.u32 $0xFFFF0000, v21  }
0x401: {  	v60 =	vld [tilespmem:s6+$0x8C20];
	v15 =	vmul.f32 v20, v15;
	v57 =	vadd.f32 v12, v11;
	v29 =	vmul.f32 v51, v50  }
0x402: {  	v59 =	vld [tilespmem:s6+$0xEE50];
	v21 =	vmul.f32 v22, v21;
	v22 =	vand.u32 $0xFFFF0000, v53;
	v52 =	vshll.u32 v19, $0x10  }
0x403: {  	v28 =	vld [tilespmem:s6+$0x8A20];
	v17 =	vadd.f32 v17, v25;
	v19 =	vand.u32 $0xFFFF0000, v19;
	v31 =	vmul.f32 v54, v52  }
0x404: {  	v30 =	vld [tilespmem:s6+$0xEE20];
	v19 =	vmul.f32 v26, v19;
	v26 =	vshll.u32 v16, $0x10;
	v16 =	vand.u32 $0xFFFF0000, v16  }
0x405: {  	s4 =	simm.s32 $0x13D40;
	v20 =	vld [tilespmem:s6+$0xEE30];
	v14 =	vadd.f32 v14, v27;
	v13 =	vmul.f32 v26, v24;
	v16 =	vmul.f32 v16, v22  }
0x406: {  	s5 =	simm.s32 $0x13D60;
	v58 =	vld [tilespmem:s6+$0x8A50];
	[tilespmem:s4+$0x0] =	vst v9;
	v9 =	vshll.u32 v60, $0x10;
	v15 =	vadd.f32 v15, v18;
	v21 =	vadd.f32 v21, v29  }
0x407: {  	[tilespmem:s5+$0x0] =	vst v10;
	v10 =	vand.u32 $0xFFFF0000, v60;
	v25 =	vld [tilespmem:s6+$0xEE40];
	v19 =	vadd.f32 v19, v31;
	v16 =	vadd.f32 v16, v13  }
0x408: {  	v11 =	vshll.u32 v28, $0x10;
	v23 =	vadd.f32 v23, v57;
	v27 =	vadd.f32 v14, v17;
	v24 =	vld [tilespmem:s6+$0x8A40]  }
0x409: {  	v12 =	vand.u32 $0xFFFF0000, v28;
	v22 =	vld [tilespmem:s6+$0xF020];
	v19 =	vadd.f32 v19, v21;
	v21 =	vadd.f32 v16, v15  }
0x40a: {  	v32 =	vld [tilespmem:s6+$0x8C50];
	v28 =	vshll.u32 v59, $0x10;
	v14 =	vand.u32 $0xFFFF0000, v30;
	v17 =	vshll.u32 v20, $0x10  }
0x40b: {  	v29 =	vld [tilespmem:s6+$0x8C40];
	v18 =	vand.u32 $0xFFFF0000, v20;
	v33 =	vadd.f32 v27, v23;
	v61 =	vadd.f32 v21, v19  }
0x40c: {  	v26 =	vld [tilespmem:s6+$0x8C30];
	v13 =	vshll.u32 v30, $0x10;
	v23 =	vshll.u32 v25, $0x10;
	v15 =	vshll.u32 v56, $0x10  }
0x40d: {  	v27 =	vld [tilespmem:s6+$0xF030];
	v16 =	vand.u32 $0xFFFF0000, v56;
	v20 =	vand.u32 $0xFFFF0000, v24;
	v30 =	vsel vm3, v61, v33  }
0x40e: {  	v31 =	vld [tilespmem:s6+$0xF040];
	v34 =	vshll.u32 v22, $0x10;
	v19 =	vshll.u32 v24, $0x10;
	v62 =	vperm.xlane v30, v0  }
0x40f: {  	v24 =	vand.u32 $0xFFFF0000, v25;
	v21 =	vshll.u32 v58, $0x10;
	v63 =	vsel vm3, v33, v61;
	v33 =	vld [tilespmem:s6+$0xF050]  }
0x410: {  	v25 =	vand.u32 $0xFFFF0000, v58;
	s6 =	simm.s32 $0x13D60;
	v30 =	vand.u32 $0xFFFF0000, v59;
	v35 =	vadd.f32 v63, v62  }
.LBB2_15:
0x411: {  	s15 =	sadd.s32 $0x2, s15;
	v22 =	vand.u32 $0xFFFF0000, v22;
	v36 =	vshll.u32 v26, $0x10;
	v26 =	vand.u32 $0xFFFF0000, v26;
	s5 =	sadd.s32 $0x20, s5  }
0x412: {  	v37 =	vshll.u32 v27, $0x10;
	v27 =	vand.u32 $0xFFFF0000, v27;
	v38 =	vshll.u32 v29, $0x10;
	s3 =	sshrl.u32 s15, $0x2;
	p1 =	slt.u32 s15, $0x26;
	[tilespmem:s5+$0x0] =	vst v35  }
0x413: {  	v29 =	vand.u32 $0xFFFF0000, v29;
	s8 =	sadd.s32 $0x4, s8;
	s22 =	sand.u32 $0x2, s15;
	v35 =	vshll.u32 v31, $0x10;
	v31 =	vand.u32 $0xFFFF0000, v31;
	s3 =	sand.u32 $0x1, s3  }
0x414: {  	v39 =	vshll.u32 v32, $0x10;
	v32 =	vand.u32 $0xFFFF0000, v32;
	v40 =	vshll.u32 v33, $0x10;
	s3 =	sor.u32 s22, s3;
	s22 =	sand.u32 $0x70, s8  }
0x415: {  	v11 =	vmul.f32 v13, v11;
	v12 =	vmul.f32 v14, v12;
	v13 =	vand.u32 $0xFFFF0000, v33;
	s3 =	sor.u32 s3, s22  }
0x416: {  	v14 =	vmul.f32 v17, v15;
	v15 =	vmul.f32 v18, v16;
	v8 =	vadd.f32 v8, v7;
	s22 =	sshll.u32 s3, $0x6  }
0x417: {  	v7 =	vmul.f32 v23, v19;
	v17 =	vmul.f32 v24, v20;
	v11 =	vadd.f32 v12, v11;
	v16 =	vld [tilespmem:s22+$0x8B20]  }
0x418: {  	v18 =	vmul.f32 v28, v21;
	v19 =	vmul.f32 v30, v25;
	v14 =	vadd.f32 v15, v14;
	v12 =	vld [tilespmem:s22+$0xEF20]  }
0x419: {  	v9 =	vmul.f32 v34, v9;
	v10 =	vmul.f32 v22, v10;
	v7 =	vadd.f32 v17, v7;
	v15 =	vld [tilespmem:s22+$0x8B30]  }
0x41a: {  	v20 =	vmul.f32 v27, v26;
	v18 =	vadd.f32 v19, v18;
	v19 =	vmul.f32 v37, v36;
	v17 =	vld [tilespmem:s22+$0xEF30]  }
0x41b: {  	v22 =	vmul.f32 v35, v38;
	v23 =	vmul.f32 v31, v29;
	v9 =	vadd.f32 v10, v9;
	v21 =	vld [tilespmem:s22+$0x8B40]  }
0x41c: {  	v24 =	vmul.f32 v40, v39;
	v13 =	vmul.f32 v13, v32;
	v19 =	vadd.f32 v20, v19;
	v10 =	vld [tilespmem:s22+$0xEF40]  }
0x41d: {  	v11 =	vadd.f32 v14, v11;
	v14 =	vadd.f32 v23, v22;
	v22 =	vsel vm3, v8, v6;
	v20 =	vld [tilespmem:s22+$0x8B50]  }
0x41e: {  	v13 =	vadd.f32 v13, v24;
	v18 =	vadd.f32 v18, v7;
	v22 =	vperm.xlane v22, v0;
	v23 =	vld [tilespmem:s22+$0xEF50]  }
0x41f: {  	v7 =	vadd.f32 v19, v9;
	v9 =	vadd.f32 v4, v5;
	v4 =	vsel vm3, v6, v8;
	v24 =	vld [tilespmem:s22+$0x8D20]  }
0x420: {  	v6 =	vadd.f32 v18, v11;
	v8 =	vadd.f32 v13, v14;
	v5 =	vmovc v22;
	v19 =	vshll.u32 v16, $0x10;
	v25 =	vld [tilespmem:s22+$0xF120]  }
0x421: {  	v11 =	vand.u32 $0xFFFF0000, v16;
	v13 =	vshll.u32 v12, $0x10;
	v12 =	vand.u32 $0xFFFF0000, v12;
	v14 =	vld [tilespmem:s22+$0x8D30];
	[tilespmem:s4+$0xFFFFFFF0] =	vst v9;
	s4 =	smov.u32 s6;
	s6 =	smov.u32 s5  }
0x422: {  	v16 =	vshll.u32 v17, $0x10;
	v9 =	vshll.u32 v15, $0x10;
	v15 =	vand.u32 $0xFFFF0000, v15;
	v18 =	vld [tilespmem:s22+$0xF130]  }
0x423: {  	v17 =	vand.u32 $0xFFFF0000, v17;
	v22 =	vshll.u32 v21, $0x10;
	v21 =	vand.u32 $0xFFFF0000, v21;
	v26 =	vld [tilespmem:s22+$0x8D40]  }
0x424: {  	v27 =	vshll.u32 v10, $0x10;
	v10 =	vand.u32 $0xFFFF0000, v10;
	v29 =	vshll.u32 v20, $0x10;
	v28 =	vld [tilespmem:s22+$0x8A20]  }
0x425: {  	v20 =	vand.u32 $0xFFFF0000, v20;
	v30 =	vshll.u32 v23, $0x10;
	v23 =	vand.u32 $0xFFFF0000, v23;
	v31 =	vld [tilespmem:s22+$0xF140]  }
0x426: {  	v33 =	vshll.u32 v24, $0x10;
	v24 =	vand.u32 $0xFFFF0000, v24;
	v34 =	vshll.u32 v25, $0x10;
	v32 =	vld [tilespmem:s22+$0xEE20]  }
0x427: {  	v25 =	vand.u32 $0xFFFF0000, v25;
	v35 =	vshll.u32 v14, $0x10;
	v14 =	vand.u32 $0xFFFF0000, v14;
	v36 =	vld [tilespmem:s22+$0x8D50]  }
0x428: {  	v38 =	vshll.u32 v18, $0x10;
	v18 =	vand.u32 $0xFFFF0000, v18;
	v37 =	vld [tilespmem:s22+$0x8A30];
	v39 =	vshll.u32 v26, $0x10  }
0x429: {  	v13 =	vmul.f32 v13, v19;
	v11 =	vmul.f32 v12, v11;
	v12 =	vand.u32 $0xFFFF0000, v26;
	v19 =	vld [tilespmem:s22+$0xF150]  }
0x42a: {  	v9 =	vmul.f32 v16, v9;
	v15 =	vmul.f32 v17, v15;
	v40 =	vld [tilespmem:s22+$0xEE30];
	v16 =	vshll.u32 v31, $0x10  }
0x42b: {  	v17 =	vmul.f32 v27, v22;
	v10 =	vmul.f32 v10, v21;
	v21 =	vand.u32 $0xFFFF0000, v31;
	v41 =	vld [tilespmem:s22+$0x8A40]  }
0x42c: {  	v27 =	vmul.f32 v30, v29;
	v20 =	vmul.f32 v23, v20;
	v42 =	vld [tilespmem:s22+$0xEE40];
	v23 =	vshll.u32 v36, $0x10  }
0x42d: {  	v29 =	vmul.f32 v34, v33;
	v24 =	vmul.f32 v25, v24;
	v25 =	vand.u32 $0xFFFF0000, v36;
	v30 =	vld [tilespmem:s22+$0x8A50]  }
0x42e: {  	v14 =	vmul.f32 v18, v14;
	v31 =	vmul.f32 v38, v35;
	v34 =	vld [tilespmem:s22+$0xEE50];
	v18 =	vshll.u32 v19, $0x10  }
0x42f: {  	v16 =	vmul.f32 v16, v39;
	v21 =	vmul.f32 v21, v12;
	v12 =	vand.u32 $0xFFFF0000, v19;
	v35 =	vld [tilespmem:s22+$0x8C20]  }
0x430: {  	v9 =	vadd.f32 v15, v9;
	v19 =	vadd.f32 v11, v13;
	v13 =	vmul.f32 v18, v23;
	v22 =	vld [tilespmem:s22+$0xF020]  }
0x431: {  	v10 =	vadd.f32 v10, v17;
	v15 =	vadd.f32 v20, v27;
	v17 =	vmul.f32 v12, v25;
	v26 =	vld [tilespmem:s22+$0x8C30]  }
0x432: {  	v20 =	vadd.f32 v14, v31;
	v11 =	vshll.u32 v28, $0x10;
	v18 =	vadd.f32 v24, v29;
	v27 =	vld [tilespmem:s22+$0xF030]  }
0x433: {  	v16 =	vadd.f32 v21, v16;
	v12 =	vand.u32 $0xFFFF0000, v28;
	v17 =	vadd.f32 v17, v13;
	v29 =	vld [tilespmem:s22+$0x8C40]  }
0x434: {  	v10 =	vadd.f32 v15, v10;
	v9 =	vadd.f32 v9, v19;
	v13 =	vshll.u32 v32, $0x10;
	v31 =	vld [tilespmem:s22+$0xF040]  }
0x435: {  	v14 =	vand.u32 $0xFFFF0000, v32;
	v19 =	vadd.f32 v20, v18;
	v20 =	vadd.f32 v17, v16;
	v32 =	vld [tilespmem:s22+$0x8C50]  }
0x436: {  	v15 =	vshll.u32 v37, $0x10;
	v16 =	vand.u32 $0xFFFF0000, v37;
	v17 =	vshll.u32 v40, $0x10;
	v33 =	vld [tilespmem:s22+$0xF050]  }
0x437: {  	v18 =	vand.u32 $0xFFFF0000, v40;
	v10 =	vadd.f32 v10, v9;
	v36 =	vadd.f32 v20, v19  }
.Ltmp8:
0x438: {  	v23 =	vshll.u32 v42, $0x10;
	v19 =	vshll.u32 v41, $0x10;
	v20 =	vand.u32 $0xFFFF0000, v41;
	(pc) =	sbr.rel @p1 .LBB2_15-.Ltmp8, $4  }
0x439: {  	v24 =	vand.u32 $0xFFFF0000, v42;
	v21 =	vshll.u32 v30, $0x10;
	v9 =	vsel vm3, v36, v10  }
0x43a: {  	v25 =	vand.u32 $0xFFFF0000, v30;
	v28 =	vshll.u32 v34, $0x10;
	v37 =	vperm.xlane v9, v0  }
0x43b: {  	v30 =	vand.u32 $0xFFFF0000, v34;
	v36 =	vsel vm3, v10, v36;
	v9 =	vshll.u32 v35, $0x10  }
0x43c: {  	v34 =	vshll.u32 v22, $0x10;
	v10 =	vand.u32 $0xFFFF0000, v35;
	v35 =	vadd.f32 v36, v37  }
0x43d: {  	v22 =	vand.u32 $0xFFFF0000, v22;
	v36 =	vshll.u32 v26, $0x10;
	v51 =	vand.u32 $0xFFFF0000, v26  }
0x43e: {  	v37 =	vshll.u32 v27, $0x10;
	v38 =	vshll.u32 v29, $0x10;
	v53 =	vand.u32 $0xFFFF0000, v29  }
0x43f: {  	v39 =	vshll.u32 v31, $0x10;
	v11 =	vmul.f32 v13, v11;
	v12 =	vmul.f32 v14, v12  }
0x440: {  	v54 =	vand.u32 $0xFFFF0000, v31;
	v14 =	vmul.f32 v17, v15;
	v15 =	vmul.f32 v18, v16  }
0x441: {  	v40 =	vshll.u32 v32, $0x10;
	v56 =	vmul.f32 v23, v19;
	v57 =	vmul.f32 v24, v20  }
0x442: {  	v13 =	vand.u32 $0xFFFF0000, v32;
	v59 =	vmul.f32 v28, v21;
	v60 =	vmul.f32 v30, v25  }
0x443: {  	v55 =	vshll.u32 v33, $0x10;
	v9 =	vmul.f32 v34, v9;
	v10 =	vmul.f32 v22, v10  }
0x444: {  	v58 =	vand.u32 $0xFFFF0000, v33;
	v61 =	vmul.f32 v39, v38;
	v62 =	vmul.f32 v54, v53  }
0x445: {  	v52 =	vand.u32 $0xFFFF0000, v27;
	v16 =	vmul.f32 v55, v40;
	v13 =	vmul.f32 v58, v13  }
0x446: {  	v11 =	vadd.f32 v12, v11;
	v12 =	vadd.f32 v15, v14;
	v14 =	vmul.f32 v37, v36  }
0x447: {  	v15 =	vmul.f32 v52, v51;
	v17 =	vadd.f32 v57, v56;
	v20 =	vadd.f32 v60, v59  }
0x448: {  	v9 =	vadd.f32 v10, v9;
	v13 =	vadd.f32 v13, v16  }
0x449: {  	v10 =	vadd.f32 v15, v14;
	v14 =	vadd.f32 v62, v61  }
0x44a: {  	v11 =	vadd.f32 v12, v11;
	v12 =	vadd.f32 v20, v17  }
0x44b: {  	v9 =	vadd.f32 v10, v9;
	v10 =	vadd.f32 v13, v14  }
0x44c: {  	v7 =	vadd.f32 v8, v7  }
0x44d: {  	v8 =	vadd.f32 v12, v11;
	v9 =	vadd.f32 v10, v9  }
0x44e: {  	v10 =	vsel vm3, v7, v6  }
0x44f: {  	v10 =	vperm.xlane v10, v0;
	v11 =	vsel vm3, v9, v8  }
0x450: {  	s3 =	sadd.s32 $0x20, s5;
	v4 =	vadd.f32 v4, v5;
	v6 =	vsel vm3, v6, v7;
	v5 =	vperm.xlane v11, v0  }
0x451: {  	[tilespmem:s3+$0x0] =	vst v35;
	v7 =	vsel vm3, v8, v9;
	v6 =	vadd.f32 v6, v10  }
0x452: {  	[tilespmem:s4+$0xFFFFFFF0] =	vst v4;
	v4 =	vadd.f32 v7, v5  }
0x453: {  	[tilespmem:s6+$0xFFFFFFF0] =	vst v6  }
0x454: {  	s15 =	simm.s32 $0x13D70;
	[tilespmem:s3+$0xFFFFFFF0] =	vst v4  }
0x455: {  	v4 =	vld [tilespmem:s15+$0xFFFFFFC0]  }
0x456: {  	v5 =	vld [tilespmem:s15+$0xFFFFFFD0]  }
0x457: {  	v6 =	vld [tilespmem:s15+$0xFFFFFFE0]  }
0x458: {  	v7 =	vld [tilespmem:s15+$0xFFFFFFF0]  }
0x459: {  	v8 =	vld [tilespmem:s15+$0x0]  }
0x45a: {  	v9 =	vld [tilespmem:s15+$0x10]  }
0x45b: {  	v10 =	vld [tilespmem:s15+$0x20]  }
0x45c: {  	v11 =	vld [tilespmem:s15+$0x30];
	_ =	sdelay $0x2  }
0x45d: {  	s22 =	simm.s32 $0x13DF0;
	v12 =	vsel vm0, v4, v5;
	v13 =	vsel vm0, v6, v7  }
0x45e: {  	v14 =	vld [tilespmem:s22+$0xFFFFFFC0];
	v4 =	vsel vm0, v5, v4;
	v5 =	vsel vm0, v7, v6;
	v6 =	vsel vm0, v9, v8  }
0x45f: {  	v15 =	vld [tilespmem:s22+$0x10];
	v7 =	vsel vm0, v11, v10;
	v4 =	vperm.xlane v4, v1;
	v5 =	vperm.xlane v5, v1  }
0x460: {  	v8 =	vsel vm0, v8, v9;
	v9 =	vld [tilespmem:s22+$0xFFFFFFD0];
	v6 =	vperm.xlane v6, v1;
	v7 =	vperm.xlane v7, v1  }
0x461: {  	v10 =	vsel vm0, v10, v11;
	v11 =	vld [tilespmem:s22+$0xFFFFFFE0];
	v4 =	vadd.f32 v4, v12;
	v5 =	vadd.f32 v5, v13  }
0x462: {  	v6 =	vadd.f32 v6, v8;
	v7 =	vadd.f32 v7, v10;
	v8 =	vld [tilespmem:s22+$0xFFFFFFF0]  }
0x463: {  	v10 =	vld [tilespmem:s22+$0x0];
	v12 =	vsel vm1, v5, v4  }
0x464: {  	v63 =	vld [tilespmem:s22+$0x20];
	v13 =	vsel vm1, v7, v6;
	v12 =	vperm.xlane v12, v2  }
0x465: {  	v4 =	vsel vm1, v4, v5;
	v5 =	vsel vm1, v6, v7;
	v6 =	vld [tilespmem:s22+$0x30];
	v13 =	vperm.xlane v13, v2  }
0x466: {  	v4 =	vadd.f32 v12, v4  }
0x467: {  	v5 =	vadd.f32 v13, v5;
	v12 =	vsel vm0, v14, v9;
	v13 =	vsel vm0, v11, v8  }
0x468: {  	v9 =	vsel vm0, v9, v14;
	v8 =	vsel vm0, v8, v11;
	v11 =	vsel vm0, v15, v10  }
0x469: {  	v9 =	vperm.xlane v9, v1;
	v8 =	vperm.xlane v8, v1;
	v7 =	vsel vm2, v5, v4  }
0x46a: {  	v11 =	vperm.xlane v11, v1;
	v14 =	vsel vm0, v6, v63;
	v7 =	vperm.xlane v7, v3  }
0x46b: {  	v5 =	vsel vm2, v4, v5;
	v12 =	vadd.f32 v9, v12;
	v8 =	vadd.f32 v8, v13  }
0x46c: {  	v10 =	vsel vm0, v10, v15;
	v14 =	vperm.xlane v14, v1;
	v9 =	vadd.f32 v5, v7  }
0x46d: {  	v6 =	vsel vm0, v63, v6;
	v10 =	vadd.f32 v11, v10;
	v11 =	vsel vm1, v8, v12  }
0x46e: {  	v6 =	vadd.f32 v14, v6;
	v11 =	vperm.xlane v11, v2;
	v14 =	vsub.f32 $0.0e+00, v9  }
0x46f: {  	v8 =	vsel vm1, v12, v8  }
0x470: {  	v12 =	vadd.f32 v11, v8;
	v11 =	vmul.f32 $1.442695020e+00, v14;
	_ =	sdelay $0x1  }
0x471: {  	s6 =	simm.s32 $0x13E70;
	(erf) = vpow2.f32 v11  }
0x472: {  	v4 =	vld [tilespmem:s6+$0xFFFFFFC0]  }
0x473: {  	v5 =	vld [tilespmem:s6+$0xFFFFFFD0];
	v13 =	vsel vm1, v6, v10  }
0x474: {  	v7 =	vld [tilespmem:s6+$0xFFFFFFE0];
	v13 =	vperm.xlane v13, v2  }
0x475: {  	v9 =	vld [tilespmem:s6+$0xFFFFFFF0];
	v10 =	vsel vm1, v10, v6  }
0x476: {  	v6 =	vld [tilespmem:s6+$0x0];
	v13 =	vadd.f32 v13, v10  }
0x477: {  	v10 =	vld [tilespmem:s6+$0x10]  }
0x478: {  	v8 =	vld [tilespmem:s6+$0x20];
	v14 =	vsel vm2, v13, v12  }
0x479: {  	s5 =	simm.s32 $0x40;
	s8 =	simm.s32 $0xC0;
	s4 =	simm.s32 $0x80;
	v11 =	vld [tilespmem:s6+$0x30];
	v14 =	vperm.xlane v14, v3  }
.LBB2_17:
0x47a: {  	p1 =	sne.s32 s8, $0x100;
	v15 =	vsel vm0, v4, v5;
	v12 =	vsel vm2, v12, v13;
	v13 =	vpop (erf)  }
0x47b: {  	v16 =	vsel vm0, v7, v9;
	v12 =	vadd.f32 v12, v14;
	v13 =	vadd.f32 $1.000000000e+00, v13  }
0x47c: {  	v4 =	vsel vm0, v5, v4;
	v5 =	vsel vm0, v9, v7;
	v7 =	vsel vm0, v10, v6  }
0x47d: {  	v4 =	vperm.xlane v4, v1;
	v9 =	vsub.f32 $0.0e+00, v12;
	(erf) = vrcp.f32 v13  }
0x47e: {  	v5 =	vperm.xlane v5, v1;
	v7 =	vperm.xlane v7, v1;
	v12 =	vsel vm0, v11, v8  }
0x47f: {  	v6 =	vsel vm0, v6, v10;
	v10 =	vperm.xlane v12, v1;
	v9 =	vmul.f32 $1.442695020e+00, v9  }
0x480: {  	v13 =	vadd.f32 v5, v16;
	v12 =	vadd.f32 v4, v15;
	v4 =	vsel vm0, v8, v11  }
0x481: {  	s6 =	sadd.s32 $0x80, s6;
	v6 =	vadd.f32 v7, v6;
	v8 =	vadd.f32 v10, v4;
	(erf) = vpow2.f32 v9  }
0x482: {  	v4 =	vld [tilespmem:s6+$0xFFFFFFC0]  }
0x483: {  	v9 =	vsel vm1, v13, v12;
	v5 =	vld [tilespmem:s6+$0xFFFFFFD0];
	v10 =	vsel vm1, v8, v6  }
0x484: {  	v11 =	vperm.xlane v9, v2;
	v7 =	vld [tilespmem:s6+$0xFFFFFFE0];
	v10 =	vperm.xlane v10, v2  }
.Ltmp9:
0x485: {  	s3 =	sshra.s32 s26, $0x2;
	s26 =	smov.u32 s5;
	v12 =	vsel vm1, v12, v13;
	v14 =	vsel vm1, v6, v8;
	v9 =	vld [tilespmem:s6+$0xFFFFFFF0];
	(pc) =	sbr.rel @p1 .LBB2_17-.Ltmp9, $4  }
0x486: {  	s5 =	smov.u32 s4;
	s4 =	smov.u32 s8;
	s3 =	sadd.s32 s3, s19;
	v12 =	vadd.f32 v11, v12;
	v6 =	vld [tilespmem:s6+$0x0];
	v13 =	vadd.f32 v10, v14;
	v8 =	vpop (erf)  }
0x487: {  	v10 =	vld [tilespmem:s6+$0x10];
	[tilespmem:s3+$0x0] =	vst v8  }
0x488: {  	v8 =	vld [tilespmem:s6+$0x20];
	v14 =	vsel vm2, v13, v12  }
0x489: {  	s8 =	sadd.s32 $0x40, s8;
	v11 =	vld [tilespmem:s6+$0x30];
	v14 =	vperm.xlane v14, v3  }
0x48a: {  	_ = 	snop  }
0x48b: {  	v15 =	vsel vm0, v4, v5;
	v12 =	vsel vm2, v12, v13;
	v16 =	vsel vm0, v7, v9  }
0x48c: {  	v13 =	vpop (erf);
	v4 =	vsel vm0, v5, v4;
	v5 =	vsel vm0, v9, v7;
	v12 =	vadd.f32 v12, v14  }
0x48d: {  	v13 =	vadd.f32 $1.000000000e+00, v13;
	v4 =	vperm.xlane v4, v1;
	v5 =	vperm.xlane v5, v1  }
0x48e: {  	v7 =	vsel vm0, v10, v6;
	v9 =	vsub.f32 $0.0e+00, v12;
	v12 =	vsel vm0, v11, v8  }
0x48f: {  	v6 =	vsel vm0, v6, v10;
	v7 =	vperm.xlane v7, v1;
	v10 =	vperm.xlane v12, v1  }
0x490: {  	v4 =	vadd.f32 v4, v15;
	v5 =	vadd.f32 v5, v16;
	v8 =	vsel vm0, v8, v11  }
0x491: {  	v9 =	vmul.f32 $1.442695020e+00, v9;
	v6 =	vadd.f32 v7, v6;
	v7 =	vadd.f32 v10, v8  }
0x492: {  	(erf) = vrcp.f32 v13  }
0x493: {  	(erf) = vpow2.f32 v9;
	v8 =	vsel vm1, v5, v4;
	v9 =	vsel vm1, v7, v6  }
0x494: {  	v8 =	vperm.xlane v8, v2;
	v9 =	vperm.xlane v9, v2  }
0x495: {  	v4 =	vsel vm1, v4, v5;
	v5 =	vsel vm1, v6, v7  }
0x496: {  	v4 =	vadd.f32 v8, v4;
	v5 =	vadd.f32 v9, v5;
	_ =	sdelay $0x1  }
0x497: {  	v6 =	vsel vm2, v5, v4  }
0x498: {  	v6 =	vperm.xlane v6, v3  }
0x499: {  	v4 =	vsel vm2, v4, v5  }
0x49a: {  	v4 =	vadd.f32 v4, v6  }
0x49b: {  	v5 =	vpop (erf)  }
0x49c: {  	v6 =	vpop (erf);
	v4 =	vsub.f32 $0.0e+00, v4  }
0x49d: {  	v6 =	vadd.f32 $1.000000000e+00, v6  }
0x49e: {  	v4 =	vmul.f32 $1.442695020e+00, v4  }
0x49f: {  	(erf) = vrcp.f32 v6  }
0x4a0: {  	(erf) = vpow2.f32 v4;
	_ =	sdelay $0x7  }
0x4a1: {  	v4 =	vpop (erf)  }
0x4a2: {  	v6 =	vpop (erf)  }
0x4a3: {  	v6 =	vadd.f32 $1.000000000e+00, v6;
	_ =	sdelay $0x1  }
0x4a4: {  	(erf) = vrcp.f32 v6;
	_ =	sdelay $0x5  }
0x4a5: {  	s3 =	sshra.s32 s26, $0x2  }
0x4a6: {  	s5 =	sshra.s32 s5, $0x2;
	s3 =	sadd.s32 s3, s19  }
0x4a7: {  	s4 =	sshra.s32 s4, $0x2;
	s22 =	sadd.s32 s5, s19;
	[tilespmem:s3+$0x0] =	vst v5  }
0x4a8: {  	s26 =	sadd.s32 s4, s19;
	[tilespmem:s22+$0x0] =	vst v4;
	v4 =	vpop (erf)  }
0x4a9: {  	s4 =	simm.s32 @!p0 $0x50;
	s5 =	simm.s32 @!p0 $0x8A20;
	s3 =	sadd.s32 @!p0 $0x280, s24;
	[tilespmem:s26+$0x0] =	vst v4  }
0x4aa: {  	[tilespmem:s5], [sflag:$0x7] =	stream.indirect.gather @!p0 [hbm4b:s0+s4], $0x40, s3, s4, $0xb8;
	[tilespmem:$0x13FB0] =	vst v63  }
0x4ab: {  	s3 =	sadd.s32 @!p0 $0x2990, s24;
	s5 =	simm.s32 @!p0 $0xEE20  }
0x4ac: {  	[tilespmem:s5], [sflag:$0x8] =	stream.indirect.gather @!p0 [hbm4b:s0+s4], $0x40, s3, s4, $0xb8;
	[tilespmem:$0x13FB0] =	vst v63  }
0x4ad: {  	s24 =	simm.s32 $0x0;
	_ =	swait.ge [sflag:s13], $0x1400  }
0x4ae: {  	s4 =	simm.s32 $0x0;
	s5 =	simm.s32 $0x0;
	[sflag:s13] =	ssyncset.done $0x0  }
0x4af: {  	s3 =	sand.u32 $0x2, s4;
	s4 =	sand.u32 $0x1, s5;
	[sflag:s13] =	ssyncadd.s32 $0xFFFFEC00  }
0x4b0: {  	s6 =	sand.u32 $0x70, s24;
	s3 =	sor.u32 s3, s4;
	_ =	swait.ge [sflag:s14], $0x1400  }
0x4b1: {  	s3 =	sor.u32 s3, s6;
	[sflag:s14] =	ssyncset.done $0x0  }
0x4b2: {  	s4 =	sshll.u32 s3, $0x6;
	[sflag:s14] =	ssyncadd.s32 $0xFFFFEC00  }
0x4b3: {  	v4 =	vld [tilespmem:s4+$0x9F20]  }
0x4b4: {  	v5 =	vld [tilespmem:s4+$0x9F30]  }
0x4b5: {  	v6 =	vld [tilespmem:s4+$0x9F40]  }
0x4b6: {  	v7 =	vld [tilespmem:s4+$0x9F50]  }
0x4b7: {  	v8 =	vld [tilespmem:s4+$0xA120]  }
0x4b8: {  	v9 =	vld [tilespmem:s4+$0xA130]  }
0x4b9: {  	s8 =	sadd.s32 $0x5000, s4;
	v10 =	vld [tilespmem:s4+$0xA140]  }
0x4ba: {  	v12 =	vld [tilespmem:s8+$0xB320]  }
0x4bb: {  	v14 =	vld [tilespmem:s8+$0xB330]  }
0x4bc: {  	v16 =	vld [tilespmem:s8+$0xB340];
	v13 =	vshll.u32 v4, $0x10;
	v4 =	vand.u32 $0xFFFF0000, v4;
	v15 =	vshll.u32 v5, $0x10  }
0x4bd: {  	v19 =	vld [tilespmem:s8+$0xB350];
	v5 =	vand.u32 $0xFFFF0000, v5;
	v17 =	vshll.u32 v6, $0x10;
	v6 =	vand.u32 $0xFFFF0000, v6  }
0x4be: {  	v21 =	vld [tilespmem:s8+$0xB520];
	v18 =	vshll.u32 v7, $0x10;
	v7 =	vand.u32 $0xFFFF0000, v7;
	v20 =	vshll.u32 v8, $0x10  }
0x4bf: {  	v8 =	vand.u32 $0xFFFF0000, v8;
	v22 =	vshll.u32 v9, $0x10;
	v9 =	vand.u32 $0xFFFF0000, v9  }
0x4c0: {  	v25 =	vld [tilespmem:s8+$0xB530];
	v23 =	vshll.u32 v10, $0x10;
	v10 =	vand.u32 $0xFFFF0000, v10;
	v26 =	vshll.u32 v12, $0x10  }
0x4c1: {  	v12 =	vand.u32 $0xFFFF0000, v12;
	v27 =	vshll.u32 v14, $0x10;
	v14 =	vand.u32 $0xFFFF0000, v14  }
0x4c2: {  	v29 =	vld [tilespmem:s8+$0xB540];
	v28 =	vshll.u32 v16, $0x10;
	v16 =	vand.u32 $0xFFFF0000, v16;
	v30 =	vshll.u32 v19, $0x10  }
0x4c3: {  	v19 =	vand.u32 $0xFFFF0000, v19;
	v31 =	vshll.u32 v21, $0x10;
	v13 =	vmul.f32 v26, v13  }
0x4c4: {  	v4 =	vmul.f32 v12, v4;
	v12 =	vand.u32 $0xFFFF0000, v21;
	v15 =	vmul.f32 v27, v15  }
0x4c5: {  	v11 =	vld [tilespmem:s4+$0xA150];
	v5 =	vmul.f32 v14, v5;
	v14 =	vshll.u32 v25, $0x10;
	v17 =	vmul.f32 v28, v17  }
0x4c6: {  	v21 =	vld [tilespmem:s8+$0xB550];
	v6 =	vmul.f32 v16, v6;
	v25 =	vand.u32 $0xFFFF0000, v25;
	v18 =	vmul.f32 v30, v18  }
0x4c7: {  	v16 =	vld [tilespmem:s8+$0xB220];
	v7 =	vmul.f32 v19, v7;
	v26 =	vshll.u32 v29, $0x10;
	v20 =	vmul.f32 v31, v20  }
0x4c8: {  	v19 =	vld [tilespmem:s8+$0xB230];
	v27 =	vand.u32 $0xFFFF0000, v29;
	v8 =	vmul.f32 v12, v8;
	v14 =	vmul.f32 v14, v22  }
0x4c9: {  	v30 =	vld [tilespmem:s4+$0xA050];
	v9 =	vmul.f32 v25, v9;
	v23 =	vmul.f32 v26, v23;
	v4 =	vadd.f32 v4, v13  }
0x4ca: {  	v12 =	vld [tilespmem:s8+$0xB240];
	v10 =	vmul.f32 v27, v10;
	v5 =	vadd.f32 v5, v15;
	v6 =	vadd.f32 v6, v17  }
0x4cb: {  	v22 =	vld [tilespmem:s8+$0xB250];
	v7 =	vadd.f32 v7, v18;
	v8 =	vadd.f32 v8, v20  }
0x4cc: {  	v24 =	vshll.u32 v11, $0x10;
	v26 =	vld [tilespmem:s8+$0xB420];
	v9 =	vadd.f32 v9, v14;
	v10 =	vadd.f32 v10, v23  }
0x4cd: {  	v11 =	vand.u32 $0xFFFF0000, v11;
	v27 =	vld [tilespmem:s4+$0xA040];
	v4 =	vadd.f32 v5, v4;
	v6 =	vadd.f32 v7, v6  }
0x4ce: {  	v13 =	vld [tilespmem:s8+$0xB430];
	v25 =	vshll.u32 v21, $0x10;
	v21 =	vand.u32 $0xFFFF0000, v21;
	v18 =	vshll.u32 v16, $0x10  }
0x4cf: {  	v20 =	vld [tilespmem:s8+$0xB450];
	v14 =	vand.u32 $0xFFFF0000, v16;
	v7 =	vand.u32 $0xFFFF0000, v19;
	v8 =	vadd.f32 v9, v8  }
0x4d0: {  	v5 =	vld [tilespmem:s4+$0x9E30];
	v38 =	vshll.u32 v30, $0x10;
	v15 =	vmul.f32 v25, v24;
	v11 =	vmul.f32 v21, v11  }
0x4d1: {  	v16 =	vld [tilespmem:s4+$0x9E20];
	v21 =	vshll.u32 v22, $0x10;
	v22 =	vand.u32 $0xFFFF0000, v22;
	v4 =	vadd.f32 v6, v4  }
0x4d2: {  	v9 =	vld [tilespmem:s4+$0x9E40];
	v23 =	vand.u32 $0xFFFF0000, v26;
	v37 =	vshll.u32 v27, $0x10;
	v27 =	vand.u32 $0xFFFF0000, v27  }
0x4d3: {  	v6 =	vld [tilespmem:s4+$0xA020];
	v25 =	vshll.u32 v13, $0x10;
	v13 =	vand.u32 $0xFFFF0000, v13;
	v11 =	vadd.f32 v11, v15  }
0x4d4: {  	v24 =	vld [tilespmem:s4+$0xA030];
	v15 =	vshll.u32 v19, $0x10;
	v29 =	vshll.u32 v20, $0x10;
	v20 =	vand.u32 $0xFFFF0000, v20  }
0x4d5: {  	v32 =	vshll.u32 v5, $0x10;
	v5 =	vand.u32 $0xFFFF0000, v5;
	v10 =	vadd.f32 v11, v10  }
0x4d6: {  	v11 =	vshll.u32 v12, $0x10;
	v12 =	vand.u32 $0xFFFF0000, v12;
	v31 =	vshll.u32 v16, $0x10  }
0x4d7: {  	v17 =	vld [tilespmem:s8+$0xB440];
	v16 =	vand.u32 $0xFFFF0000, v16;
	v33 =	vshll.u32 v9, $0x10;
	v9 =	vand.u32 $0xFFFF0000, v9  }
0x4d8: {  	v15 =	vmul.f32 v15, v32;
	v5 =	vmul.f32 v7, v5;
	v35 =	vshll.u32 v6, $0x10  }
0x4d9: {  	s15 =	simm.s32 $0x2;
	s22 =	simm.s32 $0x0;
	v19 =	vld [tilespmem:s4+$0x9E50];
	v6 =	vand.u32 $0xFFFF0000, v6;
	v36 =	vshll.u32 v24, $0x10;
	v24 =	vand.u32 $0xFFFF0000, v24  }
0x4da: {  	s26 =	simm.s32 $0x4;
	s3 =	sand.u32 $0x2, s15;
	s4 =	sand.u32 $0x1, s22;
	v18 =	vmul.f32 v18, v31;
	v14 =	vmul.f32 v14, v16;
	v16 =	vand.u32 $0xFFFF0000, v30  }
0x4db: {  	s6 =	sand.u32 $0x70, s26;
	s3 =	sor.u32 s3, s4;
	v11 =	vmul.f32 v11, v33;
	v9 =	vmul.f32 v12, v9;
	v8 =	vadd.f32 v10, v8  }
0x4dc: {  	s3 =	sor.u32 s3, s6;
	v10 =	vshll.u32 v26, $0x10;
	v26 =	vshll.u32 v17, $0x10;
	v17 =	vand.u32 $0xFFFF0000, v17  }
0x4dd: {  	s4 =	sshll.u32 s3, $0x6;
	v5 =	vadd.f32 v5, v15;
	v6 =	vmul.f32 v23, v6;
	v13 =	vmul.f32 v13, v24  }
0x4de: {  	v7 =	vld [tilespmem:s4+$0x9F20];
	v23 =	vmul.f32 v29, v38;
	v16 =	vmul.f32 v20, v16;
	v34 =	vshll.u32 v19, $0x10  }
0x4df: {  	v20 =	vld [tilespmem:s4+$0xA140];
	v19 =	vand.u32 $0xFFFF0000, v19;
	v12 =	vadd.f32 v14, v18;
	v10 =	vmul.f32 v10, v35  }
0x4e0: {  	v42 =	vld [tilespmem:s4+$0xA040];
	v9 =	vadd.f32 v9, v11;
	v17 =	vmul.f32 v17, v27;
	v18 =	vmul.f32 v21, v34  }
0x4e1: {  	v28 =	vsel vm3, v8, v4;
	v19 =	vmul.f32 v22, v19;
	v21 =	vld [tilespmem:s4+$0xA120];
	v22 =	vmul.f32 v26, v37  }
0x4e2: {  	s8 =	sadd.s32 $0x5000, s4;
	v4 =	vsel vm3, v4, v8;
	v8 =	vld [tilespmem:s4+$0xA150];
	v16 =	vadd.f32 v16, v23;
	v6 =	vadd.f32 v6, v10  }
0x4e3: {  	v23 =	vld [tilespmem:s8+$0xB350];
	v12 =	vadd.f32 v5, v12;
	v18 =	vadd.f32 v19, v18;
	v19 =	vmul.f32 v25, v36  }
0x4e4: {  	v15 =	vld [tilespmem:s4+$0x9F40];
	v17 =	vadd.f32 v17, v22;
	v27 =	vshll.u32 v20, $0x10;
	v20 =	vand.u32 $0xFFFF0000, v20  }
0x4e5: {  	v14 =	vld [tilespmem:s4+$0x9F30];
	v39 =	vshll.u32 v42, $0x10;
	v33 =	vand.u32 $0xFFFF0000, v42;
	v13 =	vadd.f32 v13, v19  }
0x4e6: {  	v11 =	vld [tilespmem:s4+$0x9F50];
	v19 =	vperm.xlane v28, v0;
	v18 =	vadd.f32 v18, v9;
	v24 =	vshll.u32 v21, $0x10  }
0x4e7: {  	v10 =	vld [tilespmem:s4+$0xA130];
	v21 =	vand.u32 $0xFFFF0000, v21;
	v29 =	vshll.u32 v8, $0x10;
	v8 =	vand.u32 $0xFFFF0000, v8  }
0x4e8: {  	v22 =	vld [tilespmem:s8+$0xB330];
	v61 =	vshll.u32 v23, $0x10;
	v23 =	vand.u32 $0xFFFF0000, v23;
	v9 =	vadd.f32 v4, v19  }
0x4e9: {  	v25 =	vld [tilespmem:s8+$0xB520];
	v5 =	vadd.f32 v13, v6;
	v13 =	vshll.u32 v7, $0x10;
	v4 =	vadd.f32 v18, v12  }
0x4ea: {  	v60 =	vld [tilespmem:s8+$0xB540];
	v6 =	vadd.f32 v16, v17;
	v7 =	vand.u32 $0xFFFF0000, v7;
	v12 =	vshll.u32 v14, $0x10  }
0x4eb: {  	v28 =	vld [tilespmem:s8+$0xB530];
	v14 =	vand.u32 $0xFFFF0000, v14;
	v17 =	vshll.u32 v15, $0x10;
	v15 =	vand.u32 $0xFFFF0000, v15  }
0x4ec: {  	v18 =	vshll.u32 v11, $0x10;
	v11 =	vand.u32 $0xFFFF0000, v11;
	v26 =	vshll.u32 v10, $0x10  }
0x4ed: {  	v19 =	vld [tilespmem:s8+$0xB320];
	v10 =	vand.u32 $0xFFFF0000, v10;
	v31 =	vshll.u32 v22, $0x10;
	v22 =	vand.u32 $0xFFFF0000, v22  }
0x4ee: {  	v16 =	vld [tilespmem:s8+$0xB340];
	v62 =	vshll.u32 v25, $0x10;
	v18 =	vmul.f32 v61, v18;
	v11 =	vmul.f32 v23, v11  }
0x4ef: {  	v23 =	vshll.u32 v60, $0x10;
	v12 =	vmul.f32 v31, v12;
	v14 =	vmul.f32 v22, v14  }
0x4f0: {  	v24 =	vmul.f32 v62, v24;
	v23 =	vmul.f32 v23, v27;
	v22 =	vshll.u32 v28, $0x10  }
0x4f1: {  	v31 =	vld [tilespmem:s4+$0xA030];
	v6 =	vadd.f32 v6, v5;
	v11 =	vadd.f32 v11, v18;
	v22 =	vmul.f32 v22, v26  }
0x4f2: {  	v12 =	vadd.f32 v14, v12;
	v30 =	vshll.u32 v19, $0x10;
	v19 =	vand.u32 $0xFFFF0000, v19  }
0x4f3: {  	v26 =	vld [tilespmem:s8+$0xB240];
	v59 =	vshll.u32 v16, $0x10;
	v16 =	vand.u32 $0xFFFF0000, v16;
	v13 =	vmul.f32 v30, v13  }
0x4f4: {  	v14 =	vld [tilespmem:s8+$0xB420];
	v7 =	vmul.f32 v19, v7;
	v19 =	vand.u32 $0xFFFF0000, v25;
	v17 =	vmul.f32 v59, v17  }
0x4f5: {  	v25 =	vld [tilespmem:s8+$0xB550];
	v15 =	vmul.f32 v16, v15;
	v16 =	vand.u32 $0xFFFF0000, v28;
	v19 =	vmul.f32 v19, v21  }
0x4f6: {  	v28 =	vld [tilespmem:s8+$0xB220];
	v21 =	vand.u32 $0xFFFF0000, v60;
	v10 =	vmul.f32 v16, v10;
	v47 =	vshll.u32 v31, $0x10  }
0x4f7: {  	v20 =	vmul.f32 v21, v20;
	v7 =	vadd.f32 v7, v13;
	v15 =	vadd.f32 v15, v17  }
0x4f8: {  	v30 =	vld [tilespmem:s8+$0xB230];
	v31 =	vand.u32 $0xFFFF0000, v31;
	v18 =	vadd.f32 v19, v24;
	v10 =	vadd.f32 v10, v22  }
0x4f9: {  	v19 =	vld [tilespmem:s8+$0xB440];
	v27 =	vshll.u32 v14, $0x10;
	v14 =	vand.u32 $0xFFFF0000, v14;
	v20 =	vadd.f32 v20, v23  }
0x4fa: {  	v7 =	vadd.f32 v12, v7;
	v11 =	vadd.f32 v11, v15;
	v12 =	vld [tilespmem:s4+$0x9E20];
	v23 =	vand.u32 $0xFFFF0000, v26  }
0x4fb: {  	v16 =	vshll.u32 v25, $0x10;
	v21 =	vand.u32 $0xFFFF0000, v25;
	v25 =	vld [tilespmem:s8+$0xB250];
	v17 =	vshll.u32 v28, $0x10  }
0x4fc: {  	v10 =	vadd.f32 v10, v18;
	v18 =	vld [tilespmem:s4+$0x9E30];
	v13 =	vmul.f32 v16, v29;
	v8 =	vmul.f32 v21, v8  }
0x4fd: {  	v22 =	vshll.u32 v30, $0x10;
	v15 =	vand.u32 $0xFFFF0000, v30;
	v16 =	vld [tilespmem:s8+$0xB430];
	v21 =	vand.u32 $0xFFFF0000, v28  }
0x4fe: {  	v7 =	vadd.f32 v11, v7;
	v11 =	vld [tilespmem:s4+$0x9E50];
	v8 =	vadd.f32 v8, v13;
	v30 =	vshll.u32 v19, $0x10  }
0x4ff: {  	v29 =	vld [tilespmem:s4+$0xA020];
	v19 =	vand.u32 $0xFFFF0000, v19;
	v43 =	vshll.u32 v12, $0x10;
	v12 =	vand.u32 $0xFFFF0000, v12  }
0x500: {  	v19 =	vmul.f32 v19, v33;
	v8 =	vadd.f32 v8, v20;
	v20 =	vshll.u32 v26, $0x10  }
0x501: {  	v24 =	vshll.u32 v25, $0x10;
	v25 =	vand.u32 $0xFFFF0000, v25;
	v44 =	vshll.u32 v18, $0x10  }
0x502: {  	v13 =	vld [tilespmem:s8+$0xB450];
	v17 =	vmul.f32 v17, v43;
	v12 =	vmul.f32 v21, v12;
	v28 =	vshll.u32 v16, $0x10  }
0x503: {  	v26 =	vld [tilespmem:s4+$0x9E40];
	v16 =	vand.u32 $0xFFFF0000, v16;
	v45 =	vshll.u32 v11, $0x10;
	v8 =	vadd.f32 v8, v10  }
0x504: {  	v11 =	vand.u32 $0xFFFF0000, v11;
	v46 =	vshll.u32 v29, $0x10;
	v29 =	vand.u32 $0xFFFF0000, v29  }
0x505: {  	s26 =	simm.s32 $0x4;
	s15 =	simm.s32 $0x1;
	v21 =	vmul.f32 v22, v44;
	v12 =	vadd.f32 v12, v17;
	v10 =	vsel vm3, v8, v7  }
0x506: {  	s22 =	sand.u32 $0x2, s26;
	s3 =	sand.u32 $0x1, s15;
	s15 =	simm.s32 $0x8;
	v11 =	vmul.f32 v25, v11;
	v7 =	vsel vm3, v7, v8;
	v8 =	vld [tilespmem:s4+$0xA050];
	v10 =	vperm.xlane v10, v0  }
0x507: {  	s3 =	sor.u32 s22, s3;
	s5 =	sand.u32 $0x70, s15;
	v14 =	vmul.f32 v14, v29;
	v16 =	vmul.f32 v16, v31;
	v63 =	vshll.u32 v13, $0x10  }
0x508: {  	s3 =	sor.u32 s3, s5;
	v10 =	vadd.f32 v7, v10;
	v7 =	vand.u32 $0xFFFF0000, v18;
	v18 =	vshll.u32 v26, $0x10  }
0x509: {  	s6 =	sshll.u32 s3, $0x6;
	v26 =	vand.u32 $0xFFFF0000, v26;
	v7 =	vmul.f32 v15, v7;
	v5 =	vmul.f32 v20, v18  }
0x50a: {  	s22 =	sadd.s32 $0x5000, s6;
	v13 =	vand.u32 $0xFFFF0000, v13;
	v18 =	vmul.f32 v23, v26;
	v20 =	vmul.f32 v24, v45  }
0x50b: {  	v53 =	vld [tilespmem:s22+$0xB540];
	v24 =	vmul.f32 v30, v39;
	v48 =	vshll.u32 v8, $0x10;
	v8 =	vand.u32 $0xFFFF0000, v8  }
0x50c: {  	v22 =	vld [tilespmem:s6+$0x9F50];
	v7 =	vadd.f32 v7, v21;
	v5 =	vadd.f32 v18, v5;
	v18 =	vmul.f32 v27, v46  }
0x50d: {  	v23 =	vld [tilespmem:s6+$0xA120];
	v11 =	vadd.f32 v11, v20;
	v20 =	vmul.f32 v28, v47;
	v25 =	vmul.f32 v63, v48  }
0x50e: {  	v26 =	vld [tilespmem:s22+$0xB350];
	v8 =	vmul.f32 v13, v8;
	v19 =	vadd.f32 v19, v24;
	v14 =	vadd.f32 v14, v18  }
0x50f: {  	v15 =	vld [tilespmem:s6+$0x9F20];
	v13 =	vadd.f32 v16, v20;
	v12 =	vadd.f32 v7, v12  }
0x510: {  	v17 =	vld [tilespmem:s6+$0x9F30];
	v7 =	vsel vm3, v6, v4;
	v11 =	vadd.f32 v11, v5;
	v8 =	vadd.f32 v8, v25  }
0x511: {  	v21 =	vld [tilespmem:s6+$0x9F40];
	v4 =	vsel vm3, v4, v6;
	v25 =	vshll.u32 v22, $0x10;
	v22 =	vand.u32 $0xFFFF0000, v22  }
0x512: {  	v24 =	vld [tilespmem:s22+$0xB320];
	v5 =	vperm.xlane v7, v0;
	v27 =	vshll.u32 v23, $0x10;
	v23 =	vand.u32 $0xFFFF0000, v23  }
0x513: {  	v28 =	vld [tilespmem:s22+$0xB520];
	v54 =	vshll.u32 v26, $0x10;
	v26 =	vand.u32 $0xFFFF0000, v26;
	v7 =	vadd.f32 v13, v14  }
0x514: {  	v18 =	vld [tilespmem:s6+$0xA130];
	v13 =	vshll.u32 v15, $0x10;
	v6 =	vadd.f32 v11, v12;
	v8 =	vadd.f32 v8, v19  }
0x515: {  	v16 =	vld [tilespmem:s6+$0xA140];
	v11 =	vand.u32 $0xFFFF0000, v15;
	v12 =	vshll.u32 v17, $0x10;
	v15 =	vand.u32 $0xFFFF0000, v17  }
0x516: {  	v20 =	vld [tilespmem:s6+$0xA150];
	v25 =	vmul.f32 v54, v25;
	v22 =	vmul.f32 v26, v22;
	v26 =	vshll.u32 v53, $0x10  }
0x517: {  	v19 =	vshll.u32 v21, $0x10;
	v21 =	vand.u32 $0xFFFF0000, v21;
	v50 =	vshll.u32 v24, $0x10  }
0x518: {  	v14 =	vld [tilespmem:s22+$0xB330];
	v24 =	vand.u32 $0xFFFF0000, v24;
	v55 =	vshll.u32 v28, $0x10;
	v13 =	vmul.f32 v50, v13  }
0x519: {  	v17 =	vld [tilespmem:s22+$0xB340];
	v11 =	vmul.f32 v24, v11;
	v24 =	vand.u32 $0xFFFF0000, v28;
	v27 =	vmul.f32 v55, v27  }
0x51a: {  	v31 =	vld [tilespmem:s22+$0xB530];
	v29 =	vshll.u32 v18, $0x10;
	v18 =	vand.u32 $0xFFFF0000, v18;
	v30 =	vshll.u32 v16, $0x10  }
0x51b: {  	v16 =	vand.u32 $0xFFFF0000, v16;
	v49 =	vshll.u32 v20, $0x10;
	v20 =	vand.u32 $0xFFFF0000, v20  }
0x51c: {  	v23 =	vmul.f32 v24, v23;
	v24 =	vand.u32 $0xFFFF0000, v53;
	v26 =	vmul.f32 v26, v30  }
0x51d: {  	v28 =	vld [tilespmem:s22+$0xB550];
	v16 =	vmul.f32 v24, v16;
	v30 =	vadd.f32 v11, v13;
	v51 =	vshll.u32 v14, $0x10  }
0x51e: {  	v56 =	vld [tilespmem:s22+$0xB230];
	v14 =	vand.u32 $0xFFFF0000, v14;
	v52 =	vshll.u32 v17, $0x10;
	v17 =	vand.u32 $0xFFFF0000, v17  }
0x51f: {  	v60 =	vld [tilespmem:s6+$0x9E20];
	v12 =	vmul.f32 v51, v12;
	v14 =	vmul.f32 v14, v15;
	v15 =	vshll.u32 v31, $0x10  }
0x520: {  	v57 =	vld [tilespmem:s22+$0xB420];
	v19 =	vmul.f32 v52, v19;
	v17 =	vmul.f32 v17, v21;
	v21 =	vand.u32 $0xFFFF0000, v31  }
0x521: {  	v59 =	vld [tilespmem:s22+$0xB450];
	v16 =	vadd.f32 v16, v26;
	v15 =	vmul.f32 v15, v29;
	v18 =	vmul.f32 v21, v18  }
0x522: {  	v58 =	vld [tilespmem:s22+$0xB440];
	s4 =	simm.s32 $0x13D60;
	v21 =	vshll.u32 v28, $0x10;
	v24 =	vand.u32 $0xFFFF0000, v28;
	v14 =	vadd.f32 v14, v12  }
0x523: {  	[tilespmem:s4+$0x0] =	vst v10;
	v10 =	vld [tilespmem:s6+$0xA050];
	v13 =	vmul.f32 v21, v49;
	v17 =	vadd.f32 v17, v19;
	v20 =	vmul.f32 v24, v20  }
0x524: {  	v35 =	vand.u32 $0xFFFF0000, v60;
	v31 =	vld [tilespmem:s22+$0xB220];
	v19 =	vadd.f32 v22, v25;
	v21 =	vadd.f32 v23, v27  }
0x525: {  	s8 =	simm.s32 $0x13D40;
	v33 =	vshll.u32 v60, $0x10;
	v28 =	vld [tilespmem:s22+$0xB250];
	v15 =	vadd.f32 v18, v15;
	v20 =	vadd.f32 v20, v13  }
0x526: {  	[tilespmem:s8+$0x0] =	vst v9;
	v9 =	vand.u32 $0xFFFF0000, v59;
	v29 =	vld [tilespmem:s22+$0xB240];
	v14 =	vadd.f32 v14, v30;
	v17 =	vadd.f32 v19, v17  }
0x527: {  	v26 =	vld [tilespmem:s6+$0x9E30];
	v23 =	vshll.u32 v57, $0x10;
	v19 =	vadd.f32 v15, v21;
	v16 =	vadd.f32 v20, v16  }
0x528: {  	v25 =	vld [tilespmem:s22+$0xB430];
	v24 =	vand.u32 $0xFFFF0000, v57;
	v18 =	vand.u32 $0xFFFF0000, v56;
	v13 =	vshll.u32 v56, $0x10  }
0x529: {  	v27 =	vld [tilespmem:s6+$0x9E40];
	v11 =	vshll.u32 v31, $0x10;
	v61 =	vadd.f32 v17, v14;
	v62 =	vadd.f32 v16, v19  }
0x52a: {  	v12 =	vand.u32 $0xFFFF0000, v31;
	v15 =	vshll.u32 v28, $0x10;
	v20 =	vand.u32 $0xFFFF0000, v28;
	v28 =	vld [tilespmem:s6+$0x9E50]  }
0x52b: {  	v21 =	vshll.u32 v29, $0x10;
	v22 =	vand.u32 $0xFFFF0000, v29;
	v29 =	vld [tilespmem:s6+$0xA020];
	v31 =	vsel vm3, v62, v61  }
0x52c: {  	v30 =	vld [tilespmem:s6+$0xA030];
	v34 =	vshll.u32 v26, $0x10;
	v14 =	vshll.u32 v58, $0x10;
	v63 =	vperm.xlane v31, v0  }
0x52d: {  	v17 =	vshll.u32 v59, $0x10;
	v16 =	vshll.u32 v25, $0x10;
	v37 =	vsel vm3, v61, v62;
	v31 =	vld [tilespmem:s6+$0xA040]  }
0x52e: {  	s5 =	simm.s32 $0x13D60;
	v19 =	vand.u32 $0xFFFF0000, v25;
	v25 =	vand.u32 $0xFFFF0000, v58;
	v32 =	vadd.f32 v37, v63  }
.LBB2_19:
0x52f: {  	s26 =	sadd.s32 $0x2, s26;
	v26 =	vand.u32 $0xFFFF0000, v26;
	v36 =	vshll.u32 v27, $0x10;
	v27 =	vand.u32 $0xFFFF0000, v27;
	s4 =	sadd.s32 $0x20, s4  }
0x530: {  	v37 =	vshll.u32 v28, $0x10;
	v28 =	vand.u32 $0xFFFF0000, v28;
	v38 =	vshll.u32 v29, $0x10;
	s3 =	sshrl.u32 s26, $0x2;
	p1 =	slt.u32 s26, $0x26;
	[tilespmem:s4+$0x0] =	vst v32  }
0x531: {  	v29 =	vand.u32 $0xFFFF0000, v29;
	s15 =	sadd.s32 $0x4, s15;
	s6 =	sand.u32 $0x2, s26;
	v32 =	vshll.u32 v30, $0x10;
	v30 =	vand.u32 $0xFFFF0000, v30;
	s3 =	sand.u32 $0x1, s3  }
0x532: {  	v39 =	vshll.u32 v31, $0x10;
	v31 =	vand.u32 $0xFFFF0000, v31;
	v40 =	vshll.u32 v10, $0x10;
	s3 =	sor.u32 s6, s3;
	s6 =	sand.u32 $0x70, s15  }
0x533: {  	v11 =	vmul.f32 v11, v33;
	v12 =	vmul.f32 v12, v35;
	v10 =	vand.u32 $0xFFFF0000, v10;
	s3 =	sor.u32 s3, s6  }
0x534: {  	v13 =	vmul.f32 v13, v34;
	v8 =	vadd.f32 v8, v7;
	v18 =	vmul.f32 v18, v26;
	s6 =	sshll.u32 s3, $0x6  }
0x535: {  	v7 =	vmul.f32 v21, v36;
	v21 =	vmul.f32 v22, v27;
	v11 =	vadd.f32 v12, v11;
	v26 =	vld [tilespmem:s6+$0x9F20]  }
0x536: {  	v15 =	vmul.f32 v15, v37;
	v20 =	vmul.f32 v20, v28;
	v13 =	vadd.f32 v18, v13;
	v12 =	vld [tilespmem:s6+$0x9F30]  }
0x537: {  	v22 =	vmul.f32 v24, v29;
	v7 =	vadd.f32 v21, v7;
	v21 =	vmul.f32 v23, v38;
	v18 =	vld [tilespmem:s6+$0x9F40]  }
0x538: {  	v16 =	vmul.f32 v16, v32;
	v19 =	vmul.f32 v19, v30;
	v15 =	vadd.f32 v20, v15;
	v23 =	vld [tilespmem:s6+$0x9F50]  }
0x539: {  	v14 =	vmul.f32 v14, v39;
	v24 =	vmul.f32 v25, v31;
	v21 =	vadd.f32 v22, v21;
	v20 =	vld [tilespmem:s6+$0xA120]  }
0x53a: {  	v17 =	vmul.f32 v17, v40;
	v9 =	vmul.f32 v9, v10;
	v10 =	vadd.f32 v19, v16;
	v22 =	vld [tilespmem:s6+$0xA130]  }
0x53b: {  	v11 =	vadd.f32 v13, v11;
	v13 =	vadd.f32 v24, v14;
	v14 =	vsel vm3, v8, v6;
	v16 =	vld [tilespmem:s6+$0xA140]  }
0x53c: {  	v9 =	vadd.f32 v9, v17;
	v15 =	vadd.f32 v15, v7;
	s22 =	sadd.s32 $0x5000, s6;
	v14 =	vperm.xlane v14, v0;
	v19 =	vld [tilespmem:s6+$0xA150]  }
0x53d: {  	v7 =	vadd.f32 v10, v21;
	v10 =	vadd.f32 v4, v5;
	v4 =	vsel vm3, v6, v8;
	v17 =	vld [tilespmem:s22+$0xB320]  }
0x53e: {  	v6 =	vadd.f32 v15, v11;
	v8 =	vadd.f32 v9, v13;
	v5 =	vmovc v14;
	v21 =	vshll.u32 v26, $0x10;
	v24 =	vld [tilespmem:s22+$0xB330]  }
0x53f: {  	v9 =	vand.u32 $0xFFFF0000, v26;
	v11 =	vshll.u32 v12, $0x10;
	v12 =	vand.u32 $0xFFFF0000, v12;
	v13 =	vld [tilespmem:s22+$0xB340];
	[tilespmem:s8+$0xFFFFFFF0] =	vst v10;
	s8 =	smov.u32 s5;
	s5 =	smov.u32 s4  }
0x540: {  	v14 =	vand.u32 $0xFFFF0000, v18;
	v15 =	vshll.u32 v23, $0x10;
	v10 =	vshll.u32 v18, $0x10;
	v18 =	vld [tilespmem:s22+$0xB350]  }
0x541: {  	v23 =	vand.u32 $0xFFFF0000, v23;
	v25 =	vshll.u32 v20, $0x10;
	v20 =	vand.u32 $0xFFFF0000, v20;
	v26 =	vld [tilespmem:s22+$0xB520]  }
0x542: {  	v27 =	vshll.u32 v22, $0x10;
	v22 =	vand.u32 $0xFFFF0000, v22;
	v28 =	vshll.u32 v16, $0x10;
	v29 =	vld [tilespmem:s22+$0xB220]  }
0x543: {  	v16 =	vand.u32 $0xFFFF0000, v16;
	v31 =	vshll.u32 v19, $0x10;
	v19 =	vand.u32 $0xFFFF0000, v19;
	v30 =	vld [tilespmem:s22+$0xB530]  }
0x544: {  	v33 =	vshll.u32 v17, $0x10;
	v17 =	vand.u32 $0xFFFF0000, v17;
	v34 =	vshll.u32 v24, $0x10;
	v32 =	vld [tilespmem:s22+$0xB230]  }
0x545: {  	v24 =	vand.u32 $0xFFFF0000, v24;
	v35 =	vshll.u32 v13, $0x10;
	v13 =	vand.u32 $0xFFFF0000, v13;
	v36 =	vld [tilespmem:s22+$0xB540]  }
0x546: {  	v38 =	vshll.u32 v18, $0x10;
	v18 =	vand.u32 $0xFFFF0000, v18;
	v37 =	vld [tilespmem:s22+$0xB240];
	v39 =	vshll.u32 v26, $0x10  }
0x547: {  	v21 =	vmul.f32 v33, v21;
	v9 =	vmul.f32 v17, v9;
	v17 =	vand.u32 $0xFFFF0000, v26;
	v26 =	vld [tilespmem:s22+$0xB550]  }
0x548: {  	v11 =	vmul.f32 v34, v11;
	v12 =	vmul.f32 v24, v12;
	v33 =	vld [tilespmem:s22+$0xB250];
	v24 =	vshll.u32 v30, $0x10  }
0x549: {  	v10 =	vmul.f32 v35, v10;
	v13 =	vmul.f32 v13, v14;
	v14 =	vand.u32 $0xFFFF0000, v30;
	v34 =	vld [tilespmem:s22+$0xB420]  }
0x54a: {  	v15 =	vmul.f32 v38, v15;
	v18 =	vmul.f32 v18, v23;
	v35 =	vld [tilespmem:s22+$0xB430];
	v23 =	vshll.u32 v36, $0x10  }
0x54b: {  	v25 =	vmul.f32 v39, v25;
	v17 =	vmul.f32 v17, v20;
	v20 =	vand.u32 $0xFFFF0000, v36;
	v38 =	vld [tilespmem:s22+$0xB440]  }
0x54c: {  	v24 =	vmul.f32 v24, v27;
	v14 =	vmul.f32 v14, v22;
	v36 =	vld [tilespmem:s22+$0xB450];
	v22 =	vshll.u32 v26, $0x10  }
0x54d: {  	v23 =	vmul.f32 v23, v28;
	v16 =	vmul.f32 v20, v16;
	v20 =	vand.u32 $0xFFFF0000, v26;
	v39 =	vld [tilespmem:s6+$0x9E20]  }
0x54e: {  	v9 =	vadd.f32 v9, v21;
	v21 =	vadd.f32 v12, v11;
	v22 =	vmul.f32 v22, v31;
	v26 =	vld [tilespmem:s6+$0x9E30]  }
0x54f: {  	v10 =	vadd.f32 v13, v10;
	v15 =	vadd.f32 v18, v15;
	v13 =	vmul.f32 v20, v19;
	v27 =	vld [tilespmem:s6+$0x9E40]  }
0x550: {  	v11 =	vshll.u32 v29, $0x10;
	v17 =	vadd.f32 v17, v25;
	v14 =	vadd.f32 v14, v24;
	v28 =	vld [tilespmem:s6+$0x9E50]  }
0x551: {  	v12 =	vand.u32 $0xFFFF0000, v29;
	v16 =	vadd.f32 v16, v23;
	v19 =	vadd.f32 v13, v22;
	v29 =	vld [tilespmem:s6+$0xA020]  }
0x552: {  	v9 =	vadd.f32 v21, v9;
	v23 =	vadd.f32 v15, v10;
	v13 =	vshll.u32 v32, $0x10;
	v30 =	vld [tilespmem:s6+$0xA030]  }
0x553: {  	v18 =	vand.u32 $0xFFFF0000, v32;
	v14 =	vadd.f32 v14, v17;
	v16 =	vadd.f32 v19, v16;
	v31 =	vld [tilespmem:s6+$0xA040]  }
0x554: {  	v21 =	vshll.u32 v37, $0x10;
	v15 =	vshll.u32 v33, $0x10;
	v22 =	vand.u32 $0xFFFF0000, v37;
	v10 =	vld [tilespmem:s6+$0xA050]  }
0x555: {  	v20 =	vand.u32 $0xFFFF0000, v33;
	v32 =	vadd.f32 v23, v9;
	v37 =	vadd.f32 v16, v14  }
.Ltmp10:
0x556: {  	v24 =	vand.u32 $0xFFFF0000, v34;
	v23 =	vshll.u32 v34, $0x10;
	v16 =	vshll.u32 v35, $0x10;
	(pc) =	sbr.rel @p1 .LBB2_19-.Ltmp10, $4  }
0x557: {  	v19 =	vand.u32 $0xFFFF0000, v35;
	v14 =	vshll.u32 v38, $0x10;
	v9 =	vsel vm3, v37, v32  }
0x558: {  	v25 =	vand.u32 $0xFFFF0000, v38;
	v17 =	vshll.u32 v36, $0x10;
	v38 =	vperm.xlane v9, v0  }
0x559: {  	v33 =	vshll.u32 v39, $0x10;
	v32 =	vsel vm3, v32, v37;
	v9 =	vand.u32 $0xFFFF0000, v36  }
0x55a: {  	v35 =	vand.u32 $0xFFFF0000, v39;
	v34 =	vshll.u32 v26, $0x10;
	v32 =	vadd.f32 v32, v38  }
0x55b: {  	v26 =	vand.u32 $0xFFFF0000, v26;
	v36 =	vshll.u32 v27, $0x10;
	v53 =	vand.u32 $0xFFFF0000, v27  }
0x55c: {  	v37 =	vshll.u32 v28, $0x10;
	v54 =	vand.u32 $0xFFFF0000, v28;
	v38 =	vshll.u32 v29, $0x10  }
0x55d: {  	v55 =	vand.u32 $0xFFFF0000, v29;
	v11 =	vmul.f32 v11, v33;
	v12 =	vmul.f32 v12, v35  }
0x55e: {  	v39 =	vshll.u32 v30, $0x10;
	v13 =	vmul.f32 v13, v34;
	v18 =	vmul.f32 v18, v26  }
0x55f: {  	v56 =	vand.u32 $0xFFFF0000, v30;
	v21 =	vmul.f32 v21, v36;
	v22 =	vmul.f32 v22, v53  }
0x560: {  	v40 =	vshll.u32 v31, $0x10;
	v15 =	vmul.f32 v15, v37;
	v20 =	vmul.f32 v20, v54  }
0x561: {  	v57 =	vand.u32 $0xFFFF0000, v31;
	v59 =	vmul.f32 v24, v55;
	v16 =	vmul.f32 v16, v39  }
0x562: {  	v58 =	vshll.u32 v10, $0x10;
	v60 =	vmul.f32 v19, v56;
	v14 =	vmul.f32 v14, v40  }
0x563: {  	v10 =	vand.u32 $0xFFFF0000, v10;
	v62 =	vmul.f32 v25, v57;
	v17 =	vmul.f32 v17, v58  }
0x564: {  	v9 =	vmul.f32 v9, v10;
	v11 =	vadd.f32 v12, v11;
	v13 =	vadd.f32 v18, v13  }
0x565: {  	v12 =	vmul.f32 v23, v38;
	v61 =	vadd.f32 v22, v21;
	v15 =	vadd.f32 v20, v15  }
0x566: {  	v14 =	vadd.f32 v62, v14;
	v9 =	vadd.f32 v9, v17  }
0x567: {  	v10 =	vadd.f32 v59, v12;
	v12 =	vadd.f32 v60, v16  }
0x568: {  	v11 =	vadd.f32 v13, v11;
	v13 =	vadd.f32 v15, v61  }
0x569: {  	v9 =	vadd.f32 v9, v14;
	v10 =	vadd.f32 v12, v10  }
0x56a: {  	v7 =	vadd.f32 v8, v7  }
0x56b: {  	v8 =	vadd.f32 v13, v11;
	v9 =	vadd.f32 v9, v10  }
0x56c: {  	v10 =	vsel vm3, v7, v6  }
0x56d: {  	v10 =	vperm.xlane v10, v0;
	v11 =	vsel vm3, v9, v8  }
0x56e: {  	s3 =	sadd.s32 $0x20, s4;
	v4 =	vadd.f32 v4, v5;
	v6 =	vsel vm3, v6, v7;
	v5 =	vperm.xlane v11, v0  }
0x56f: {  	[tilespmem:s3+$0x0] =	vst v32;
	v7 =	vsel vm3, v8, v9;
	v6 =	vadd.f32 v6, v10  }
0x570: {  	[tilespmem:s8+$0xFFFFFFF0] =	vst v4;
	v4 =	vadd.f32 v7, v5  }
0x571: {  	[tilespmem:s5+$0xFFFFFFF0] =	vst v6  }
0x572: {  	s22 =	simm.s32 $0x13D70;
	[tilespmem:s3+$0xFFFFFFF0] =	vst v4  }
0x573: {  	v4 =	vld [tilespmem:s22+$0xFFFFFFC0]  }
0x574: {  	v5 =	vld [tilespmem:s22+$0xFFFFFFD0]  }
0x575: {  	v6 =	vld [tilespmem:s22+$0xFFFFFFE0]  }
0x576: {  	v7 =	vld [tilespmem:s22+$0xFFFFFFF0]  }
0x577: {  	v8 =	vld [tilespmem:s22+$0x0]  }
0x578: {  	v9 =	vld [tilespmem:s22+$0x10]  }
0x579: {  	v10 =	vld [tilespmem:s22+$0x20]  }
0x57a: {  	v11 =	vld [tilespmem:s22+$0x30];
	_ =	sdelay $0x2  }
0x57b: {  	s26 =	simm.s32 $0x13DF0;
	v12 =	vsel vm0, v4, v5;
	v13 =	vsel vm0, v6, v7  }
0x57c: {  	v14 =	vld [tilespmem:s26+$0xFFFFFFC0];
	v4 =	vsel vm0, v5, v4;
	v5 =	vsel vm0, v7, v6;
	v6 =	vsel vm0, v9, v8  }
0x57d: {  	v15 =	vld [tilespmem:s26+$0x10];
	v7 =	vsel vm0, v11, v10;
	v4 =	vperm.xlane v4, v1;
	v5 =	vperm.xlane v5, v1  }
0x57e: {  	v8 =	vsel vm0, v8, v9;
	v9 =	vld [tilespmem:s26+$0xFFFFFFD0];
	v6 =	vperm.xlane v6, v1;
	v7 =	vperm.xlane v7, v1  }
0x57f: {  	v10 =	vsel vm0, v10, v11;
	v11 =	vld [tilespmem:s26+$0xFFFFFFE0];
	v4 =	vadd.f32 v4, v12;
	v5 =	vadd.f32 v5, v13  }
0x580: {  	v6 =	vadd.f32 v6, v8;
	v7 =	vadd.f32 v7, v10;
	v8 =	vld [tilespmem:s26+$0xFFFFFFF0]  }
0x581: {  	v10 =	vld [tilespmem:s26+$0x0];
	v12 =	vsel vm1, v5, v4  }
0x582: {  	v63 =	vld [tilespmem:s26+$0x20];
	v13 =	vsel vm1, v7, v6;
	v12 =	vperm.xlane v12, v2  }
0x583: {  	v4 =	vsel vm1, v4, v5;
	v5 =	vsel vm1, v6, v7;
	v6 =	vld [tilespmem:s26+$0x30];
	v13 =	vperm.xlane v13, v2  }
0x584: {  	v4 =	vadd.f32 v12, v4  }
0x585: {  	v5 =	vadd.f32 v13, v5;
	v12 =	vsel vm0, v14, v9;
	v13 =	vsel vm0, v11, v8  }
0x586: {  	v9 =	vsel vm0, v9, v14;
	v8 =	vsel vm0, v8, v11;
	v11 =	vsel vm0, v15, v10  }
0x587: {  	v9 =	vperm.xlane v9, v1;
	v8 =	vperm.xlane v8, v1;
	v7 =	vsel vm2, v5, v4  }
0x588: {  	v11 =	vperm.xlane v11, v1;
	v14 =	vsel vm0, v6, v63;
	v7 =	vperm.xlane v7, v3  }
0x589: {  	v5 =	vsel vm2, v4, v5;
	v12 =	vadd.f32 v9, v12;
	v8 =	vadd.f32 v8, v13  }
0x58a: {  	v10 =	vsel vm0, v10, v15;
	v14 =	vperm.xlane v14, v1;
	v9 =	vadd.f32 v5, v7  }
0x58b: {  	v6 =	vsel vm0, v63, v6;
	v10 =	vadd.f32 v11, v10;
	v11 =	vsel vm1, v8, v12  }
0x58c: {  	v6 =	vadd.f32 v14, v6;
	v11 =	vperm.xlane v11, v2;
	v14 =	vsub.f32 $0.0e+00, v9  }
0x58d: {  	v8 =	vsel vm1, v12, v8  }
0x58e: {  	v12 =	vadd.f32 v11, v8;
	v11 =	vmul.f32 $1.442695020e+00, v14;
	_ =	sdelay $0x1  }
0x58f: {  	s6 =	simm.s32 $0x13E70;
	(erf) = vpow2.f32 v11  }
0x590: {  	v4 =	vld [tilespmem:s6+$0xFFFFFFC0]  }
0x591: {  	v5 =	vld [tilespmem:s6+$0xFFFFFFD0];
	v13 =	vsel vm1, v6, v10  }
0x592: {  	v7 =	vld [tilespmem:s6+$0xFFFFFFE0];
	v13 =	vperm.xlane v13, v2  }
0x593: {  	v9 =	vld [tilespmem:s6+$0xFFFFFFF0];
	v10 =	vsel vm1, v10, v6  }
0x594: {  	v6 =	vld [tilespmem:s6+$0x0];
	v13 =	vadd.f32 v13, v10  }
0x595: {  	v10 =	vld [tilespmem:s6+$0x10]  }
0x596: {  	v8 =	vld [tilespmem:s6+$0x20];
	v14 =	vsel vm2, v13, v12  }
0x597: {  	s4 =	simm.s32 $0x80;
	s8 =	simm.s32 $0xC0;
	s5 =	simm.s32 $0x40;
	v11 =	vld [tilespmem:s6+$0x30];
	v14 =	vperm.xlane v14, v3  }
.LBB2_21:
0x598: {  	p1 =	sne.s32 s8, $0x100;
	v15 =	vsel vm0, v4, v5;
	v12 =	vsel vm2, v12, v13;
	v13 =	vpop (erf)  }
0x599: {  	v16 =	vsel vm0, v7, v9;
	v12 =	vadd.f32 v12, v14;
	v13 =	vadd.f32 $1.000000000e+00, v13  }
0x59a: {  	v4 =	vsel vm0, v5, v4;
	v5 =	vsel vm0, v9, v7;
	v7 =	vsel vm0, v10, v6  }
0x59b: {  	v4 =	vperm.xlane v4, v1;
	v9 =	vsub.f32 $0.0e+00, v12;
	(erf) = vrcp.f32 v13  }
0x59c: {  	v5 =	vperm.xlane v5, v1;
	v7 =	vperm.xlane v7, v1;
	v12 =	vsel vm0, v11, v8  }
0x59d: {  	v6 =	vsel vm0, v6, v10;
	v10 =	vperm.xlane v12, v1;
	v9 =	vmul.f32 $1.442695020e+00, v9  }
0x59e: {  	v13 =	vadd.f32 v5, v16;
	v12 =	vadd.f32 v4, v15;
	v4 =	vsel vm0, v8, v11  }
0x59f: {  	s6 =	sadd.s32 $0x80, s6;
	v6 =	vadd.f32 v7, v6;
	v8 =	vadd.f32 v10, v4;
	(erf) = vpow2.f32 v9  }
0x5a0: {  	v4 =	vld [tilespmem:s6+$0xFFFFFFC0]  }
0x5a1: {  	v9 =	vsel vm1, v13, v12;
	v5 =	vld [tilespmem:s6+$0xFFFFFFD0];
	v10 =	vsel vm1, v8, v6  }
0x5a2: {  	v11 =	vperm.xlane v9, v2;
	v7 =	vld [tilespmem:s6+$0xFFFFFFE0];
	v10 =	vperm.xlane v10, v2  }
.Ltmp11:
0x5a3: {  	s3 =	sshra.s32 s24, $0x2;
	s24 =	smov.u32 s5;
	v12 =	vsel vm1, v12, v13;
	v14 =	vsel vm1, v6, v8;
	v9 =	vld [tilespmem:s6+$0xFFFFFFF0];
	(pc) =	sbr.rel @p1 .LBB2_21-.Ltmp11, $4  }
0x5a4: {  	s5 =	smov.u32 s4;
	s4 =	smov.u32 s8;
	s3 =	sadd.s32 s3, s20;
	v12 =	vadd.f32 v11, v12;
	v6 =	vld [tilespmem:s6+$0x0];
	v13 =	vadd.f32 v10, v14;
	v8 =	vpop (erf)  }
0x5a5: {  	v10 =	vld [tilespmem:s6+$0x10];
	[tilespmem:s3+$0x0] =	vst v8  }
0x5a6: {  	v8 =	vld [tilespmem:s6+$0x20];
	v14 =	vsel vm2, v13, v12  }
0x5a7: {  	s8 =	sadd.s32 $0x40, s8;
	v11 =	vld [tilespmem:s6+$0x30];
	v14 =	vperm.xlane v14, v3  }
0x5a8: {  	_ = 	snop  }
0x5a9: {  	v15 =	vsel vm0, v4, v5;
	v12 =	vsel vm2, v12, v13;
	v16 =	vsel vm0, v7, v9  }
0x5aa: {  	v51 =	vpop (erf);
	v4 =	vsel vm0, v5, v4;
	v5 =	vsel vm0, v9, v7;
	v12 =	vadd.f32 v12, v14  }
0x5ab: {  	v13 =	vadd.f32 $1.000000000e+00, v51;
	v4 =	vperm.xlane v4, v1;
	v5 =	vperm.xlane v5, v1  }
0x5ac: {  	v52 =	vsel vm0, v10, v6;
	v55 =	vsel vm0, v6, v10;
	v54 =	vsel vm0, v11, v8  }
0x5ad: {  	v53 =	vsub.f32 $0.0e+00, v12;
	v7 =	vperm.xlane v52, v1;
	v56 =	vperm.xlane v54, v1  }
0x5ae: {  	v4 =	vadd.f32 v4, v15;
	v5 =	vadd.f32 v5, v16;
	v57 =	vsel vm0, v8, v11  }
0x5af: {  	v6 =	vadd.f32 v7, v55;
	v58 =	vadd.f32 v56, v57  }
0x5b0: {  	v9 =	vmul.f32 $1.442695020e+00, v53;
	v59 =	vsel vm1, v5, v4  }
0x5b1: {  	(erf) = vrcp.f32 v13;
	v8 =	vperm.xlane v59, v2;
	v60 =	vsel vm1, v58, v6  }
0x5b2: {  	(erf) = vpow2.f32 v9;
	v9 =	vperm.xlane v60, v2  }
0x5b3: {  	v4 =	vsel vm1, v4, v5;
	v5 =	vsel vm1, v6, v58  }
0x5b4: {  	v4 =	vadd.f32 v8, v4;
	v5 =	vadd.f32 v9, v5;
	_ =	sdelay $0x1  }
0x5b5: {  	v61 =	vsel vm2, v5, v4  }
0x5b6: {  	v6 =	vperm.xlane v61, v3  }
0x5b7: {  	v4 =	vsel vm2, v4, v5  }
0x5b8: {  	v4 =	vadd.f32 v4, v6  }
0x5b9: {  	v5 =	vpop (erf)  }
0x5ba: {  	v62 =	vpop (erf);
	v4 =	vsub.f32 $0.0e+00, v4  }
0x5bb: {  	v6 =	vadd.f32 $1.000000000e+00, v62  }
0x5bc: {  	v4 =	vmul.f32 $1.442695020e+00, v4  }
0x5bd: {  	(erf) = vrcp.f32 v6  }
0x5be: {  	(erf) = vpow2.f32 v4;
	_ =	sdelay $0x7  }
0x5bf: {  	v4 =	vpop (erf)  }
0x5c0: {  	v63 =	vpop (erf)  }
0x5c1: {  	v6 =	vadd.f32 $1.000000000e+00, v63;
	_ =	sdelay $0x1  }
0x5c2: {  	(erf) = vrcp.f32 v6;
	_ =	sdelay $0x5  }
.Ltmp12:
0x5c3: {  	s3 =	sshra.s32 s24, $0x2;
	(pc) =	sbr.rel @p0 .LBB2_24-.Ltmp12, $4  }
0x5c4: {  	s5 =	sshra.s32 s5, $0x2;
	s3 =	sadd.s32 s3, s20  }
0x5c5: {  	s4 =	sshra.s32 s4, $0x2;
	s24 =	sadd.s32 s5, s20;
	[tilespmem:s3+$0x0] =	vst v5  }
0x5c6: {  	s26 =	sadd.s32 s4, s20;
	[tilespmem:s24+$0x0] =	vst v4;
	v4 =	vpop (erf)  }
0x5c7: {  	[tilespmem:s26+$0x0] =	vst v4  }
0x5c8: {  	s3 =	smul.u32 $0x190, s23  }
.Ltmp13:
0x5c9: {  	s23 =	sadd.s32 $0x1, s23;
	s21 =	sadd.s32 $0x190, s21;
	(pc) =	sbr.rel .LBB2_2-.Ltmp13, $4  }
0x5ca: {  	s17 =	sadd.s32 $0x190, s17;
	s18 =	sadd.s32 $0x190, s18;
	s4 =	sadd.s32 $0x2D0, s3  }
0x5cb: {  	[tilespmem:s25], [sflag:$0x9] =	stream.indirect.gather [hbm4b:s0+s9], $0x40, s4, s9, $0xb8;
	[tilespmem:$0x13FB0] =	vst v63  }
0x5cc: {  	s19 =	sadd.s32 $0x190, s19;
	s20 =	sadd.s32 $0x190, s20;
	s3 =	sadd.s32 $0x29E0, s3  }
0x5cd: {  	[tilespmem:s28], [sflag:$0xA] =	stream.indirect.gather [hbm4b:s0+s9], $0x40, s3, s9, $0xb8;
	[tilespmem:$0x13FB0] =	vst v63  }
.LBB2_25:
0x5ce: {  	_ =	sfence.sel $0x180000  }
0x5cf: {  	[bflag:$0x0] =	sbarrier.arrive $0xFFFF  }
0x5d0: {  	_ =	strace $0x90000047  }
0x5d1: {  	s0 =	stileid.u32;
	[bflag:$0x2] =	sbarrier.arrive $0xFFFF  }
0x5d2: {  	p0 =	sne.s32 s0, $0x0;
	s0 =	rddreg [dreg:$0x4]  }
0x5d3: {  	s0 =	sadd.s32 @!p0 $0x100000, s0  }
0x5d4: {  	[sflag:s0] =	ssyncadd.tile.s32 @!p0 $0x1;
	_ =	shalt  }
.Lfunc_end2:
_tile_overlayer_lowered:
.L_overlay_start_2:
0x5d5: {  	(tag) =	ssettag $0x2  }
0x5d6: {  	s0 =	rddreg [dreg:$0x0];
	s2 =	stileid.u32  }
0x5d7: {  	s1 =	rddreg [dreg:$0x1];
	p0 =	sne.s32 s2, $0x0  }
0x5d8: {  	s3 =	rddreg [dreg:$0x2];
	[bflag:$0x3] =	sbarrier.arrive $0xFFFF;
	s2 =	simm.s32 @!p0 $0x1C0B  }
0x5d9: {  	[timem:s3], [sflag:s2] =	dma.local @!p0 [hbm:s0], s1  }
0x5da: {  	s0 =	simm.s32 @!p0 $0xB  }
0x5db: {  	_ =	swait.ge @!p0 [sflag:s0], s1  }
0x5dc: {  	s1 =	ssub.s32 @!p0 $0x0, s1;
	[sflag:s0] =	ssyncset.done @!p0 $0x0  }
0x5dd: {  	[sflag:s0] =	ssyncadd.s32 @!p0 s1  }
0x5de: {  	[bflag:$0x3] =	sbarrier.arrive $0xFFFF  }
0x5df: {  	_ =	shalt  }

</sc_bundles>
